<compile_context>
chip_gen: v7x
topology: tpu7x:2x2x1
jax: 0.10.2.dev20260603
libtpu: 0.0.44.dev20260713+nightly
codegen_flags: <defaults>
</compile_context>

<pallas_src>
import functools

import jax
import jax.numpy as jnp
from jax import lax
from jax.experimental import pallas as pl
from jax.experimental.pallas import tpu as pltpu
from jax.experimental.pallas import tpu_sc as plsc

B, S = 4096, 200
N = B * S
WD = 60
PD = 4
D = WD + PD
L = 16
VW = 120
NW = 32
ROWS_PER_W = N // NW
CHUNK = 256
NCHUNK = ROWS_PER_W // CHUNK
NPAIR = NCHUNK // 2


def _emb_body(gi_hbm, pv_hbm, ov_hbm, wt_hbm, pt_hbm, out_hbm,
              gi0, gi1, pi0, pi1, ov0, ov1, win0, win1, comb0, comb1,
              ptv_v, sg0, sg1, so0, so1):
    wid = lax.axis_index("s") * 2 + lax.axis_index("c")
    base0 = wid * ROWS_PER_W
    pltpu.sync_copy(pt_hbm, ptv_v)
    io = lax.iota(jnp.int32, L)
    msk = io < (L - PD)

    gis = (gi0, gi1)
    pis = (pi0, pi1)
    ovs = (ov0, ov1)
    wins = (win0, win1)
    combs = (comb0, comb1)
    sgs = (sg0, sg1)
    sos = (so0, so1)

    def load_idx(i, k):
        base = base0 + i * CHUNK
        pltpu.sync_copy(gi_hbm.at[pl.ds(base, CHUNK)], gis[k])
        pltpu.sync_copy(pv_hbm.at[pl.ds(base, CHUNK)], pis[k])
        pltpu.sync_copy(ov_hbm.at[pl.ds(base, CHUNK)], ovs[k])

    def start_gather(k):
        return pltpu.async_copy(wt_hbm.at[gis[k]], wins[k], sgs[k])

    def wait_gather(k):
        pltpu.make_async_copy(wt_hbm.at[gis[k]], wins[k], sgs[k]).wait()

    def assemble(k):
        win_v = wins[k]
        comb_v = combs[k]

        @plsc.parallel_loop(0, CHUNK // L, 1, unroll=4)
        def blk(b):
            xo = ovs[k][pl.ds(b * L, L)]
            pv = pis[k][pl.ds(b * L, L)]
            for j in range(L):
                r = b * L + j
                off = xo[j]
                for m in range(3):
                    comb_v[pl.ds(D * r + m * L, L)] = \
                        win_v[r, pl.ds(off + m * L, L)]
                w3 = win_v[r, pl.ds(off + 3 * L, L)]
                comb_v[pl.ds(D * r + 3 * L, L)] = \
                    jnp.where(msk, w3, ptv_v[pv[j], :])

    def start_out(i, k):
        base = base0 + i * CHUNK
        return pltpu.async_copy(
            combs[k], out_hbm.at[pl.ds(D * base, D * CHUNK)], sos[k])

    def wait_out(i, k):
        base = base0 + i * CHUNK
        pltpu.make_async_copy(
            combs[k], out_hbm.at[pl.ds(D * base, D * CHUNK)], sos[k]).wait()

    load_idx(0, 0)
    start_gather(0)

    def pair(p, carry):
        for b in range(2):
            i = 2 * p + b
            nk = (b + 1) % 2

            @pl.when(i + 1 < NCHUNK)
            def _():
                load_idx(i + 1, nk)
                start_gather(nk)

            wait_gather(b)

            @pl.when(p > 0)
            def _():
                wait_out(i - 2, b)

            assemble(b)
            start_out(i, b)
        return carry

    lax.fori_loop(0, NPAIR, pair, 0)
    wait_out(NCHUNK - 2, 0)
    wait_out(NCHUNK - 1, 1)


def kernel(x, pos, word_table, pos_table):
    xf = x.reshape(N)
    pf = pos.reshape(N)
    wt120 = word_table.reshape(word_table.shape[0] * WD // VW, VW)
    gi = xf >> 1
    ov = WD * (xf & 1)
    pt_pad = jnp.zeros((pos_table.shape[0], L), pos_table.dtype)
    pt_pad = lax.dynamic_update_slice(pt_pad, pos_table, (0, L - PD))
    mesh = plsc.VectorSubcoreMesh(core_axis_name="c", subcore_axis_name="s")
    run = functools.partial(
        pl.kernel,
        mesh=mesh,
        compiler_params=pltpu.CompilerParams(use_tc_tiling_on_sc=False),
        out_type=jax.ShapeDtypeStruct((N * D,), jnp.float32),
        scratch_types=[
            pltpu.VMEM((CHUNK,), jnp.int32),
            pltpu.VMEM((CHUNK,), jnp.int32),
            pltpu.VMEM((CHUNK,), jnp.int32),
            pltpu.VMEM((CHUNK,), jnp.int32),
            pltpu.VMEM((CHUNK,), jnp.int32),
            pltpu.VMEM((CHUNK,), jnp.int32),
            pltpu.VMEM((CHUNK, VW), jnp.float32),
            pltpu.VMEM((CHUNK, VW), jnp.float32),
            pltpu.VMEM((CHUNK * D,), jnp.float32),
            pltpu.VMEM((CHUNK * D,), jnp.float32),
            pltpu.VMEM((pos_table.shape[0], L), jnp.float32),
            pltpu.SemaphoreType.DMA,
            pltpu.SemaphoreType.DMA,
            pltpu.SemaphoreType.DMA,
            pltpu.SemaphoreType.DMA,
        ],
    )(_emb_body)
    out = run(gi, pf, ov, wt120, pt_pad)
    return out.reshape(B, S, D)

# --- scband reference (transcript-rebuilt; emitter-appended) ---
"""Pipeline reference for scband-position-subspace-embedding-31155692765672 (READ-ONLY COPY).

The authoritative reference and input builder live on the scoring server;
editing this copy changes nothing except your own understanding.
"""

import jax, jax.numpy as jnp
import numpy as np

VOCAB = 1000000
EMB_DIM = 64
POS_DIM = 4
MAX_LEN = 200
BATCH = 4096
SEQ = 200

def setup_inputs(seed: int = 0) -> dict:
    key = jax.random.key(seed)
    k1, k2, k3, k4 = jax.random.split(key, 4)
    x = jax.random.randint(k1, (BATCH, SEQ), 0, VOCAB, dtype=jnp.int32)
    pos = jax.random.randint(k2, (BATCH, SEQ), 0, MAX_LEN, dtype=jnp.int32)
    word_table = jax.random.normal(k3, (VOCAB, EMB_DIM - POS_DIM), dtype=jnp.float32)
    pos_table = jax.random.normal(k4, (MAX_LEN, POS_DIM), dtype=jnp.float32)
    return {"x": x, "pos": pos, "word_table": word_table, "pos_table": pos_table}

def reference(x, pos, word_table, pos_table):
    # word embedding lookup: gather rows of the table
    embedded_word = jnp.take(word_table, x, axis=0)          # [B, S, EMB_DIM-POS_DIM]
    embedded_pos = jnp.take(pos_table, pos, axis=0)          # [B, S, POS_DIM]
    # dropout is identity at inference time
    return jnp.concatenate([embedded_word, embedded_pos], axis=2)

if __name__ == "__main__":
    import jax
    _d = setup_inputs()
    print(jax.jit(kernel)(*tuple(_d.values())))

</pallas_src>

<mosaic_0001>
#map = affine_map<(d0, d1) -> (0)>
#map1 = affine_map<(d0, d1) -> (0, 0)>
module attributes {stable_mosaic.version = 14 : i64} {
  func.func @_emb_body(%arg0: i32, %arg1: i32, %arg2: memref<819200xi32, #tpu.memory_space<hbm>>, %arg3: memref<819200xi32, #tpu.memory_space<hbm>>, %arg4: memref<819200xi32, #tpu.memory_space<hbm>>, %arg5: memref<500000x120xf32, #tpu.memory_space<hbm>>, %arg6: memref<200x16xf32, #tpu.memory_space<hbm>>, %arg7: memref<52428800xf32, #tpu.memory_space<hbm>>, %arg8: memref<256xi32, #tpu.memory_space<vmem>>, %arg9: memref<256xi32, #tpu.memory_space<vmem>>, %arg10: memref<256xi32, #tpu.memory_space<vmem>>, %arg11: memref<256xi32, #tpu.memory_space<vmem>>, %arg12: memref<256xi32, #tpu.memory_space<vmem>>, %arg13: memref<256xi32, #tpu.memory_space<vmem>>, %arg14: memref<256x120xf32, #tpu.memory_space<vmem>>, %arg15: memref<256x120xf32, #tpu.memory_space<vmem>>, %arg16: memref<16384xf32, #tpu.memory_space<vmem>>, %arg17: memref<16384xf32, #tpu.memory_space<vmem>>, %arg18: memref<200x16xf32, #tpu.memory_space<vmem>>, %arg19: memref<!tpu.dma_semaphore, #tpu.memory_space<semaphore_mem>>, %arg20: memref<!tpu.dma_semaphore, #tpu.memory_space<semaphore_mem>>, %arg21: memref<!tpu.dma_semaphore, #tpu.memory_space<semaphore_mem>>, %arg22: memref<!tpu.dma_semaphore, #tpu.memory_space<semaphore_mem>>) attributes {dimension_semantics = [#tpu.dimension_semantics<core_parallel>, #tpu.dimension_semantics<subcore_parallel>], iteration_bounds = array<i64: 2, 16>, scalar_prefetch = 0 : i64, scratch_operands = 15 : i64, tpu.core_type = #tpu.core_type<sc_vector_subcore>, window_params = [{transform_indices = #map}, {transform_indices = #map}, {transform_indices = #map}, {transform_indices = #map1}, {transform_indices = #map1}, {transform_indices = #map}]} {
    %mul3A = arith.constant 2 : i32
    %mul3A_0 = arith.muli %arg1, %mul3A : i32
    %add3A = arith.addi %mul3A_0, %arg0 : i32
    %mul3A_1 = arith.constant 25600 : i32
    %mul3A_2 = arith.muli %add3A, %mul3A_1 : i32
    "tpu.region"() ({
      %run_scoped3A = tpu.sem_alloc : memref<!tpu.dma_semaphore, #tpu.memory_space<semaphore_mem>>
      tpu.enqueue_dma source(%arg6 : memref<200x16xf32, #tpu.memory_space<hbm>>) target(%arg18 : memref<200x16xf32, #tpu.memory_space<vmem>>) target_semaphore(%run_scoped3A : memref<!tpu.dma_semaphore, #tpu.memory_space<semaphore_mem>>)
      tpu.wait_dma2 semaphore(%run_scoped3A : memref<!tpu.dma_semaphore, #tpu.memory_space<semaphore_mem>>) src(%arg6 : memref<200x16xf32, #tpu.memory_space<hbm>>) dst(%arg18 : memref<200x16xf32, #tpu.memory_space<vmem>>)
      tpu.yield
    }) : () -> ()
    %iota3A = tpu.iota {dimensions = array<i32: 0>} : vector<16xi32>
    %lt3A = arith.constant 12 : i32
    %lt3A_3 = vector.broadcast %lt3A : i32 to vector<16xi32>
    %lt3A_4 = arith.cmpi slt, %iota3A, %lt3A_3 : vector<16xi32>
    %add3A_5 = arith.constant 0 : i32
    %add3A_6 = arith.addi %mul3A_2, %add3A_5 : i32
    "tpu.region"() ({
      %run_scoped3A = tpu.sem_alloc : memref<!tpu.dma_semaphore, #tpu.memory_space<semaphore_mem>>
      %dma_start3A_25 = tpu.memref_slice %arg2[%add3A_6] : memref<819200xi32, #tpu.memory_space<hbm>> -> memref<256xi32, #tpu.memory_space<hbm>>
      %dma_start3A_26 = tpu.memref_slice %arg2[%add3A_6] : memref<819200xi32, #tpu.memory_space<hbm>> -> memref<256xi32, #tpu.memory_space<hbm>>
      tpu.enqueue_dma source(%dma_start3A_26 : memref<256xi32, #tpu.memory_space<hbm>>) target(%arg8 : memref<256xi32, #tpu.memory_space<vmem>>) target_semaphore(%run_scoped3A : memref<!tpu.dma_semaphore, #tpu.memory_space<semaphore_mem>>)
      %dma_wait3A_27 = tpu.memref_slice %arg2[%add3A_6] : memref<819200xi32, #tpu.memory_space<hbm>> -> memref<256xi32, #tpu.memory_space<hbm>>
      %dma_wait3A_28 = tpu.memref_slice %arg2[%add3A_6] : memref<819200xi32, #tpu.memory_space<hbm>> -> memref<256xi32, #tpu.memory_space<hbm>>
      tpu.wait_dma2 semaphore(%run_scoped3A : memref<!tpu.dma_semaphore, #tpu.memory_space<semaphore_mem>>) src(%dma_wait3A_28 : memref<256xi32, #tpu.memory_space<hbm>>) dst(%arg8 : memref<256xi32, #tpu.memory_space<vmem>>)
      tpu.yield
    }) : () -> ()
    "tpu.region"() ({
      %run_scoped3A = tpu.sem_alloc : memref<!tpu.dma_semaphore, #tpu.memory_space<semaphore_mem>>
      %dma_start3A_25 = tpu.memref_slice %arg3[%add3A_6] : memref<819200xi32, #tpu.memory_space<hbm>> -> memref<256xi32, #tpu.memory_space<hbm>>
      %dma_start3A_26 = tpu.memref_slice %arg3[%add3A_6] : memref<819200xi32, #tpu.memory_space<hbm>> -> memref<256xi32, #tpu.memory_space<hbm>>
      tpu.enqueue_dma source(%dma_start3A_26 : memref<256xi32, #tpu.memory_space<hbm>>) target(%arg10 : memref<256xi32, #tpu.memory_space<vmem>>) target_semaphore(%run_scoped3A : memref<!tpu.dma_semaphore, #tpu.memory_space<semaphore_mem>>)
      %dma_wait3A_27 = tpu.memref_slice %arg3[%add3A_6] : memref<819200xi32, #tpu.memory_space<hbm>> -> memref<256xi32, #tpu.memory_space<hbm>>
      %dma_wait3A_28 = tpu.memref_slice %arg3[%add3A_6] : memref<819200xi32, #tpu.memory_space<hbm>> -> memref<256xi32, #tpu.memory_space<hbm>>
      tpu.wait_dma2 semaphore(%run_scoped3A : memref<!tpu.dma_semaphore, #tpu.memory_space<semaphore_mem>>) src(%dma_wait3A_28 : memref<256xi32, #tpu.memory_space<hbm>>) dst(%arg10 : memref<256xi32, #tpu.memory_space<vmem>>)
      tpu.yield
    }) : () -> ()
    "tpu.region"() ({
      %run_scoped3A = tpu.sem_alloc : memref<!tpu.dma_semaphore, #tpu.memory_space<semaphore_mem>>
      %dma_start3A_25 = tpu.memref_slice %arg4[%add3A_6] : memref<819200xi32, #tpu.memory_space<hbm>> -> memref<256xi32, #tpu.memory_space<hbm>>
      %dma_start3A_26 = tpu.memref_slice %arg4[%add3A_6] : memref<819200xi32, #tpu.memory_space<hbm>> -> memref<256xi32, #tpu.memory_space<hbm>>
      tpu.enqueue_dma source(%dma_start3A_26 : memref<256xi32, #tpu.memory_space<hbm>>) target(%arg12 : memref<256xi32, #tpu.memory_space<vmem>>) target_semaphore(%run_scoped3A : memref<!tpu.dma_semaphore, #tpu.memory_space<semaphore_mem>>)
      %dma_wait3A_27 = tpu.memref_slice %arg4[%add3A_6] : memref<819200xi32, #tpu.memory_space<hbm>> -> memref<256xi32, #tpu.memory_space<hbm>>
      %dma_wait3A_28 = tpu.memref_slice %arg4[%add3A_6] : memref<819200xi32, #tpu.memory_space<hbm>> -> memref<256xi32, #tpu.memory_space<hbm>>
      tpu.wait_dma2 semaphore(%run_scoped3A : memref<!tpu.dma_semaphore, #tpu.memory_space<semaphore_mem>>) src(%dma_wait3A_28 : memref<256xi32, #tpu.memory_space<hbm>>) dst(%arg12 : memref<256xi32, #tpu.memory_space<vmem>>)
      tpu.yield
    }) : () -> ()
    %dma_start3A = arith.constant 0 : i32
    %dma_start3A_7 = arith.constant 0 : i32
    %dma_start3A_8 = tpu.memref_slice %arg5[%dma_start3A, %dma_start3A_7] : memref<500000x120xf32, #tpu.memory_space<hbm>> -> memref<500000x120xf32, #tpu.memory_space<hbm>>
    tpu.enqueue_indirect_dma source(%dma_start3A_8 : memref<500000x120xf32, #tpu.memory_space<hbm>>) target(%arg14 : memref<256x120xf32, #tpu.memory_space<vmem>>) offsets(%arg8 : memref<256xi32, #tpu.memory_space<vmem>>) semaphore(%arg19 : memref<!tpu.dma_semaphore, #tpu.memory_space<semaphore_mem>>)
    %scan3A = arith.constant 0 : i32
    %scan3A_9 = arith.constant 0 : i32
    %scan3A_10 = arith.constant 50 : i32
    %scan3A_11 = arith.addi %scan3A_9, %scan3A_10 : i32
    %scan3A_12 = arith.constant 1 : i32
    scf.for %scan3A_25 = %scan3A_9 to %scan3A_11 step %scan3A_12  : i32 {
      %mul3A_26 = arith.constant 2 : i32
      %mul3A_27 = arith.muli %mul3A_26, %scan3A_25 : i32
      %add3A_28 = arith.constant 0 : i32
      %add3A_29 = arith.addi %mul3A_27, %add3A_28 : i32
      %add3A_30 = arith.constant 1 : i32
      %add3A_31 = arith.addi %add3A_29, %add3A_30 : i32
      %lt3A_32 = arith.constant 100 : i32
      %lt3A_33 = arith.cmpi slt, %add3A_31, %lt3A_32 : i32
      %convert_element_type3A = arith.extui %lt3A_33 : i1 to i32
      %cond3A = arith.constant 0 : i32
      %cond3A_34 = arith.cmpi ne, %convert_element_type3A, %cond3A : i32
      scf.if %cond3A_34 {
        %add3A_80 = arith.constant 1 : i32
        %add3A_81 = arith.addi %add3A_29, %add3A_80 : i32
        %mul3A_82 = arith.constant 256 : i32
        %mul3A_83 = arith.muli %add3A_81, %mul3A_82 : i32
        %add3A_84 = arith.addi %mul3A_2, %mul3A_83 : i32
        "tpu.region"() ({
          %run_scoped3A = tpu.sem_alloc : memref<!tpu.dma_semaphore, #tpu.memory_space<semaphore_mem>>
          %dma_start3A_88 = tpu.memref_slice %arg2[%add3A_84] : memref<819200xi32, #tpu.memory_space<hbm>> -> memref<256xi32, #tpu.memory_space<hbm>>
          %dma_start3A_89 = tpu.memref_slice %arg2[%add3A_84] : memref<819200xi32, #tpu.memory_space<hbm>> -> memref<256xi32, #tpu.memory_space<hbm>>
          tpu.enqueue_dma source(%dma_start3A_89 : memref<256xi32, #tpu.memory_space<hbm>>) target(%arg9 : memref<256xi32, #tpu.memory_space<vmem>>) target_semaphore(%run_scoped3A : memref<!tpu.dma_semaphore, #tpu.memory_space<semaphore_mem>>)
          %dma_wait3A_90 = tpu.memref_slice %arg2[%add3A_84] : memref<819200xi32, #tpu.memory_space<hbm>> -> memref<256xi32, #tpu.memory_space<hbm>>
          %dma_wait3A_91 = tpu.memref_slice %arg2[%add3A_84] : memref<819200xi32, #tpu.memory_space<hbm>> -> memref<256xi32, #tpu.memory_space<hbm>>
          tpu.wait_dma2 semaphore(%run_scoped3A : memref<!tpu.dma_semaphore, #tpu.memory_space<semaphore_mem>>) src(%dma_wait3A_91 : memref<256xi32, #tpu.memory_space<hbm>>) dst(%arg9 : memref<256xi32, #tpu.memory_space<vmem>>)
          tpu.yield
        }) : () -> ()
        "tpu.region"() ({
          %run_scoped3A = tpu.sem_alloc : memref<!tpu.dma_semaphore, #tpu.memory_space<semaphore_mem>>
          %dma_start3A_88 = tpu.memref_slice %arg3[%add3A_84] : memref<819200xi32, #tpu.memory_space<hbm>> -> memref<256xi32, #tpu.memory_space<hbm>>
          %dma_start3A_89 = tpu.memref_slice %arg3[%add3A_84] : memref<819200xi32, #tpu.memory_space<hbm>> -> memref<256xi32, #tpu.memory_space<hbm>>
          tpu.enqueue_dma source(%dma_start3A_89 : memref<256xi32, #tpu.memory_space<hbm>>) target(%arg11 : memref<256xi32, #tpu.memory_space<vmem>>) target_semaphore(%run_scoped3A : memref<!tpu.dma_semaphore, #tpu.memory_space<semaphore_mem>>)
          %dma_wait3A_90 = tpu.memref_slice %arg3[%add3A_84] : memref<819200xi32, #tpu.memory_space<hbm>> -> memref<256xi32, #tpu.memory_space<hbm>>
          %dma_wait3A_91 = tpu.memref_slice %arg3[%add3A_84] : memref<819200xi32, #tpu.memory_space<hbm>> -> memref<256xi32, #tpu.memory_space<hbm>>
          tpu.wait_dma2 semaphore(%run_scoped3A : memref<!tpu.dma_semaphore, #tpu.memory_space<semaphore_mem>>) src(%dma_wait3A_91 : memref<256xi32, #tpu.memory_space<hbm>>) dst(%arg11 : memref<256xi32, #tpu.memory_space<vmem>>)
          tpu.yield
        }) : () -> ()
        "tpu.region"() ({
          %run_scoped3A = tpu.sem_alloc : memref<!tpu.dma_semaphore, #tpu.memory_space<semaphore_mem>>
          %dma_start3A_88 = tpu.memref_slice %arg4[%add3A_84] : memref<819200xi32, #tpu.memory_space<hbm>> -> memref<256xi32, #tpu.memory_space<hbm>>
          %dma_start3A_89 = tpu.memref_slice %arg4[%add3A_84] : memref<819200xi32, #tpu.memory_space<hbm>> -> memref<256xi32, #tpu.memory_space<hbm>>
          tpu.enqueue_dma source(%dma_start3A_89 : memref<256xi32, #tpu.memory_space<hbm>>) target(%arg13 : memref<256xi32, #tpu.memory_space<vmem>>) target_semaphore(%run_scoped3A : memref<!tpu.dma_semaphore, #tpu.memory_space<semaphore_mem>>)
          %dma_wait3A_90 = tpu.memref_slice %arg4[%add3A_84] : memref<819200xi32, #tpu.memory_space<hbm>> -> memref<256xi32, #tpu.memory_space<hbm>>
          %dma_wait3A_91 = tpu.memref_slice %arg4[%add3A_84] : memref<819200xi32, #tpu.memory_space<hbm>> -> memref<256xi32, #tpu.memory_space<hbm>>
          tpu.wait_dma2 semaphore(%run_scoped3A : memref<!tpu.dma_semaphore, #tpu.memory_space<semaphore_mem>>) src(%dma_wait3A_91 : memref<256xi32, #tpu.memory_space<hbm>>) dst(%arg13 : memref<256xi32, #tpu.memory_space<vmem>>)
          tpu.yield
        }) : () -> ()
        %dma_start3A_85 = arith.constant 0 : i32
        %dma_start3A_86 = arith.constant 0 : i32
        %dma_start3A_87 = tpu.memref_slice %arg5[%dma_start3A_85, %dma_start3A_86] : memref<500000x120xf32, #tpu.memory_space<hbm>> -> memref<500000x120xf32, #tpu.memory_space<hbm>>
        tpu.enqueue_indirect_dma source(%dma_start3A_87 : memref<500000x120xf32, #tpu.memory_space<hbm>>) target(%arg15 : memref<256x120xf32, #tpu.memory_space<vmem>>) offsets(%arg9 : memref<256xi32, #tpu.memory_space<vmem>>) semaphore(%arg20 : memref<!tpu.dma_semaphore, #tpu.memory_space<semaphore_mem>>)
      } else {
      }
      %dma_wait3A_35 = arith.constant 0 : i32
      %dma_wait3A_36 = arith.constant 0 : i32
      %dma_wait3A_37 = tpu.memref_slice %arg5[%dma_wait3A_35, %dma_wait3A_36] : memref<500000x120xf32, #tpu.memory_space<hbm>> -> memref<500000x120xf32, #tpu.memory_space<hbm>>
      tpu.wait_indirect_dma semaphore(%arg19 : memref<!tpu.dma_semaphore, #tpu.memory_space<semaphore_mem>>) src(%dma_wait3A_37 : memref<500000x120xf32, #tpu.memory_space<hbm>>) dst(%arg14 : memref<256x120xf32, #tpu.memory_space<vmem>>)
      %gt3A = arith.constant 0 : i32
      %gt3A_38 = arith.cmpi sgt, %scan3A_25, %gt3A : i32
      %convert_element_type3A_39 = arith.extui %gt3A_38 : i1 to i32
      %cond3A_40 = arith.constant 0 : i32
      %cond3A_41 = arith.cmpi ne, %convert_element_type3A_39, %cond3A_40 : i32
      scf.if %cond3A_41 {
        %sub3A = arith.constant 2 : i32
        %sub3A_80 = arith.subi %add3A_29, %sub3A : i32
        %mul3A_81 = arith.constant 256 : i32
        %mul3A_82 = arith.muli %sub3A_80, %mul3A_81 : i32
        %add3A_83 = arith.addi %mul3A_2, %mul3A_82 : i32
        %mul3A_84 = arith.constant 64 : i32
        %mul3A_85 = arith.muli %mul3A_84, %add3A_83 : i32
        %dma_wait3A_86 = tpu.memref_slice %arg7[%mul3A_85] : memref<52428800xf32, #tpu.memory_space<hbm>> -> memref<16384xf32, #tpu.memory_space<hbm>>
        %dma_wait3A_87 = tpu.memref_slice %arg7[%mul3A_85] : memref<52428800xf32, #tpu.memory_space<hbm>> -> memref<16384xf32, #tpu.memory_space<hbm>>
        tpu.wait_dma2 semaphore(%arg21 : memref<!tpu.dma_semaphore, #tpu.memory_space<semaphore_mem>>) src(%arg16 : memref<16384xf32, #tpu.memory_space<vmem>>) dst(%dma_wait3A_87 : memref<16384xf32, #tpu.memory_space<hbm>>)
      } else {
      }
      %parallel_loop3A = arith.constant 0 : i32
      %parallel_loop3A_42 = arith.constant 16 : i32
      %parallel_loop3A_43 = arith.constant 1 : i32
      scf.for %parallel_loop3A_80 = %parallel_loop3A to %parallel_loop3A_42 step %parallel_loop3A_43  : i32 {
        %parallel_loop3A_81 = arith.constant 16 : i32
        %parallel_loop3A_82 = arith.muli %parallel_loop3A_80, %parallel_loop3A_81 : i32
        %parallel_loop3A_83 = arith.index_cast %parallel_loop3A_82 : i32 to index
        %parallel_loop3A_84 = tpu.vector_load %arg12[%parallel_loop3A_83] {strides = array<i32>} : memref<256xi32, #tpu.memory_space<vmem>>, vector<16xi32>,
        %parallel_loop3A_85 = vector.shape_cast %parallel_loop3A_84 : vector<16xi32> to vector<16xi32>
        %parallel_loop3A_86 = arith.constant 16 : i32
        %parallel_loop3A_87 = arith.muli %parallel_loop3A_80, %parallel_loop3A_86 : i32
        %parallel_loop3A_88 = arith.index_cast %parallel_loop3A_87 : i32 to index
        %parallel_loop3A_89 = tpu.vector_load %arg10[%parallel_loop3A_88] {strides = array<i32>} : memref<256xi32, #tpu.memory_space<vmem>>, vector<16xi32>,
        %parallel_loop3A_90 = vector.shape_cast %parallel_loop3A_89 : vector<16xi32> to vector<16xi32>
        %parallel_loop3A_91 = arith.constant 16 : i32
        %parallel_loop3A_92 = arith.muli %parallel_loop3A_80, %parallel_loop3A_91 : i32
        %parallel_loop3A_93 = arith.constant 0 : i32
        %parallel_loop3A_94 = arith.addi %parallel_loop3A_92, %parallel_loop3A_93 : i32
        %parallel_loop3A_95 = vector.extract_strided_slice %parallel_loop3A_85 {offsets = [0], sizes = [1], strides = [1]} : vector<16xi32> to vector<1xi32>
        %parallel_loop3A_96 = vector.extract %parallel_loop3A_95[0] : i32 from vector<1xi32>
        %parallel_loop3A_97 = arith.constant 0 : i32
        %parallel_loop3A_98 = arith.addi %parallel_loop3A_96, %parallel_loop3A_97 : i32
        %parallel_loop3A_99 = arith.index_cast %parallel_loop3A_94 : i32 to index
        %parallel_loop3A_100 = arith.index_cast %parallel_loop3A_98 : i32 to index
        %parallel_loop3A_101 = tpu.vector_load %arg14[%parallel_loop3A_99, %parallel_loop3A_100] {strides = array<i32>} : memref<256x120xf32, #tpu.memory_space<vmem>>, vector<1x16xf32>,
        %parallel_loop3A_102 = vector.shape_cast %parallel_loop3A_101 : vector<1x16xf32> to vector<16xf32>
        %parallel_loop3A_103 = arith.constant 64 : i32
        %parallel_loop3A_104 = arith.muli %parallel_loop3A_103, %parallel_loop3A_94 : i32
        %parallel_loop3A_105 = arith.constant 0 : i32
        %parallel_loop3A_106 = arith.addi %parallel_loop3A_104, %parallel_loop3A_105 : i32
        %parallel_loop3A_107 = arith.index_cast %parallel_loop3A_106 : i32 to index
        %parallel_loop3A_108 = tpu.vector_load %arg16[%parallel_loop3A_107] {strides = array<i32>} : memref<16384xf32, #tpu.memory_space<vmem>>, vector<16xf32>,
        %parallel_loop3A_109 = vector.shape_cast %parallel_loop3A_108 : vector<16xf32> to vector<16xf32>
        %parallel_loop3A_110 = vector.shape_cast %parallel_loop3A_102 : vector<16xf32> to vector<16xf32>
        tpu.vector_store %arg16[%parallel_loop3A_107], %parallel_loop3A_110 {strides = array<i32>} : memref<16384xf32, #tpu.memory_space<vmem>>, vector<16xf32>,
        %parallel_loop3A_111 = arith.constant 16 : i32
        %parallel_loop3A_112 = arith.addi %parallel_loop3A_96, %parallel_loop3A_111 : i32
        %parallel_loop3A_113 = arith.index_cast %parallel_loop3A_94 : i32 to index
        %parallel_loop3A_114 = arith.index_cast %parallel_loop3A_112 : i32 to index
        %parallel_loop3A_115 = tpu.vector_load %arg14[%parallel_loop3A_113, %parallel_loop3A_114] {strides = array<i32>} : memref<256x120xf32, #tpu.memory_space<vmem>>, vector<1x16xf32>,
        %parallel_loop3A_116 = vector.shape_cast %parallel_loop3A_115 : vector<1x16xf32> to vector<16xf32>
        %parallel_loop3A_117 = arith.constant 64 : i32
        %parallel_loop3A_118 = arith.muli %parallel_loop3A_117, %parallel_loop3A_94 : i32
        %parallel_loop3A_119 = arith.constant 16 : i32
        %parallel_loop3A_120 = arith.addi %parallel_loop3A_118, %parallel_loop3A_119 : i32
        %parallel_loop3A_121 = arith.index_cast %parallel_loop3A_120 : i32 to index
        %parallel_loop3A_122 = tpu.vector_load %arg16[%parallel_loop3A_121] {strides = array<i32>} : memref<16384xf32, #tpu.memory_space<vmem>>, vector<16xf32>,
        %parallel_loop3A_123 = vector.shape_cast %parallel_loop3A_122 : vector<16xf32> to vector<16xf32>
        %parallel_loop3A_124 = vector.shape_cast %parallel_loop3A_116 : vector<16xf32> to vector<16xf32>
        tpu.vector_store %arg16[%parallel_loop3A_121], %parallel_loop3A_124 {strides = array<i32>} : memref<16384xf32, #tpu.memory_space<vmem>>, vector<16xf32>,
        %parallel_loop3A_125 = arith.constant 32 : i32
        %parallel_loop3A_126 = arith.addi %parallel_loop3A_96, %parallel_loop3A_125 : i32
        %parallel_loop3A_127 = arith.index_cast %parallel_loop3A_94 : i32 to index
        %parallel_loop3A_128 = arith.index_cast %parallel_loop3A_126 : i32 to index
        %parallel_loop3A_129 = tpu.vector_load %arg14[%parallel_loop3A_127, %parallel_loop3A_128] {strides = array<i32>} : memref<256x120xf32, #tpu.memory_space<vmem>>, vector<1x16xf32>,
        %parallel_loop3A_130 = vector.shape_cast %parallel_loop3A_129 : vector<1x16xf32> to vector<16xf32>
        %parallel_loop3A_131 = arith.constant 64 : i32
        %parallel_loop3A_132 = arith.muli %parallel_loop3A_131, %parallel_loop3A_94 : i32
        %parallel_loop3A_133 = arith.constant 32 : i32
        %parallel_loop3A_134 = arith.addi %parallel_loop3A_132, %parallel_loop3A_133 : i32
        %parallel_loop3A_135 = arith.index_cast %parallel_loop3A_134 : i32 to index
        %parallel_loop3A_136 = tpu.vector_load %arg16[%parallel_loop3A_135] {strides = array<i32>} : memref<16384xf32, #tpu.memory_space<vmem>>, vector<16xf32>,
        %parallel_loop3A_137 = vector.shape_cast %parallel_loop3A_136 : vector<16xf32> to vector<16xf32>
        %parallel_loop3A_138 = vector.shape_cast %parallel_loop3A_130 : vector<16xf32> to vector<16xf32>
        tpu.vector_store %arg16[%parallel_loop3A_135], %parallel_loop3A_138 {strides = array<i32>} : memref<16384xf32, #tpu.memory_space<vmem>>, vector<16xf32>,
        %parallel_loop3A_139 = arith.constant 48 : i32
        %parallel_loop3A_140 = arith.addi %parallel_loop3A_96, %parallel_loop3A_139 : i32
        %parallel_loop3A_141 = arith.index_cast %parallel_loop3A_94 : i32 to index
        %parallel_loop3A_142 = arith.index_cast %parallel_loop3A_140 : i32 to index
        %parallel_loop3A_143 = tpu.vector_load %arg14[%parallel_loop3A_141, %parallel_loop3A_142] {strides = array<i32>} : memref<256x120xf32, #tpu.memory_space<vmem>>, vector<1x16xf32>,
        %parallel_loop3A_144 = vector.shape_cast %parallel_loop3A_143 : vector<1x16xf32> to vector<16xf32>
        %parallel_loop3A_145 = vector.extract_strided_slice %parallel_loop3A_90 {offsets = [0], sizes = [1], strides = [1]} : vector<16xi32> to vector<1xi32>
        %parallel_loop3A_146 = vector.extract %parallel_loop3A_145[0] : i32 from vector<1xi32>
        %parallel_loop3A_147 = arith.index_cast %parallel_loop3A_146 : i32 to index
        %parallel_loop3A_148 = arith.constant 0 : index
        %parallel_loop3A_149 = tpu.vector_load %arg18[%parallel_loop3A_147, %parallel_loop3A_148] {strides = array<i32>} : memref<200x16xf32, #tpu.memory_space<vmem>>, vector<1x16xf32>,
        %parallel_loop3A_150 = vector.shape_cast %parallel_loop3A_149 : vector<1x16xf32> to vector<16xf32>
        %parallel_loop3A_151 = arith.select %lt3A_4, %parallel_loop3A_144, %parallel_loop3A_150 : vector<16xi1>, vector<16xf32>
        %parallel_loop3A_152 = arith.constant 64 : i32
        %parallel_loop3A_153 = arith.muli %parallel_loop3A_152, %parallel_loop3A_94 : i32
        %parallel_loop3A_154 = arith.constant 48 : i32
        %parallel_loop3A_155 = arith.addi %parallel_loop3A_153, %parallel_loop3A_154 : i32
        %parallel_loop3A_156 = arith.index_cast %parallel_loop3A_155 : i32 to index
        %parallel_loop3A_157 = tpu.vector_load %arg16[%parallel_loop3A_156] {strides = array<i32>} : memref<16384xf32, #tpu.memory_space<vmem>>, vector<16xf32>,
        %parallel_loop3A_158 = vector.shape_cast %parallel_loop3A_157 : vector<16xf32> to vector<16xf32>
        %parallel_loop3A_159 = vector.shape_cast %parallel_loop3A_151 : vector<16xf32> to vector<16xf32>
        tpu.vector_store %arg16[%parallel_loop3A_156], %parallel_loop3A_159 {strides = array<i32>} : memref<16384xf32, #tpu.memory_space<vmem>>, vector<16xf32>,
        %parallel_loop3A_160 = arith.constant 16 : i32
        %parallel_loop3A_161 = arith.muli %parallel_loop3A_80, %parallel_loop3A_160 : i32
        %parallel_loop3A_162 = arith.constant 1 : i32
        %parallel_loop3A_163 = arith.addi %parallel_loop3A_161, %parallel_loop3A_162 : i32
        %parallel_loop3A_164 = vector.extract_strided_slice %parallel_loop3A_85 {offsets = [1], sizes = [1], strides = [1]} : vector<16xi32> to vector<1xi32>
        %parallel_loop3A_165 = vector.extract %parallel_loop3A_164[0] : i32 from vector<1xi32>
        %parallel_loop3A_166 = arith.constant 0 : i32
        %parallel_loop3A_167 = arith.addi %parallel_loop3A_165, %parallel_loop3A_166 : i32
        %parallel_loop3A_168 = arith.index_cast %parallel_loop3A_163 : i32 to index
        %parallel_loop3A_169 = arith.index_cast %parallel_loop3A_167 : i32 to index
        %parallel_loop3A_170 = tpu.vector_load %arg14[%parallel_loop3A_168, %parallel_loop3A_169] {strides = array<i32>} : memref<256x120xf32, #tpu.memory_space<vmem>>, vector<1x16xf32>,
        %parallel_loop3A_171 = vector.shape_cast %parallel_loop3A_170 : vector<1x16xf32> to vector<16xf32>
        %parallel_loop3A_172 = arith.constant 64 : i32
        %parallel_loop3A_173 = arith.muli %parallel_loop3A_172, %parallel_loop3A_163 : i32
        %parallel_loop3A_174 = arith.constant 0 : i32
        %parallel_loop3A_175 = arith.addi %parallel_loop3A_173, %parallel_loop3A_174 : i32
        %parallel_loop3A_176 = arith.index_cast %parallel_loop3A_175 : i32 to index
        %parallel_loop3A_177 = tpu.vector_load %arg16[%parallel_loop3A_176] {strides = array<i32>} : memref<16384xf32, #tpu.memory_space<vmem>>, vector<16xf32>,
        %parallel_loop3A_178 = vector.shape_cast %parallel_loop3A_177 : vector<16xf32> to vector<16xf32>
        %parallel_loop3A_179 = vector.shape_cast %parallel_loop3A_171 : vector<16xf32> to vector<16xf32>
        tpu.vector_store %arg16[%parallel_loop3A_176], %parallel_loop3A_179 {strides = array<i32>} : memref<16384xf32, #tpu.memory_space<vmem>>, vector<16xf32>,
        %parallel_loop3A_180 = arith.constant 16 : i32
        %parallel_loop3A_181 = arith.addi %parallel_loop3A_165, %parallel_loop3A_180 : i32
        %parallel_loop3A_182 = arith.index_cast %parallel_loop3A_163 : i32 to index
        %parallel_loop3A_183 = arith.index_cast %parallel_loop3A_181 : i32 to index
        %parallel_loop3A_184 = tpu.vector_load %arg14[%parallel_loop3A_182, %parallel_loop3A_183] {strides = array<i32>} : memref<256x120xf32, #tpu.memory_space<vmem>>, vector<1x16xf32>,
        %parallel_loop3A_185 = vector.shape_cast %parallel_loop3A_184 : vector<1x16xf32> to vector<16xf32>
        %parallel_loop3A_186 = arith.constant 64 : i32
        %parallel_loop3A_187 = arith.muli %parallel_loop3A_186, %parallel_loop3A_163 : i32
        %parallel_loop3A_188 = arith.constant 16 : i32
        %parallel_loop3A_189 = arith.addi %parallel_loop3A_187, %parallel_loop3A_188 : i32
        %parallel_loop3A_190 = arith.index_cast %parallel_loop3A_189 : i32 to index
        %parallel_loop3A_191 = tpu.vector_load %arg16[%parallel_loop3A_190] {strides = array<i32>} : memref<16384xf32, #tpu.memory_space<vmem>>, vector<16xf32>,
        %parallel_loop3A_192 = vector.shape_cast %parallel_loop3A_191 : vector<16xf32> to vector<16xf32>
        %parallel_loop3A_193 = vector.shape_cast %parallel_loop3A_185 : vector<16xf32> to vector<16xf32>
        tpu.vector_store %arg16[%parallel_loop3A_190], %parallel_loop3A_193 {strides = array<i32>} : memref<16384xf32, #tpu.memory_space<vmem>>, vector<16xf32>,
        %parallel_loop3A_194 = arith.constant 32 : i32
        %parallel_loop3A_195 = arith.addi %parallel_loop3A_165, %parallel_loop3A_194 : i32
        %parallel_loop3A_196 = arith.index_cast %parallel_loop3A_163 : i32 to index
        %parallel_loop3A_197 = arith.index_cast %parallel_loop3A_195 : i32 to index
        %parallel_loop3A_198 = tpu.vector_load %arg14[%parallel_loop3A_196, %parallel_loop3A_197] {strides = array<i32>} : memref<256x120xf32, #tpu.memory_space<vmem>>, vector<1x16xf32>,
        %parallel_loop3A_199 = vector.shape_cast %parallel_loop3A_198 : vector<1x16xf32> to vector<16xf32>
        %parallel_loop3A_200 = arith.constant 64 : i32
        %parallel_loop3A_201 = arith.muli %parallel_loop3A_200, %parallel_loop3A_163 : i32
        %parallel_loop3A_202 = arith.constant 32 : i32
        %parallel_loop3A_203 = arith.addi %parallel_loop3A_201, %parallel_loop3A_202 : i32
        %parallel_loop3A_204 = arith.index_cast %parallel_loop3A_203 : i32 to index
        %parallel_loop3A_205 = tpu.vector_load %arg16[%parallel_loop3A_204] {strides = array<i32>} : memref<16384xf32, #tpu.memory_space<vmem>>, vector<16xf32>,
        %parallel_loop3A_206 = vector.shape_cast %parallel_loop3A_205 : vector<16xf32> to vector<16xf32>
        %parallel_loop3A_207 = vector.shape_cast %parallel_loop3A_199 : vector<16xf32> to vector<16xf32>
        tpu.vector_store %arg16[%parallel_loop3A_204], %parallel_loop3A_207 {strides = array<i32>} : memref<16384xf32, #tpu.memory_space<vmem>>, vector<16xf32>,
        %parallel_loop3A_208 = arith.constant 48 : i32
        %parallel_loop3A_209 = arith.addi %parallel_loop3A_165, %parallel_loop3A_208 : i32
        %parallel_loop3A_210 = arith.index_cast %parallel_loop3A_163 : i32 to index
        %parallel_loop3A_211 = arith.index_cast %parallel_loop3A_209 : i32 to index
        %parallel_loop3A_212 = tpu.vector_load %arg14[%parallel_loop3A_210, %parallel_loop3A_211] {strides = array<i32>} : memref<256x120xf32, #tpu.memory_space<vmem>>, vector<1x16xf32>,
        %parallel_loop3A_213 = vector.shape_cast %parallel_loop3A_212 : vector<1x16xf32> to vector<16xf32>
        %parallel_loop3A_214 = vector.extract_strided_slice %parallel_loop3A_90 {offsets = [1], sizes = [1], strides = [1]} : vector<16xi32> to vector<1xi32>
        %parallel_loop3A_215 = vector.extract %parallel_loop3A_214[0] : i32 from vector<1xi32>
        %parallel_loop3A_216 = arith.index_cast %parallel_loop3A_215 : i32 to index
        %parallel_loop3A_217 = arith.constant 0 : index
        %parallel_loop3A_218 = tpu.vector_load %arg18[%parallel_loop3A_216, %parallel_loop3A_217] {strides = array<i32>} : memref<200x16xf32, #tpu.memory_space<vmem>>, vector<1x16xf32>,
        %parallel_loop3A_219 = vector.shape_cast %parallel_loop3A_218 : vector<1x16xf32> to vector<16xf32>
        %parallel_loop3A_220 = arith.select %lt3A_4, %parallel_loop3A_213, %parallel_loop3A_219 : vector<16xi1>, vector<16xf32>
        %parallel_loop3A_221 = arith.constant 64 : i32
        %parallel_loop3A_222 = arith.muli %parallel_loop3A_221, %parallel_loop3A_163 : i32
        %parallel_loop3A_223 = arith.constant 48 : i32
        %parallel_loop3A_224 = arith.addi %parallel_loop3A_222, %parallel_loop3A_223 : i32
        %parallel_loop3A_225 = arith.index_cast %parallel_loop3A_224 : i32 to index
        %parallel_loop3A_226 = tpu.vector_load %arg16[%parallel_loop3A_225] {strides = array<i32>} : memref<16384xf32, #tpu.memory_space<vmem>>, vector<16xf32>,
        %parallel_loop3A_227 = vector.shape_cast %parallel_loop3A_226 : vector<16xf32> to vector<16xf32>
        %parallel_loop3A_228 = vector.shape_cast %parallel_loop3A_220 : vector<16xf32> to vector<16xf32>
        tpu.vector_store %arg16[%parallel_loop3A_225], %parallel_loop3A_228 {strides = array<i32>} : memref<16384xf32, #tpu.memory_space<vmem>>, vector<16xf32>,
        %parallel_loop3A_229 = arith.constant 16 : i32
        %parallel_loop3A_230 = arith.muli %parallel_loop3A_80, %parallel_loop3A_229 : i32
        %parallel_loop3A_231 = arith.constant 2 : i32
        %parallel_loop3A_232 = arith.addi %parallel_loop3A_230, %parallel_loop3A_231 : i32
        %parallel_loop3A_233 = vector.extract_strided_slice %parallel_loop3A_85 {offsets = [2], sizes = [1], strides = [1]} : vector<16xi32> to vector<1xi32>
        %parallel_loop3A_234 = vector.extract %parallel_loop3A_233[0] : i32 from vector<1xi32>
        %parallel_loop3A_235 = arith.constant 0 : i32
        %parallel_loop3A_236 = arith.addi %parallel_loop3A_234, %parallel_loop3A_235 : i32
        %parallel_loop3A_237 = arith.index_cast %parallel_loop3A_232 : i32 to index
        %parallel_loop3A_238 = arith.index_cast %parallel_loop3A_236 : i32 to index
        %parallel_loop3A_239 = tpu.vector_load %arg14[%parallel_loop3A_237, %parallel_loop3A_238] {strides = array<i32>} : memref<256x120xf32, #tpu.memory_space<vmem>>, vector<1x16xf32>,
        %parallel_loop3A_240 = vector.shape_cast %parallel_loop3A_239 : vector<1x16xf32> to vector<16xf32>
        %parallel_loop3A_241 = arith.constant 64 : i32
        %parallel_loop3A_242 = arith.muli %parallel_loop3A_241, %parallel_loop3A_232 : i32
        %parallel_loop3A_243 = arith.constant 0 : i32
        %parallel_loop3A_244 = arith.addi %parallel_loop3A_242, %parallel_loop3A_243 : i32
        %parallel_loop3A_245 = arith.index_cast %parallel_loop3A_244 : i32 to index
        %parallel_loop3A_246 = tpu.vector_load %arg16[%parallel_loop3A_245] {strides = array<i32>} : memref<16384xf32, #tpu.memory_space<vmem>>, vector<16xf32>,
        %parallel_loop3A_247 = vector.shape_cast %parallel_loop3A_246 : vector<16xf32> to vector<16xf32>
        %parallel_loop3A_248 = vector.shape_cast %parallel_loop3A_240 : vector<16xf32> to vector<16xf32>
        tpu.vector_store %arg16[%parallel_loop3A_245], %parallel_loop3A_248 {strides = array<i32>} : memref<16384xf32, #tpu.memory_space<vmem>>, vector<16xf32>,
        %parallel_loop3A_249 = arith.constant 16 : i32
        %parallel_loop3A_250 = arith.addi %parallel_loop3A_234, %parallel_loop3A_249 : i32
        %parallel_loop3A_251 = arith.index_cast %parallel_loop3A_232 : i32 to index
        %parallel_loop3A_252 = arith.index_cast %parallel_loop3A_250 : i32 to index
        %parallel_loop3A_253 = tpu.vector_load %arg14[%parallel_loop3A_251, %parallel_loop3A_252] {strides = array<i32>} : memref<256x120xf32, #tpu.memory_space<vmem>>, vector<1x16xf32>,
        %parallel_loop3A_254 = vector.shape_cast %parallel_loop3A_253 : vector<1x16xf32> to vector<16xf32>
        %parallel_loop3A_255 = arith.constant 64 : i32
        %parallel_loop3A_256 = arith.muli %parallel_loop3A_255, %parallel_loop3A_232 : i32
        %parallel_loop3A_257 = arith.constant 16 : i32
        %parallel_loop3A_258 = arith.addi %parallel_loop3A_256, %parallel_loop3A_257 : i32
        %parallel_loop3A_259 = arith.index_cast %parallel_loop3A_258 : i32 to index
        %parallel_loop3A_260 = tpu.vector_load %arg16[%parallel_loop3A_259] {strides = array<i32>} : memref<16384xf32, #tpu.memory_space<vmem>>, vector<16xf32>,
        %parallel_loop3A_261 = vector.shape_cast %parallel_loop3A_260 : vector<16xf32> to vector<16xf32>
        %parallel_loop3A_262 = vector.shape_cast %parallel_loop3A_254 : vector<16xf32> to vector<16xf32>
        tpu.vector_store %arg16[%parallel_loop3A_259], %parallel_loop3A_262 {strides = array<i32>} : memref<16384xf32, #tpu.memory_space<vmem>>, vector<16xf32>,
        %parallel_loop3A_263 = arith.constant 32 : i32
        %parallel_loop3A_264 = arith.addi %parallel_loop3A_234, %parallel_loop3A_263 : i32
        %parallel_loop3A_265 = arith.index_cast %parallel_loop3A_232 : i32 to index
        %parallel_loop3A_266 = arith.index_cast %parallel_loop3A_264 : i32 to index
        %parallel_loop3A_267 = tpu.vector_load %arg14[%parallel_loop3A_265, %parallel_loop3A_266] {strides = array<i32>} : memref<256x120xf32, #tpu.memory_space<vmem>>, vector<1x16xf32>,
        %parallel_loop3A_268 = vector.shape_cast %parallel_loop3A_267 : vector<1x16xf32> to vector<16xf32>
        %parallel_loop3A_269 = arith.constant 64 : i32
        %parallel_loop3A_270 = arith.muli %parallel_loop3A_269, %parallel_loop3A_232 : i32
        %parallel_loop3A_271 = arith.constant 32 : i32
        %parallel_loop3A_272 = arith.addi %parallel_loop3A_270, %parallel_loop3A_271 : i32
        %parallel_loop3A_273 = arith.index_cast %parallel_loop3A_272 : i32 to index
        %parallel_loop3A_274 = tpu.vector_load %arg16[%parallel_loop3A_273] {strides = array<i32>} : memref<16384xf32, #tpu.memory_space<vmem>>, vector<16xf32>,
        %parallel_loop3A_275 = vector.shape_cast %parallel_loop3A_274 : vector<16xf32> to vector<16xf32>
        %parallel_loop3A_276 = vector.shape_cast %parallel_loop3A_268 : vector<16xf32> to vector<16xf32>
        tpu.vector_store %arg16[%parallel_loop3A_273], %parallel_loop3A_276 {strides = array<i32>} : memref<16384xf32, #tpu.memory_space<vmem>>, vector<16xf32>,
        %parallel_loop3A_277 = arith.constant 48 : i32
        %parallel_loop3A_278 = arith.addi %parallel_loop3A_234, %parallel_loop3A_277 : i32
        %parallel_loop3A_279 = arith.index_cast %parallel_loop3A_232 : i32 to index
        %parallel_loop3A_280 = arith.index_cast %parallel_loop3A_278 : i32 to index
        %parallel_loop3A_281 = tpu.vector_load %arg14[%parallel_loop3A_279, %parallel_loop3A_280] {strides = array<i32>} : memref<256x120xf32, #tpu.memory_space<vmem>>, vector<1x16xf32>,
        %parallel_loop3A_282 = vector.shape_cast %parallel_loop3A_281 : vector<1x16xf32> to vector<16xf32>
        %parallel_loop3A_283 = vector.extract_strided_slice %parallel_loop3A_90 {offsets = [2], sizes = [1], strides = [1]} : vector<16xi32> to vector<1xi32>
        %parallel_loop3A_284 = vector.extract %parallel_loop3A_283[0] : i32 from vector<1xi32>
        %parallel_loop3A_285 = arith.index_cast %parallel_loop3A_284 : i32 to index
        %parallel_loop3A_286 = arith.constant 0 : index
        %parallel_loop3A_287 = tpu.vector_load %arg18[%parallel_loop3A_285, %parallel_loop3A_286] {strides = array<i32>} : memref<200x16xf32, #tpu.memory_space<vmem>>, vector<1x16xf32>,
        %parallel_loop3A_288 = vector.shape_cast %parallel_loop3A_287 : vector<1x16xf32> to vector<16xf32>
        %parallel_loop3A_289 = arith.select %lt3A_4, %parallel_loop3A_282, %parallel_loop3A_288 : vector<16xi1>, vector<16xf32>
        %parallel_loop3A_290 = arith.constant 64 : i32
        %parallel_loop3A_291 = arith.muli %parallel_loop3A_290, %parallel_loop3A_232 : i32
        %parallel_loop3A_292 = arith.constant 48 : i32
        %parallel_loop3A_293 = arith.addi %parallel_loop3A_291, %parallel_loop3A_292 : i32
        %parallel_loop3A_294 = arith.index_cast %parallel_loop3A_293 : i32 to index
        %parallel_loop3A_295 = tpu.vector_load %arg16[%parallel_loop3A_294] {strides = array<i32>} : memref<16384xf32, #tpu.memory_space<vmem>>, vector<16xf32>,
        %parallel_loop3A_296 = vector.shape_cast %parallel_loop3A_295 : vector<16xf32> to vector<16xf32>
        %parallel_loop3A_297 = vector.shape_cast %parallel_loop3A_289 : vector<16xf32> to vector<16xf32>
        tpu.vector_store %arg16[%parallel_loop3A_294], %parallel_loop3A_297 {strides = array<i32>} : memref<16384xf32, #tpu.memory_space<vmem>>, vector<16xf32>,
        %parallel_loop3A_298 = arith.constant 16 : i32
        %parallel_loop3A_299 = arith.muli %parallel_loop3A_80, %parallel_loop3A_298 : i32
        %parallel_loop3A_300 = arith.constant 3 : i32
        %parallel_loop3A_301 = arith.addi %parallel_loop3A_299, %parallel_loop3A_300 : i32
        %parallel_loop3A_302 = vector.extract_strided_slice %parallel_loop3A_85 {offsets = [3], sizes = [1], strides = [1]} : vector<16xi32> to vector<1xi32>
        %parallel_loop3A_303 = vector.extract %parallel_loop3A_302[0] : i32 from vector<1xi32>
        %parallel_loop3A_304 = arith.constant 0 : i32
        %parallel_loop3A_305 = arith.addi %parallel_loop3A_303, %parallel_loop3A_304 : i32
        %parallel_loop3A_306 = arith.index_cast %parallel_loop3A_301 : i32 to index
        %parallel_loop3A_307 = arith.index_cast %parallel_loop3A_305 : i32 to index
        %parallel_loop3A_308 = tpu.vector_load %arg14[%parallel_loop3A_306, %parallel_loop3A_307] {strides = array<i32>} : memref<256x120xf32, #tpu.memory_space<vmem>>, vector<1x16xf32>,
        %parallel_loop3A_309 = vector.shape_cast %parallel_loop3A_308 : vector<1x16xf32> to vector<16xf32>
        %parallel_loop3A_310 = arith.constant 64 : i32
        %parallel_loop3A_311 = arith.muli %parallel_loop3A_310, %parallel_loop3A_301 : i32
        %parallel_loop3A_312 = arith.constant 0 : i32
        %parallel_loop3A_313 = arith.addi %parallel_loop3A_311, %parallel_loop3A_312 : i32
        %parallel_loop3A_314 = arith.index_cast %parallel_loop3A_313 : i32 to index
        %parallel_loop3A_315 = tpu.vector_load %arg16[%parallel_loop3A_314] {strides = array<i32>} : memref<16384xf32, #tpu.memory_space<vmem>>, vector<16xf32>,
        %parallel_loop3A_316 = vector.shape_cast %parallel_loop3A_315 : vector<16xf32> to vector<16xf32>
        %parallel_loop3A_317 = vector.shape_cast %parallel_loop3A_309 : vector<16xf32> to vector<16xf32>
        tpu.vector_store %arg16[%parallel_loop3A_314], %parallel_loop3A_317 {strides = array<i32>} : memref<16384xf32, #tpu.memory_space<vmem>>, vector<16xf32>,
        %parallel_loop3A_318 = arith.constant 16 : i32
        %parallel_loop3A_319 = arith.addi %parallel_loop3A_303, %parallel_loop3A_318 : i32
        %parallel_loop3A_320 = arith.index_cast %parallel_loop3A_301 : i32 to index
        %parallel_loop3A_321 = arith.index_cast %parallel_loop3A_319 : i32 to index
        %parallel_loop3A_322 = tpu.vector_load %arg14[%parallel_loop3A_320, %parallel_loop3A_321] {strides = array<i32>} : memref<256x120xf32, #tpu.memory_space<vmem>>, vector<1x16xf32>,
        %parallel_loop3A_323 = vector.shape_cast %parallel_loop3A_322 : vector<1x16xf32> to vector<16xf32>
        %parallel_loop3A_324 = arith.constant 64 : i32
        %parallel_loop3A_325 = arith.muli %parallel_loop3A_324, %parallel_loop3A_301 : i32
        %parallel_loop3A_326 = arith.constant 16 : i32
        %parallel_loop3A_327 = arith.addi %parallel_loop3A_325, %parallel_loop3A_326 : i32
        %parallel_loop3A_328 = arith.index_cast %parallel_loop3A_327 : i32 to index
        %parallel_loop3A_329 = tpu.vector_load %arg16[%parallel_loop3A_328] {strides = array<i32>} : memref<16384xf32, #tpu.memory_space<vmem>>, vector<16xf32>,
        %parallel_loop3A_330 = vector.shape_cast %parallel_loop3A_329 : vector<16xf32> to vector<16xf32>
        %parallel_loop3A_331 = vector.shape_cast %parallel_loop3A_323 : vector<16xf32> to vector<16xf32>
        tpu.vector_store %arg16[%parallel_loop3A_328], %parallel_loop3A_331 {strides = array<i32>} : memref<16384xf32, #tpu.memory_space<vmem>>, vector<16xf32>,
        %parallel_loop3A_332 = arith.constant 32 : i32
        %parallel_loop3A_333 = arith.addi %parallel_loop3A_303, %parallel_loop3A_332 : i32
        %parallel_loop3A_334 = arith.index_cast %parallel_loop3A_301 : i32 to index
        %parallel_loop3A_335 = arith.index_cast %parallel_loop3A_333 : i32 to index
        %parallel_loop3A_336 = tpu.vector_load %arg14[%parallel_loop3A_334, %parallel_loop3A_335] {strides = array<i32>} : memref<256x120xf32, #tpu.memory_space<vmem>>, vector<1x16xf32>,
        %parallel_loop3A_337 = vector.shape_cast %parallel_loop3A_336 : vector<1x16xf32> to vector<16xf32>
        %parallel_loop3A_338 = arith.constant 64 : i32
        %parallel_loop3A_339 = arith.muli %parallel_loop3A_338, %parallel_loop3A_301 : i32
        %parallel_loop3A_340 = arith.constant 32 : i32
        %parallel_loop3A_341 = arith.addi %parallel_loop3A_339, %parallel_loop3A_340 : i32
        %parallel_loop3A_342 = arith.index_cast %parallel_loop3A_341 : i32 to index
        %parallel_loop3A_343 = tpu.vector_load %arg16[%parallel_loop3A_342] {strides = array<i32>} : memref<16384xf32, #tpu.memory_space<vmem>>, vector<16xf32>,
        %parallel_loop3A_344 = vector.shape_cast %parallel_loop3A_343 : vector<16xf32> to vector<16xf32>
        %parallel_loop3A_345 = vector.shape_cast %parallel_loop3A_337 : vector<16xf32> to vector<16xf32>
        tpu.vector_store %arg16[%parallel_loop3A_342], %parallel_loop3A_345 {strides = array<i32>} : memref<16384xf32, #tpu.memory_space<vmem>>, vector<16xf32>,
        %parallel_loop3A_346 = arith.constant 48 : i32
        %parallel_loop3A_347 = arith.addi %parallel_loop3A_303, %parallel_loop3A_346 : i32
        %parallel_loop3A_348 = arith.index_cast %parallel_loop3A_301 : i32 to index
        %parallel_loop3A_349 = arith.index_cast %parallel_loop3A_347 : i32 to index
        %parallel_loop3A_350 = tpu.vector_load %arg14[%parallel_loop3A_348, %parallel_loop3A_349] {strides = array<i32>} : memref<256x120xf32, #tpu.memory_space<vmem>>, vector<1x16xf32>,
        %parallel_loop3A_351 = vector.shape_cast %parallel_loop3A_350 : vector<1x16xf32> to vector<16xf32>
        %parallel_loop3A_352 = vector.extract_strided_slice %parallel_loop3A_90 {offsets = [3], sizes = [1], strides = [1]} : vector<16xi32> to vector<1xi32>
        %parallel_loop3A_353 = vector.extract %parallel_loop3A_352[0] : i32 from vector<1xi32>
        %parallel_loop3A_354 = arith.index_cast %parallel_loop3A_353 : i32 to index
        %parallel_loop3A_355 = arith.constant 0 : index
        %parallel_loop3A_356 = tpu.vector_load %arg18[%parallel_loop3A_354, %parallel_loop3A_355] {strides = array<i32>} : memref<200x16xf32, #tpu.memory_space<vmem>>, vector<1x16xf32>,
        %parallel_loop3A_357 = vector.shape_cast %parallel_loop3A_356 : vector<1x16xf32> to vector<16xf32>
        %parallel_loop3A_358 = arith.select %lt3A_4, %parallel_loop3A_351, %parallel_loop3A_357 : vector<16xi1>, vector<16xf32>
        %parallel_loop3A_359 = arith.constant 64 : i32
        %parallel_loop3A_360 = arith.muli %parallel_loop3A_359, %parallel_loop3A_301 : i32
        %parallel_loop3A_361 = arith.constant 48 : i32
        %parallel_loop3A_362 = arith.addi %parallel_loop3A_360, %parallel_loop3A_361 : i32
        %parallel_loop3A_363 = arith.index_cast %parallel_loop3A_362 : i32 to index
        %parallel_loop3A_364 = tpu.vector_load %arg16[%parallel_loop3A_363] {strides = array<i32>} : memref<16384xf32, #tpu.memory_space<vmem>>, vector<16xf32>,
        %parallel_loop3A_365 = vector.shape_cast %parallel_loop3A_364 : vector<16xf32> to vector<16xf32>
        %parallel_loop3A_366 = vector.shape_cast %parallel_loop3A_358 : vector<16xf32> to vector<16xf32>
        tpu.vector_store %arg16[%parallel_loop3A_363], %parallel_loop3A_366 {strides = array<i32>} : memref<16384xf32, #tpu.memory_space<vmem>>, vector<16xf32>,
        %parallel_loop3A_367 = arith.constant 16 : i32
        %parallel_loop3A_368 = arith.muli %parallel_loop3A_80, %parallel_loop3A_367 : i32
        %parallel_loop3A_369 = arith.constant 4 : i32
        %parallel_loop3A_370 = arith.addi %parallel_loop3A_368, %parallel_loop3A_369 : i32
        %parallel_loop3A_371 = vector.extract_strided_slice %parallel_loop3A_85 {offsets = [4], sizes = [1], strides = [1]} : vector<16xi32> to vector<1xi32>
        %parallel_loop3A_372 = vector.extract %parallel_loop3A_371[0] : i32 from vector<1xi32>
        %parallel_loop3A_373 = arith.constant 0 : i32
        %parallel_loop3A_374 = arith.addi %parallel_loop3A_372, %parallel_loop3A_373 : i32
        %parallel_loop3A_375 = arith.index_cast %parallel_loop3A_370 : i32 to index
        %parallel_loop3A_376 = arith.index_cast %parallel_loop3A_374 : i32 to index
        %parallel_loop3A_377 = tpu.vector_load %arg14[%parallel_loop3A_375, %parallel_loop3A_376] {strides = array<i32>} : memref<256x120xf32, #tpu.memory_space<vmem>>, vector<1x16xf32>,
        %parallel_loop3A_378 = vector.shape_cast %parallel_loop3A_377 : vector<1x16xf32> to vector<16xf32>
        %parallel_loop3A_379 = arith.constant 64 : i32
        %parallel_loop3A_380 = arith.muli %parallel_loop3A_379, %parallel_loop3A_370 : i32
        %parallel_loop3A_381 = arith.constant 0 : i32
        %parallel_loop3A_382 = arith.addi %parallel_loop3A_380, %parallel_loop3A_381 : i32
        %parallel_loop3A_383 = arith.index_cast %parallel_loop3A_382 : i32 to index
        %parallel_loop3A_384 = tpu.vector_load %arg16[%parallel_loop3A_383] {strides = array<i32>} : memref<16384xf32, #tpu.memory_space<vmem>>, vector<16xf32>,
        %parallel_loop3A_385 = vector.shape_cast %parallel_loop3A_384 : vector<16xf32> to vector<16xf32>
        %parallel_loop3A_386 = vector.shape_cast %parallel_loop3A_378 : vector<16xf32> to vector<16xf32>
        tpu.vector_store %arg16[%parallel_loop3A_383], %parallel_loop3A_386 {strides = array<i32>} : memref<16384xf32, #tpu.memory_space<vmem>>, vector<16xf32>,
        %parallel_loop3A_387 = arith.constant 16 : i32
        %parallel_loop3A_388 = arith.addi %parallel_loop3A_372, %parallel_loop3A_387 : i32
        %parallel_loop3A_389 = arith.index_cast %parallel_loop3A_370 : i32 to index
        %parallel_loop3A_390 = arith.index_cast %parallel_loop3A_388 : i32 to index
        %parallel_loop3A_391 = tpu.vector_load %arg14[%parallel_loop3A_389, %parallel_loop3A_390] {strides = array<i32>} : memref<256x120xf32, #tpu.memory_space<vmem>>, vector<1x16xf32>,
        %parallel_loop3A_392 = vector.shape_cast %parallel_loop3A_391 : vector<1x16xf32> to vector<16xf32>
        %parallel_loop3A_393 = arith.constant 64 : i32
        %parallel_loop3A_394 = arith.muli %parallel_loop3A_393, %parallel_loop3A_370 : i32
        %parallel_loop3A_395 = arith.constant 16 : i32
        %parallel_loop3A_396 = arith.addi %parallel_loop3A_394, %parallel_loop3A_395 : i32
        %parallel_loop3A_397 = arith.index_cast %parallel_loop3A_396 : i32 to index
        %parallel_loop3A_398 = tpu.vector_load %arg16[%parallel_loop3A_397] {strides = array<i32>} : memref<16384xf32, #tpu.memory_space<vmem>>, vector<16xf32>,
        %parallel_loop3A_399 = vector.shape_cast %parallel_loop3A_398 : vector<16xf32> to vector<16xf32>
        %parallel_loop3A_400 = vector.shape_cast %parallel_loop3A_392 : vector<16xf32> to vector<16xf32>
        tpu.vector_store %arg16[%parallel_loop3A_397], %parallel_loop3A_400 {strides = array<i32>} : memref<16384xf32, #tpu.memory_space<vmem>>, vector<16xf32>,
        %parallel_loop3A_401 = arith.constant 32 : i32
        %parallel_loop3A_402 = arith.addi %parallel_loop3A_372, %parallel_loop3A_401 : i32
        %parallel_loop3A_403 = arith.index_cast %parallel_loop3A_370 : i32 to index
        %parallel_loop3A_404 = arith.index_cast %parallel_loop3A_402 : i32 to index
        %parallel_loop3A_405 = tpu.vector_load %arg14[%parallel_loop3A_403, %parallel_loop3A_404] {strides = array<i32>} : memref<256x120xf32, #tpu.memory_space<vmem>>, vector<1x16xf32>,
        %parallel_loop3A_406 = vector.shape_cast %parallel_loop3A_405 : vector<1x16xf32> to vector<16xf32>
        %parallel_loop3A_407 = arith.constant 64 : i32
        %parallel_loop3A_408 = arith.muli %parallel_loop3A_407, %parallel_loop3A_370 : i32
        %parallel_loop3A_409 = arith.constant 32 : i32
        %parallel_loop3A_410 = arith.addi %parallel_loop3A_408, %parallel_loop3A_409 : i32
        %parallel_loop3A_411 = arith.index_cast %parallel_loop3A_410 : i32 to index
        %parallel_loop3A_412 = tpu.vector_load %arg16[%parallel_loop3A_411] {strides = array<i32>} : memref<16384xf32, #tpu.memory_space<vmem>>, vector<16xf32>,
        %parallel_loop3A_413 = vector.shape_cast %parallel_loop3A_412 : vector<16xf32> to vector<16xf32>
        %parallel_loop3A_414 = vector.shape_cast %parallel_loop3A_406 : vector<16xf32> to vector<16xf32>
        tpu.vector_store %arg16[%parallel_loop3A_411], %parallel_loop3A_414 {strides = array<i32>} : memref<16384xf32, #tpu.memory_space<vmem>>, vector<16xf32>,
        %parallel_loop3A_415 = arith.constant 48 : i32
        %parallel_loop3A_416 = arith.addi %parallel_loop3A_372, %parallel_loop3A_415 : i32
        %parallel_loop3A_417 = arith.index_cast %parallel_loop3A_370 : i32 to index
        %parallel_loop3A_418 = arith.index_cast %parallel_loop3A_416 : i32 to index
        %parallel_loop3A_419 = tpu.vector_load %arg14[%parallel_loop3A_417, %parallel_loop3A_418] {strides = array<i32>} : memref<256x120xf32, #tpu.memory_space<vmem>>, vector<1x16xf32>,
        %parallel_loop3A_420 = vector.shape_cast %parallel_loop3A_419 : vector<1x16xf32> to vector<16xf32>
        %parallel_loop3A_421 = vector.extract_strided_slice %parallel_loop3A_90 {offsets = [4], sizes = [1], strides = [1]} : vector<16xi32> to vector<1xi32>
        %parallel_loop3A_422 = vector.extract %parallel_loop3A_421[0] : i32 from vector<1xi32>
        %parallel_loop3A_423 = arith.index_cast %parallel_loop3A_422 : i32 to index
        %parallel_loop3A_424 = arith.constant 0 : index
        %parallel_loop3A_425 = tpu.vector_load %arg18[%parallel_loop3A_423, %parallel_loop3A_424] {strides = array<i32>} : memref<200x16xf32, #tpu.memory_space<vmem>>, vector<1x16xf32>,
        %parallel_loop3A_426 = vector.shape_cast %parallel_loop3A_425 : vector<1x16xf32> to vector<16xf32>
        %parallel_loop3A_427 = arith.select %lt3A_4, %parallel_loop3A_420, %parallel_loop3A_426 : vector<16xi1>, vector<16xf32>
        %parallel_loop3A_428 = arith.constant 64 : i32
        %parallel_loop3A_429 = arith.muli %parallel_loop3A_428, %parallel_loop3A_370 : i32
        %parallel_loop3A_430 = arith.constant 48 : i32
        %parallel_loop3A_431 = arith.addi %parallel_loop3A_429, %parallel_loop3A_430 : i32
        %parallel_loop3A_432 = arith.index_cast %parallel_loop3A_431 : i32 to index
        %parallel_loop3A_433 = tpu.vector_load %arg16[%parallel_loop3A_432] {strides = array<i32>} : memref<16384xf32, #tpu.memory_space<vmem>>, vector<16xf32>,
        %parallel_loop3A_434 = vector.shape_cast %parallel_loop3A_433 : vector<16xf32> to vector<16xf32>
        %parallel_loop3A_435 = vector.shape_cast %parallel_loop3A_427 : vector<16xf32> to vector<16xf32>
        tpu.vector_store %arg16[%parallel_loop3A_432], %parallel_loop3A_435 {strides = array<i32>} : memref<16384xf32, #tpu.memory_space<vmem>>, vector<16xf32>,
        %parallel_loop3A_436 = arith.constant 16 : i32
        %parallel_loop3A_437 = arith.muli %parallel_loop3A_80, %parallel_loop3A_436 : i32
        %parallel_loop3A_438 = arith.constant 5 : i32
        %parallel_loop3A_439 = arith.addi %parallel_loop3A_437, %parallel_loop3A_438 : i32
        %parallel_loop3A_440 = vector.extract_strided_slice %parallel_loop3A_85 {offsets = [5], sizes = [1], strides = [1]} : vector<16xi32> to vector<1xi32>
        %parallel_loop3A_441 = vector.extract %parallel_loop3A_440[0] : i32 from vector<1xi32>
        %parallel_loop3A_442 = arith.constant 0 : i32
        %parallel_loop3A_443 = arith.addi %parallel_loop3A_441, %parallel_loop3A_442 : i32
        %parallel_loop3A_444 = arith.index_cast %parallel_loop3A_439 : i32 to index
        %parallel_loop3A_445 = arith.index_cast %parallel_loop3A_443 : i32 to index
        %parallel_loop3A_446 = tpu.vector_load %arg14[%parallel_loop3A_444, %parallel_loop3A_445] {strides = array<i32>} : memref<256x120xf32, #tpu.memory_space<vmem>>, vector<1x16xf32>,
        %parallel_loop3A_447 = vector.shape_cast %parallel_loop3A_446 : vector<1x16xf32> to vector<16xf32>
        %parallel_loop3A_448 = arith.constant 64 : i32
        %parallel_loop3A_449 = arith.muli %parallel_loop3A_448, %parallel_loop3A_439 : i32
        %parallel_loop3A_450 = arith.constant 0 : i32
        %parallel_loop3A_451 = arith.addi %parallel_loop3A_449, %parallel_loop3A_450 : i32
        %parallel_loop3A_452 = arith.index_cast %parallel_loop3A_451 : i32 to index
        %parallel_loop3A_453 = tpu.vector_load %arg16[%parallel_loop3A_452] {strides = array<i32>} : memref<16384xf32, #tpu.memory_space<vmem>>, vector<16xf32>,
        %parallel_loop3A_454 = vector.shape_cast %parallel_loop3A_453 : vector<16xf32> to vector<16xf32>
        %parallel_loop3A_455 = vector.shape_cast %parallel_loop3A_447 : vector<16xf32> to vector<16xf32>
        tpu.vector_store %arg16[%parallel_loop3A_452], %parallel_loop3A_455 {strides = array<i32>} : memref<16384xf32, #tpu.memory_space<vmem>>, vector<16xf32>,
        %parallel_loop3A_456 = arith.constant 16 : i32
        %parallel_loop3A_457 = arith.addi %parallel_loop3A_441, %parallel_loop3A_456 : i32
        %parallel_loop3A_458 = arith.index_cast %parallel_loop3A_439 : i32 to index
        %parallel_loop3A_459 = arith.index_cast %parallel_loop3A_457 : i32 to index
        %parallel_loop3A_460 = tpu.vector_load %arg14[%parallel_loop3A_458, %parallel_loop3A_459] {strides = array<i32>} : memref<256x120xf32, #tpu.memory_space<vmem>>, vector<1x16xf32>,
        %parallel_loop3A_461 = vector.shape_cast %parallel_loop3A_460 : vector<1x16xf32> to vector<16xf32>
        %parallel_loop3A_462 = arith.constant 64 : i32
        %parallel_loop3A_463 = arith.muli %parallel_loop3A_462, %parallel_loop3A_439 : i32
        %parallel_loop3A_464 = arith.constant 16 : i32
        %parallel_loop3A_465 = arith.addi %parallel_loop3A_463, %parallel_loop3A_464 : i32
        %parallel_loop3A_466 = arith.index_cast %parallel_loop3A_465 : i32 to index
        %parallel_loop3A_467 = tpu.vector_load %arg16[%parallel_loop3A_466] {strides = array<i32>} : memref<16384xf32, #tpu.memory_space<vmem>>, vector<16xf32>,
        %parallel_loop3A_468 = vector.shape_cast %parallel_loop3A_467 : vector<16xf32> to vector<16xf32>
        %parallel_loop3A_469 = vector.shape_cast %parallel_loop3A_461 : vector<16xf32> to vector<16xf32>
        tpu.vector_store %arg16[%parallel_loop3A_466], %parallel_loop3A_469 {strides = array<i32>} : memref<16384xf32, #tpu.memory_space<vmem>>, vector<16xf32>,
        %parallel_loop3A_470 = arith.constant 32 : i32
        %parallel_loop3A_471 = arith.addi %parallel_loop3A_441, %parallel_loop3A_470 : i32
        %parallel_loop3A_472 = arith.index_cast %parallel_loop3A_439 : i32 to index
        %parallel_loop3A_473 = arith.index_cast %parallel_loop3A_471 : i32 to index
        %parallel_loop3A_474 = tpu.vector_load %arg14[%parallel_loop3A_472, %parallel_loop3A_473] {strides = array<i32>} : memref<256x120xf32, #tpu.memory_space<vmem>>, vector<1x16xf32>,
        %parallel_loop3A_475 = vector.shape_cast %parallel_loop3A_474 : vector<1x16xf32> to vector<16xf32>
        %parallel_loop3A_476 = arith.constant 64 : i32
        %parallel_loop3A_477 = arith.muli %parallel_loop3A_476, %parallel_loop3A_439 : i32
        %parallel_loop3A_478 = arith.constant 32 : i32
        %parallel_loop3A_479 = arith.addi %parallel_loop3A_477, %parallel_loop3A_478 : i32
        %parallel_loop3A_480 = arith.index_cast %parallel_loop3A_479 : i32 to index
        %parallel_loop3A_481 = tpu.vector_load %arg16[%parallel_loop3A_480] {strides = array<i32>} : memref<16384xf32, #tpu.memory_space<vmem>>, vector<16xf32>,
        %parallel_loop3A_482 = vector.shape_cast %parallel_loop3A_481 : vector<16xf32> to vector<16xf32>
        %parallel_loop3A_483 = vector.shape_cast %parallel_loop3A_475 : vector<16xf32> to vector<16xf32>
        tpu.vector_store %arg16[%parallel_loop3A_480], %parallel_loop3A_483 {strides = array<i32>} : memref<16384xf32, #tpu.memory_space<vmem>>, vector<16xf32>,
        %parallel_loop3A_484 = arith.constant 48 : i32
        %parallel_loop3A_485 = arith.addi %parallel_loop3A_441, %parallel_loop3A_484 : i32
        %parallel_loop3A_486 = arith.index_cast %parallel_loop3A_439 : i32 to index
        %parallel_loop3A_487 = arith.index_cast %parallel_loop3A_485 : i32 to index
        %parallel_loop3A_488 = tpu.vector_load %arg14[%parallel_loop3A_486, %parallel_loop3A_487] {strides = array<i32>} : memref<256x120xf32, #tpu.memory_space<vmem>>, vector<1x16xf32>,
        %parallel_loop3A_489 = vector.shape_cast %parallel_loop3A_488 : vector<1x16xf32> to vector<16xf32>
        %parallel_loop3A_490 = vector.extract_strided_slice %parallel_loop3A_90 {offsets = [5], sizes = [1], strides = [1]} : vector<16xi32> to vector<1xi32>
        %parallel_loop3A_491 = vector.extract %parallel_loop3A_490[0] : i32 from vector<1xi32>
        %parallel_loop3A_492 = arith.index_cast %parallel_loop3A_491 : i32 to index
        %parallel_loop3A_493 = arith.constant 0 : index
        %parallel_loop3A_494 = tpu.vector_load %arg18[%parallel_loop3A_492, %parallel_loop3A_493] {strides = array<i32>} : memref<200x16xf32, #tpu.memory_space<vmem>>, vector<1x16xf32>,
        %parallel_loop3A_495 = vector.shape_cast %parallel_loop3A_494 : vector<1x16xf32> to vector<16xf32>
        %parallel_loop3A_496 = arith.select %lt3A_4, %parallel_loop3A_489, %parallel_loop3A_495 : vector<16xi1>, vector<16xf32>
        %parallel_loop3A_497 = arith.constant 64 : i32
        %parallel_loop3A_498 = arith.muli %parallel_loop3A_497, %parallel_loop3A_439 : i32
        %parallel_loop3A_499 = arith.constant 48 : i32
        %parallel_loop3A_500 = arith.addi %parallel_loop3A_498, %parallel_loop3A_499 : i32
        %parallel_loop3A_501 = arith.index_cast %parallel_loop3A_500 : i32 to index
        %parallel_loop3A_502 = tpu.vector_load %arg16[%parallel_loop3A_501] {strides = array<i32>} : memref<16384xf32, #tpu.memory_space<vmem>>, vector<16xf32>,
        %parallel_loop3A_503 = vector.shape_cast %parallel_loop3A_502 : vector<16xf32> to vector<16xf32>
        %parallel_loop3A_504 = vector.shape_cast %parallel_loop3A_496 : vector<16xf32> to vector<16xf32>
        tpu.vector_store %arg16[%parallel_loop3A_501], %parallel_loop3A_504 {strides = array<i32>} : memref<16384xf32, #tpu.memory_space<vmem>>, vector<16xf32>,
        %parallel_loop3A_505 = arith.constant 16 : i32
        %parallel_loop3A_506 = arith.muli %parallel_loop3A_80, %parallel_loop3A_505 : i32
        %parallel_loop3A_507 = arith.constant 6 : i32
        %parallel_loop3A_508 = arith.addi %parallel_loop3A_506, %parallel_loop3A_507 : i32
        %parallel_loop3A_509 = vector.extract_strided_slice %parallel_loop3A_85 {offsets = [6], sizes = [1], strides = [1]} : vector<16xi32> to vector<1xi32>
        %parallel_loop3A_510 = vector.extract %parallel_loop3A_509[0] : i32 from vector<1xi32>
        %parallel_loop3A_511 = arith.constant 0 : i32
        %parallel_loop3A_512 = arith.addi %parallel_loop3A_510, %parallel_loop3A_511 : i32
        %parallel_loop3A_513 = arith.index_cast %parallel_loop3A_508 : i32 to index
        %parallel_loop3A_514 = arith.index_cast %parallel_loop3A_512 : i32 to index
        %parallel_loop3A_515 = tpu.vector_load %arg14[%parallel_loop3A_513, %parallel_loop3A_514] {strides = array<i32>} : memref<256x120xf32, #tpu.memory_space<vmem>>, vector<1x16xf32>,
        %parallel_loop3A_516 = vector.shape_cast %parallel_loop3A_515 : vector<1x16xf32> to vector<16xf32>
        %parallel_loop3A_517 = arith.constant 64 : i32
        %parallel_loop3A_518 = arith.muli %parallel_loop3A_517, %parallel_loop3A_508 : i32
        %parallel_loop3A_519 = arith.constant 0 : i32
        %parallel_loop3A_520 = arith.addi %parallel_loop3A_518, %parallel_loop3A_519 : i32
        %parallel_loop3A_521 = arith.index_cast %parallel_loop3A_520 : i32 to index
        %parallel_loop3A_522 = tpu.vector_load %arg16[%parallel_loop3A_521] {strides = array<i32>} : memref<16384xf32, #tpu.memory_space<vmem>>, vector<16xf32>,
        %parallel_loop3A_523 = vector.shape_cast %parallel_loop3A_522 : vector<16xf32> to vector<16xf32>
        %parallel_loop3A_524 = vector.shape_cast %parallel_loop3A_516 : vector<16xf32> to vector<16xf32>
        tpu.vector_store %arg16[%parallel_loop3A_521], %parallel_loop3A_524 {strides = array<i32>} : memref<16384xf32, #tpu.memory_space<vmem>>, vector<16xf32>,
        %parallel_loop3A_525 = arith.constant 16 : i32
        %parallel_loop3A_526 = arith.addi %parallel_loop3A_510, %parallel_loop3A_525 : i32
        %parallel_loop3A_527 = arith.index_cast %parallel_loop3A_508 : i32 to index
        %parallel_loop3A_528 = arith.index_cast %parallel_loop3A_526 : i32 to index
        %parallel_loop3A_529 = tpu.vector_load %arg14[%parallel_loop3A_527, %parallel_loop3A_528] {strides = array<i32>} : memref<256x120xf32, #tpu.memory_space<vmem>>, vector<1x16xf32>,
        %parallel_loop3A_530 = vector.shape_cast %parallel_loop3A_529 : vector<1x16xf32> to vector<16xf32>
        %parallel_loop3A_531 = arith.constant 64 : i32
        %parallel_loop3A_532 = arith.muli %parallel_loop3A_531, %parallel_loop3A_508 : i32
        %parallel_loop3A_533 = arith.constant 16 : i32
        %parallel_loop3A_534 = arith.addi %parallel_loop3A_532, %parallel_loop3A_533 : i32
        %parallel_loop3A_535 = arith.index_cast %parallel_loop3A_534 : i32 to index
        %parallel_loop3A_536 = tpu.vector_load %arg16[%parallel_loop3A_535] {strides = array<i32>} : memref<16384xf32, #tpu.memory_space<vmem>>, vector<16xf32>,
        %parallel_loop3A_537 = vector.shape_cast %parallel_loop3A_536 : vector<16xf32> to vector<16xf32>
        %parallel_loop3A_538 = vector.shape_cast %parallel_loop3A_530 : vector<16xf32> to vector<16xf32>
        tpu.vector_store %arg16[%parallel_loop3A_535], %parallel_loop3A_538 {strides = array<i32>} : memref<16384xf32, #tpu.memory_space<vmem>>, vector<16xf32>,
        %parallel_loop3A_539 = arith.constant 32 : i32
        %parallel_loop3A_540 = arith.addi %parallel_loop3A_510, %parallel_loop3A_539 : i32
        %parallel_loop3A_541 = arith.index_cast %parallel_loop3A_508 : i32 to index
        %parallel_loop3A_542 = arith.index_cast %parallel_loop3A_540 : i32 to index
        %parallel_loop3A_543 = tpu.vector_load %arg14[%parallel_loop3A_541, %parallel_loop3A_542] {strides = array<i32>} : memref<256x120xf32, #tpu.memory_space<vmem>>, vector<1x16xf32>,
        %parallel_loop3A_544 = vector.shape_cast %parallel_loop3A_543 : vector<1x16xf32> to vector<16xf32>
        %parallel_loop3A_545 = arith.constant 64 : i32
        %parallel_loop3A_546 = arith.muli %parallel_loop3A_545, %parallel_loop3A_508 : i32
        %parallel_loop3A_547 = arith.constant 32 : i32
        %parallel_loop3A_548 = arith.addi %parallel_loop3A_546, %parallel_loop3A_547 : i32
        %parallel_loop3A_549 = arith.index_cast %parallel_loop3A_548 : i32 to index
        %parallel_loop3A_550 = tpu.vector_load %arg16[%parallel_loop3A_549] {strides = array<i32>} : memref<16384xf32, #tpu.memory_space<vmem>>, vector<16xf32>,
        %parallel_loop3A_551 = vector.shape_cast %parallel_loop3A_550 : vector<16xf32> to vector<16xf32>
        %parallel_loop3A_552 = vector.shape_cast %parallel_loop3A_544 : vector<16xf32> to vector<16xf32>
        tpu.vector_store %arg16[%parallel_loop3A_549], %parallel_loop3A_552 {strides = array<i32>} : memref<16384xf32, #tpu.memory_space<vmem>>, vector<16xf32>,
        %parallel_loop3A_553 = arith.constant 48 : i32
        %parallel_loop3A_554 = arith.addi %parallel_loop3A_510, %parallel_loop3A_553 : i32
        %parallel_loop3A_555 = arith.index_cast %parallel_loop3A_508 : i32 to index
        %parallel_loop3A_556 = arith.index_cast %parallel_loop3A_554 : i32 to index
        %parallel_loop3A_557 = tpu.vector_load %arg14[%parallel_loop3A_555, %parallel_loop3A_556] {strides = array<i32>} : memref<256x120xf32, #tpu.memory_space<vmem>>, vector<1x16xf32>,
        %parallel_loop3A_558 = vector.shape_cast %parallel_loop3A_557 : vector<1x16xf32> to vector<16xf32>
        %parallel_loop3A_559 = vector.extract_strided_slice %parallel_loop3A_90 {offsets = [6], sizes = [1], strides = [1]} : vector<16xi32> to vector<1xi32>
        %parallel_loop3A_560 = vector.extract %parallel_loop3A_559[0] : i32 from vector<1xi32>
        %parallel_loop3A_561 = arith.index_cast %parallel_loop3A_560 : i32 to index
        %parallel_loop3A_562 = arith.constant 0 : index
        %parallel_loop3A_563 = tpu.vector_load %arg18[%parallel_loop3A_561, %parallel_loop3A_562] {strides = array<i32>} : memref<200x16xf32, #tpu.memory_space<vmem>>, vector<1x16xf32>,
        %parallel_loop3A_564 = vector.shape_cast %parallel_loop3A_563 : vector<1x16xf32> to vector<16xf32>
        %parallel_loop3A_565 = arith.select %lt3A_4, %parallel_loop3A_558, %parallel_loop3A_564 : vector<16xi1>, vector<16xf32>
        %parallel_loop3A_566 = arith.constant 64 : i32
        %parallel_loop3A_567 = arith.muli %parallel_loop3A_566, %parallel_loop3A_508 : i32
        %parallel_loop3A_568 = arith.constant 48 : i32
        %parallel_loop3A_569 = arith.addi %parallel_loop3A_567, %parallel_loop3A_568 : i32
        %parallel_loop3A_570 = arith.index_cast %parallel_loop3A_569 : i32 to index
        %parallel_loop3A_571 = tpu.vector_load %arg16[%parallel_loop3A_570] {strides = array<i32>} : memref<16384xf32, #tpu.memory_space<vmem>>, vector<16xf32>,
        %parallel_loop3A_572 = vector.shape_cast %parallel_loop3A_571 : vector<16xf32> to vector<16xf32>
        %parallel_loop3A_573 = vector.shape_cast %parallel_loop3A_565 : vector<16xf32> to vector<16xf32>
        tpu.vector_store %arg16[%parallel_loop3A_570], %parallel_loop3A_573 {strides = array<i32>} : memref<16384xf32, #tpu.memory_space<vmem>>, vector<16xf32>,
        %parallel_loop3A_574 = arith.constant 16 : i32
        %parallel_loop3A_575 = arith.muli %parallel_loop3A_80, %parallel_loop3A_574 : i32
        %parallel_loop3A_576 = arith.constant 7 : i32
        %parallel_loop3A_577 = arith.addi %parallel_loop3A_575, %parallel_loop3A_576 : i32
        %parallel_loop3A_578 = vector.extract_strided_slice %parallel_loop3A_85 {offsets = [7], sizes = [1], strides = [1]} : vector<16xi32> to vector<1xi32>
        %parallel_loop3A_579 = vector.extract %parallel_loop3A_578[0] : i32 from vector<1xi32>
        %parallel_loop3A_580 = arith.constant 0 : i32
        %parallel_loop3A_581 = arith.addi %parallel_loop3A_579, %parallel_loop3A_580 : i32
        %parallel_loop3A_582 = arith.index_cast %parallel_loop3A_577 : i32 to index
        %parallel_loop3A_583 = arith.index_cast %parallel_loop3A_581 : i32 to index
        %parallel_loop3A_584 = tpu.vector_load %arg14[%parallel_loop3A_582, %parallel_loop3A_583] {strides = array<i32>} : memref<256x120xf32, #tpu.memory_space<vmem>>, vector<1x16xf32>,
        %parallel_loop3A_585 = vector.shape_cast %parallel_loop3A_584 : vector<1x16xf32> to vector<16xf32>
        %parallel_loop3A_586 = arith.constant 64 : i32
        %parallel_loop3A_587 = arith.muli %parallel_loop3A_586, %parallel_loop3A_577 : i32
        %parallel_loop3A_588 = arith.constant 0 : i32
        %parallel_loop3A_589 = arith.addi %parallel_loop3A_587, %parallel_loop3A_588 : i32
        %parallel_loop3A_590 = arith.index_cast %parallel_loop3A_589 : i32 to index
        %parallel_loop3A_591 = tpu.vector_load %arg16[%parallel_loop3A_590] {strides = array<i32>} : memref<16384xf32, #tpu.memory_space<vmem>>, vector<16xf32>,
        %parallel_loop3A_592 = vector.shape_cast %parallel_loop3A_591 : vector<16xf32> to vector<16xf32>
        %parallel_loop3A_593 = vector.shape_cast %parallel_loop3A_585 : vector<16xf32> to vector<16xf32>
        tpu.vector_store %arg16[%parallel_loop3A_590], %parallel_loop3A_593 {strides = array<i32>} : memref<16384xf32, #tpu.memory_space<vmem>>, vector<16xf32>,
        %parallel_loop3A_594 = arith.constant 16 : i32
        %parallel_loop3A_595 = arith.addi %parallel_loop3A_579, %parallel_loop3A_594 : i32
        %parallel_loop3A_596 = arith.index_cast %parallel_loop3A_577 : i32 to index
        %parallel_loop3A_597 = arith.index_cast %parallel_loop3A_595 : i32 to index
        %parallel_loop3A_598 = tpu.vector_load %arg14[%parallel_loop3A_596, %parallel_loop3A_597] {strides = array<i32>} : memref<256x120xf32, #tpu.memory_space<vmem>>, vector<1x16xf32>,
        %parallel_loop3A_599 = vector.shape_cast %parallel_loop3A_598 : vector<1x16xf32> to vector<16xf32>
        %parallel_loop3A_600 = arith.constant 64 : i32
        %parallel_loop3A_601 = arith.muli %parallel_loop3A_600, %parallel_loop3A_577 : i32
        %parallel_loop3A_602 = arith.constant 16 : i32
        %parallel_loop3A_603 = arith.addi %parallel_loop3A_601, %parallel_loop3A_602 : i32
        %parallel_loop3A_604 = arith.index_cast %parallel_loop3A_603 : i32 to index
        %parallel_loop3A_605 = tpu.vector_load %arg16[%parallel_loop3A_604] {strides = array<i32>} : memref<16384xf32, #tpu.memory_space<vmem>>, vector<16xf32>,
        %parallel_loop3A_606 = vector.shape_cast %parallel_loop3A_605 : vector<16xf32> to vector<16xf32>
        %parallel_loop3A_607 = vector.shape_cast %parallel_loop3A_599 : vector<16xf32> to vector<16xf32>
        tpu.vector_store %arg16[%parallel_loop3A_604], %parallel_loop3A_607 {strides = array<i32>} : memref<16384xf32, #tpu.memory_space<vmem>>, vector<16xf32>,
        %parallel_loop3A_608 = arith.constant 32 : i32
        %parallel_loop3A_609 = arith.addi %parallel_loop3A_579, %parallel_loop3A_608 : i32
        %parallel_loop3A_610 = arith.index_cast %parallel_loop3A_577 : i32 to index
        %parallel_loop3A_611 = arith.index_cast %parallel_loop3A_609 : i32 to index
        %parallel_loop3A_612 = tpu.vector_load %arg14[%parallel_loop3A_610, %parallel_loop3A_611] {strides = array<i32>} : memref<256x120xf32, #tpu.memory_space<vmem>>, vector<1x16xf32>,
        %parallel_loop3A_613 = vector.shape_cast %parallel_loop3A_612 : vector<1x16xf32> to vector<16xf32>
        %parallel_loop3A_614 = arith.constant 64 : i32
        %parallel_loop3A_615 = arith.muli %parallel_loop3A_614, %parallel_loop3A_577 : i32
        %parallel_loop3A_616 = arith.constant 32 : i32
        %parallel_loop3A_617 = arith.addi %parallel_loop3A_615, %parallel_loop3A_616 : i32
        %parallel_loop3A_618 = arith.index_cast %parallel_loop3A_617 : i32 to index
        %parallel_loop3A_619 = tpu.vector_load %arg16[%parallel_loop3A_618] {strides = array<i32>} : memref<16384xf32, #tpu.memory_space<vmem>>, vector<16xf32>,
        %parallel_loop3A_620 = vector.shape_cast %parallel_loop3A_619 : vector<16xf32> to vector<16xf32>
        %parallel_loop3A_621 = vector.shape_cast %parallel_loop3A_613 : vector<16xf32> to vector<16xf32>
        tpu.vector_store %arg16[%parallel_loop3A_618], %parallel_loop3A_621 {strides = array<i32>} : memref<16384xf32, #tpu.memory_space<vmem>>, vector<16xf32>,
        %parallel_loop3A_622 = arith.constant 48 : i32
        %parallel_loop3A_623 = arith.addi %parallel_loop3A_579, %parallel_loop3A_622 : i32
        %parallel_loop3A_624 = arith.index_cast %parallel_loop3A_577 : i32 to index
        %parallel_loop3A_625 = arith.index_cast %parallel_loop3A_623 : i32 to index
        %parallel_loop3A_626 = tpu.vector_load %arg14[%parallel_loop3A_624, %parallel_loop3A_625] {strides = array<i32>} : memref<256x120xf32, #tpu.memory_space<vmem>>, vector<1x16xf32>,
        %parallel_loop3A_627 = vector.shape_cast %parallel_loop3A_626 : vector<1x16xf32> to vector<16xf32>
        %parallel_loop3A_628 = vector.extract_strided_slice %parallel_loop3A_90 {offsets = [7], sizes = [1], strides = [1]} : vector<16xi32> to vector<1xi32>
        %parallel_loop3A_629 = vector.extract %parallel_loop3A_628[0] : i32 from vector<1xi32>
        %parallel_loop3A_630 = arith.index_cast %parallel_loop3A_629 : i32 to index
        %parallel_loop3A_631 = arith.constant 0 : index
        %parallel_loop3A_632 = tpu.vector_load %arg18[%parallel_loop3A_630, %parallel_loop3A_631] {strides = array<i32>} : memref<200x16xf32, #tpu.memory_space<vmem>>, vector<1x16xf32>,
        %parallel_loop3A_633 = vector.shape_cast %parallel_loop3A_632 : vector<1x16xf32> to vector<16xf32>
        %parallel_loop3A_634 = arith.select %lt3A_4, %parallel_loop3A_627, %parallel_loop3A_633 : vector<16xi1>, vector<16xf32>
        %parallel_loop3A_635 = arith.constant 64 : i32
        %parallel_loop3A_636 = arith.muli %parallel_loop3A_635, %parallel_loop3A_577 : i32
        %parallel_loop3A_637 = arith.constant 48 : i32
        %parallel_loop3A_638 = arith.addi %parallel_loop3A_636, %parallel_loop3A_637 : i32
        %parallel_loop3A_639 = arith.index_cast %parallel_loop3A_638 : i32 to index
        %parallel_loop3A_640 = tpu.vector_load %arg16[%parallel_loop3A_639] {strides = array<i32>} : memref<16384xf32, #tpu.memory_space<vmem>>, vector<16xf32>,
        %parallel_loop3A_641 = vector.shape_cast %parallel_loop3A_640 : vector<16xf32> to vector<16xf32>
        %parallel_loop3A_642 = vector.shape_cast %parallel_loop3A_634 : vector<16xf32> to vector<16xf32>
        tpu.vector_store %arg16[%parallel_loop3A_639], %parallel_loop3A_642 {strides = array<i32>} : memref<16384xf32, #tpu.memory_space<vmem>>, vector<16xf32>,
        %parallel_loop3A_643 = arith.constant 16 : i32
        %parallel_loop3A_644 = arith.muli %parallel_loop3A_80, %parallel_loop3A_643 : i32
        %parallel_loop3A_645 = arith.constant 8 : i32
        %parallel_loop3A_646 = arith.addi %parallel_loop3A_644, %parallel_loop3A_645 : i32
        %parallel_loop3A_647 = vector.extract_strided_slice %parallel_loop3A_85 {offsets = [8], sizes = [1], strides = [1]} : vector<16xi32> to vector<1xi32>
        %parallel_loop3A_648 = vector.extract %parallel_loop3A_647[0] : i32 from vector<1xi32>
        %parallel_loop3A_649 = arith.constant 0 : i32
        %parallel_loop3A_650 = arith.addi %parallel_loop3A_648, %parallel_loop3A_649 : i32
        %parallel_loop3A_651 = arith.index_cast %parallel_loop3A_646 : i32 to index
        %parallel_loop3A_652 = arith.index_cast %parallel_loop3A_650 : i32 to index
        %parallel_loop3A_653 = tpu.vector_load %arg14[%parallel_loop3A_651, %parallel_loop3A_652] {strides = array<i32>} : memref<256x120xf32, #tpu.memory_space<vmem>>, vector<1x16xf32>,
        %parallel_loop3A_654 = vector.shape_cast %parallel_loop3A_653 : vector<1x16xf32> to vector<16xf32>
        %parallel_loop3A_655 = arith.constant 64 : i32
        %parallel_loop3A_656 = arith.muli %parallel_loop3A_655, %parallel_loop3A_646 : i32
        %parallel_loop3A_657 = arith.constant 0 : i32
        %parallel_loop3A_658 = arith.addi %parallel_loop3A_656, %parallel_loop3A_657 : i32
        %parallel_loop3A_659 = arith.index_cast %parallel_loop3A_658 : i32 to index
        %parallel_loop3A_660 = tpu.vector_load %arg16[%parallel_loop3A_659] {strides = array<i32>} : memref<16384xf32, #tpu.memory_space<vmem>>, vector<16xf32>,
        %parallel_loop3A_661 = vector.shape_cast %parallel_loop3A_660 : vector<16xf32> to vector<16xf32>
        %parallel_loop3A_662 = vector.shape_cast %parallel_loop3A_654 : vector<16xf32> to vector<16xf32>
        tpu.vector_store %arg16[%parallel_loop3A_659], %parallel_loop3A_662 {strides = array<i32>} : memref<16384xf32, #tpu.memory_space<vmem>>, vector<16xf32>,
        %parallel_loop3A_663 = arith.constant 16 : i32
        %parallel_loop3A_664 = arith.addi %parallel_loop3A_648, %parallel_loop3A_663 : i32
        %parallel_loop3A_665 = arith.index_cast %parallel_loop3A_646 : i32 to index
        %parallel_loop3A_666 = arith.index_cast %parallel_loop3A_664 : i32 to index
        %parallel_loop3A_667 = tpu.vector_load %arg14[%parallel_loop3A_665, %parallel_loop3A_666] {strides = array<i32>} : memref<256x120xf32, #tpu.memory_space<vmem>>, vector<1x16xf32>,
        %parallel_loop3A_668 = vector.shape_cast %parallel_loop3A_667 : vector<1x16xf32> to vector<16xf32>
        %parallel_loop3A_669 = arith.constant 64 : i32
        %parallel_loop3A_670 = arith.muli %parallel_loop3A_669, %parallel_loop3A_646 : i32
        %parallel_loop3A_671 = arith.constant 16 : i32
        %parallel_loop3A_672 = arith.addi %parallel_loop3A_670, %parallel_loop3A_671 : i32
        %parallel_loop3A_673 = arith.index_cast %parallel_loop3A_672 : i32 to index
        %parallel_loop3A_674 = tpu.vector_load %arg16[%parallel_loop3A_673] {strides = array<i32>} : memref<16384xf32, #tpu.memory_space<vmem>>, vector<16xf32>,
        %parallel_loop3A_675 = vector.shape_cast %parallel_loop3A_674 : vector<16xf32> to vector<16xf32>
        %parallel_loop3A_676 = vector.shape_cast %parallel_loop3A_668 : vector<16xf32> to vector<16xf32>
        tpu.vector_store %arg16[%parallel_loop3A_673], %parallel_loop3A_676 {strides = array<i32>} : memref<16384xf32, #tpu.memory_space<vmem>>, vector<16xf32>,
        %parallel_loop3A_677 = arith.constant 32 : i32
        %parallel_loop3A_678 = arith.addi %parallel_loop3A_648, %parallel_loop3A_677 : i32
        %parallel_loop3A_679 = arith.index_cast %parallel_loop3A_646 : i32 to index
        %parallel_loop3A_680 = arith.index_cast %parallel_loop3A_678 : i32 to index
        %parallel_loop3A_681 = tpu.vector_load %arg14[%parallel_loop3A_679, %parallel_loop3A_680] {strides = array<i32>} : memref<256x120xf32, #tpu.memory_space<vmem>>, vector<1x16xf32>,
        %parallel_loop3A_682 = vector.shape_cast %parallel_loop3A_681 : vector<1x16xf32> to vector<16xf32>
        %parallel_loop3A_683 = arith.constant 64 : i32
        %parallel_loop3A_684 = arith.muli %parallel_loop3A_683, %parallel_loop3A_646 : i32
        %parallel_loop3A_685 = arith.constant 32 : i32
        %parallel_loop3A_686 = arith.addi %parallel_loop3A_684, %parallel_loop3A_685 : i32
        %parallel_loop3A_687 = arith.index_cast %parallel_loop3A_686 : i32 to index
        %parallel_loop3A_688 = tpu.vector_load %arg16[%parallel_loop3A_687] {strides = array<i32>} : memref<16384xf32, #tpu.memory_space<vmem>>, vector<16xf32>,
        %parallel_loop3A_689 = vector.shape_cast %parallel_loop3A_688 : vector<16xf32> to vector<16xf32>
        %parallel_loop3A_690 = vector.shape_cast %parallel_loop3A_682 : vector<16xf32> to vector<16xf32>
        tpu.vector_store %arg16[%parallel_loop3A_687], %parallel_loop3A_690 {strides = array<i32>} : memref<16384xf32, #tpu.memory_space<vmem>>, vector<16xf32>,
        %parallel_loop3A_691 = arith.constant 48 : i32
        %parallel_loop3A_692 = arith.addi %parallel_loop3A_648, %parallel_loop3A_691 : i32
        %parallel_loop3A_693 = arith.index_cast %parallel_loop3A_646 : i32 to index
        %parallel_loop3A_694 = arith.index_cast %parallel_loop3A_692 : i32 to index
        %parallel_loop3A_695 = tpu.vector_load %arg14[%parallel_loop3A_693, %parallel_loop3A_694] {strides = array<i32>} : memref<256x120xf32, #tpu.memory_space<vmem>>, vector<1x16xf32>,
        %parallel_loop3A_696 = vector.shape_cast %parallel_loop3A_695 : vector<1x16xf32> to vector<16xf32>
        %parallel_loop3A_697 = vector.extract_strided_slice %parallel_loop3A_90 {offsets = [8], sizes = [1], strides = [1]} : vector<16xi32> to vector<1xi32>
        %parallel_loop3A_698 = vector.extract %parallel_loop3A_697[0] : i32 from vector<1xi32>
        %parallel_loop3A_699 = arith.index_cast %parallel_loop3A_698 : i32 to index
        %parallel_loop3A_700 = arith.constant 0 : index
        %parallel_loop3A_701 = tpu.vector_load %arg18[%parallel_loop3A_699, %parallel_loop3A_700] {strides = array<i32>} : memref<200x16xf32, #tpu.memory_space<vmem>>, vector<1x16xf32>,
        %parallel_loop3A_702 = vector.shape_cast %parallel_loop3A_701 : vector<1x16xf32> to vector<16xf32>
        %parallel_loop3A_703 = arith.select %lt3A_4, %parallel_loop3A_696, %parallel_loop3A_702 : vector<16xi1>, vector<16xf32>
        %parallel_loop3A_704 = arith.constant 64 : i32
        %parallel_loop3A_705 = arith.muli %parallel_loop3A_704, %parallel_loop3A_646 : i32
        %parallel_loop3A_706 = arith.constant 48 : i32
        %parallel_loop3A_707 = arith.addi %parallel_loop3A_705, %parallel_loop3A_706 : i32
        %parallel_loop3A_708 = arith.index_cast %parallel_loop3A_707 : i32 to index
        %parallel_loop3A_709 = tpu.vector_load %arg16[%parallel_loop3A_708] {strides = array<i32>} : memref<16384xf32, #tpu.memory_space<vmem>>, vector<16xf32>,
        %parallel_loop3A_710 = vector.shape_cast %parallel_loop3A_709 : vector<16xf32> to vector<16xf32>
        %parallel_loop3A_711 = vector.shape_cast %parallel_loop3A_703 : vector<16xf32> to vector<16xf32>
        tpu.vector_store %arg16[%parallel_loop3A_708], %parallel_loop3A_711 {strides = array<i32>} : memref<16384xf32, #tpu.memory_space<vmem>>, vector<16xf32>,
        %parallel_loop3A_712 = arith.constant 16 : i32
        %parallel_loop3A_713 = arith.muli %parallel_loop3A_80, %parallel_loop3A_712 : i32
        %parallel_loop3A_714 = arith.constant 9 : i32
        %parallel_loop3A_715 = arith.addi %parallel_loop3A_713, %parallel_loop3A_714 : i32
        %parallel_loop3A_716 = vector.extract_strided_slice %parallel_loop3A_85 {offsets = [9], sizes = [1], strides = [1]} : vector<16xi32> to vector<1xi32>
        %parallel_loop3A_717 = vector.extract %parallel_loop3A_716[0] : i32 from vector<1xi32>
        %parallel_loop3A_718 = arith.constant 0 : i32
        %parallel_loop3A_719 = arith.addi %parallel_loop3A_717, %parallel_loop3A_718 : i32
        %parallel_loop3A_720 = arith.index_cast %parallel_loop3A_715 : i32 to index
        %parallel_loop3A_721 = arith.index_cast %parallel_loop3A_719 : i32 to index
        %parallel_loop3A_722 = tpu.vector_load %arg14[%parallel_loop3A_720, %parallel_loop3A_721] {strides = array<i32>} : memref<256x120xf32, #tpu.memory_space<vmem>>, vector<1x16xf32>,
        %parallel_loop3A_723 = vector.shape_cast %parallel_loop3A_722 : vector<1x16xf32> to vector<16xf32>
        %parallel_loop3A_724 = arith.constant 64 : i32
        %parallel_loop3A_725 = arith.muli %parallel_loop3A_724, %parallel_loop3A_715 : i32
        %parallel_loop3A_726 = arith.constant 0 : i32
        %parallel_loop3A_727 = arith.addi %parallel_loop3A_725, %parallel_loop3A_726 : i32
        %parallel_loop3A_728 = arith.index_cast %parallel_loop3A_727 : i32 to index
        %parallel_loop3A_729 = tpu.vector_load %arg16[%parallel_loop3A_728] {strides = array<i32>} : memref<16384xf32, #tpu.memory_space<vmem>>, vector<16xf32>,
        %parallel_loop3A_730 = vector.shape_cast %parallel_loop3A_729 : vector<16xf32> to vector<16xf32>
        %parallel_loop3A_731 = vector.shape_cast %parallel_loop3A_723 : vector<16xf32> to vector<16xf32>
        tpu.vector_store %arg16[%parallel_loop3A_728], %parallel_loop3A_731 {strides = array<i32>} : memref<16384xf32, #tpu.memory_space<vmem>>, vector<16xf32>,
        %parallel_loop3A_732 = arith.constant 16 : i32
        %parallel_loop3A_733 = arith.addi %parallel_loop3A_717, %parallel_loop3A_732 : i32
        %parallel_loop3A_734 = arith.index_cast %parallel_loop3A_715 : i32 to index
        %parallel_loop3A_735 = arith.index_cast %parallel_loop3A_733 : i32 to index
        %parallel_loop3A_736 = tpu.vector_load %arg14[%parallel_loop3A_734, %parallel_loop3A_735] {strides = array<i32>} : memref<256x120xf32, #tpu.memory_space<vmem>>, vector<1x16xf32>,
        %parallel_loop3A_737 = vector.shape_cast %parallel_loop3A_736 : vector<1x16xf32> to vector<16xf32>
        %parallel_loop3A_738 = arith.constant 64 : i32
        %parallel_loop3A_739 = arith.muli %parallel_loop3A_738, %parallel_loop3A_715 : i32
        %parallel_loop3A_740 = arith.constant 16 : i32
        %parallel_loop3A_741 = arith.addi %parallel_loop3A_739, %parallel_loop3A_740 : i32
        %parallel_loop3A_742 = arith.index_cast %parallel_loop3A_741 : i32 to index
        %parallel_loop3A_743 = tpu.vector_load %arg16[%parallel_loop3A_742] {strides = array<i32>} : memref<16384xf32, #tpu.memory_space<vmem>>, vector<16xf32>,
        %parallel_loop3A_744 = vector.shape_cast %parallel_loop3A_743 : vector<16xf32> to vector<16xf32>
        %parallel_loop3A_745 = vector.shape_cast %parallel_loop3A_737 : vector<16xf32> to vector<16xf32>
        tpu.vector_store %arg16[%parallel_loop3A_742], %parallel_loop3A_745 {strides = array<i32>} : memref<16384xf32, #tpu.memory_space<vmem>>, vector<16xf32>,
        %parallel_loop3A_746 = arith.constant 32 : i32
        %parallel_loop3A_747 = arith.addi %parallel_loop3A_717, %parallel_loop3A_746 : i32
        %parallel_loop3A_748 = arith.index_cast %parallel_loop3A_715 : i32 to index
        %parallel_loop3A_749 = arith.index_cast %parallel_loop3A_747 : i32 to index
        %parallel_loop3A_750 = tpu.vector_load %arg14[%parallel_loop3A_748, %parallel_loop3A_749] {strides = array<i32>} : memref<256x120xf32, #tpu.memory_space<vmem>>, vector<1x16xf32>,
        %parallel_loop3A_751 = vector.shape_cast %parallel_loop3A_750 : vector<1x16xf32> to vector<16xf32>
        %parallel_loop3A_752 = arith.constant 64 : i32
        %parallel_loop3A_753 = arith.muli %parallel_loop3A_752, %parallel_loop3A_715 : i32
        %parallel_loop3A_754 = arith.constant 32 : i32
        %parallel_loop3A_755 = arith.addi %parallel_loop3A_753, %parallel_loop3A_754 : i32
        %parallel_loop3A_756 = arith.index_cast %parallel_loop3A_755 : i32 to index
        %parallel_loop3A_757 = tpu.vector_load %arg16[%parallel_loop3A_756] {strides = array<i32>} : memref<16384xf32, #tpu.memory_space<vmem>>, vector<16xf32>,
        %parallel_loop3A_758 = vector.shape_cast %parallel_loop3A_757 : vector<16xf32> to vector<16xf32>
        %parallel_loop3A_759 = vector.shape_cast %parallel_loop3A_751 : vector<16xf32> to vector<16xf32>
        tpu.vector_store %arg16[%parallel_loop3A_756], %parallel_loop3A_759 {strides = array<i32>} : memref<16384xf32, #tpu.memory_space<vmem>>, vector<16xf32>,
        %parallel_loop3A_760 = arith.constant 48 : i32
        %parallel_loop3A_761 = arith.addi %parallel_loop3A_717, %parallel_loop3A_760 : i32
        %parallel_loop3A_762 = arith.index_cast %parallel_loop3A_715 : i32 to index
        %parallel_loop3A_763 = arith.index_cast %parallel_loop3A_761 : i32 to index
        %parallel_loop3A_764 = tpu.vector_load %arg14[%parallel_loop3A_762, %parallel_loop3A_763] {strides = array<i32>} : memref<256x120xf32, #tpu.memory_space<vmem>>, vector<1x16xf32>,
        %parallel_loop3A_765 = vector.shape_cast %parallel_loop3A_764 : vector<1x16xf32> to vector<16xf32>
        %parallel_loop3A_766 = vector.extract_strided_slice %parallel_loop3A_90 {offsets = [9], sizes = [1], strides = [1]} : vector<16xi32> to vector<1xi32>
        %parallel_loop3A_767 = vector.extract %parallel_loop3A_766[0] : i32 from vector<1xi32>
        %parallel_loop3A_768 = arith.index_cast %parallel_loop3A_767 : i32 to index
        %parallel_loop3A_769 = arith.constant 0 : index
        %parallel_loop3A_770 = tpu.vector_load %arg18[%parallel_loop3A_768, %parallel_loop3A_769] {strides = array<i32>} : memref<200x16xf32, #tpu.memory_space<vmem>>, vector<1x16xf32>,
        %parallel_loop3A_771 = vector.shape_cast %parallel_loop3A_770 : vector<1x16xf32> to vector<16xf32>
        %parallel_loop3A_772 = arith.select %lt3A_4, %parallel_loop3A_765, %parallel_loop3A_771 : vector<16xi1>, vector<16xf32>
        %parallel_loop3A_773 = arith.constant 64 : i32
        %parallel_loop3A_774 = arith.muli %parallel_loop3A_773, %parallel_loop3A_715 : i32
        %parallel_loop3A_775 = arith.constant 48 : i32
        %parallel_loop3A_776 = arith.addi %parallel_loop3A_774, %parallel_loop3A_775 : i32
        %parallel_loop3A_777 = arith.index_cast %parallel_loop3A_776 : i32 to index
        %parallel_loop3A_778 = tpu.vector_load %arg16[%parallel_loop3A_777] {strides = array<i32>} : memref<16384xf32, #tpu.memory_space<vmem>>, vector<16xf32>,
        %parallel_loop3A_779 = vector.shape_cast %parallel_loop3A_778 : vector<16xf32> to vector<16xf32>
        %parallel_loop3A_780 = vector.shape_cast %parallel_loop3A_772 : vector<16xf32> to vector<16xf32>
        tpu.vector_store %arg16[%parallel_loop3A_777], %parallel_loop3A_780 {strides = array<i32>} : memref<16384xf32, #tpu.memory_space<vmem>>, vector<16xf32>,
        %parallel_loop3A_781 = arith.constant 16 : i32
        %parallel_loop3A_782 = arith.muli %parallel_loop3A_80, %parallel_loop3A_781 : i32
        %parallel_loop3A_783 = arith.constant 10 : i32
        %parallel_loop3A_784 = arith.addi %parallel_loop3A_782, %parallel_loop3A_783 : i32
        %parallel_loop3A_785 = vector.extract_strided_slice %parallel_loop3A_85 {offsets = [10], sizes = [1], strides = [1]} : vector<16xi32> to vector<1xi32>
        %parallel_loop3A_786 = vector.extract %parallel_loop3A_785[0] : i32 from vector<1xi32>
        %parallel_loop3A_787 = arith.constant 0 : i32
        %parallel_loop3A_788 = arith.addi %parallel_loop3A_786, %parallel_loop3A_787 : i32
        %parallel_loop3A_789 = arith.index_cast %parallel_loop3A_784 : i32 to index
        %parallel_loop3A_790 = arith.index_cast %parallel_loop3A_788 : i32 to index
        %parallel_loop3A_791 = tpu.vector_load %arg14[%parallel_loop3A_789, %parallel_loop3A_790] {strides = array<i32>} : memref<256x120xf32, #tpu.memory_space<vmem>>, vector<1x16xf32>,
        %parallel_loop3A_792 = vector.shape_cast %parallel_loop3A_791 : vector<1x16xf32> to vector<16xf32>
        %parallel_loop3A_793 = arith.constant 64 : i32
        %parallel_loop3A_794 = arith.muli %parallel_loop3A_793, %parallel_loop3A_784 : i32
        %parallel_loop3A_795 = arith.constant 0 : i32
        %parallel_loop3A_796 = arith.addi %parallel_loop3A_794, %parallel_loop3A_795 : i32
        %parallel_loop3A_797 = arith.index_cast %parallel_loop3A_796 : i32 to index
        %parallel_loop3A_798 = tpu.vector_load %arg16[%parallel_loop3A_797] {strides = array<i32>} : memref<16384xf32, #tpu.memory_space<vmem>>, vector<16xf32>,
        %parallel_loop3A_799 = vector.shape_cast %parallel_loop3A_798 : vector<16xf32> to vector<16xf32>
        %parallel_loop3A_800 = vector.shape_cast %parallel_loop3A_792 : vector<16xf32> to vector<16xf32>
        tpu.vector_store %arg16[%parallel_loop3A_797], %parallel_loop3A_800 {strides = array<i32>} : memref<16384xf32, #tpu.memory_space<vmem>>, vector<16xf32>,
        %parallel_loop3A_801 = arith.constant 16 : i32
        %parallel_loop3A_802 = arith.addi %parallel_loop3A_786, %parallel_loop3A_801 : i32
        %parallel_loop3A_803 = arith.index_cast %parallel_loop3A_784 : i32 to index
        %parallel_loop3A_804 = arith.index_cast %parallel_loop3A_802 : i32 to index
        %parallel_loop3A_805 = tpu.vector_load %arg14[%parallel_loop3A_803, %parallel_loop3A_804] {strides = array<i32>} : memref<256x120xf32, #tpu.memory_space<vmem>>, vector<1x16xf32>,
        %parallel_loop3A_806 = vector.shape_cast %parallel_loop3A_805 : vector<1x16xf32> to vector<16xf32>
        %parallel_loop3A_807 = arith.constant 64 : i32
        %parallel_loop3A_808 = arith.muli %parallel_loop3A_807, %parallel_loop3A_784 : i32
        %parallel_loop3A_809 = arith.constant 16 : i32
        %parallel_loop3A_810 = arith.addi %parallel_loop3A_808, %parallel_loop3A_809 : i32
        %parallel_loop3A_811 = arith.index_cast %parallel_loop3A_810 : i32 to index
        %parallel_loop3A_812 = tpu.vector_load %arg16[%parallel_loop3A_811] {strides = array<i32>} : memref<16384xf32, #tpu.memory_space<vmem>>, vector<16xf32>,
        %parallel_loop3A_813 = vector.shape_cast %parallel_loop3A_812 : vector<16xf32> to vector<16xf32>
        %parallel_loop3A_814 = vector.shape_cast %parallel_loop3A_806 : vector<16xf32> to vector<16xf32>
        tpu.vector_store %arg16[%parallel_loop3A_811], %parallel_loop3A_814 {strides = array<i32>} : memref<16384xf32, #tpu.memory_space<vmem>>, vector<16xf32>,
        %parallel_loop3A_815 = arith.constant 32 : i32
        %parallel_loop3A_816 = arith.addi %parallel_loop3A_786, %parallel_loop3A_815 : i32
        %parallel_loop3A_817 = arith.index_cast %parallel_loop3A_784 : i32 to index
        %parallel_loop3A_818 = arith.index_cast %parallel_loop3A_816 : i32 to index
        %parallel_loop3A_819 = tpu.vector_load %arg14[%parallel_loop3A_817, %parallel_loop3A_818] {strides = array<i32>} : memref<256x120xf32, #tpu.memory_space<vmem>>, vector<1x16xf32>,
        %parallel_loop3A_820 = vector.shape_cast %parallel_loop3A_819 : vector<1x16xf32> to vector<16xf32>
        %parallel_loop3A_821 = arith.constant 64 : i32
        %parallel_loop3A_822 = arith.muli %parallel_loop3A_821, %parallel_loop3A_784 : i32
        %parallel_loop3A_823 = arith.constant 32 : i32
        %parallel_loop3A_824 = arith.addi %parallel_loop3A_822, %parallel_loop3A_823 : i32
        %parallel_loop3A_825 = arith.index_cast %parallel_loop3A_824 : i32 to index
        %parallel_loop3A_826 = tpu.vector_load %arg16[%parallel_loop3A_825] {strides = array<i32>} : memref<16384xf32, #tpu.memory_space<vmem>>, vector<16xf32>,
        %parallel_loop3A_827 = vector.shape_cast %parallel_loop3A_826 : vector<16xf32> to vector<16xf32>
        %parallel_loop3A_828 = vector.shape_cast %parallel_loop3A_820 : vector<16xf32> to vector<16xf32>
        tpu.vector_store %arg16[%parallel_loop3A_825], %parallel_loop3A_828 {strides = array<i32>} : memref<16384xf32, #tpu.memory_space<vmem>>, vector<16xf32>,
        %parallel_loop3A_829 = arith.constant 48 : i32
        %parallel_loop3A_830 = arith.addi %parallel_loop3A_786, %parallel_loop3A_829 : i32
        %parallel_loop3A_831 = arith.index_cast %parallel_loop3A_784 : i32 to index
        %parallel_loop3A_832 = arith.index_cast %parallel_loop3A_830 : i32 to index
        %parallel_loop3A_833 = tpu.vector_load %arg14[%parallel_loop3A_831, %parallel_loop3A_832] {strides = array<i32>} : memref<256x120xf32, #tpu.memory_space<vmem>>, vector<1x16xf32>,
        %parallel_loop3A_834 = vector.shape_cast %parallel_loop3A_833 : vector<1x16xf32> to vector<16xf32>
        %parallel_loop3A_835 = vector.extract_strided_slice %parallel_loop3A_90 {offsets = [10], sizes = [1], strides = [1]} : vector<16xi32> to vector<1xi32>
        %parallel_loop3A_836 = vector.extract %parallel_loop3A_835[0] : i32 from vector<1xi32>
        %parallel_loop3A_837 = arith.index_cast %parallel_loop3A_836 : i32 to index
        %parallel_loop3A_838 = arith.constant 0 : index
        %parallel_loop3A_839 = tpu.vector_load %arg18[%parallel_loop3A_837, %parallel_loop3A_838] {strides = array<i32>} : memref<200x16xf32, #tpu.memory_space<vmem>>, vector<1x16xf32>,
        %parallel_loop3A_840 = vector.shape_cast %parallel_loop3A_839 : vector<1x16xf32> to vector<16xf32>
        %parallel_loop3A_841 = arith.select %lt3A_4, %parallel_loop3A_834, %parallel_loop3A_840 : vector<16xi1>, vector<16xf32>
        %parallel_loop3A_842 = arith.constant 64 : i32
        %parallel_loop3A_843 = arith.muli %parallel_loop3A_842, %parallel_loop3A_784 : i32
        %parallel_loop3A_844 = arith.constant 48 : i32
        %parallel_loop3A_845 = arith.addi %parallel_loop3A_843, %parallel_loop3A_844 : i32
        %parallel_loop3A_846 = arith.index_cast %parallel_loop3A_845 : i32 to index
        %parallel_loop3A_847 = tpu.vector_load %arg16[%parallel_loop3A_846] {strides = array<i32>} : memref<16384xf32, #tpu.memory_space<vmem>>, vector<16xf32>,
        %parallel_loop3A_848 = vector.shape_cast %parallel_loop3A_847 : vector<16xf32> to vector<16xf32>
        %parallel_loop3A_849 = vector.shape_cast %parallel_loop3A_841 : vector<16xf32> to vector<16xf32>
        tpu.vector_store %arg16[%parallel_loop3A_846], %parallel_loop3A_849 {strides = array<i32>} : memref<16384xf32, #tpu.memory_space<vmem>>, vector<16xf32>,
        %parallel_loop3A_850 = arith.constant 16 : i32
        %parallel_loop3A_851 = arith.muli %parallel_loop3A_80, %parallel_loop3A_850 : i32
        %parallel_loop3A_852 = arith.constant 11 : i32
        %parallel_loop3A_853 = arith.addi %parallel_loop3A_851, %parallel_loop3A_852 : i32
        %parallel_loop3A_854 = vector.extract_strided_slice %parallel_loop3A_85 {offsets = [11], sizes = [1], strides = [1]} : vector<16xi32> to vector<1xi32>
        %parallel_loop3A_855 = vector.extract %parallel_loop3A_854[0] : i32 from vector<1xi32>
        %parallel_loop3A_856 = arith.constant 0 : i32
        %parallel_loop3A_857 = arith.addi %parallel_loop3A_855, %parallel_loop3A_856 : i32
        %parallel_loop3A_858 = arith.index_cast %parallel_loop3A_853 : i32 to index
        %parallel_loop3A_859 = arith.index_cast %parallel_loop3A_857 : i32 to index
        %parallel_loop3A_860 = tpu.vector_load %arg14[%parallel_loop3A_858, %parallel_loop3A_859] {strides = array<i32>} : memref<256x120xf32, #tpu.memory_space<vmem>>, vector<1x16xf32>,
        %parallel_loop3A_861 = vector.shape_cast %parallel_loop3A_860 : vector<1x16xf32> to vector<16xf32>
        %parallel_loop3A_862 = arith.constant 64 : i32
        %parallel_loop3A_863 = arith.muli %parallel_loop3A_862, %parallel_loop3A_853 : i32
        %parallel_loop3A_864 = arith.constant 0 : i32
        %parallel_loop3A_865 = arith.addi %parallel_loop3A_863, %parallel_loop3A_864 : i32
        %parallel_loop3A_866 = arith.index_cast %parallel_loop3A_865 : i32 to index
        %parallel_loop3A_867 = tpu.vector_load %arg16[%parallel_loop3A_866] {strides = array<i32>} : memref<16384xf32, #tpu.memory_space<vmem>>, vector<16xf32>,
        %parallel_loop3A_868 = vector.shape_cast %parallel_loop3A_867 : vector<16xf32> to vector<16xf32>
        %parallel_loop3A_869 = vector.shape_cast %parallel_loop3A_861 : vector<16xf32> to vector<16xf32>
        tpu.vector_store %arg16[%parallel_loop3A_866], %parallel_loop3A_869 {strides = array<i32>} : memref<16384xf32, #tpu.memory_space<vmem>>, vector<16xf32>,
        %parallel_loop3A_870 = arith.constant 16 : i32
        %parallel_loop3A_871 = arith.addi %parallel_loop3A_855, %parallel_loop3A_870 : i32
        %parallel_loop3A_872 = arith.index_cast %parallel_loop3A_853 : i32 to index
        %parallel_loop3A_873 = arith.index_cast %parallel_loop3A_871 : i32 to index
        %parallel_loop3A_874 = tpu.vector_load %arg14[%parallel_loop3A_872, %parallel_loop3A_873] {strides = array<i32>} : memref<256x120xf32, #tpu.memory_space<vmem>>, vector<1x16xf32>,
        %parallel_loop3A_875 = vector.shape_cast %parallel_loop3A_874 : vector<1x16xf32> to vector<16xf32>
        %parallel_loop3A_876 = arith.constant 64 : i32
        %parallel_loop3A_877 = arith.muli %parallel_loop3A_876, %parallel_loop3A_853 : i32
        %parallel_loop3A_878 = arith.constant 16 : i32
        %parallel_loop3A_879 = arith.addi %parallel_loop3A_877, %parallel_loop3A_878 : i32
        %parallel_loop3A_880 = arith.index_cast %parallel_loop3A_879 : i32 to index
        %parallel_loop3A_881 = tpu.vector_load %arg16[%parallel_loop3A_880] {strides = array<i32>} : memref<16384xf32, #tpu.memory_space<vmem>>, vector<16xf32>,
        %parallel_loop3A_882 = vector.shape_cast %parallel_loop3A_881 : vector<16xf32> to vector<16xf32>
        %parallel_loop3A_883 = vector.shape_cast %parallel_loop3A_875 : vector<16xf32> to vector<16xf32>
        tpu.vector_store %arg16[%parallel_loop3A_880], %parallel_loop3A_883 {strides = array<i32>} : memref<16384xf32, #tpu.memory_space<vmem>>, vector<16xf32>,
        %parallel_loop3A_884 = arith.constant 32 : i32
        %parallel_loop3A_885 = arith.addi %parallel_loop3A_855, %parallel_loop3A_884 : i32
        %parallel_loop3A_886 = arith.index_cast %parallel_loop3A_853 : i32 to index
        %parallel_loop3A_887 = arith.index_cast %parallel_loop3A_885 : i32 to index
        %parallel_loop3A_888 = tpu.vector_load %arg14[%parallel_loop3A_886, %parallel_loop3A_887] {strides = array<i32>} : memref<256x120xf32, #tpu.memory_space<vmem>>, vector<1x16xf32>,
        %parallel_loop3A_889 = vector.shape_cast %parallel_loop3A_888 : vector<1x16xf32> to vector<16xf32>
        %parallel_loop3A_890 = arith.constant 64 : i32
        %parallel_loop3A_891 = arith.muli %parallel_loop3A_890, %parallel_loop3A_853 : i32
        %parallel_loop3A_892 = arith.constant 32 : i32
        %parallel_loop3A_893 = arith.addi %parallel_loop3A_891, %parallel_loop3A_892 : i32
        %parallel_loop3A_894 = arith.index_cast %parallel_loop3A_893 : i32 to index
        %parallel_loop3A_895 = tpu.vector_load %arg16[%parallel_loop3A_894] {strides = array<i32>} : memref<16384xf32, #tpu.memory_space<vmem>>, vector<16xf32>,
        %parallel_loop3A_896 = vector.shape_cast %parallel_loop3A_895 : vector<16xf32> to vector<16xf32>
        %parallel_loop3A_897 = vector.shape_cast %parallel_loop3A_889 : vector<16xf32> to vector<16xf32>
        tpu.vector_store %arg16[%parallel_loop3A_894], %parallel_loop3A_897 {strides = array<i32>} : memref<16384xf32, #tpu.memory_space<vmem>>, vector<16xf32>,
        %parallel_loop3A_898 = arith.constant 48 : i32
        %parallel_loop3A_899 = arith.addi %parallel_loop3A_855, %parallel_loop3A_898 : i32
        %parallel_loop3A_900 = arith.index_cast %parallel_loop3A_853 : i32 to index
        %parallel_loop3A_901 = arith.index_cast %parallel_loop3A_899 : i32 to index
        %parallel_loop3A_902 = tpu.vector_load %arg14[%parallel_loop3A_900, %parallel_loop3A_901] {strides = array<i32>} : memref<256x120xf32, #tpu.memory_space<vmem>>, vector<1x16xf32>,
        %parallel_loop3A_903 = vector.shape_cast %parallel_loop3A_902 : vector<1x16xf32> to vector<16xf32>
        %parallel_loop3A_904 = vector.extract_strided_slice %parallel_loop3A_90 {offsets = [11], sizes = [1], strides = [1]} : vector<16xi32> to vector<1xi32>
        %parallel_loop3A_905 = vector.extract %parallel_loop3A_904[0] : i32 from vector<1xi32>
        %parallel_loop3A_906 = arith.index_cast %parallel_loop3A_905 : i32 to index
        %parallel_loop3A_907 = arith.constant 0 : index
        %parallel_loop3A_908 = tpu.vector_load %arg18[%parallel_loop3A_906, %parallel_loop3A_907] {strides = array<i32>} : memref<200x16xf32, #tpu.memory_space<vmem>>, vector<1x16xf32>,
        %parallel_loop3A_909 = vector.shape_cast %parallel_loop3A_908 : vector<1x16xf32> to vector<16xf32>
        %parallel_loop3A_910 = arith.select %lt3A_4, %parallel_loop3A_903, %parallel_loop3A_909 : vector<16xi1>, vector<16xf32>
        %parallel_loop3A_911 = arith.constant 64 : i32
        %parallel_loop3A_912 = arith.muli %parallel_loop3A_911, %parallel_loop3A_853 : i32
        %parallel_loop3A_913 = arith.constant 48 : i32
        %parallel_loop3A_914 = arith.addi %parallel_loop3A_912, %parallel_loop3A_913 : i32
        %parallel_loop3A_915 = arith.index_cast %parallel_loop3A_914 : i32 to index
        %parallel_loop3A_916 = tpu.vector_load %arg16[%parallel_loop3A_915] {strides = array<i32>} : memref<16384xf32, #tpu.memory_space<vmem>>, vector<16xf32>,
        %parallel_loop3A_917 = vector.shape_cast %parallel_loop3A_916 : vector<16xf32> to vector<16xf32>
        %parallel_loop3A_918 = vector.shape_cast %parallel_loop3A_910 : vector<16xf32> to vector<16xf32>
        tpu.vector_store %arg16[%parallel_loop3A_915], %parallel_loop3A_918 {strides = array<i32>} : memref<16384xf32, #tpu.memory_space<vmem>>, vector<16xf32>,
        %parallel_loop3A_919 = arith.constant 16 : i32
        %parallel_loop3A_920 = arith.muli %parallel_loop3A_80, %parallel_loop3A_919 : i32
        %parallel_loop3A_921 = arith.constant 12 : i32
        %parallel_loop3A_922 = arith.addi %parallel_loop3A_920, %parallel_loop3A_921 : i32
        %parallel_loop3A_923 = vector.extract_strided_slice %parallel_loop3A_85 {offsets = [12], sizes = [1], strides = [1]} : vector<16xi32> to vector<1xi32>
        %parallel_loop3A_924 = vector.extract %parallel_loop3A_923[0] : i32 from vector<1xi32>
        %parallel_loop3A_925 = arith.constant 0 : i32
        %parallel_loop3A_926 = arith.addi %parallel_loop3A_924, %parallel_loop3A_925 : i32
        %parallel_loop3A_927 = arith.index_cast %parallel_loop3A_922 : i32 to index
        %parallel_loop3A_928 = arith.index_cast %parallel_loop3A_926 : i32 to index
        %parallel_loop3A_929 = tpu.vector_load %arg14[%parallel_loop3A_927, %parallel_loop3A_928] {strides = array<i32>} : memref<256x120xf32, #tpu.memory_space<vmem>>, vector<1x16xf32>,
        %parallel_loop3A_930 = vector.shape_cast %parallel_loop3A_929 : vector<1x16xf32> to vector<16xf32>
        %parallel_loop3A_931 = arith.constant 64 : i32
        %parallel_loop3A_932 = arith.muli %parallel_loop3A_931, %parallel_loop3A_922 : i32
        %parallel_loop3A_933 = arith.constant 0 : i32
        %parallel_loop3A_934 = arith.addi %parallel_loop3A_932, %parallel_loop3A_933 : i32
        %parallel_loop3A_935 = arith.index_cast %parallel_loop3A_934 : i32 to index
        %parallel_loop3A_936 = tpu.vector_load %arg16[%parallel_loop3A_935] {strides = array<i32>} : memref<16384xf32, #tpu.memory_space<vmem>>, vector<16xf32>,
        %parallel_loop3A_937 = vector.shape_cast %parallel_loop3A_936 : vector<16xf32> to vector<16xf32>
        %parallel_loop3A_938 = vector.shape_cast %parallel_loop3A_930 : vector<16xf32> to vector<16xf32>
        tpu.vector_store %arg16[%parallel_loop3A_935], %parallel_loop3A_938 {strides = array<i32>} : memref<16384xf32, #tpu.memory_space<vmem>>, vector<16xf32>,
        %parallel_loop3A_939 = arith.constant 16 : i32
        %parallel_loop3A_940 = arith.addi %parallel_loop3A_924, %parallel_loop3A_939 : i32
        %parallel_loop3A_941 = arith.index_cast %parallel_loop3A_922 : i32 to index
        %parallel_loop3A_942 = arith.index_cast %parallel_loop3A_940 : i32 to index
        %parallel_loop3A_943 = tpu.vector_load %arg14[%parallel_loop3A_941, %parallel_loop3A_942] {strides = array<i32>} : memref<256x120xf32, #tpu.memory_space<vmem>>, vector<1x16xf32>,
        %parallel_loop3A_944 = vector.shape_cast %parallel_loop3A_943 : vector<1x16xf32> to vector<16xf32>
        %parallel_loop3A_945 = arith.constant 64 : i32
        %parallel_loop3A_946 = arith.muli %parallel_loop3A_945, %parallel_loop3A_922 : i32
        %parallel_loop3A_947 = arith.constant 16 : i32
        %parallel_loop3A_948 = arith.addi %parallel_loop3A_946, %parallel_loop3A_947 : i32
        %parallel_loop3A_949 = arith.index_cast %parallel_loop3A_948 : i32 to index
        %parallel_loop3A_950 = tpu.vector_load %arg16[%parallel_loop3A_949] {strides = array<i32>} : memref<16384xf32, #tpu.memory_space<vmem>>, vector<16xf32>,
        %parallel_loop3A_951 = vector.shape_cast %parallel_loop3A_950 : vector<16xf32> to vector<16xf32>
        %parallel_loop3A_952 = vector.shape_cast %parallel_loop3A_944 : vector<16xf32> to vector<16xf32>
        tpu.vector_store %arg16[%parallel_loop3A_949], %parallel_loop3A_952 {strides = array<i32>} : memref<16384xf32, #tpu.memory_space<vmem>>, vector<16xf32>,
        %parallel_loop3A_953 = arith.constant 32 : i32
        %parallel_loop3A_954 = arith.addi %parallel_loop3A_924, %parallel_loop3A_953 : i32
        %parallel_loop3A_955 = arith.index_cast %parallel_loop3A_922 : i32 to index
        %parallel_loop3A_956 = arith.index_cast %parallel_loop3A_954 : i32 to index
        %parallel_loop3A_957 = tpu.vector_load %arg14[%parallel_loop3A_955, %parallel_loop3A_956] {strides = array<i32>} : memref<256x120xf32, #tpu.memory_space<vmem>>, vector<1x16xf32>,
        %parallel_loop3A_958 = vector.shape_cast %parallel_loop3A_957 : vector<1x16xf32> to vector<16xf32>
        %parallel_loop3A_959 = arith.constant 64 : i32
        %parallel_loop3A_960 = arith.muli %parallel_loop3A_959, %parallel_loop3A_922 : i32
        %parallel_loop3A_961 = arith.constant 32 : i32
        %parallel_loop3A_962 = arith.addi %parallel_loop3A_960, %parallel_loop3A_961 : i32
        %parallel_loop3A_963 = arith.index_cast %parallel_loop3A_962 : i32 to index
        %parallel_loop3A_964 = tpu.vector_load %arg16[%parallel_loop3A_963] {strides = array<i32>} : memref<16384xf32, #tpu.memory_space<vmem>>, vector<16xf32>,
        %parallel_loop3A_965 = vector.shape_cast %parallel_loop3A_964 : vector<16xf32> to vector<16xf32>
        %parallel_loop3A_966 = vector.shape_cast %parallel_loop3A_958 : vector<16xf32> to vector<16xf32>
        tpu.vector_store %arg16[%parallel_loop3A_963], %parallel_loop3A_966 {strides = array<i32>} : memref<16384xf32, #tpu.memory_space<vmem>>, vector<16xf32>,
        %parallel_loop3A_967 = arith.constant 48 : i32
        %parallel_loop3A_968 = arith.addi %parallel_loop3A_924, %parallel_loop3A_967 : i32
        %parallel_loop3A_969 = arith.index_cast %parallel_loop3A_922 : i32 to index
        %parallel_loop3A_970 = arith.index_cast %parallel_loop3A_968 : i32 to index
        %parallel_loop3A_971 = tpu.vector_load %arg14[%parallel_loop3A_969, %parallel_loop3A_970] {strides = array<i32>} : memref<256x120xf32, #tpu.memory_space<vmem>>, vector<1x16xf32>,
        %parallel_loop3A_972 = vector.shape_cast %parallel_loop3A_971 : vector<1x16xf32> to vector<16xf32>
        %parallel_loop3A_973 = vector.extract_strided_slice %parallel_loop3A_90 {offsets = [12], sizes = [1], strides = [1]} : vector<16xi32> to vector<1xi32>
        %parallel_loop3A_974 = vector.extract %parallel_loop3A_973[0] : i32 from vector<1xi32>
        %parallel_loop3A_975 = arith.index_cast %parallel_loop3A_974 : i32 to index
        %parallel_loop3A_976 = arith.constant 0 : index
        %parallel_loop3A_977 = tpu.vector_load %arg18[%parallel_loop3A_975, %parallel_loop3A_976] {strides = array<i32>} : memref<200x16xf32, #tpu.memory_space<vmem>>, vector<1x16xf32>,
        %parallel_loop3A_978 = vector.shape_cast %parallel_loop3A_977 : vector<1x16xf32> to vector<16xf32>
        %parallel_loop3A_979 = arith.select %lt3A_4, %parallel_loop3A_972, %parallel_loop3A_978 : vector<16xi1>, vector<16xf32>
        %parallel_loop3A_980 = arith.constant 64 : i32
        %parallel_loop3A_981 = arith.muli %parallel_loop3A_980, %parallel_loop3A_922 : i32
        %parallel_loop3A_982 = arith.constant 48 : i32
        %parallel_loop3A_983 = arith.addi %parallel_loop3A_981, %parallel_loop3A_982 : i32
        %parallel_loop3A_984 = arith.index_cast %parallel_loop3A_983 : i32 to index
        %parallel_loop3A_985 = tpu.vector_load %arg16[%parallel_loop3A_984] {strides = array<i32>} : memref<16384xf32, #tpu.memory_space<vmem>>, vector<16xf32>,
        %parallel_loop3A_986 = vector.shape_cast %parallel_loop3A_985 : vector<16xf32> to vector<16xf32>
        %parallel_loop3A_987 = vector.shape_cast %parallel_loop3A_979 : vector<16xf32> to vector<16xf32>
        tpu.vector_store %arg16[%parallel_loop3A_984], %parallel_loop3A_987 {strides = array<i32>} : memref<16384xf32, #tpu.memory_space<vmem>>, vector<16xf32>,
        %parallel_loop3A_988 = arith.constant 16 : i32
        %parallel_loop3A_989 = arith.muli %parallel_loop3A_80, %parallel_loop3A_988 : i32
        %parallel_loop3A_990 = arith.constant 13 : i32
        %parallel_loop3A_991 = arith.addi %parallel_loop3A_989, %parallel_loop3A_990 : i32
        %parallel_loop3A_992 = vector.extract_strided_slice %parallel_loop3A_85 {offsets = [13], sizes = [1], strides = [1]} : vector<16xi32> to vector<1xi32>
        %parallel_loop3A_993 = vector.extract %parallel_loop3A_992[0] : i32 from vector<1xi32>
        %parallel_loop3A_994 = arith.constant 0 : i32
        %parallel_loop3A_995 = arith.addi %parallel_loop3A_993, %parallel_loop3A_994 : i32
        %parallel_loop3A_996 = arith.index_cast %parallel_loop3A_991 : i32 to index
        %parallel_loop3A_997 = arith.index_cast %parallel_loop3A_995 : i32 to index
        %parallel_loop3A_998 = tpu.vector_load %arg14[%parallel_loop3A_996, %parallel_loop3A_997] {strides = array<i32>} : memref<256x120xf32, #tpu.memory_space<vmem>>, vector<1x16xf32>,
        %parallel_loop3A_999 = vector.shape_cast %parallel_loop3A_998 : vector<1x16xf32> to vector<16xf32>
        %parallel_loop3A_1000 = arith.constant 64 : i32
        %parallel_loop3A_1001 = arith.muli %parallel_loop3A_1000, %parallel_loop3A_991 : i32
        %parallel_loop3A_1002 = arith.constant 0 : i32
        %parallel_loop3A_1003 = arith.addi %parallel_loop3A_1001, %parallel_loop3A_1002 : i32
        %parallel_loop3A_1004 = arith.index_cast %parallel_loop3A_1003 : i32 to index
        %parallel_loop3A_1005 = tpu.vector_load %arg16[%parallel_loop3A_1004] {strides = array<i32>} : memref<16384xf32, #tpu.memory_space<vmem>>, vector<16xf32>,
        %parallel_loop3A_1006 = vector.shape_cast %parallel_loop3A_1005 : vector<16xf32> to vector<16xf32>
        %parallel_loop3A_1007 = vector.shape_cast %parallel_loop3A_999 : vector<16xf32> to vector<16xf32>
        tpu.vector_store %arg16[%parallel_loop3A_1004], %parallel_loop3A_1007 {strides = array<i32>} : memref<16384xf32, #tpu.memory_space<vmem>>, vector<16xf32>,
        %parallel_loop3A_1008 = arith.constant 16 : i32
        %parallel_loop3A_1009 = arith.addi %parallel_loop3A_993, %parallel_loop3A_1008 : i32
        %parallel_loop3A_1010 = arith.index_cast %parallel_loop3A_991 : i32 to index
        %parallel_loop3A_1011 = arith.index_cast %parallel_loop3A_1009 : i32 to index
        %parallel_loop3A_1012 = tpu.vector_load %arg14[%parallel_loop3A_1010, %parallel_loop3A_1011] {strides = array<i32>} : memref<256x120xf32, #tpu.memory_space<vmem>>, vector<1x16xf32>,
        %parallel_loop3A_1013 = vector.shape_cast %parallel_loop3A_1012 : vector<1x16xf32> to vector<16xf32>
        %parallel_loop3A_1014 = arith.constant 64 : i32
        %parallel_loop3A_1015 = arith.muli %parallel_loop3A_1014, %parallel_loop3A_991 : i32
        %parallel_loop3A_1016 = arith.constant 16 : i32
        %parallel_loop3A_1017 = arith.addi %parallel_loop3A_1015, %parallel_loop3A_1016 : i32
        %parallel_loop3A_1018 = arith.index_cast %parallel_loop3A_1017 : i32 to index
        %parallel_loop3A_1019 = tpu.vector_load %arg16[%parallel_loop3A_1018] {strides = array<i32>} : memref<16384xf32, #tpu.memory_space<vmem>>, vector<16xf32>,
        %parallel_loop3A_1020 = vector.shape_cast %parallel_loop3A_1019 : vector<16xf32> to vector<16xf32>
        %parallel_loop3A_1021 = vector.shape_cast %parallel_loop3A_1013 : vector<16xf32> to vector<16xf32>
        tpu.vector_store %arg16[%parallel_loop3A_1018], %parallel_loop3A_1021 {strides = array<i32>} : memref<16384xf32, #tpu.memory_space<vmem>>, vector<16xf32>,
        %parallel_loop3A_1022 = arith.constant 32 : i32
        %parallel_loop3A_1023 = arith.addi %parallel_loop3A_993, %parallel_loop3A_1022 : i32
        %parallel_loop3A_1024 = arith.index_cast %parallel_loop3A_991 : i32 to index
        %parallel_loop3A_1025 = arith.index_cast %parallel_loop3A_1023 : i32 to index
        %parallel_loop3A_1026 = tpu.vector_load %arg14[%parallel_loop3A_1024, %parallel_loop3A_1025] {strides = array<i32>} : memref<256x120xf32, #tpu.memory_space<vmem>>, vector<1x16xf32>,
        %parallel_loop3A_1027 = vector.shape_cast %parallel_loop3A_1026 : vector<1x16xf32> to vector<16xf32>
        %parallel_loop3A_1028 = arith.constant 64 : i32
        %parallel_loop3A_1029 = arith.muli %parallel_loop3A_1028, %parallel_loop3A_991 : i32
        %parallel_loop3A_1030 = arith.constant 32 : i32
        %parallel_loop3A_1031 = arith.addi %parallel_loop3A_1029, %parallel_loop3A_1030 : i32
        %parallel_loop3A_1032 = arith.index_cast %parallel_loop3A_1031 : i32 to index
        %parallel_loop3A_1033 = tpu.vector_load %arg16[%parallel_loop3A_1032] {strides = array<i32>} : memref<16384xf32, #tpu.memory_space<vmem>>, vector<16xf32>,
        %parallel_loop3A_1034 = vector.shape_cast %parallel_loop3A_1033 : vector<16xf32> to vector<16xf32>
        %parallel_loop3A_1035 = vector.shape_cast %parallel_loop3A_1027 : vector<16xf32> to vector<16xf32>
        tpu.vector_store %arg16[%parallel_loop3A_1032], %parallel_loop3A_1035 {strides = array<i32>} : memref<16384xf32, #tpu.memory_space<vmem>>, vector<16xf32>,
        %parallel_loop3A_1036 = arith.constant 48 : i32
        %parallel_loop3A_1037 = arith.addi %parallel_loop3A_993, %parallel_loop3A_1036 : i32
        %parallel_loop3A_1038 = arith.index_cast %parallel_loop3A_991 : i32 to index
        %parallel_loop3A_1039 = arith.index_cast %parallel_loop3A_1037 : i32 to index
        %parallel_loop3A_1040 = tpu.vector_load %arg14[%parallel_loop3A_1038, %parallel_loop3A_1039] {strides = array<i32>} : memref<256x120xf32, #tpu.memory_space<vmem>>, vector<1x16xf32>,
        %parallel_loop3A_1041 = vector.shape_cast %parallel_loop3A_1040 : vector<1x16xf32> to vector<16xf32>
        %parallel_loop3A_1042 = vector.extract_strided_slice %parallel_loop3A_90 {offsets = [13], sizes = [1], strides = [1]} : vector<16xi32> to vector<1xi32>
        %parallel_loop3A_1043 = vector.extract %parallel_loop3A_1042[0] : i32 from vector<1xi32>
        %parallel_loop3A_1044 = arith.index_cast %parallel_loop3A_1043 : i32 to index
        %parallel_loop3A_1045 = arith.constant 0 : index
        %parallel_loop3A_1046 = tpu.vector_load %arg18[%parallel_loop3A_1044, %parallel_loop3A_1045] {strides = array<i32>} : memref<200x16xf32, #tpu.memory_space<vmem>>, vector<1x16xf32>,
        %parallel_loop3A_1047 = vector.shape_cast %parallel_loop3A_1046 : vector<1x16xf32> to vector<16xf32>
        %parallel_loop3A_1048 = arith.select %lt3A_4, %parallel_loop3A_1041, %parallel_loop3A_1047 : vector<16xi1>, vector<16xf32>
        %parallel_loop3A_1049 = arith.constant 64 : i32
        %parallel_loop3A_1050 = arith.muli %parallel_loop3A_1049, %parallel_loop3A_991 : i32
        %parallel_loop3A_1051 = arith.constant 48 : i32
        %parallel_loop3A_1052 = arith.addi %parallel_loop3A_1050, %parallel_loop3A_1051 : i32
        %parallel_loop3A_1053 = arith.index_cast %parallel_loop3A_1052 : i32 to index
        %parallel_loop3A_1054 = tpu.vector_load %arg16[%parallel_loop3A_1053] {strides = array<i32>} : memref<16384xf32, #tpu.memory_space<vmem>>, vector<16xf32>,
        %parallel_loop3A_1055 = vector.shape_cast %parallel_loop3A_1054 : vector<16xf32> to vector<16xf32>
        %parallel_loop3A_1056 = vector.shape_cast %parallel_loop3A_1048 : vector<16xf32> to vector<16xf32>
        tpu.vector_store %arg16[%parallel_loop3A_1053], %parallel_loop3A_1056 {strides = array<i32>} : memref<16384xf32, #tpu.memory_space<vmem>>, vector<16xf32>,
        %parallel_loop3A_1057 = arith.constant 16 : i32
        %parallel_loop3A_1058 = arith.muli %parallel_loop3A_80, %parallel_loop3A_1057 : i32
        %parallel_loop3A_1059 = arith.constant 14 : i32
        %parallel_loop3A_1060 = arith.addi %parallel_loop3A_1058, %parallel_loop3A_1059 : i32
        %parallel_loop3A_1061 = vector.extract_strided_slice %parallel_loop3A_85 {offsets = [14], sizes = [1], strides = [1]} : vector<16xi32> to vector<1xi32>
        %parallel_loop3A_1062 = vector.extract %parallel_loop3A_1061[0] : i32 from vector<1xi32>
        %parallel_loop3A_1063 = arith.constant 0 : i32
        %parallel_loop3A_1064 = arith.addi %parallel_loop3A_1062, %parallel_loop3A_1063 : i32
        %parallel_loop3A_1065 = arith.index_cast %parallel_loop3A_1060 : i32 to index
        %parallel_loop3A_1066 = arith.index_cast %parallel_loop3A_1064 : i32 to index
        %parallel_loop3A_1067 = tpu.vector_load %arg14[%parallel_loop3A_1065, %parallel_loop3A_1066] {strides = array<i32>} : memref<256x120xf32, #tpu.memory_space<vmem>>, vector<1x16xf32>,
        %parallel_loop3A_1068 = vector.shape_cast %parallel_loop3A_1067 : vector<1x16xf32> to vector<16xf32>
        %parallel_loop3A_1069 = arith.constant 64 : i32
        %parallel_loop3A_1070 = arith.muli %parallel_loop3A_1069, %parallel_loop3A_1060 : i32
        %parallel_loop3A_1071 = arith.constant 0 : i32
        %parallel_loop3A_1072 = arith.addi %parallel_loop3A_1070, %parallel_loop3A_1071 : i32
        %parallel_loop3A_1073 = arith.index_cast %parallel_loop3A_1072 : i32 to index
        %parallel_loop3A_1074 = tpu.vector_load %arg16[%parallel_loop3A_1073] {strides = array<i32>} : memref<16384xf32, #tpu.memory_space<vmem>>, vector<16xf32>,
        %parallel_loop3A_1075 = vector.shape_cast %parallel_loop3A_1074 : vector<16xf32> to vector<16xf32>
        %parallel_loop3A_1076 = vector.shape_cast %parallel_loop3A_1068 : vector<16xf32> to vector<16xf32>
        tpu.vector_store %arg16[%parallel_loop3A_1073], %parallel_loop3A_1076 {strides = array<i32>} : memref<16384xf32, #tpu.memory_space<vmem>>, vector<16xf32>,
        %parallel_loop3A_1077 = arith.constant 16 : i32
        %parallel_loop3A_1078 = arith.addi %parallel_loop3A_1062, %parallel_loop3A_1077 : i32
        %parallel_loop3A_1079 = arith.index_cast %parallel_loop3A_1060 : i32 to index
        %parallel_loop3A_1080 = arith.index_cast %parallel_loop3A_1078 : i32 to index
        %parallel_loop3A_1081 = tpu.vector_load %arg14[%parallel_loop3A_1079, %parallel_loop3A_1080] {strides = array<i32>} : memref<256x120xf32, #tpu.memory_space<vmem>>, vector<1x16xf32>,
        %parallel_loop3A_1082 = vector.shape_cast %parallel_loop3A_1081 : vector<1x16xf32> to vector<16xf32>
        %parallel_loop3A_1083 = arith.constant 64 : i32
        %parallel_loop3A_1084 = arith.muli %parallel_loop3A_1083, %parallel_loop3A_1060 : i32
        %parallel_loop3A_1085 = arith.constant 16 : i32
        %parallel_loop3A_1086 = arith.addi %parallel_loop3A_1084, %parallel_loop3A_1085 : i32
        %parallel_loop3A_1087 = arith.index_cast %parallel_loop3A_1086 : i32 to index
        %parallel_loop3A_1088 = tpu.vector_load %arg16[%parallel_loop3A_1087] {strides = array<i32>} : memref<16384xf32, #tpu.memory_space<vmem>>, vector<16xf32>,
        %parallel_loop3A_1089 = vector.shape_cast %parallel_loop3A_1088 : vector<16xf32> to vector<16xf32>
        %parallel_loop3A_1090 = vector.shape_cast %parallel_loop3A_1082 : vector<16xf32> to vector<16xf32>
        tpu.vector_store %arg16[%parallel_loop3A_1087], %parallel_loop3A_1090 {strides = array<i32>} : memref<16384xf32, #tpu.memory_space<vmem>>, vector<16xf32>,
        %parallel_loop3A_1091 = arith.constant 32 : i32
        %parallel_loop3A_1092 = arith.addi %parallel_loop3A_1062, %parallel_loop3A_1091 : i32
        %parallel_loop3A_1093 = arith.index_cast %parallel_loop3A_1060 : i32 to index
        %parallel_loop3A_1094 = arith.index_cast %parallel_loop3A_1092 : i32 to index
        %parallel_loop3A_1095 = tpu.vector_load %arg14[%parallel_loop3A_1093, %parallel_loop3A_1094] {strides = array<i32>} : memref<256x120xf32, #tpu.memory_space<vmem>>, vector<1x16xf32>,
        %parallel_loop3A_1096 = vector.shape_cast %parallel_loop3A_1095 : vector<1x16xf32> to vector<16xf32>
        %parallel_loop3A_1097 = arith.constant 64 : i32
        %parallel_loop3A_1098 = arith.muli %parallel_loop3A_1097, %parallel_loop3A_1060 : i32
        %parallel_loop3A_1099 = arith.constant 32 : i32
        %parallel_loop3A_1100 = arith.addi %parallel_loop3A_1098, %parallel_loop3A_1099 : i32
        %parallel_loop3A_1101 = arith.index_cast %parallel_loop3A_1100 : i32 to index
        %parallel_loop3A_1102 = tpu.vector_load %arg16[%parallel_loop3A_1101] {strides = array<i32>} : memref<16384xf32, #tpu.memory_space<vmem>>, vector<16xf32>,
        %parallel_loop3A_1103 = vector.shape_cast %parallel_loop3A_1102 : vector<16xf32> to vector<16xf32>
        %parallel_loop3A_1104 = vector.shape_cast %parallel_loop3A_1096 : vector<16xf32> to vector<16xf32>
        tpu.vector_store %arg16[%parallel_loop3A_1101], %parallel_loop3A_1104 {strides = array<i32>} : memref<16384xf32, #tpu.memory_space<vmem>>, vector<16xf32>,
        %parallel_loop3A_1105 = arith.constant 48 : i32
        %parallel_loop3A_1106 = arith.addi %parallel_loop3A_1062, %parallel_loop3A_1105 : i32
        %parallel_loop3A_1107 = arith.index_cast %parallel_loop3A_1060 : i32 to index
        %parallel_loop3A_1108 = arith.index_cast %parallel_loop3A_1106 : i32 to index
        %parallel_loop3A_1109 = tpu.vector_load %arg14[%parallel_loop3A_1107, %parallel_loop3A_1108] {strides = array<i32>} : memref<256x120xf32, #tpu.memory_space<vmem>>, vector<1x16xf32>,
        %parallel_loop3A_1110 = vector.shape_cast %parallel_loop3A_1109 : vector<1x16xf32> to vector<16xf32>
        %parallel_loop3A_1111 = vector.extract_strided_slice %parallel_loop3A_90 {offsets = [14], sizes = [1], strides = [1]} : vector<16xi32> to vector<1xi32>
        %parallel_loop3A_1112 = vector.extract %parallel_loop3A_1111[0] : i32 from vector<1xi32>
        %parallel_loop3A_1113 = arith.index_cast %parallel_loop3A_1112 : i32 to index
        %parallel_loop3A_1114 = arith.constant 0 : index
        %parallel_loop3A_1115 = tpu.vector_load %arg18[%parallel_loop3A_1113, %parallel_loop3A_1114] {strides = array<i32>} : memref<200x16xf32, #tpu.memory_space<vmem>>, vector<1x16xf32>,
        %parallel_loop3A_1116 = vector.shape_cast %parallel_loop3A_1115 : vector<1x16xf32> to vector<16xf32>
        %parallel_loop3A_1117 = arith.select %lt3A_4, %parallel_loop3A_1110, %parallel_loop3A_1116 : vector<16xi1>, vector<16xf32>
        %parallel_loop3A_1118 = arith.constant 64 : i32
        %parallel_loop3A_1119 = arith.muli %parallel_loop3A_1118, %parallel_loop3A_1060 : i32
        %parallel_loop3A_1120 = arith.constant 48 : i32
        %parallel_loop3A_1121 = arith.addi %parallel_loop3A_1119, %parallel_loop3A_1120 : i32
        %parallel_loop3A_1122 = arith.index_cast %parallel_loop3A_1121 : i32 to index
        %parallel_loop3A_1123 = tpu.vector_load %arg16[%parallel_loop3A_1122] {strides = array<i32>} : memref<16384xf32, #tpu.memory_space<vmem>>, vector<16xf32>,
        %parallel_loop3A_1124 = vector.shape_cast %parallel_loop3A_1123 : vector<16xf32> to vector<16xf32>
        %parallel_loop3A_1125 = vector.shape_cast %parallel_loop3A_1117 : vector<16xf32> to vector<16xf32>
        tpu.vector_store %arg16[%parallel_loop3A_1122], %parallel_loop3A_1125 {strides = array<i32>} : memref<16384xf32, #tpu.memory_space<vmem>>, vector<16xf32>,
        %parallel_loop3A_1126 = arith.constant 16 : i32
        %parallel_loop3A_1127 = arith.muli %parallel_loop3A_80, %parallel_loop3A_1126 : i32
        %parallel_loop3A_1128 = arith.constant 15 : i32
        %parallel_loop3A_1129 = arith.addi %parallel_loop3A_1127, %parallel_loop3A_1128 : i32
        %parallel_loop3A_1130 = vector.extract_strided_slice %parallel_loop3A_85 {offsets = [15], sizes = [1], strides = [1]} : vector<16xi32> to vector<1xi32>
        %parallel_loop3A_1131 = vector.extract %parallel_loop3A_1130[0] : i32 from vector<1xi32>
        %parallel_loop3A_1132 = arith.constant 0 : i32
        %parallel_loop3A_1133 = arith.addi %parallel_loop3A_1131, %parallel_loop3A_1132 : i32
        %parallel_loop3A_1134 = arith.index_cast %parallel_loop3A_1129 : i32 to index
        %parallel_loop3A_1135 = arith.index_cast %parallel_loop3A_1133 : i32 to index
        %parallel_loop3A_1136 = tpu.vector_load %arg14[%parallel_loop3A_1134, %parallel_loop3A_1135] {strides = array<i32>} : memref<256x120xf32, #tpu.memory_space<vmem>>, vector<1x16xf32>,
        %parallel_loop3A_1137 = vector.shape_cast %parallel_loop3A_1136 : vector<1x16xf32> to vector<16xf32>
        %parallel_loop3A_1138 = arith.constant 64 : i32
        %parallel_loop3A_1139 = arith.muli %parallel_loop3A_1138, %parallel_loop3A_1129 : i32
        %parallel_loop3A_1140 = arith.constant 0 : i32
        %parallel_loop3A_1141 = arith.addi %parallel_loop3A_1139, %parallel_loop3A_1140 : i32
        %parallel_loop3A_1142 = arith.index_cast %parallel_loop3A_1141 : i32 to index
        %parallel_loop3A_1143 = tpu.vector_load %arg16[%parallel_loop3A_1142] {strides = array<i32>} : memref<16384xf32, #tpu.memory_space<vmem>>, vector<16xf32>,
        %parallel_loop3A_1144 = vector.shape_cast %parallel_loop3A_1143 : vector<16xf32> to vector<16xf32>
        %parallel_loop3A_1145 = vector.shape_cast %parallel_loop3A_1137 : vector<16xf32> to vector<16xf32>
        tpu.vector_store %arg16[%parallel_loop3A_1142], %parallel_loop3A_1145 {strides = array<i32>} : memref<16384xf32, #tpu.memory_space<vmem>>, vector<16xf32>,
        %parallel_loop3A_1146 = arith.constant 16 : i32
        %parallel_loop3A_1147 = arith.addi %parallel_loop3A_1131, %parallel_loop3A_1146 : i32
        %parallel_loop3A_1148 = arith.index_cast %parallel_loop3A_1129 : i32 to index
        %parallel_loop3A_1149 = arith.index_cast %parallel_loop3A_1147 : i32 to index
        %parallel_loop3A_1150 = tpu.vector_load %arg14[%parallel_loop3A_1148, %parallel_loop3A_1149] {strides = array<i32>} : memref<256x120xf32, #tpu.memory_space<vmem>>, vector<1x16xf32>,
        %parallel_loop3A_1151 = vector.shape_cast %parallel_loop3A_1150 : vector<1x16xf32> to vector<16xf32>
        %parallel_loop3A_1152 = arith.constant 64 : i32
        %parallel_loop3A_1153 = arith.muli %parallel_loop3A_1152, %parallel_loop3A_1129 : i32
        %parallel_loop3A_1154 = arith.constant 16 : i32
        %parallel_loop3A_1155 = arith.addi %parallel_loop3A_1153, %parallel_loop3A_1154 : i32
        %parallel_loop3A_1156 = arith.index_cast %parallel_loop3A_1155 : i32 to index
        %parallel_loop3A_1157 = tpu.vector_load %arg16[%parallel_loop3A_1156] {strides = array<i32>} : memref<16384xf32, #tpu.memory_space<vmem>>, vector<16xf32>,
        %parallel_loop3A_1158 = vector.shape_cast %parallel_loop3A_1157 : vector<16xf32> to vector<16xf32>
        %parallel_loop3A_1159 = vector.shape_cast %parallel_loop3A_1151 : vector<16xf32> to vector<16xf32>
        tpu.vector_store %arg16[%parallel_loop3A_1156], %parallel_loop3A_1159 {strides = array<i32>} : memref<16384xf32, #tpu.memory_space<vmem>>, vector<16xf32>,
        %parallel_loop3A_1160 = arith.constant 32 : i32
        %parallel_loop3A_1161 = arith.addi %parallel_loop3A_1131, %parallel_loop3A_1160 : i32
        %parallel_loop3A_1162 = arith.index_cast %parallel_loop3A_1129 : i32 to index
        %parallel_loop3A_1163 = arith.index_cast %parallel_loop3A_1161 : i32 to index
        %parallel_loop3A_1164 = tpu.vector_load %arg14[%parallel_loop3A_1162, %parallel_loop3A_1163] {strides = array<i32>} : memref<256x120xf32, #tpu.memory_space<vmem>>, vector<1x16xf32>,
        %parallel_loop3A_1165 = vector.shape_cast %parallel_loop3A_1164 : vector<1x16xf32> to vector<16xf32>
        %parallel_loop3A_1166 = arith.constant 64 : i32
        %parallel_loop3A_1167 = arith.muli %parallel_loop3A_1166, %parallel_loop3A_1129 : i32
        %parallel_loop3A_1168 = arith.constant 32 : i32
        %parallel_loop3A_1169 = arith.addi %parallel_loop3A_1167, %parallel_loop3A_1168 : i32
        %parallel_loop3A_1170 = arith.index_cast %parallel_loop3A_1169 : i32 to index
        %parallel_loop3A_1171 = tpu.vector_load %arg16[%parallel_loop3A_1170] {strides = array<i32>} : memref<16384xf32, #tpu.memory_space<vmem>>, vector<16xf32>,
        %parallel_loop3A_1172 = vector.shape_cast %parallel_loop3A_1171 : vector<16xf32> to vector<16xf32>
        %parallel_loop3A_1173 = vector.shape_cast %parallel_loop3A_1165 : vector<16xf32> to vector<16xf32>
        tpu.vector_store %arg16[%parallel_loop3A_1170], %parallel_loop3A_1173 {strides = array<i32>} : memref<16384xf32, #tpu.memory_space<vmem>>, vector<16xf32>,
        %parallel_loop3A_1174 = arith.constant 48 : i32
        %parallel_loop3A_1175 = arith.addi %parallel_loop3A_1131, %parallel_loop3A_1174 : i32
        %parallel_loop3A_1176 = arith.index_cast %parallel_loop3A_1129 : i32 to index
        %parallel_loop3A_1177 = arith.index_cast %parallel_loop3A_1175 : i32 to index
        %parallel_loop3A_1178 = tpu.vector_load %arg14[%parallel_loop3A_1176, %parallel_loop3A_1177] {strides = array<i32>} : memref<256x120xf32, #tpu.memory_space<vmem>>, vector<1x16xf32>,
        %parallel_loop3A_1179 = vector.shape_cast %parallel_loop3A_1178 : vector<1x16xf32> to vector<16xf32>
        %parallel_loop3A_1180 = vector.extract_strided_slice %parallel_loop3A_90 {offsets = [15], sizes = [1], strides = [1]} : vector<16xi32> to vector<1xi32>
        %parallel_loop3A_1181 = vector.extract %parallel_loop3A_1180[0] : i32 from vector<1xi32>
        %parallel_loop3A_1182 = arith.index_cast %parallel_loop3A_1181 : i32 to index
        %parallel_loop3A_1183 = arith.constant 0 : index
        %parallel_loop3A_1184 = tpu.vector_load %arg18[%parallel_loop3A_1182, %parallel_loop3A_1183] {strides = array<i32>} : memref<200x16xf32, #tpu.memory_space<vmem>>, vector<1x16xf32>,
        %parallel_loop3A_1185 = vector.shape_cast %parallel_loop3A_1184 : vector<1x16xf32> to vector<16xf32>
        %parallel_loop3A_1186 = arith.select %lt3A_4, %parallel_loop3A_1179, %parallel_loop3A_1185 : vector<16xi1>, vector<16xf32>
        %parallel_loop3A_1187 = arith.constant 64 : i32
        %parallel_loop3A_1188 = arith.muli %parallel_loop3A_1187, %parallel_loop3A_1129 : i32
        %parallel_loop3A_1189 = arith.constant 48 : i32
        %parallel_loop3A_1190 = arith.addi %parallel_loop3A_1188, %parallel_loop3A_1189 : i32
        %parallel_loop3A_1191 = arith.index_cast %parallel_loop3A_1190 : i32 to index
        %parallel_loop3A_1192 = tpu.vector_load %arg16[%parallel_loop3A_1191] {strides = array<i32>} : memref<16384xf32, #tpu.memory_space<vmem>>, vector<16xf32>,
        %parallel_loop3A_1193 = vector.shape_cast %parallel_loop3A_1192 : vector<16xf32> to vector<16xf32>
        %parallel_loop3A_1194 = vector.shape_cast %parallel_loop3A_1186 : vector<16xf32> to vector<16xf32>
        tpu.vector_store %arg16[%parallel_loop3A_1191], %parallel_loop3A_1194 {strides = array<i32>} : memref<16384xf32, #tpu.memory_space<vmem>>, vector<16xf32>,
      } {sc.loop_unroll_factor = 4 : i64, sc.parallel_access}
      %mul3A_44 = arith.constant 256 : i32
      %mul3A_45 = arith.muli %add3A_29, %mul3A_44 : i32
      %add3A_46 = arith.addi %mul3A_2, %mul3A_45 : i32
      %mul3A_47 = arith.constant 64 : i32
      %mul3A_48 = arith.muli %mul3A_47, %add3A_46 : i32
      %dma_start3A_49 = tpu.memref_slice %arg7[%mul3A_48] : memref<52428800xf32, #tpu.memory_space<hbm>> -> memref<16384xf32, #tpu.memory_space<hbm>>
      %dma_start3A_50 = tpu.memref_slice %arg7[%mul3A_48] : memref<52428800xf32, #tpu.memory_space<hbm>> -> memref<16384xf32, #tpu.memory_space<hbm>>
      tpu.enqueue_dma source(%arg16 : memref<16384xf32, #tpu.memory_space<vmem>>) target(%dma_start3A_50 : memref<16384xf32, #tpu.memory_space<hbm>>) target_semaphore(%arg21 : memref<!tpu.dma_semaphore, #tpu.memory_space<semaphore_mem>>)
      %mul3A_51 = arith.constant 2 : i32
      %mul3A_52 = arith.muli %mul3A_51, %scan3A_25 : i32
      %add3A_53 = arith.constant 1 : i32
      %add3A_54 = arith.addi %mul3A_52, %add3A_53 : i32
      %add3A_55 = arith.constant 1 : i32
      %add3A_56 = arith.addi %add3A_54, %add3A_55 : i32
      %lt3A_57 = arith.constant 100 : i32
      %lt3A_58 = arith.cmpi slt, %add3A_56, %lt3A_57 : i32
      %convert_element_type3A_59 = arith.extui %lt3A_58 : i1 to i32
      %cond3A_60 = arith.constant 0 : i32
      %cond3A_61 = arith.cmpi ne, %convert_element_type3A_59, %cond3A_60 : i32
      scf.if %cond3A_61 {
        %add3A_80 = arith.constant 1 : i32
        %add3A_81 = arith.addi %add3A_54, %add3A_80 : i32
        %mul3A_82 = arith.constant 256 : i32
        %mul3A_83 = arith.muli %add3A_81, %mul3A_82 : i32
        %add3A_84 = arith.addi %mul3A_2, %mul3A_83 : i32
        "tpu.region"() ({
          %run_scoped3A = tpu.sem_alloc : memref<!tpu.dma_semaphore, #tpu.memory_space<semaphore_mem>>
          %dma_start3A_88 = tpu.memref_slice %arg2[%add3A_84] : memref<819200xi32, #tpu.memory_space<hbm>> -> memref<256xi32, #tpu.memory_space<hbm>>
          %dma_start3A_89 = tpu.memref_slice %arg2[%add3A_84] : memref<819200xi32, #tpu.memory_space<hbm>> -> memref<256xi32, #tpu.memory_space<hbm>>
          tpu.enqueue_dma source(%dma_start3A_89 : memref<256xi32, #tpu.memory_space<hbm>>) target(%arg8 : memref<256xi32, #tpu.memory_space<vmem>>) target_semaphore(%run_scoped3A : memref<!tpu.dma_semaphore, #tpu.memory_space<semaphore_mem>>)
          %dma_wait3A_90 = tpu.memref_slice %arg2[%add3A_84] : memref<819200xi32, #tpu.memory_space<hbm>> -> memref<256xi32, #tpu.memory_space<hbm>>
          %dma_wait3A_91 = tpu.memref_slice %arg2[%add3A_84] : memref<819200xi32, #tpu.memory_space<hbm>> -> memref<256xi32, #tpu.memory_space<hbm>>
          tpu.wait_dma2 semaphore(%run_scoped3A : memref<!tpu.dma_semaphore, #tpu.memory_space<semaphore_mem>>) src(%dma_wait3A_91 : memref<256xi32, #tpu.memory_space<hbm>>) dst(%arg8 : memref<256xi32, #tpu.memory_space<vmem>>)
          tpu.yield
        }) : () -> ()
        "tpu.region"() ({
          %run_scoped3A = tpu.sem_alloc : memref<!tpu.dma_semaphore, #tpu.memory_space<semaphore_mem>>
          %dma_start3A_88 = tpu.memref_slice %arg3[%add3A_84] : memref<819200xi32, #tpu.memory_space<hbm>> -> memref<256xi32, #tpu.memory_space<hbm>>
          %dma_start3A_89 = tpu.memref_slice %arg3[%add3A_84] : memref<819200xi32, #tpu.memory_space<hbm>> -> memref<256xi32, #tpu.memory_space<hbm>>
          tpu.enqueue_dma source(%dma_start3A_89 : memref<256xi32, #tpu.memory_space<hbm>>) target(%arg10 : memref<256xi32, #tpu.memory_space<vmem>>) target_semaphore(%run_scoped3A : memref<!tpu.dma_semaphore, #tpu.memory_space<semaphore_mem>>)
          %dma_wait3A_90 = tpu.memref_slice %arg3[%add3A_84] : memref<819200xi32, #tpu.memory_space<hbm>> -> memref<256xi32, #tpu.memory_space<hbm>>
          %dma_wait3A_91 = tpu.memref_slice %arg3[%add3A_84] : memref<819200xi32, #tpu.memory_space<hbm>> -> memref<256xi32, #tpu.memory_space<hbm>>
          tpu.wait_dma2 semaphore(%run_scoped3A : memref<!tpu.dma_semaphore, #tpu.memory_space<semaphore_mem>>) src(%dma_wait3A_91 : memref<256xi32, #tpu.memory_space<hbm>>) dst(%arg10 : memref<256xi32, #tpu.memory_space<vmem>>)
          tpu.yield
        }) : () -> ()
        "tpu.region"() ({
          %run_scoped3A = tpu.sem_alloc : memref<!tpu.dma_semaphore, #tpu.memory_space<semaphore_mem>>
          %dma_start3A_88 = tpu.memref_slice %arg4[%add3A_84] : memref<819200xi32, #tpu.memory_space<hbm>> -> memref<256xi32, #tpu.memory_space<hbm>>
          %dma_start3A_89 = tpu.memref_slice %arg4[%add3A_84] : memref<819200xi32, #tpu.memory_space<hbm>> -> memref<256xi32, #tpu.memory_space<hbm>>
          tpu.enqueue_dma source(%dma_start3A_89 : memref<256xi32, #tpu.memory_space<hbm>>) target(%arg12 : memref<256xi32, #tpu.memory_space<vmem>>) target_semaphore(%run_scoped3A : memref<!tpu.dma_semaphore, #tpu.memory_space<semaphore_mem>>)
          %dma_wait3A_90 = tpu.memref_slice %arg4[%add3A_84] : memref<819200xi32, #tpu.memory_space<hbm>> -> memref<256xi32, #tpu.memory_space<hbm>>
          %dma_wait3A_91 = tpu.memref_slice %arg4[%add3A_84] : memref<819200xi32, #tpu.memory_space<hbm>> -> memref<256xi32, #tpu.memory_space<hbm>>
          tpu.wait_dma2 semaphore(%run_scoped3A : memref<!tpu.dma_semaphore, #tpu.memory_space<semaphore_mem>>) src(%dma_wait3A_91 : memref<256xi32, #tpu.memory_space<hbm>>) dst(%arg12 : memref<256xi32, #tpu.memory_space<vmem>>)
          tpu.yield
        }) : () -> ()
        %dma_start3A_85 = arith.constant 0 : i32
        %dma_start3A_86 = arith.constant 0 : i32
        %dma_start3A_87 = tpu.memref_slice %arg5[%dma_start3A_85, %dma_start3A_86] : memref<500000x120xf32, #tpu.memory_space<hbm>> -> memref<500000x120xf32, #tpu.memory_space<hbm>>
        tpu.enqueue_indirect_dma source(%dma_start3A_87 : memref<500000x120xf32, #tpu.memory_space<hbm>>) target(%arg14 : memref<256x120xf32, #tpu.memory_space<vmem>>) offsets(%arg8 : memref<256xi32, #tpu.memory_space<vmem>>) semaphore(%arg19 : memref<!tpu.dma_semaphore, #tpu.memory_space<semaphore_mem>>)
      } else {
      }
      %dma_wait3A_62 = arith.constant 0 : i32
      %dma_wait3A_63 = arith.constant 0 : i32
      %dma_wait3A_64 = tpu.memref_slice %arg5[%dma_wait3A_62, %dma_wait3A_63] : memref<500000x120xf32, #tpu.memory_space<hbm>> -> memref<500000x120xf32, #tpu.memory_space<hbm>>
      tpu.wait_indirect_dma semaphore(%arg20 : memref<!tpu.dma_semaphore, #tpu.memory_space<semaphore_mem>>) src(%dma_wait3A_64 : memref<500000x120xf32, #tpu.memory_space<hbm>>) dst(%arg15 : memref<256x120xf32, #tpu.memory_space<vmem>>)
      %gt3A_65 = arith.constant 0 : i32
      %gt3A_66 = arith.cmpi sgt, %scan3A_25, %gt3A_65 : i32
      %convert_element_type3A_67 = arith.extui %gt3A_66 : i1 to i32
      %cond3A_68 = arith.constant 0 : i32
      %cond3A_69 = arith.cmpi ne, %convert_element_type3A_67, %cond3A_68 : i32
      scf.if %cond3A_69 {
        %sub3A = arith.constant 2 : i32
        %sub3A_80 = arith.subi %add3A_54, %sub3A : i32
        %mul3A_81 = arith.constant 256 : i32
        %mul3A_82 = arith.muli %sub3A_80, %mul3A_81 : i32
        %add3A_83 = arith.addi %mul3A_2, %mul3A_82 : i32
        %mul3A_84 = arith.constant 64 : i32
        %mul3A_85 = arith.muli %mul3A_84, %add3A_83 : i32
        %dma_wait3A_86 = tpu.memref_slice %arg7[%mul3A_85] : memref<52428800xf32, #tpu.memory_space<hbm>> -> memref<16384xf32, #tpu.memory_space<hbm>>
        %dma_wait3A_87 = tpu.memref_slice %arg7[%mul3A_85] : memref<52428800xf32, #tpu.memory_space<hbm>> -> memref<16384xf32, #tpu.memory_space<hbm>>
        tpu.wait_dma2 semaphore(%arg22 : memref<!tpu.dma_semaphore, #tpu.memory_space<semaphore_mem>>) src(%arg17 : memref<16384xf32, #tpu.memory_space<vmem>>) dst(%dma_wait3A_87 : memref<16384xf32, #tpu.memory_space<hbm>>)
      } else {
      }
      %parallel_loop3A_70 = arith.constant 0 : i32
      %parallel_loop3A_71 = arith.constant 16 : i32
      %parallel_loop3A_72 = arith.constant 1 : i32
      scf.for %parallel_loop3A_80 = %parallel_loop3A_70 to %parallel_loop3A_71 step %parallel_loop3A_72  : i32 {
        %parallel_loop3A_81 = arith.constant 16 : i32
        %parallel_loop3A_82 = arith.muli %parallel_loop3A_80, %parallel_loop3A_81 : i32
        %parallel_loop3A_83 = arith.index_cast %parallel_loop3A_82 : i32 to index
        %parallel_loop3A_84 = tpu.vector_load %arg13[%parallel_loop3A_83] {strides = array<i32>} : memref<256xi32, #tpu.memory_space<vmem>>, vector<16xi32>,
        %parallel_loop3A_85 = vector.shape_cast %parallel_loop3A_84 : vector<16xi32> to vector<16xi32>
        %parallel_loop3A_86 = arith.constant 16 : i32
        %parallel_loop3A_87 = arith.muli %parallel_loop3A_80, %parallel_loop3A_86 : i32
        %parallel_loop3A_88 = arith.index_cast %parallel_loop3A_87 : i32 to index
        %parallel_loop3A_89 = tpu.vector_load %arg11[%parallel_loop3A_88] {strides = array<i32>} : memref<256xi32, #tpu.memory_space<vmem>>, vector<16xi32>,
        %parallel_loop3A_90 = vector.shape_cast %parallel_loop3A_89 : vector<16xi32> to vector<16xi32>
        %parallel_loop3A_91 = arith.constant 16 : i32
        %parallel_loop3A_92 = arith.muli %parallel_loop3A_80, %parallel_loop3A_91 : i32
        %parallel_loop3A_93 = arith.constant 0 : i32
        %parallel_loop3A_94 = arith.addi %parallel_loop3A_92, %parallel_loop3A_93 : i32
        %parallel_loop3A_95 = vector.extract_strided_slice %parallel_loop3A_85 {offsets = [0], sizes = [1], strides = [1]} : vector<16xi32> to vector<1xi32>
        %parallel_loop3A_96 = vector.extract %parallel_loop3A_95[0] : i32 from vector<1xi32>
        %parallel_loop3A_97 = arith.constant 0 : i32
        %parallel_loop3A_98 = arith.addi %parallel_loop3A_96, %parallel_loop3A_97 : i32
        %parallel_loop3A_99 = arith.index_cast %parallel_loop3A_94 : i32 to index
        %parallel_loop3A_100 = arith.index_cast %parallel_loop3A_98 : i32 to index
        %parallel_loop3A_101 = tpu.vector_load %arg15[%parallel_loop3A_99, %parallel_loop3A_100] {strides = array<i32>} : memref<256x120xf32, #tpu.memory_space<vmem>>, vector<1x16xf32>,
        %parallel_loop3A_102 = vector.shape_cast %parallel_loop3A_101 : vector<1x16xf32> to vector<16xf32>
        %parallel_loop3A_103 = arith.constant 64 : i32
        %parallel_loop3A_104 = arith.muli %parallel_loop3A_103, %parallel_loop3A_94 : i32
        %parallel_loop3A_105 = arith.constant 0 : i32
        %parallel_loop3A_106 = arith.addi %parallel_loop3A_104, %parallel_loop3A_105 : i32
        %parallel_loop3A_107 = arith.index_cast %parallel_loop3A_106 : i32 to index
        %parallel_loop3A_108 = tpu.vector_load %arg17[%parallel_loop3A_107] {strides = array<i32>} : memref<16384xf32, #tpu.memory_space<vmem>>, vector<16xf32>,
        %parallel_loop3A_109 = vector.shape_cast %parallel_loop3A_108 : vector<16xf32> to vector<16xf32>
        %parallel_loop3A_110 = vector.shape_cast %parallel_loop3A_102 : vector<16xf32> to vector<16xf32>
        tpu.vector_store %arg17[%parallel_loop3A_107], %parallel_loop3A_110 {strides = array<i32>} : memref<16384xf32, #tpu.memory_space<vmem>>, vector<16xf32>,
        %parallel_loop3A_111 = arith.constant 16 : i32
        %parallel_loop3A_112 = arith.addi %parallel_loop3A_96, %parallel_loop3A_111 : i32
        %parallel_loop3A_113 = arith.index_cast %parallel_loop3A_94 : i32 to index
        %parallel_loop3A_114 = arith.index_cast %parallel_loop3A_112 : i32 to index
        %parallel_loop3A_115 = tpu.vector_load %arg15[%parallel_loop3A_113, %parallel_loop3A_114] {strides = array<i32>} : memref<256x120xf32, #tpu.memory_space<vmem>>, vector<1x16xf32>,
        %parallel_loop3A_116 = vector.shape_cast %parallel_loop3A_115 : vector<1x16xf32> to vector<16xf32>
        %parallel_loop3A_117 = arith.constant 64 : i32
        %parallel_loop3A_118 = arith.muli %parallel_loop3A_117, %parallel_loop3A_94 : i32
        %parallel_loop3A_119 = arith.constant 16 : i32
        %parallel_loop3A_120 = arith.addi %parallel_loop3A_118, %parallel_loop3A_119 : i32
        %parallel_loop3A_121 = arith.index_cast %parallel_loop3A_120 : i32 to index
        %parallel_loop3A_122 = tpu.vector_load %arg17[%parallel_loop3A_121] {strides = array<i32>} : memref<16384xf32, #tpu.memory_space<vmem>>, vector<16xf32>,
        %parallel_loop3A_123 = vector.shape_cast %parallel_loop3A_122 : vector<16xf32> to vector<16xf32>
        %parallel_loop3A_124 = vector.shape_cast %parallel_loop3A_116 : vector<16xf32> to vector<16xf32>
        tpu.vector_store %arg17[%parallel_loop3A_121], %parallel_loop3A_124 {strides = array<i32>} : memref<16384xf32, #tpu.memory_space<vmem>>, vector<16xf32>,
        %parallel_loop3A_125 = arith.constant 32 : i32
        %parallel_loop3A_126 = arith.addi %parallel_loop3A_96, %parallel_loop3A_125 : i32
        %parallel_loop3A_127 = arith.index_cast %parallel_loop3A_94 : i32 to index
        %parallel_loop3A_128 = arith.index_cast %parallel_loop3A_126 : i32 to index
        %parallel_loop3A_129 = tpu.vector_load %arg15[%parallel_loop3A_127, %parallel_loop3A_128] {strides = array<i32>} : memref<256x120xf32, #tpu.memory_space<vmem>>, vector<1x16xf32>,
        %parallel_loop3A_130 = vector.shape_cast %parallel_loop3A_129 : vector<1x16xf32> to vector<16xf32>
        %parallel_loop3A_131 = arith.constant 64 : i32
        %parallel_loop3A_132 = arith.muli %parallel_loop3A_131, %parallel_loop3A_94 : i32
        %parallel_loop3A_133 = arith.constant 32 : i32
        %parallel_loop3A_134 = arith.addi %parallel_loop3A_132, %parallel_loop3A_133 : i32
        %parallel_loop3A_135 = arith.index_cast %parallel_loop3A_134 : i32 to index
        %parallel_loop3A_136 = tpu.vector_load %arg17[%parallel_loop3A_135] {strides = array<i32>} : memref<16384xf32, #tpu.memory_space<vmem>>, vector<16xf32>,
        %parallel_loop3A_137 = vector.shape_cast %parallel_loop3A_136 : vector<16xf32> to vector<16xf32>
        %parallel_loop3A_138 = vector.shape_cast %parallel_loop3A_130 : vector<16xf32> to vector<16xf32>
        tpu.vector_store %arg17[%parallel_loop3A_135], %parallel_loop3A_138 {strides = array<i32>} : memref<16384xf32, #tpu.memory_space<vmem>>, vector<16xf32>,
        %parallel_loop3A_139 = arith.constant 48 : i32
        %parallel_loop3A_140 = arith.addi %parallel_loop3A_96, %parallel_loop3A_139 : i32
        %parallel_loop3A_141 = arith.index_cast %parallel_loop3A_94 : i32 to index
        %parallel_loop3A_142 = arith.index_cast %parallel_loop3A_140 : i32 to index
        %parallel_loop3A_143 = tpu.vector_load %arg15[%parallel_loop3A_141, %parallel_loop3A_142] {strides = array<i32>} : memref<256x120xf32, #tpu.memory_space<vmem>>, vector<1x16xf32>,
        %parallel_loop3A_144 = vector.shape_cast %parallel_loop3A_143 : vector<1x16xf32> to vector<16xf32>
        %parallel_loop3A_145 = vector.extract_strided_slice %parallel_loop3A_90 {offsets = [0], sizes = [1], strides = [1]} : vector<16xi32> to vector<1xi32>
        %parallel_loop3A_146 = vector.extract %parallel_loop3A_145[0] : i32 from vector<1xi32>
        %parallel_loop3A_147 = arith.index_cast %parallel_loop3A_146 : i32 to index
        %parallel_loop3A_148 = arith.constant 0 : index
        %parallel_loop3A_149 = tpu.vector_load %arg18[%parallel_loop3A_147, %parallel_loop3A_148] {strides = array<i32>} : memref<200x16xf32, #tpu.memory_space<vmem>>, vector<1x16xf32>,
        %parallel_loop3A_150 = vector.shape_cast %parallel_loop3A_149 : vector<1x16xf32> to vector<16xf32>
        %parallel_loop3A_151 = arith.select %lt3A_4, %parallel_loop3A_144, %parallel_loop3A_150 : vector<16xi1>, vector<16xf32>
        %parallel_loop3A_152 = arith.constant 64 : i32
        %parallel_loop3A_153 = arith.muli %parallel_loop3A_152, %parallel_loop3A_94 : i32
        %parallel_loop3A_154 = arith.constant 48 : i32
        %parallel_loop3A_155 = arith.addi %parallel_loop3A_153, %parallel_loop3A_154 : i32
        %parallel_loop3A_156 = arith.index_cast %parallel_loop3A_155 : i32 to index
        %parallel_loop3A_157 = tpu.vector_load %arg17[%parallel_loop3A_156] {strides = array<i32>} : memref<16384xf32, #tpu.memory_space<vmem>>, vector<16xf32>,
        %parallel_loop3A_158 = vector.shape_cast %parallel_loop3A_157 : vector<16xf32> to vector<16xf32>
        %parallel_loop3A_159 = vector.shape_cast %parallel_loop3A_151 : vector<16xf32> to vector<16xf32>
        tpu.vector_store %arg17[%parallel_loop3A_156], %parallel_loop3A_159 {strides = array<i32>} : memref<16384xf32, #tpu.memory_space<vmem>>, vector<16xf32>,
        %parallel_loop3A_160 = arith.constant 16 : i32
        %parallel_loop3A_161 = arith.muli %parallel_loop3A_80, %parallel_loop3A_160 : i32
        %parallel_loop3A_162 = arith.constant 1 : i32
        %parallel_loop3A_163 = arith.addi %parallel_loop3A_161, %parallel_loop3A_162 : i32
        %parallel_loop3A_164 = vector.extract_strided_slice %parallel_loop3A_85 {offsets = [1], sizes = [1], strides = [1]} : vector<16xi32> to vector<1xi32>
        %parallel_loop3A_165 = vector.extract %parallel_loop3A_164[0] : i32 from vector<1xi32>
        %parallel_loop3A_166 = arith.constant 0 : i32
        %parallel_loop3A_167 = arith.addi %parallel_loop3A_165, %parallel_loop3A_166 : i32
        %parallel_loop3A_168 = arith.index_cast %parallel_loop3A_163 : i32 to index
        %parallel_loop3A_169 = arith.index_cast %parallel_loop3A_167 : i32 to index
        %parallel_loop3A_170 = tpu.vector_load %arg15[%parallel_loop3A_168, %parallel_loop3A_169] {strides = array<i32>} : memref<256x120xf32, #tpu.memory_space<vmem>>, vector<1x16xf32>,
        %parallel_loop3A_171 = vector.shape_cast %parallel_loop3A_170 : vector<1x16xf32> to vector<16xf32>
        %parallel_loop3A_172 = arith.constant 64 : i32
        %parallel_loop3A_173 = arith.muli %parallel_loop3A_172, %parallel_loop3A_163 : i32
        %parallel_loop3A_174 = arith.constant 0 : i32
        %parallel_loop3A_175 = arith.addi %parallel_loop3A_173, %parallel_loop3A_174 : i32
        %parallel_loop3A_176 = arith.index_cast %parallel_loop3A_175 : i32 to index
        %parallel_loop3A_177 = tpu.vector_load %arg17[%parallel_loop3A_176] {strides = array<i32>} : memref<16384xf32, #tpu.memory_space<vmem>>, vector<16xf32>,
        %parallel_loop3A_178 = vector.shape_cast %parallel_loop3A_177 : vector<16xf32> to vector<16xf32>
        %parallel_loop3A_179 = vector.shape_cast %parallel_loop3A_171 : vector<16xf32> to vector<16xf32>
        tpu.vector_store %arg17[%parallel_loop3A_176], %parallel_loop3A_179 {strides = array<i32>} : memref<16384xf32, #tpu.memory_space<vmem>>, vector<16xf32>,
        %parallel_loop3A_180 = arith.constant 16 : i32
        %parallel_loop3A_181 = arith.addi %parallel_loop3A_165, %parallel_loop3A_180 : i32
        %parallel_loop3A_182 = arith.index_cast %parallel_loop3A_163 : i32 to index
        %parallel_loop3A_183 = arith.index_cast %parallel_loop3A_181 : i32 to index
        %parallel_loop3A_184 = tpu.vector_load %arg15[%parallel_loop3A_182, %parallel_loop3A_183] {strides = array<i32>} : memref<256x120xf32, #tpu.memory_space<vmem>>, vector<1x16xf32>,
        %parallel_loop3A_185 = vector.shape_cast %parallel_loop3A_184 : vector<1x16xf32> to vector<16xf32>
        %parallel_loop3A_186 = arith.constant 64 : i32
        %parallel_loop3A_187 = arith.muli %parallel_loop3A_186, %parallel_loop3A_163 : i32
        %parallel_loop3A_188 = arith.constant 16 : i32
        %parallel_loop3A_189 = arith.addi %parallel_loop3A_187, %parallel_loop3A_188 : i32
        %parallel_loop3A_190 = arith.index_cast %parallel_loop3A_189 : i32 to index
        %parallel_loop3A_191 = tpu.vector_load %arg17[%parallel_loop3A_190] {strides = array<i32>} : memref<16384xf32, #tpu.memory_space<vmem>>, vector<16xf32>,
        %parallel_loop3A_192 = vector.shape_cast %parallel_loop3A_191 : vector<16xf32> to vector<16xf32>
        %parallel_loop3A_193 = vector.shape_cast %parallel_loop3A_185 : vector<16xf32> to vector<16xf32>
        tpu.vector_store %arg17[%parallel_loop3A_190], %parallel_loop3A_193 {strides = array<i32>} : memref<16384xf32, #tpu.memory_space<vmem>>, vector<16xf32>,
        %parallel_loop3A_194 = arith.constant 32 : i32
        %parallel_loop3A_195 = arith.addi %parallel_loop3A_165, %parallel_loop3A_194 : i32
        %parallel_loop3A_196 = arith.index_cast %parallel_loop3A_163 : i32 to index
        %parallel_loop3A_197 = arith.index_cast %parallel_loop3A_195 : i32 to index
        %parallel_loop3A_198 = tpu.vector_load %arg15[%parallel_loop3A_196, %parallel_loop3A_197] {strides = array<i32>} : memref<256x120xf32, #tpu.memory_space<vmem>>, vector<1x16xf32>,
        %parallel_loop3A_199 = vector.shape_cast %parallel_loop3A_198 : vector<1x16xf32> to vector<16xf32>
        %parallel_loop3A_200 = arith.constant 64 : i32
        %parallel_loop3A_201 = arith.muli %parallel_loop3A_200, %parallel_loop3A_163 : i32
        %parallel_loop3A_202 = arith.constant 32 : i32
        %parallel_loop3A_203 = arith.addi %parallel_loop3A_201, %parallel_loop3A_202 : i32
        %parallel_loop3A_204 = arith.index_cast %parallel_loop3A_203 : i32 to index
        %parallel_loop3A_205 = tpu.vector_load %arg17[%parallel_loop3A_204] {strides = array<i32>} : memref<16384xf32, #tpu.memory_space<vmem>>, vector<16xf32>,
        %parallel_loop3A_206 = vector.shape_cast %parallel_loop3A_205 : vector<16xf32> to vector<16xf32>
        %parallel_loop3A_207 = vector.shape_cast %parallel_loop3A_199 : vector<16xf32> to vector<16xf32>
        tpu.vector_store %arg17[%parallel_loop3A_204], %parallel_loop3A_207 {strides = array<i32>} : memref<16384xf32, #tpu.memory_space<vmem>>, vector<16xf32>,
        %parallel_loop3A_208 = arith.constant 48 : i32
        %parallel_loop3A_209 = arith.addi %parallel_loop3A_165, %parallel_loop3A_208 : i32
        %parallel_loop3A_210 = arith.index_cast %parallel_loop3A_163 : i32 to index
        %parallel_loop3A_211 = arith.index_cast %parallel_loop3A_209 : i32 to index
        %parallel_loop3A_212 = tpu.vector_load %arg15[%parallel_loop3A_210, %parallel_loop3A_211] {strides = array<i32>} : memref<256x120xf32, #tpu.memory_space<vmem>>, vector<1x16xf32>,
        %parallel_loop3A_213 = vector.shape_cast %parallel_loop3A_212 : vector<1x16xf32> to vector<16xf32>
        %parallel_loop3A_214 = vector.extract_strided_slice %parallel_loop3A_90 {offsets = [1], sizes = [1], strides = [1]} : vector<16xi32> to vector<1xi32>
        %parallel_loop3A_215 = vector.extract %parallel_loop3A_214[0] : i32 from vector<1xi32>
        %parallel_loop3A_216 = arith.index_cast %parallel_loop3A_215 : i32 to index
        %parallel_loop3A_217 = arith.constant 0 : index
        %parallel_loop3A_218 = tpu.vector_load %arg18[%parallel_loop3A_216, %parallel_loop3A_217] {strides = array<i32>} : memref<200x16xf32, #tpu.memory_space<vmem>>, vector<1x16xf32>,
        %parallel_loop3A_219 = vector.shape_cast %parallel_loop3A_218 : vector<1x16xf32> to vector<16xf32>
        %parallel_loop3A_220 = arith.select %lt3A_4, %parallel_loop3A_213, %parallel_loop3A_219 : vector<16xi1>, vector<16xf32>
        %parallel_loop3A_221 = arith.constant 64 : i32
        %parallel_loop3A_222 = arith.muli %parallel_loop3A_221, %parallel_loop3A_163 : i32
        %parallel_loop3A_223 = arith.constant 48 : i32
        %parallel_loop3A_224 = arith.addi %parallel_loop3A_222, %parallel_loop3A_223 : i32
        %parallel_loop3A_225 = arith.index_cast %parallel_loop3A_224 : i32 to index
        %parallel_loop3A_226 = tpu.vector_load %arg17[%parallel_loop3A_225] {strides = array<i32>} : memref<16384xf32, #tpu.memory_space<vmem>>, vector<16xf32>,
        %parallel_loop3A_227 = vector.shape_cast %parallel_loop3A_226 : vector<16xf32> to vector<16xf32>
        %parallel_loop3A_228 = vector.shape_cast %parallel_loop3A_220 : vector<16xf32> to vector<16xf32>
        tpu.vector_store %arg17[%parallel_loop3A_225], %parallel_loop3A_228 {strides = array<i32>} : memref<16384xf32, #tpu.memory_space<vmem>>, vector<16xf32>,
        %parallel_loop3A_229 = arith.constant 16 : i32
        %parallel_loop3A_230 = arith.muli %parallel_loop3A_80, %parallel_loop3A_229 : i32
        %parallel_loop3A_231 = arith.constant 2 : i32
        %parallel_loop3A_232 = arith.addi %parallel_loop3A_230, %parallel_loop3A_231 : i32
        %parallel_loop3A_233 = vector.extract_strided_slice %parallel_loop3A_85 {offsets = [2], sizes = [1], strides = [1]} : vector<16xi32> to vector<1xi32>
        %parallel_loop3A_234 = vector.extract %parallel_loop3A_233[0] : i32 from vector<1xi32>
        %parallel_loop3A_235 = arith.constant 0 : i32
        %parallel_loop3A_236 = arith.addi %parallel_loop3A_234, %parallel_loop3A_235 : i32
        %parallel_loop3A_237 = arith.index_cast %parallel_loop3A_232 : i32 to index
        %parallel_loop3A_238 = arith.index_cast %parallel_loop3A_236 : i32 to index
        %parallel_loop3A_239 = tpu.vector_load %arg15[%parallel_loop3A_237, %parallel_loop3A_238] {strides = array<i32>} : memref<256x120xf32, #tpu.memory_space<vmem>>, vector<1x16xf32>,
        %parallel_loop3A_240 = vector.shape_cast %parallel_loop3A_239 : vector<1x16xf32> to vector<16xf32>
        %parallel_loop3A_241 = arith.constant 64 : i32
        %parallel_loop3A_242 = arith.muli %parallel_loop3A_241, %parallel_loop3A_232 : i32
        %parallel_loop3A_243 = arith.constant 0 : i32
        %parallel_loop3A_244 = arith.addi %parallel_loop3A_242, %parallel_loop3A_243 : i32
        %parallel_loop3A_245 = arith.index_cast %parallel_loop3A_244 : i32 to index
        %parallel_loop3A_246 = tpu.vector_load %arg17[%parallel_loop3A_245] {strides = array<i32>} : memref<16384xf32, #tpu.memory_space<vmem>>, vector<16xf32>,
        %parallel_loop3A_247 = vector.shape_cast %parallel_loop3A_246 : vector<16xf32> to vector<16xf32>
        %parallel_loop3A_248 = vector.shape_cast %parallel_loop3A_240 : vector<16xf32> to vector<16xf32>
        tpu.vector_store %arg17[%parallel_loop3A_245], %parallel_loop3A_248 {strides = array<i32>} : memref<16384xf32, #tpu.memory_space<vmem>>, vector<16xf32>,
        %parallel_loop3A_249 = arith.constant 16 : i32
        %parallel_loop3A_250 = arith.addi %parallel_loop3A_234, %parallel_loop3A_249 : i32
        %parallel_loop3A_251 = arith.index_cast %parallel_loop3A_232 : i32 to index
        %parallel_loop3A_252 = arith.index_cast %parallel_loop3A_250 : i32 to index
        %parallel_loop3A_253 = tpu.vector_load %arg15[%parallel_loop3A_251, %parallel_loop3A_252] {strides = array<i32>} : memref<256x120xf32, #tpu.memory_space<vmem>>, vector<1x16xf32>,
        %parallel_loop3A_254 = vector.shape_cast %parallel_loop3A_253 : vector<1x16xf32> to vector<16xf32>
        %parallel_loop3A_255 = arith.constant 64 : i32
        %parallel_loop3A_256 = arith.muli %parallel_loop3A_255, %parallel_loop3A_232 : i32
        %parallel_loop3A_257 = arith.constant 16 : i32
        %parallel_loop3A_258 = arith.addi %parallel_loop3A_256, %parallel_loop3A_257 : i32
        %parallel_loop3A_259 = arith.index_cast %parallel_loop3A_258 : i32 to index
        %parallel_loop3A_260 = tpu.vector_load %arg17[%parallel_loop3A_259] {strides = array<i32>} : memref<16384xf32, #tpu.memory_space<vmem>>, vector<16xf32>,
        %parallel_loop3A_261 = vector.shape_cast %parallel_loop3A_260 : vector<16xf32> to vector<16xf32>
        %parallel_loop3A_262 = vector.shape_cast %parallel_loop3A_254 : vector<16xf32> to vector<16xf32>
        tpu.vector_store %arg17[%parallel_loop3A_259], %parallel_loop3A_262 {strides = array<i32>} : memref<16384xf32, #tpu.memory_space<vmem>>, vector<16xf32>,
        %parallel_loop3A_263 = arith.constant 32 : i32
        %parallel_loop3A_264 = arith.addi %parallel_loop3A_234, %parallel_loop3A_263 : i32
        %parallel_loop3A_265 = arith.index_cast %parallel_loop3A_232 : i32 to index
        %parallel_loop3A_266 = arith.index_cast %parallel_loop3A_264 : i32 to index
        %parallel_loop3A_267 = tpu.vector_load %arg15[%parallel_loop3A_265, %parallel_loop3A_266] {strides = array<i32>} : memref<256x120xf32, #tpu.memory_space<vmem>>, vector<1x16xf32>,
        %parallel_loop3A_268 = vector.shape_cast %parallel_loop3A_267 : vector<1x16xf32> to vector<16xf32>
        %parallel_loop3A_269 = arith.constant 64 : i32
        %parallel_loop3A_270 = arith.muli %parallel_loop3A_269, %parallel_loop3A_232 : i32
        %parallel_loop3A_271 = arith.constant 32 : i32
        %parallel_loop3A_272 = arith.addi %parallel_loop3A_270, %parallel_loop3A_271 : i32
        %parallel_loop3A_273 = arith.index_cast %parallel_loop3A_272 : i32 to index
        %parallel_loop3A_274 = tpu.vector_load %arg17[%parallel_loop3A_273] {strides = array<i32>} : memref<16384xf32, #tpu.memory_space<vmem>>, vector<16xf32>,
        %parallel_loop3A_275 = vector.shape_cast %parallel_loop3A_274 : vector<16xf32> to vector<16xf32>
        %parallel_loop3A_276 = vector.shape_cast %parallel_loop3A_268 : vector<16xf32> to vector<16xf32>
        tpu.vector_store %arg17[%parallel_loop3A_273], %parallel_loop3A_276 {strides = array<i32>} : memref<16384xf32, #tpu.memory_space<vmem>>, vector<16xf32>,
        %parallel_loop3A_277 = arith.constant 48 : i32
        %parallel_loop3A_278 = arith.addi %parallel_loop3A_234, %parallel_loop3A_277 : i32
        %parallel_loop3A_279 = arith.index_cast %parallel_loop3A_232 : i32 to index
        %parallel_loop3A_280 = arith.index_cast %parallel_loop3A_278 : i32 to index
        %parallel_loop3A_281 = tpu.vector_load %arg15[%parallel_loop3A_279, %parallel_loop3A_280] {strides = array<i32>} : memref<256x120xf32, #tpu.memory_space<vmem>>, vector<1x16xf32>,
        %parallel_loop3A_282 = vector.shape_cast %parallel_loop3A_281 : vector<1x16xf32> to vector<16xf32>
        %parallel_loop3A_283 = vector.extract_strided_slice %parallel_loop3A_90 {offsets = [2], sizes = [1], strides = [1]} : vector<16xi32> to vector<1xi32>
        %parallel_loop3A_284 = vector.extract %parallel_loop3A_283[0] : i32 from vector<1xi32>
        %parallel_loop3A_285 = arith.index_cast %parallel_loop3A_284 : i32 to index
        %parallel_loop3A_286 = arith.constant 0 : index
        %parallel_loop3A_287 = tpu.vector_load %arg18[%parallel_loop3A_285, %parallel_loop3A_286] {strides = array<i32>} : memref<200x16xf32, #tpu.memory_space<vmem>>, vector<1x16xf32>,
        %parallel_loop3A_288 = vector.shape_cast %parallel_loop3A_287 : vector<1x16xf32> to vector<16xf32>
        %parallel_loop3A_289 = arith.select %lt3A_4, %parallel_loop3A_282, %parallel_loop3A_288 : vector<16xi1>, vector<16xf32>
        %parallel_loop3A_290 = arith.constant 64 : i32
        %parallel_loop3A_291 = arith.muli %parallel_loop3A_290, %parallel_loop3A_232 : i32
        %parallel_loop3A_292 = arith.constant 48 : i32
        %parallel_loop3A_293 = arith.addi %parallel_loop3A_291, %parallel_loop3A_292 : i32
        %parallel_loop3A_294 = arith.index_cast %parallel_loop3A_293 : i32 to index
        %parallel_loop3A_295 = tpu.vector_load %arg17[%parallel_loop3A_294] {strides = array<i32>} : memref<16384xf32, #tpu.memory_space<vmem>>, vector<16xf32>,
        %parallel_loop3A_296 = vector.shape_cast %parallel_loop3A_295 : vector<16xf32> to vector<16xf32>
        %parallel_loop3A_297 = vector.shape_cast %parallel_loop3A_289 : vector<16xf32> to vector<16xf32>
        tpu.vector_store %arg17[%parallel_loop3A_294], %parallel_loop3A_297 {strides = array<i32>} : memref<16384xf32, #tpu.memory_space<vmem>>, vector<16xf32>,
        %parallel_loop3A_298 = arith.constant 16 : i32
        %parallel_loop3A_299 = arith.muli %parallel_loop3A_80, %parallel_loop3A_298 : i32
        %parallel_loop3A_300 = arith.constant 3 : i32
        %parallel_loop3A_301 = arith.addi %parallel_loop3A_299, %parallel_loop3A_300 : i32
        %parallel_loop3A_302 = vector.extract_strided_slice %parallel_loop3A_85 {offsets = [3], sizes = [1], strides = [1]} : vector<16xi32> to vector<1xi32>
        %parallel_loop3A_303 = vector.extract %parallel_loop3A_302[0] : i32 from vector<1xi32>
        %parallel_loop3A_304 = arith.constant 0 : i32
        %parallel_loop3A_305 = arith.addi %parallel_loop3A_303, %parallel_loop3A_304 : i32
        %parallel_loop3A_306 = arith.index_cast %parallel_loop3A_301 : i32 to index
        %parallel_loop3A_307 = arith.index_cast %parallel_loop3A_305 : i32 to index
        %parallel_loop3A_308 = tpu.vector_load %arg15[%parallel_loop3A_306, %parallel_loop3A_307] {strides = array<i32>} : memref<256x120xf32, #tpu.memory_space<vmem>>, vector<1x16xf32>,
        %parallel_loop3A_309 = vector.shape_cast %parallel_loop3A_308 : vector<1x16xf32> to vector<16xf32>
        %parallel_loop3A_310 = arith.constant 64 : i32
        %parallel_loop3A_311 = arith.muli %parallel_loop3A_310, %parallel_loop3A_301 : i32
        %parallel_loop3A_312 = arith.constant 0 : i32
        %parallel_loop3A_313 = arith.addi %parallel_loop3A_311, %parallel_loop3A_312 : i32
        %parallel_loop3A_314 = arith.index_cast %parallel_loop3A_313 : i32 to index
        %parallel_loop3A_315 = tpu.vector_load %arg17[%parallel_loop3A_314] {strides = array<i32>} : memref<16384xf32, #tpu.memory_space<vmem>>, vector<16xf32>,
        %parallel_loop3A_316 = vector.shape_cast %parallel_loop3A_315 : vector<16xf32> to vector<16xf32>
        %parallel_loop3A_317 = vector.shape_cast %parallel_loop3A_309 : vector<16xf32> to vector<16xf32>
        tpu.vector_store %arg17[%parallel_loop3A_314], %parallel_loop3A_317 {strides = array<i32>} : memref<16384xf32, #tpu.memory_space<vmem>>, vector<16xf32>,
        %parallel_loop3A_318 = arith.constant 16 : i32
        %parallel_loop3A_319 = arith.addi %parallel_loop3A_303, %parallel_loop3A_318 : i32
        %parallel_loop3A_320 = arith.index_cast %parallel_loop3A_301 : i32 to index
        %parallel_loop3A_321 = arith.index_cast %parallel_loop3A_319 : i32 to index
        %parallel_loop3A_322 = tpu.vector_load %arg15[%parallel_loop3A_320, %parallel_loop3A_321] {strides = array<i32>} : memref<256x120xf32, #tpu.memory_space<vmem>>, vector<1x16xf32>,
        %parallel_loop3A_323 = vector.shape_cast %parallel_loop3A_322 : vector<1x16xf32> to vector<16xf32>
        %parallel_loop3A_324 = arith.constant 64 : i32
        %parallel_loop3A_325 = arith.muli %parallel_loop3A_324, %parallel_loop3A_301 : i32
        %parallel_loop3A_326 = arith.constant 16 : i32
        %parallel_loop3A_327 = arith.addi %parallel_loop3A_325, %parallel_loop3A_326 : i32
        %parallel_loop3A_328 = arith.index_cast %parallel_loop3A_327 : i32 to index
        %parallel_loop3A_329 = tpu.vector_load %arg17[%parallel_loop3A_328] {strides = array<i32>} : memref<16384xf32, #tpu.memory_space<vmem>>, vector<16xf32>,
        %parallel_loop3A_330 = vector.shape_cast %parallel_loop3A_329 : vector<16xf32> to vector<16xf32>
        %parallel_loop3A_331 = vector.shape_cast %parallel_loop3A_323 : vector<16xf32> to vector<16xf32>
        tpu.vector_store %arg17[%parallel_loop3A_328], %parallel_loop3A_331 {strides = array<i32>} : memref<16384xf32, #tpu.memory_space<vmem>>, vector<16xf32>,
        %parallel_loop3A_332 = arith.constant 32 : i32
        %parallel_loop3A_333 = arith.addi %parallel_loop3A_303, %parallel_loop3A_332 : i32
        %parallel_loop3A_334 = arith.index_cast %parallel_loop3A_301 : i32 to index
        %parallel_loop3A_335 = arith.index_cast %parallel_loop3A_333 : i32 to index
        %parallel_loop3A_336 = tpu.vector_load %arg15[%parallel_loop3A_334, %parallel_loop3A_335] {strides = array<i32>} : memref<256x120xf32, #tpu.memory_space<vmem>>, vector<1x16xf32>,
        %parallel_loop3A_337 = vector.shape_cast %parallel_loop3A_336 : vector<1x16xf32> to vector<16xf32>
        %parallel_loop3A_338 = arith.constant 64 : i32
        %parallel_loop3A_339 = arith.muli %parallel_loop3A_338, %parallel_loop3A_301 : i32
        %parallel_loop3A_340 = arith.constant 32 : i32
        %parallel_loop3A_341 = arith.addi %parallel_loop3A_339, %parallel_loop3A_340 : i32
        %parallel_loop3A_342 = arith.index_cast %parallel_loop3A_341 : i32 to index
        %parallel_loop3A_343 = tpu.vector_load %arg17[%parallel_loop3A_342] {strides = array<i32>} : memref<16384xf32, #tpu.memory_space<vmem>>, vector<16xf32>,
        %parallel_loop3A_344 = vector.shape_cast %parallel_loop3A_343 : vector<16xf32> to vector<16xf32>
        %parallel_loop3A_345 = vector.shape_cast %parallel_loop3A_337 : vector<16xf32> to vector<16xf32>
        tpu.vector_store %arg17[%parallel_loop3A_342], %parallel_loop3A_345 {strides = array<i32>} : memref<16384xf32, #tpu.memory_space<vmem>>, vector<16xf32>,
        %parallel_loop3A_346 = arith.constant 48 : i32
        %parallel_loop3A_347 = arith.addi %parallel_loop3A_303, %parallel_loop3A_346 : i32
        %parallel_loop3A_348 = arith.index_cast %parallel_loop3A_301 : i32 to index
        %parallel_loop3A_349 = arith.index_cast %parallel_loop3A_347 : i32 to index
        %parallel_loop3A_350 = tpu.vector_load %arg15[%parallel_loop3A_348, %parallel_loop3A_349] {strides = array<i32>} : memref<256x120xf32, #tpu.memory_space<vmem>>, vector<1x16xf32>,
        %parallel_loop3A_351 = vector.shape_cast %parallel_loop3A_350 : vector<1x16xf32> to vector<16xf32>
        %parallel_loop3A_352 = vector.extract_strided_slice %parallel_loop3A_90 {offsets = [3], sizes = [1], strides = [1]} : vector<16xi32> to vector<1xi32>
        %parallel_loop3A_353 = vector.extract %parallel_loop3A_352[0] : i32 from vector<1xi32>
        %parallel_loop3A_354 = arith.index_cast %parallel_loop3A_353 : i32 to index
        %parallel_loop3A_355 = arith.constant 0 : index
        %parallel_loop3A_356 = tpu.vector_load %arg18[%parallel_loop3A_354, %parallel_loop3A_355] {strides = array<i32>} : memref<200x16xf32, #tpu.memory_space<vmem>>, vector<1x16xf32>,
        %parallel_loop3A_357 = vector.shape_cast %parallel_loop3A_356 : vector<1x16xf32> to vector<16xf32>
        %parallel_loop3A_358 = arith.select %lt3A_4, %parallel_loop3A_351, %parallel_loop3A_357 : vector<16xi1>, vector<16xf32>
        %parallel_loop3A_359 = arith.constant 64 : i32
        %parallel_loop3A_360 = arith.muli %parallel_loop3A_359, %parallel_loop3A_301 : i32
        %parallel_loop3A_361 = arith.constant 48 : i32
        %parallel_loop3A_362 = arith.addi %parallel_loop3A_360, %parallel_loop3A_361 : i32
        %parallel_loop3A_363 = arith.index_cast %parallel_loop3A_362 : i32 to index
        %parallel_loop3A_364 = tpu.vector_load %arg17[%parallel_loop3A_363] {strides = array<i32>} : memref<16384xf32, #tpu.memory_space<vmem>>, vector<16xf32>,
        %parallel_loop3A_365 = vector.shape_cast %parallel_loop3A_364 : vector<16xf32> to vector<16xf32>
        %parallel_loop3A_366 = vector.shape_cast %parallel_loop3A_358 : vector<16xf32> to vector<16xf32>
        tpu.vector_store %arg17[%parallel_loop3A_363], %parallel_loop3A_366 {strides = array<i32>} : memref<16384xf32, #tpu.memory_space<vmem>>, vector<16xf32>,
        %parallel_loop3A_367 = arith.constant 16 : i32
        %parallel_loop3A_368 = arith.muli %parallel_loop3A_80, %parallel_loop3A_367 : i32
        %parallel_loop3A_369 = arith.constant 4 : i32
        %parallel_loop3A_370 = arith.addi %parallel_loop3A_368, %parallel_loop3A_369 : i32
        %parallel_loop3A_371 = vector.extract_strided_slice %parallel_loop3A_85 {offsets = [4], sizes = [1], strides = [1]} : vector<16xi32> to vector<1xi32>
        %parallel_loop3A_372 = vector.extract %parallel_loop3A_371[0] : i32 from vector<1xi32>
        %parallel_loop3A_373 = arith.constant 0 : i32
        %parallel_loop3A_374 = arith.addi %parallel_loop3A_372, %parallel_loop3A_373 : i32
        %parallel_loop3A_375 = arith.index_cast %parallel_loop3A_370 : i32 to index
        %parallel_loop3A_376 = arith.index_cast %parallel_loop3A_374 : i32 to index
        %parallel_loop3A_377 = tpu.vector_load %arg15[%parallel_loop3A_375, %parallel_loop3A_376] {strides = array<i32>} : memref<256x120xf32, #tpu.memory_space<vmem>>, vector<1x16xf32>,
        %parallel_loop3A_378 = vector.shape_cast %parallel_loop3A_377 : vector<1x16xf32> to vector<16xf32>
        %parallel_loop3A_379 = arith.constant 64 : i32
        %parallel_loop3A_380 = arith.muli %parallel_loop3A_379, %parallel_loop3A_370 : i32
        %parallel_loop3A_381 = arith.constant 0 : i32
        %parallel_loop3A_382 = arith.addi %parallel_loop3A_380, %parallel_loop3A_381 : i32
        %parallel_loop3A_383 = arith.index_cast %parallel_loop3A_382 : i32 to index
        %parallel_loop3A_384 = tpu.vector_load %arg17[%parallel_loop3A_383] {strides = array<i32>} : memref<16384xf32, #tpu.memory_space<vmem>>, vector<16xf32>,
        %parallel_loop3A_385 = vector.shape_cast %parallel_loop3A_384 : vector<16xf32> to vector<16xf32>
        %parallel_loop3A_386 = vector.shape_cast %parallel_loop3A_378 : vector<16xf32> to vector<16xf32>
        tpu.vector_store %arg17[%parallel_loop3A_383], %parallel_loop3A_386 {strides = array<i32>} : memref<16384xf32, #tpu.memory_space<vmem>>, vector<16xf32>,
        %parallel_loop3A_387 = arith.constant 16 : i32
        %parallel_loop3A_388 = arith.addi %parallel_loop3A_372, %parallel_loop3A_387 : i32
        %parallel_loop3A_389 = arith.index_cast %parallel_loop3A_370 : i32 to index
        %parallel_loop3A_390 = arith.index_cast %parallel_loop3A_388 : i32 to index
        %parallel_loop3A_391 = tpu.vector_load %arg15[%parallel_loop3A_389, %parallel_loop3A_390] {strides = array<i32>} : memref<256x120xf32, #tpu.memory_space<vmem>>, vector<1x16xf32>,
        %parallel_loop3A_392 = vector.shape_cast %parallel_loop3A_391 : vector<1x16xf32> to vector<16xf32>
        %parallel_loop3A_393 = arith.constant 64 : i32
        %parallel_loop3A_394 = arith.muli %parallel_loop3A_393, %parallel_loop3A_370 : i32
        %parallel_loop3A_395 = arith.constant 16 : i32
        %parallel_loop3A_396 = arith.addi %parallel_loop3A_394, %parallel_loop3A_395 : i32
        %parallel_loop3A_397 = arith.index_cast %parallel_loop3A_396 : i32 to index
        %parallel_loop3A_398 = tpu.vector_load %arg17[%parallel_loop3A_397] {strides = array<i32>} : memref<16384xf32, #tpu.memory_space<vmem>>, vector<16xf32>,
        %parallel_loop3A_399 = vector.shape_cast %parallel_loop3A_398 : vector<16xf32> to vector<16xf32>
        %parallel_loop3A_400 = vector.shape_cast %parallel_loop3A_392 : vector<16xf32> to vector<16xf32>
        tpu.vector_store %arg17[%parallel_loop3A_397], %parallel_loop3A_400 {strides = array<i32>} : memref<16384xf32, #tpu.memory_space<vmem>>, vector<16xf32>,
        %parallel_loop3A_401 = arith.constant 32 : i32
        %parallel_loop3A_402 = arith.addi %parallel_loop3A_372, %parallel_loop3A_401 : i32
        %parallel_loop3A_403 = arith.index_cast %parallel_loop3A_370 : i32 to index
        %parallel_loop3A_404 = arith.index_cast %parallel_loop3A_402 : i32 to index
        %parallel_loop3A_405 = tpu.vector_load %arg15[%parallel_loop3A_403, %parallel_loop3A_404] {strides = array<i32>} : memref<256x120xf32, #tpu.memory_space<vmem>>, vector<1x16xf32>,
        %parallel_loop3A_406 = vector.shape_cast %parallel_loop3A_405 : vector<1x16xf32> to vector<16xf32>
        %parallel_loop3A_407 = arith.constant 64 : i32
        %parallel_loop3A_408 = arith.muli %parallel_loop3A_407, %parallel_loop3A_370 : i32
        %parallel_loop3A_409 = arith.constant 32 : i32
        %parallel_loop3A_410 = arith.addi %parallel_loop3A_408, %parallel_loop3A_409 : i32
        %parallel_loop3A_411 = arith.index_cast %parallel_loop3A_410 : i32 to index
        %parallel_loop3A_412 = tpu.vector_load %arg17[%parallel_loop3A_411] {strides = array<i32>} : memref<16384xf32, #tpu.memory_space<vmem>>, vector<16xf32>,
        %parallel_loop3A_413 = vector.shape_cast %parallel_loop3A_412 : vector<16xf32> to vector<16xf32>
        %parallel_loop3A_414 = vector.shape_cast %parallel_loop3A_406 : vector<16xf32> to vector<16xf32>
        tpu.vector_store %arg17[%parallel_loop3A_411], %parallel_loop3A_414 {strides = array<i32>} : memref<16384xf32, #tpu.memory_space<vmem>>, vector<16xf32>,
        %parallel_loop3A_415 = arith.constant 48 : i32
        %parallel_loop3A_416 = arith.addi %parallel_loop3A_372, %parallel_loop3A_415 : i32
        %parallel_loop3A_417 = arith.index_cast %parallel_loop3A_370 : i32 to index
        %parallel_loop3A_418 = arith.index_cast %parallel_loop3A_416 : i32 to index
        %parallel_loop3A_419 = tpu.vector_load %arg15[%parallel_loop3A_417, %parallel_loop3A_418] {strides = array<i32>} : memref<256x120xf32, #tpu.memory_space<vmem>>, vector<1x16xf32>,
        %parallel_loop3A_420 = vector.shape_cast %parallel_loop3A_419 : vector<1x16xf32> to vector<16xf32>
        %parallel_loop3A_421 = vector.extract_strided_slice %parallel_loop3A_90 {offsets = [4], sizes = [1], strides = [1]} : vector<16xi32> to vector<1xi32>
        %parallel_loop3A_422 = vector.extract %parallel_loop3A_421[0] : i32 from vector<1xi32>
        %parallel_loop3A_423 = arith.index_cast %parallel_loop3A_422 : i32 to index
        %parallel_loop3A_424 = arith.constant 0 : index
        %parallel_loop3A_425 = tpu.vector_load %arg18[%parallel_loop3A_423, %parallel_loop3A_424] {strides = array<i32>} : memref<200x16xf32, #tpu.memory_space<vmem>>, vector<1x16xf32>,
        %parallel_loop3A_426 = vector.shape_cast %parallel_loop3A_425 : vector<1x16xf32> to vector<16xf32>
        %parallel_loop3A_427 = arith.select %lt3A_4, %parallel_loop3A_420, %parallel_loop3A_426 : vector<16xi1>, vector<16xf32>
        %parallel_loop3A_428 = arith.constant 64 : i32
        %parallel_loop3A_429 = arith.muli %parallel_loop3A_428, %parallel_loop3A_370 : i32
        %parallel_loop3A_430 = arith.constant 48 : i32
        %parallel_loop3A_431 = arith.addi %parallel_loop3A_429, %parallel_loop3A_430 : i32
        %parallel_loop3A_432 = arith.index_cast %parallel_loop3A_431 : i32 to index
        %parallel_loop3A_433 = tpu.vector_load %arg17[%parallel_loop3A_432] {strides = array<i32>} : memref<16384xf32, #tpu.memory_space<vmem>>, vector<16xf32>,
        %parallel_loop3A_434 = vector.shape_cast %parallel_loop3A_433 : vector<16xf32> to vector<16xf32>
        %parallel_loop3A_435 = vector.shape_cast %parallel_loop3A_427 : vector<16xf32> to vector<16xf32>
        tpu.vector_store %arg17[%parallel_loop3A_432], %parallel_loop3A_435 {strides = array<i32>} : memref<16384xf32, #tpu.memory_space<vmem>>, vector<16xf32>,
        %parallel_loop3A_436 = arith.constant 16 : i32
        %parallel_loop3A_437 = arith.muli %parallel_loop3A_80, %parallel_loop3A_436 : i32
        %parallel_loop3A_438 = arith.constant 5 : i32
        %parallel_loop3A_439 = arith.addi %parallel_loop3A_437, %parallel_loop3A_438 : i32
        %parallel_loop3A_440 = vector.extract_strided_slice %parallel_loop3A_85 {offsets = [5], sizes = [1], strides = [1]} : vector<16xi32> to vector<1xi32>
        %parallel_loop3A_441 = vector.extract %parallel_loop3A_440[0] : i32 from vector<1xi32>
        %parallel_loop3A_442 = arith.constant 0 : i32
        %parallel_loop3A_443 = arith.addi %parallel_loop3A_441, %parallel_loop3A_442 : i32
        %parallel_loop3A_444 = arith.index_cast %parallel_loop3A_439 : i32 to index
        %parallel_loop3A_445 = arith.index_cast %parallel_loop3A_443 : i32 to index
        %parallel_loop3A_446 = tpu.vector_load %arg15[%parallel_loop3A_444, %parallel_loop3A_445] {strides = array<i32>} : memref<256x120xf32, #tpu.memory_space<vmem>>, vector<1x16xf32>,
        %parallel_loop3A_447 = vector.shape_cast %parallel_loop3A_446 : vector<1x16xf32> to vector<16xf32>
        %parallel_loop3A_448 = arith.constant 64 : i32
        %parallel_loop3A_449 = arith.muli %parallel_loop3A_448, %parallel_loop3A_439 : i32
        %parallel_loop3A_450 = arith.constant 0 : i32
        %parallel_loop3A_451 = arith.addi %parallel_loop3A_449, %parallel_loop3A_450 : i32
        %parallel_loop3A_452 = arith.index_cast %parallel_loop3A_451 : i32 to index
        %parallel_loop3A_453 = tpu.vector_load %arg17[%parallel_loop3A_452] {strides = array<i32>} : memref<16384xf32, #tpu.memory_space<vmem>>, vector<16xf32>,
        %parallel_loop3A_454 = vector.shape_cast %parallel_loop3A_453 : vector<16xf32> to vector<16xf32>
        %parallel_loop3A_455 = vector.shape_cast %parallel_loop3A_447 : vector<16xf32> to vector<16xf32>
        tpu.vector_store %arg17[%parallel_loop3A_452], %parallel_loop3A_455 {strides = array<i32>} : memref<16384xf32, #tpu.memory_space<vmem>>, vector<16xf32>,
        %parallel_loop3A_456 = arith.constant 16 : i32
        %parallel_loop3A_457 = arith.addi %parallel_loop3A_441, %parallel_loop3A_456 : i32
        %parallel_loop3A_458 = arith.index_cast %parallel_loop3A_439 : i32 to index
        %parallel_loop3A_459 = arith.index_cast %parallel_loop3A_457 : i32 to index
        %parallel_loop3A_460 = tpu.vector_load %arg15[%parallel_loop3A_458, %parallel_loop3A_459] {strides = array<i32>} : memref<256x120xf32, #tpu.memory_space<vmem>>, vector<1x16xf32>,
        %parallel_loop3A_461 = vector.shape_cast %parallel_loop3A_460 : vector<1x16xf32> to vector<16xf32>
        %parallel_loop3A_462 = arith.constant 64 : i32
        %parallel_loop3A_463 = arith.muli %parallel_loop3A_462, %parallel_loop3A_439 : i32
        %parallel_loop3A_464 = arith.constant 16 : i32
        %parallel_loop3A_465 = arith.addi %parallel_loop3A_463, %parallel_loop3A_464 : i32
        %parallel_loop3A_466 = arith.index_cast %parallel_loop3A_465 : i32 to index
        %parallel_loop3A_467 = tpu.vector_load %arg17[%parallel_loop3A_466] {strides = array<i32>} : memref<16384xf32, #tpu.memory_space<vmem>>, vector<16xf32>,
        %parallel_loop3A_468 = vector.shape_cast %parallel_loop3A_467 : vector<16xf32> to vector<16xf32>
        %parallel_loop3A_469 = vector.shape_cast %parallel_loop3A_461 : vector<16xf32> to vector<16xf32>
        tpu.vector_store %arg17[%parallel_loop3A_466], %parallel_loop3A_469 {strides = array<i32>} : memref<16384xf32, #tpu.memory_space<vmem>>, vector<16xf32>,
        %parallel_loop3A_470 = arith.constant 32 : i32
        %parallel_loop3A_471 = arith.addi %parallel_loop3A_441, %parallel_loop3A_470 : i32
        %parallel_loop3A_472 = arith.index_cast %parallel_loop3A_439 : i32 to index
        %parallel_loop3A_473 = arith.index_cast %parallel_loop3A_471 : i32 to index
        %parallel_loop3A_474 = tpu.vector_load %arg15[%parallel_loop3A_472, %parallel_loop3A_473] {strides = array<i32>} : memref<256x120xf32, #tpu.memory_space<vmem>>, vector<1x16xf32>,
        %parallel_loop3A_475 = vector.shape_cast %parallel_loop3A_474 : vector<1x16xf32> to vector<16xf32>
        %parallel_loop3A_476 = arith.constant 64 : i32
        %parallel_loop3A_477 = arith.muli %parallel_loop3A_476, %parallel_loop3A_439 : i32
        %parallel_loop3A_478 = arith.constant 32 : i32
        %parallel_loop3A_479 = arith.addi %parallel_loop3A_477, %parallel_loop3A_478 : i32
        %parallel_loop3A_480 = arith.index_cast %parallel_loop3A_479 : i32 to index
        %parallel_loop3A_481 = tpu.vector_load %arg17[%parallel_loop3A_480] {strides = array<i32>} : memref<16384xf32, #tpu.memory_space<vmem>>, vector<16xf32>,
        %parallel_loop3A_482 = vector.shape_cast %parallel_loop3A_481 : vector<16xf32> to vector<16xf32>
        %parallel_loop3A_483 = vector.shape_cast %parallel_loop3A_475 : vector<16xf32> to vector<16xf32>
        tpu.vector_store %arg17[%parallel_loop3A_480], %parallel_loop3A_483 {strides = array<i32>} : memref<16384xf32, #tpu.memory_space<vmem>>, vector<16xf32>,
        %parallel_loop3A_484 = arith.constant 48 : i32
        %parallel_loop3A_485 = arith.addi %parallel_loop3A_441, %parallel_loop3A_484 : i32
        %parallel_loop3A_486 = arith.index_cast %parallel_loop3A_439 : i32 to index
        %parallel_loop3A_487 = arith.index_cast %parallel_loop3A_485 : i32 to index
        %parallel_loop3A_488 = tpu.vector_load %arg15[%parallel_loop3A_486, %parallel_loop3A_487] {strides = array<i32>} : memref<256x120xf32, #tpu.memory_space<vmem>>, vector<1x16xf32>,
        %parallel_loop3A_489 = vector.shape_cast %parallel_loop3A_488 : vector<1x16xf32> to vector<16xf32>
        %parallel_loop3A_490 = vector.extract_strided_slice %parallel_loop3A_90 {offsets = [5], sizes = [1], strides = [1]} : vector<16xi32> to vector<1xi32>
        %parallel_loop3A_491 = vector.extract %parallel_loop3A_490[0] : i32 from vector<1xi32>
        %parallel_loop3A_492 = arith.index_cast %parallel_loop3A_491 : i32 to index
        %parallel_loop3A_493 = arith.constant 0 : index
        %parallel_loop3A_494 = tpu.vector_load %arg18[%parallel_loop3A_492, %parallel_loop3A_493] {strides = array<i32>} : memref<200x16xf32, #tpu.memory_space<vmem>>, vector<1x16xf32>,
        %parallel_loop3A_495 = vector.shape_cast %parallel_loop3A_494 : vector<1x16xf32> to vector<16xf32>
        %parallel_loop3A_496 = arith.select %lt3A_4, %parallel_loop3A_489, %parallel_loop3A_495 : vector<16xi1>, vector<16xf32>
        %parallel_loop3A_497 = arith.constant 64 : i32
        %parallel_loop3A_498 = arith.muli %parallel_loop3A_497, %parallel_loop3A_439 : i32
        %parallel_loop3A_499 = arith.constant 48 : i32
        %parallel_loop3A_500 = arith.addi %parallel_loop3A_498, %parallel_loop3A_499 : i32
        %parallel_loop3A_501 = arith.index_cast %parallel_loop3A_500 : i32 to index
        %parallel_loop3A_502 = tpu.vector_load %arg17[%parallel_loop3A_501] {strides = array<i32>} : memref<16384xf32, #tpu.memory_space<vmem>>, vector<16xf32>,
        %parallel_loop3A_503 = vector.shape_cast %parallel_loop3A_502 : vector<16xf32> to vector<16xf32>
        %parallel_loop3A_504 = vector.shape_cast %parallel_loop3A_496 : vector<16xf32> to vector<16xf32>
        tpu.vector_store %arg17[%parallel_loop3A_501], %parallel_loop3A_504 {strides = array<i32>} : memref<16384xf32, #tpu.memory_space<vmem>>, vector<16xf32>,
        %parallel_loop3A_505 = arith.constant 16 : i32
        %parallel_loop3A_506 = arith.muli %parallel_loop3A_80, %parallel_loop3A_505 : i32
        %parallel_loop3A_507 = arith.constant 6 : i32
        %parallel_loop3A_508 = arith.addi %parallel_loop3A_506, %parallel_loop3A_507 : i32
        %parallel_loop3A_509 = vector.extract_strided_slice %parallel_loop3A_85 {offsets = [6], sizes = [1], strides = [1]} : vector<16xi32> to vector<1xi32>
        %parallel_loop3A_510 = vector.extract %parallel_loop3A_509[0] : i32 from vector<1xi32>
        %parallel_loop3A_511 = arith.constant 0 : i32
        %parallel_loop3A_512 = arith.addi %parallel_loop3A_510, %parallel_loop3A_511 : i32
        %parallel_loop3A_513 = arith.index_cast %parallel_loop3A_508 : i32 to index
        %parallel_loop3A_514 = arith.index_cast %parallel_loop3A_512 : i32 to index
        %parallel_loop3A_515 = tpu.vector_load %arg15[%parallel_loop3A_513, %parallel_loop3A_514] {strides = array<i32>} : memref<256x120xf32, #tpu.memory_space<vmem>>, vector<1x16xf32>,
        %parallel_loop3A_516 = vector.shape_cast %parallel_loop3A_515 : vector<1x16xf32> to vector<16xf32>
        %parallel_loop3A_517 = arith.constant 64 : i32
        %parallel_loop3A_518 = arith.muli %parallel_loop3A_517, %parallel_loop3A_508 : i32
        %parallel_loop3A_519 = arith.constant 0 : i32
        %parallel_loop3A_520 = arith.addi %parallel_loop3A_518, %parallel_loop3A_519 : i32
        %parallel_loop3A_521 = arith.index_cast %parallel_loop3A_520 : i32 to index
        %parallel_loop3A_522 = tpu.vector_load %arg17[%parallel_loop3A_521] {strides = array<i32>} : memref<16384xf32, #tpu.memory_space<vmem>>, vector<16xf32>,
        %parallel_loop3A_523 = vector.shape_cast %parallel_loop3A_522 : vector<16xf32> to vector<16xf32>
        %parallel_loop3A_524 = vector.shape_cast %parallel_loop3A_516 : vector<16xf32> to vector<16xf32>
        tpu.vector_store %arg17[%parallel_loop3A_521], %parallel_loop3A_524 {strides = array<i32>} : memref<16384xf32, #tpu.memory_space<vmem>>, vector<16xf32>,
        %parallel_loop3A_525 = arith.constant 16 : i32
        %parallel_loop3A_526 = arith.addi %parallel_loop3A_510, %parallel_loop3A_525 : i32
        %parallel_loop3A_527 = arith.index_cast %parallel_loop3A_508 : i32 to index
        %parallel_loop3A_528 = arith.index_cast %parallel_loop3A_526 : i32 to index
        %parallel_loop3A_529 = tpu.vector_load %arg15[%parallel_loop3A_527, %parallel_loop3A_528] {strides = array<i32>} : memref<256x120xf32, #tpu.memory_space<vmem>>, vector<1x16xf32>,
        %parallel_loop3A_530 = vector.shape_cast %parallel_loop3A_529 : vector<1x16xf32> to vector<16xf32>
        %parallel_loop3A_531 = arith.constant 64 : i32
        %parallel_loop3A_532 = arith.muli %parallel_loop3A_531, %parallel_loop3A_508 : i32
        %parallel_loop3A_533 = arith.constant 16 : i32
        %parallel_loop3A_534 = arith.addi %parallel_loop3A_532, %parallel_loop3A_533 : i32
        %parallel_loop3A_535 = arith.index_cast %parallel_loop3A_534 : i32 to index
        %parallel_loop3A_536 = tpu.vector_load %arg17[%parallel_loop3A_535] {strides = array<i32>} : memref<16384xf32, #tpu.memory_space<vmem>>, vector<16xf32>,
        %parallel_loop3A_537 = vector.shape_cast %parallel_loop3A_536 : vector<16xf32> to vector<16xf32>
        %parallel_loop3A_538 = vector.shape_cast %parallel_loop3A_530 : vector<16xf32> to vector<16xf32>
        tpu.vector_store %arg17[%parallel_loop3A_535], %parallel_loop3A_538 {strides = array<i32>} : memref<16384xf32, #tpu.memory_space<vmem>>, vector<16xf32>,
        %parallel_loop3A_539 = arith.constant 32 : i32
        %parallel_loop3A_540 = arith.addi %parallel_loop3A_510, %parallel_loop3A_539 : i32
        %parallel_loop3A_541 = arith.index_cast %parallel_loop3A_508 : i32 to index
        %parallel_loop3A_542 = arith.index_cast %parallel_loop3A_540 : i32 to index
        %parallel_loop3A_543 = tpu.vector_load %arg15[%parallel_loop3A_541, %parallel_loop3A_542] {strides = array<i32>} : memref<256x120xf32, #tpu.memory_space<vmem>>, vector<1x16xf32>,
        %parallel_loop3A_544 = vector.shape_cast %parallel_loop3A_543 : vector<1x16xf32> to vector<16xf32>
        %parallel_loop3A_545 = arith.constant 64 : i32
        %parallel_loop3A_546 = arith.muli %parallel_loop3A_545, %parallel_loop3A_508 : i32
        %parallel_loop3A_547 = arith.constant 32 : i32
        %parallel_loop3A_548 = arith.addi %parallel_loop3A_546, %parallel_loop3A_547 : i32
        %parallel_loop3A_549 = arith.index_cast %parallel_loop3A_548 : i32 to index
        %parallel_loop3A_550 = tpu.vector_load %arg17[%parallel_loop3A_549] {strides = array<i32>} : memref<16384xf32, #tpu.memory_space<vmem>>, vector<16xf32>,
        %parallel_loop3A_551 = vector.shape_cast %parallel_loop3A_550 : vector<16xf32> to vector<16xf32>
        %parallel_loop3A_552 = vector.shape_cast %parallel_loop3A_544 : vector<16xf32> to vector<16xf32>
        tpu.vector_store %arg17[%parallel_loop3A_549], %parallel_loop3A_552 {strides = array<i32>} : memref<16384xf32, #tpu.memory_space<vmem>>, vector<16xf32>,
        %parallel_loop3A_553 = arith.constant 48 : i32
        %parallel_loop3A_554 = arith.addi %parallel_loop3A_510, %parallel_loop3A_553 : i32
        %parallel_loop3A_555 = arith.index_cast %parallel_loop3A_508 : i32 to index
        %parallel_loop3A_556 = arith.index_cast %parallel_loop3A_554 : i32 to index
        %parallel_loop3A_557 = tpu.vector_load %arg15[%parallel_loop3A_555, %parallel_loop3A_556] {strides = array<i32>} : memref<256x120xf32, #tpu.memory_space<vmem>>, vector<1x16xf32>,
        %parallel_loop3A_558 = vector.shape_cast %parallel_loop3A_557 : vector<1x16xf32> to vector<16xf32>
        %parallel_loop3A_559 = vector.extract_strided_slice %parallel_loop3A_90 {offsets = [6], sizes = [1], strides = [1]} : vector<16xi32> to vector<1xi32>
        %parallel_loop3A_560 = vector.extract %parallel_loop3A_559[0] : i32 from vector<1xi32>
        %parallel_loop3A_561 = arith.index_cast %parallel_loop3A_560 : i32 to index
        %parallel_loop3A_562 = arith.constant 0 : index
        %parallel_loop3A_563 = tpu.vector_load %arg18[%parallel_loop3A_561, %parallel_loop3A_562] {strides = array<i32>} : memref<200x16xf32, #tpu.memory_space<vmem>>, vector<1x16xf32>,
        %parallel_loop3A_564 = vector.shape_cast %parallel_loop3A_563 : vector<1x16xf32> to vector<16xf32>
        %parallel_loop3A_565 = arith.select %lt3A_4, %parallel_loop3A_558, %parallel_loop3A_564 : vector<16xi1>, vector<16xf32>
        %parallel_loop3A_566 = arith.constant 64 : i32
        %parallel_loop3A_567 = arith.muli %parallel_loop3A_566, %parallel_loop3A_508 : i32
        %parallel_loop3A_568 = arith.constant 48 : i32
        %parallel_loop3A_569 = arith.addi %parallel_loop3A_567, %parallel_loop3A_568 : i32
        %parallel_loop3A_570 = arith.index_cast %parallel_loop3A_569 : i32 to index
        %parallel_loop3A_571 = tpu.vector_load %arg17[%parallel_loop3A_570] {strides = array<i32>} : memref<16384xf32, #tpu.memory_space<vmem>>, vector<16xf32>,
        %parallel_loop3A_572 = vector.shape_cast %parallel_loop3A_571 : vector<16xf32> to vector<16xf32>
        %parallel_loop3A_573 = vector.shape_cast %parallel_loop3A_565 : vector<16xf32> to vector<16xf32>
        tpu.vector_store %arg17[%parallel_loop3A_570], %parallel_loop3A_573 {strides = array<i32>} : memref<16384xf32, #tpu.memory_space<vmem>>, vector<16xf32>,
        %parallel_loop3A_574 = arith.constant 16 : i32
        %parallel_loop3A_575 = arith.muli %parallel_loop3A_80, %parallel_loop3A_574 : i32
        %parallel_loop3A_576 = arith.constant 7 : i32
        %parallel_loop3A_577 = arith.addi %parallel_loop3A_575, %parallel_loop3A_576 : i32
        %parallel_loop3A_578 = vector.extract_strided_slice %parallel_loop3A_85 {offsets = [7], sizes = [1], strides = [1]} : vector<16xi32> to vector<1xi32>
        %parallel_loop3A_579 = vector.extract %parallel_loop3A_578[0] : i32 from vector<1xi32>
        %parallel_loop3A_580 = arith.constant 0 : i32
        %parallel_loop3A_581 = arith.addi %parallel_loop3A_579, %parallel_loop3A_580 : i32
        %parallel_loop3A_582 = arith.index_cast %parallel_loop3A_577 : i32 to index
        %parallel_loop3A_583 = arith.index_cast %parallel_loop3A_581 : i32 to index
        %parallel_loop3A_584 = tpu.vector_load %arg15[%parallel_loop3A_582, %parallel_loop3A_583] {strides = array<i32>} : memref<256x120xf32, #tpu.memory_space<vmem>>, vector<1x16xf32>,
        %parallel_loop3A_585 = vector.shape_cast %parallel_loop3A_584 : vector<1x16xf32> to vector<16xf32>
        %parallel_loop3A_586 = arith.constant 64 : i32
        %parallel_loop3A_587 = arith.muli %parallel_loop3A_586, %parallel_loop3A_577 : i32
        %parallel_loop3A_588 = arith.constant 0 : i32
        %parallel_loop3A_589 = arith.addi %parallel_loop3A_587, %parallel_loop3A_588 : i32
        %parallel_loop3A_590 = arith.index_cast %parallel_loop3A_589 : i32 to index
        %parallel_loop3A_591 = tpu.vector_load %arg17[%parallel_loop3A_590] {strides = array<i32>} : memref<16384xf32, #tpu.memory_space<vmem>>, vector<16xf32>,
        %parallel_loop3A_592 = vector.shape_cast %parallel_loop3A_591 : vector<16xf32> to vector<16xf32>
        %parallel_loop3A_593 = vector.shape_cast %parallel_loop3A_585 : vector<16xf32> to vector<16xf32>
        tpu.vector_store %arg17[%parallel_loop3A_590], %parallel_loop3A_593 {strides = array<i32>} : memref<16384xf32, #tpu.memory_space<vmem>>, vector<16xf32>,
        %parallel_loop3A_594 = arith.constant 16 : i32
        %parallel_loop3A_595 = arith.addi %parallel_loop3A_579, %parallel_loop3A_594 : i32
        %parallel_loop3A_596 = arith.index_cast %parallel_loop3A_577 : i32 to index
        %parallel_loop3A_597 = arith.index_cast %parallel_loop3A_595 : i32 to index
        %parallel_loop3A_598 = tpu.vector_load %arg15[%parallel_loop3A_596, %parallel_loop3A_597] {strides = array<i32>} : memref<256x120xf32, #tpu.memory_space<vmem>>, vector<1x16xf32>,
        %parallel_loop3A_599 = vector.shape_cast %parallel_loop3A_598 : vector<1x16xf32> to vector<16xf32>
        %parallel_loop3A_600 = arith.constant 64 : i32
        %parallel_loop3A_601 = arith.muli %parallel_loop3A_600, %parallel_loop3A_577 : i32
        %parallel_loop3A_602 = arith.constant 16 : i32
        %parallel_loop3A_603 = arith.addi %parallel_loop3A_601, %parallel_loop3A_602 : i32
        %parallel_loop3A_604 = arith.index_cast %parallel_loop3A_603 : i32 to index
        %parallel_loop3A_605 = tpu.vector_load %arg17[%parallel_loop3A_604] {strides = array<i32>} : memref<16384xf32, #tpu.memory_space<vmem>>, vector<16xf32>,
        %parallel_loop3A_606 = vector.shape_cast %parallel_loop3A_605 : vector<16xf32> to vector<16xf32>
        %parallel_loop3A_607 = vector.shape_cast %parallel_loop3A_599 : vector<16xf32> to vector<16xf32>
        tpu.vector_store %arg17[%parallel_loop3A_604], %parallel_loop3A_607 {strides = array<i32>} : memref<16384xf32, #tpu.memory_space<vmem>>, vector<16xf32>,
        %parallel_loop3A_608 = arith.constant 32 : i32
        %parallel_loop3A_609 = arith.addi %parallel_loop3A_579, %parallel_loop3A_608 : i32
        %parallel_loop3A_610 = arith.index_cast %parallel_loop3A_577 : i32 to index
        %parallel_loop3A_611 = arith.index_cast %parallel_loop3A_609 : i32 to index
        %parallel_loop3A_612 = tpu.vector_load %arg15[%parallel_loop3A_610, %parallel_loop3A_611] {strides = array<i32>} : memref<256x120xf32, #tpu.memory_space<vmem>>, vector<1x16xf32>,
        %parallel_loop3A_613 = vector.shape_cast %parallel_loop3A_612 : vector<1x16xf32> to vector<16xf32>
        %parallel_loop3A_614 = arith.constant 64 : i32
        %parallel_loop3A_615 = arith.muli %parallel_loop3A_614, %parallel_loop3A_577 : i32
        %parallel_loop3A_616 = arith.constant 32 : i32
        %parallel_loop3A_617 = arith.addi %parallel_loop3A_615, %parallel_loop3A_616 : i32
        %parallel_loop3A_618 = arith.index_cast %parallel_loop3A_617 : i32 to index
        %parallel_loop3A_619 = tpu.vector_load %arg17[%parallel_loop3A_618] {strides = array<i32>} : memref<16384xf32, #tpu.memory_space<vmem>>, vector<16xf32>,
        %parallel_loop3A_620 = vector.shape_cast %parallel_loop3A_619 : vector<16xf32> to vector<16xf32>
        %parallel_loop3A_621 = vector.shape_cast %parallel_loop3A_613 : vector<16xf32> to vector<16xf32>
        tpu.vector_store %arg17[%parallel_loop3A_618], %parallel_loop3A_621 {strides = array<i32>} : memref<16384xf32, #tpu.memory_space<vmem>>, vector<16xf32>,
        %parallel_loop3A_622 = arith.constant 48 : i32
        %parallel_loop3A_623 = arith.addi %parallel_loop3A_579, %parallel_loop3A_622 : i32
        %parallel_loop3A_624 = arith.index_cast %parallel_loop3A_577 : i32 to index
        %parallel_loop3A_625 = arith.index_cast %parallel_loop3A_623 : i32 to index
        %parallel_loop3A_626 = tpu.vector_load %arg15[%parallel_loop3A_624, %parallel_loop3A_625] {strides = array<i32>} : memref<256x120xf32, #tpu.memory_space<vmem>>, vector<1x16xf32>,
        %parallel_loop3A_627 = vector.shape_cast %parallel_loop3A_626 : vector<1x16xf32> to vector<16xf32>
        %parallel_loop3A_628 = vector.extract_strided_slice %parallel_loop3A_90 {offsets = [7], sizes = [1], strides = [1]} : vector<16xi32> to vector<1xi32>
        %parallel_loop3A_629 = vector.extract %parallel_loop3A_628[0] : i32 from vector<1xi32>
        %parallel_loop3A_630 = arith.index_cast %parallel_loop3A_629 : i32 to index
        %parallel_loop3A_631 = arith.constant 0 : index
        %parallel_loop3A_632 = tpu.vector_load %arg18[%parallel_loop3A_630, %parallel_loop3A_631] {strides = array<i32>} : memref<200x16xf32, #tpu.memory_space<vmem>>, vector<1x16xf32>,
        %parallel_loop3A_633 = vector.shape_cast %parallel_loop3A_632 : vector<1x16xf32> to vector<16xf32>
        %parallel_loop3A_634 = arith.select %lt3A_4, %parallel_loop3A_627, %parallel_loop3A_633 : vector<16xi1>, vector<16xf32>
        %parallel_loop3A_635 = arith.constant 64 : i32
        %parallel_loop3A_636 = arith.muli %parallel_loop3A_635, %parallel_loop3A_577 : i32
        %parallel_loop3A_637 = arith.constant 48 : i32
        %parallel_loop3A_638 = arith.addi %parallel_loop3A_636, %parallel_loop3A_637 : i32
        %parallel_loop3A_639 = arith.index_cast %parallel_loop3A_638 : i32 to index
        %parallel_loop3A_640 = tpu.vector_load %arg17[%parallel_loop3A_639] {strides = array<i32>} : memref<16384xf32, #tpu.memory_space<vmem>>, vector<16xf32>,
        %parallel_loop3A_641 = vector.shape_cast %parallel_loop3A_640 : vector<16xf32> to vector<16xf32>
        %parallel_loop3A_642 = vector.shape_cast %parallel_loop3A_634 : vector<16xf32> to vector<16xf32>
        tpu.vector_store %arg17[%parallel_loop3A_639], %parallel_loop3A_642 {strides = array<i32>} : memref<16384xf32, #tpu.memory_space<vmem>>, vector<16xf32>,
        %parallel_loop3A_643 = arith.constant 16 : i32
        %parallel_loop3A_644 = arith.muli %parallel_loop3A_80, %parallel_loop3A_643 : i32
        %parallel_loop3A_645 = arith.constant 8 : i32
        %parallel_loop3A_646 = arith.addi %parallel_loop3A_644, %parallel_loop3A_645 : i32
        %parallel_loop3A_647 = vector.extract_strided_slice %parallel_loop3A_85 {offsets = [8], sizes = [1], strides = [1]} : vector<16xi32> to vector<1xi32>
        %parallel_loop3A_648 = vector.extract %parallel_loop3A_647[0] : i32 from vector<1xi32>
        %parallel_loop3A_649 = arith.constant 0 : i32
        %parallel_loop3A_650 = arith.addi %parallel_loop3A_648, %parallel_loop3A_649 : i32
        %parallel_loop3A_651 = arith.index_cast %parallel_loop3A_646 : i32 to index
        %parallel_loop3A_652 = arith.index_cast %parallel_loop3A_650 : i32 to index
        %parallel_loop3A_653 = tpu.vector_load %arg15[%parallel_loop3A_651, %parallel_loop3A_652] {strides = array<i32>} : memref<256x120xf32, #tpu.memory_space<vmem>>, vector<1x16xf32>,
        %parallel_loop3A_654 = vector.shape_cast %parallel_loop3A_653 : vector<1x16xf32> to vector<16xf32>
        %parallel_loop3A_655 = arith.constant 64 : i32
        %parallel_loop3A_656 = arith.muli %parallel_loop3A_655, %parallel_loop3A_646 : i32
        %parallel_loop3A_657 = arith.constant 0 : i32
        %parallel_loop3A_658 = arith.addi %parallel_loop3A_656, %parallel_loop3A_657 : i32
        %parallel_loop3A_659 = arith.index_cast %parallel_loop3A_658 : i32 to index
        %parallel_loop3A_660 = tpu.vector_load %arg17[%parallel_loop3A_659] {strides = array<i32>} : memref<16384xf32, #tpu.memory_space<vmem>>, vector<16xf32>,
        %parallel_loop3A_661 = vector.shape_cast %parallel_loop3A_660 : vector<16xf32> to vector<16xf32>
        %parallel_loop3A_662 = vector.shape_cast %parallel_loop3A_654 : vector<16xf32> to vector<16xf32>
        tpu.vector_store %arg17[%parallel_loop3A_659], %parallel_loop3A_662 {strides = array<i32>} : memref<16384xf32, #tpu.memory_space<vmem>>, vector<16xf32>,
        %parallel_loop3A_663 = arith.constant 16 : i32
        %parallel_loop3A_664 = arith.addi %parallel_loop3A_648, %parallel_loop3A_663 : i32
        %parallel_loop3A_665 = arith.index_cast %parallel_loop3A_646 : i32 to index
        %parallel_loop3A_666 = arith.index_cast %parallel_loop3A_664 : i32 to index
        %parallel_loop3A_667 = tpu.vector_load %arg15[%parallel_loop3A_665, %parallel_loop3A_666] {strides = array<i32>} : memref<256x120xf32, #tpu.memory_space<vmem>>, vector<1x16xf32>,
        %parallel_loop3A_668 = vector.shape_cast %parallel_loop3A_667 : vector<1x16xf32> to vector<16xf32>
        %parallel_loop3A_669 = arith.constant 64 : i32
        %parallel_loop3A_670 = arith.muli %parallel_loop3A_669, %parallel_loop3A_646 : i32
        %parallel_loop3A_671 = arith.constant 16 : i32
        %parallel_loop3A_672 = arith.addi %parallel_loop3A_670, %parallel_loop3A_671 : i32
        %parallel_loop3A_673 = arith.index_cast %parallel_loop3A_672 : i32 to index
        %parallel_loop3A_674 = tpu.vector_load %arg17[%parallel_loop3A_673] {strides = array<i32>} : memref<16384xf32, #tpu.memory_space<vmem>>, vector<16xf32>,
        %parallel_loop3A_675 = vector.shape_cast %parallel_loop3A_674 : vector<16xf32> to vector<16xf32>
        %parallel_loop3A_676 = vector.shape_cast %parallel_loop3A_668 : vector<16xf32> to vector<16xf32>
        tpu.vector_store %arg17[%parallel_loop3A_673], %parallel_loop3A_676 {strides = array<i32>} : memref<16384xf32, #tpu.memory_space<vmem>>, vector<16xf32>,
        %parallel_loop3A_677 = arith.constant 32 : i32
        %parallel_loop3A_678 = arith.addi %parallel_loop3A_648, %parallel_loop3A_677 : i32
        %parallel_loop3A_679 = arith.index_cast %parallel_loop3A_646 : i32 to index
        %parallel_loop3A_680 = arith.index_cast %parallel_loop3A_678 : i32 to index
        %parallel_loop3A_681 = tpu.vector_load %arg15[%parallel_loop3A_679, %parallel_loop3A_680] {strides = array<i32>} : memref<256x120xf32, #tpu.memory_space<vmem>>, vector<1x16xf32>,
        %parallel_loop3A_682 = vector.shape_cast %parallel_loop3A_681 : vector<1x16xf32> to vector<16xf32>
        %parallel_loop3A_683 = arith.constant 64 : i32
        %parallel_loop3A_684 = arith.muli %parallel_loop3A_683, %parallel_loop3A_646 : i32
        %parallel_loop3A_685 = arith.constant 32 : i32
        %parallel_loop3A_686 = arith.addi %parallel_loop3A_684, %parallel_loop3A_685 : i32
        %parallel_loop3A_687 = arith.index_cast %parallel_loop3A_686 : i32 to index
        %parallel_loop3A_688 = tpu.vector_load %arg17[%parallel_loop3A_687] {strides = array<i32>} : memref<16384xf32, #tpu.memory_space<vmem>>, vector<16xf32>,
        %parallel_loop3A_689 = vector.shape_cast %parallel_loop3A_688 : vector<16xf32> to vector<16xf32>
        %parallel_loop3A_690 = vector.shape_cast %parallel_loop3A_682 : vector<16xf32> to vector<16xf32>
        tpu.vector_store %arg17[%parallel_loop3A_687], %parallel_loop3A_690 {strides = array<i32>} : memref<16384xf32, #tpu.memory_space<vmem>>, vector<16xf32>,
        %parallel_loop3A_691 = arith.constant 48 : i32
        %parallel_loop3A_692 = arith.addi %parallel_loop3A_648, %parallel_loop3A_691 : i32
        %parallel_loop3A_693 = arith.index_cast %parallel_loop3A_646 : i32 to index
        %parallel_loop3A_694 = arith.index_cast %parallel_loop3A_692 : i32 to index
        %parallel_loop3A_695 = tpu.vector_load %arg15[%parallel_loop3A_693, %parallel_loop3A_694] {strides = array<i32>} : memref<256x120xf32, #tpu.memory_space<vmem>>, vector<1x16xf32>,
        %parallel_loop3A_696 = vector.shape_cast %parallel_loop3A_695 : vector<1x16xf32> to vector<16xf32>
        %parallel_loop3A_697 = vector.extract_strided_slice %parallel_loop3A_90 {offsets = [8], sizes = [1], strides = [1]} : vector<16xi32> to vector<1xi32>
        %parallel_loop3A_698 = vector.extract %parallel_loop3A_697[0] : i32 from vector<1xi32>
        %parallel_loop3A_699 = arith.index_cast %parallel_loop3A_698 : i32 to index
        %parallel_loop3A_700 = arith.constant 0 : index
        %parallel_loop3A_701 = tpu.vector_load %arg18[%parallel_loop3A_699, %parallel_loop3A_700] {strides = array<i32>} : memref<200x16xf32, #tpu.memory_space<vmem>>, vector<1x16xf32>,
        %parallel_loop3A_702 = vector.shape_cast %parallel_loop3A_701 : vector<1x16xf32> to vector<16xf32>
        %parallel_loop3A_703 = arith.select %lt3A_4, %parallel_loop3A_696, %parallel_loop3A_702 : vector<16xi1>, vector<16xf32>
        %parallel_loop3A_704 = arith.constant 64 : i32
        %parallel_loop3A_705 = arith.muli %parallel_loop3A_704, %parallel_loop3A_646 : i32
        %parallel_loop3A_706 = arith.constant 48 : i32
        %parallel_loop3A_707 = arith.addi %parallel_loop3A_705, %parallel_loop3A_706 : i32
        %parallel_loop3A_708 = arith.index_cast %parallel_loop3A_707 : i32 to index
        %parallel_loop3A_709 = tpu.vector_load %arg17[%parallel_loop3A_708] {strides = array<i32>} : memref<16384xf32, #tpu.memory_space<vmem>>, vector<16xf32>,
        %parallel_loop3A_710 = vector.shape_cast %parallel_loop3A_709 : vector<16xf32> to vector<16xf32>
        %parallel_loop3A_711 = vector.shape_cast %parallel_loop3A_703 : vector<16xf32> to vector<16xf32>
        tpu.vector_store %arg17[%parallel_loop3A_708], %parallel_loop3A_711 {strides = array<i32>} : memref<16384xf32, #tpu.memory_space<vmem>>, vector<16xf32>,
        %parallel_loop3A_712 = arith.constant 16 : i32
        %parallel_loop3A_713 = arith.muli %parallel_loop3A_80, %parallel_loop3A_712 : i32
        %parallel_loop3A_714 = arith.constant 9 : i32
        %parallel_loop3A_715 = arith.addi %parallel_loop3A_713, %parallel_loop3A_714 : i32
        %parallel_loop3A_716 = vector.extract_strided_slice %parallel_loop3A_85 {offsets = [9], sizes = [1], strides = [1]} : vector<16xi32> to vector<1xi32>
        %parallel_loop3A_717 = vector.extract %parallel_loop3A_716[0] : i32 from vector<1xi32>
        %parallel_loop3A_718 = arith.constant 0 : i32
        %parallel_loop3A_719 = arith.addi %parallel_loop3A_717, %parallel_loop3A_718 : i32
        %parallel_loop3A_720 = arith.index_cast %parallel_loop3A_715 : i32 to index
        %parallel_loop3A_721 = arith.index_cast %parallel_loop3A_719 : i32 to index
        %parallel_loop3A_722 = tpu.vector_load %arg15[%parallel_loop3A_720, %parallel_loop3A_721] {strides = array<i32>} : memref<256x120xf32, #tpu.memory_space<vmem>>, vector<1x16xf32>,
        %parallel_loop3A_723 = vector.shape_cast %parallel_loop3A_722 : vector<1x16xf32> to vector<16xf32>
        %parallel_loop3A_724 = arith.constant 64 : i32
        %parallel_loop3A_725 = arith.muli %parallel_loop3A_724, %parallel_loop3A_715 : i32
        %parallel_loop3A_726 = arith.constant 0 : i32
        %parallel_loop3A_727 = arith.addi %parallel_loop3A_725, %parallel_loop3A_726 : i32
        %parallel_loop3A_728 = arith.index_cast %parallel_loop3A_727 : i32 to index
        %parallel_loop3A_729 = tpu.vector_load %arg17[%parallel_loop3A_728] {strides = array<i32>} : memref<16384xf32, #tpu.memory_space<vmem>>, vector<16xf32>,
        %parallel_loop3A_730 = vector.shape_cast %parallel_loop3A_729 : vector<16xf32> to vector<16xf32>
        %parallel_loop3A_731 = vector.shape_cast %parallel_loop3A_723 : vector<16xf32> to vector<16xf32>
        tpu.vector_store %arg17[%parallel_loop3A_728], %parallel_loop3A_731 {strides = array<i32>} : memref<16384xf32, #tpu.memory_space<vmem>>, vector<16xf32>,
        %parallel_loop3A_732 = arith.constant 16 : i32
        %parallel_loop3A_733 = arith.addi %parallel_loop3A_717, %parallel_loop3A_732 : i32
        %parallel_loop3A_734 = arith.index_cast %parallel_loop3A_715 : i32 to index
        %parallel_loop3A_735 = arith.index_cast %parallel_loop3A_733 : i32 to index
        %parallel_loop3A_736 = tpu.vector_load %arg15[%parallel_loop3A_734, %parallel_loop3A_735] {strides = array<i32>} : memref<256x120xf32, #tpu.memory_space<vmem>>, vector<1x16xf32>,
        %parallel_loop3A_737 = vector.shape_cast %parallel_loop3A_736 : vector<1x16xf32> to vector<16xf32>
        %parallel_loop3A_738 = arith.constant 64 : i32
        %parallel_loop3A_739 = arith.muli %parallel_loop3A_738, %parallel_loop3A_715 : i32
        %parallel_loop3A_740 = arith.constant 16 : i32
        %parallel_loop3A_741 = arith.addi %parallel_loop3A_739, %parallel_loop3A_740 : i32
        %parallel_loop3A_742 = arith.index_cast %parallel_loop3A_741 : i32 to index
        %parallel_loop3A_743 = tpu.vector_load %arg17[%parallel_loop3A_742] {strides = array<i32>} : memref<16384xf32, #tpu.memory_space<vmem>>, vector<16xf32>,
        %parallel_loop3A_744 = vector.shape_cast %parallel_loop3A_743 : vector<16xf32> to vector<16xf32>
        %parallel_loop3A_745 = vector.shape_cast %parallel_loop3A_737 : vector<16xf32> to vector<16xf32>
        tpu.vector_store %arg17[%parallel_loop3A_742], %parallel_loop3A_745 {strides = array<i32>} : memref<16384xf32, #tpu.memory_space<vmem>>, vector<16xf32>,
        %parallel_loop3A_746 = arith.constant 32 : i32
        %parallel_loop3A_747 = arith.addi %parallel_loop3A_717, %parallel_loop3A_746 : i32
        %parallel_loop3A_748 = arith.index_cast %parallel_loop3A_715 : i32 to index
        %parallel_loop3A_749 = arith.index_cast %parallel_loop3A_747 : i32 to index
        %parallel_loop3A_750 = tpu.vector_load %arg15[%parallel_loop3A_748, %parallel_loop3A_749] {strides = array<i32>} : memref<256x120xf32, #tpu.memory_space<vmem>>, vector<1x16xf32>,
        %parallel_loop3A_751 = vector.shape_cast %parallel_loop3A_750 : vector<1x16xf32> to vector<16xf32>
        %parallel_loop3A_752 = arith.constant 64 : i32
        %parallel_loop3A_753 = arith.muli %parallel_loop3A_752, %parallel_loop3A_715 : i32
        %parallel_loop3A_754 = arith.constant 32 : i32
        %parallel_loop3A_755 = arith.addi %parallel_loop3A_753, %parallel_loop3A_754 : i32
        %parallel_loop3A_756 = arith.index_cast %parallel_loop3A_755 : i32 to index
        %parallel_loop3A_757 = tpu.vector_load %arg17[%parallel_loop3A_756] {strides = array<i32>} : memref<16384xf32, #tpu.memory_space<vmem>>, vector<16xf32>,
        %parallel_loop3A_758 = vector.shape_cast %parallel_loop3A_757 : vector<16xf32> to vector<16xf32>
        %parallel_loop3A_759 = vector.shape_cast %parallel_loop3A_751 : vector<16xf32> to vector<16xf32>
        tpu.vector_store %arg17[%parallel_loop3A_756], %parallel_loop3A_759 {strides = array<i32>} : memref<16384xf32, #tpu.memory_space<vmem>>, vector<16xf32>,
        %parallel_loop3A_760 = arith.constant 48 : i32
        %parallel_loop3A_761 = arith.addi %parallel_loop3A_717, %parallel_loop3A_760 : i32
        %parallel_loop3A_762 = arith.index_cast %parallel_loop3A_715 : i32 to index
        %parallel_loop3A_763 = arith.index_cast %parallel_loop3A_761 : i32 to index
        %parallel_loop3A_764 = tpu.vector_load %arg15[%parallel_loop3A_762, %parallel_loop3A_763] {strides = array<i32>} : memref<256x120xf32, #tpu.memory_space<vmem>>, vector<1x16xf32>,
        %parallel_loop3A_765 = vector.shape_cast %parallel_loop3A_764 : vector<1x16xf32> to vector<16xf32>
        %parallel_loop3A_766 = vector.extract_strided_slice %parallel_loop3A_90 {offsets = [9], sizes = [1], strides = [1]} : vector<16xi32> to vector<1xi32>
        %parallel_loop3A_767 = vector.extract %parallel_loop3A_766[0] : i32 from vector<1xi32>
        %parallel_loop3A_768 = arith.index_cast %parallel_loop3A_767 : i32 to index
        %parallel_loop3A_769 = arith.constant 0 : index
        %parallel_loop3A_770 = tpu.vector_load %arg18[%parallel_loop3A_768, %parallel_loop3A_769] {strides = array<i32>} : memref<200x16xf32, #tpu.memory_space<vmem>>, vector<1x16xf32>,
        %parallel_loop3A_771 = vector.shape_cast %parallel_loop3A_770 : vector<1x16xf32> to vector<16xf32>
        %parallel_loop3A_772 = arith.select %lt3A_4, %parallel_loop3A_765, %parallel_loop3A_771 : vector<16xi1>, vector<16xf32>
        %parallel_loop3A_773 = arith.constant 64 : i32
        %parallel_loop3A_774 = arith.muli %parallel_loop3A_773, %parallel_loop3A_715 : i32
        %parallel_loop3A_775 = arith.constant 48 : i32
        %parallel_loop3A_776 = arith.addi %parallel_loop3A_774, %parallel_loop3A_775 : i32
        %parallel_loop3A_777 = arith.index_cast %parallel_loop3A_776 : i32 to index
        %parallel_loop3A_778 = tpu.vector_load %arg17[%parallel_loop3A_777] {strides = array<i32>} : memref<16384xf32, #tpu.memory_space<vmem>>, vector<16xf32>,
        %parallel_loop3A_779 = vector.shape_cast %parallel_loop3A_778 : vector<16xf32> to vector<16xf32>
        %parallel_loop3A_780 = vector.shape_cast %parallel_loop3A_772 : vector<16xf32> to vector<16xf32>
        tpu.vector_store %arg17[%parallel_loop3A_777], %parallel_loop3A_780 {strides = array<i32>} : memref<16384xf32, #tpu.memory_space<vmem>>, vector<16xf32>,
        %parallel_loop3A_781 = arith.constant 16 : i32
        %parallel_loop3A_782 = arith.muli %parallel_loop3A_80, %parallel_loop3A_781 : i32
        %parallel_loop3A_783 = arith.constant 10 : i32
        %parallel_loop3A_784 = arith.addi %parallel_loop3A_782, %parallel_loop3A_783 : i32
        %parallel_loop3A_785 = vector.extract_strided_slice %parallel_loop3A_85 {offsets = [10], sizes = [1], strides = [1]} : vector<16xi32> to vector<1xi32>
        %parallel_loop3A_786 = vector.extract %parallel_loop3A_785[0] : i32 from vector<1xi32>
        %parallel_loop3A_787 = arith.constant 0 : i32
        %parallel_loop3A_788 = arith.addi %parallel_loop3A_786, %parallel_loop3A_787 : i32
        %parallel_loop3A_789 = arith.index_cast %parallel_loop3A_784 : i32 to index
        %parallel_loop3A_790 = arith.index_cast %parallel_loop3A_788 : i32 to index
        %parallel_loop3A_791 = tpu.vector_load %arg15[%parallel_loop3A_789, %parallel_loop3A_790] {strides = array<i32>} : memref<256x120xf32, #tpu.memory_space<vmem>>, vector<1x16xf32>,
        %parallel_loop3A_792 = vector.shape_cast %parallel_loop3A_791 : vector<1x16xf32> to vector<16xf32>
        %parallel_loop3A_793 = arith.constant 64 : i32
        %parallel_loop3A_794 = arith.muli %parallel_loop3A_793, %parallel_loop3A_784 : i32
        %parallel_loop3A_795 = arith.constant 0 : i32
        %parallel_loop3A_796 = arith.addi %parallel_loop3A_794, %parallel_loop3A_795 : i32
        %parallel_loop3A_797 = arith.index_cast %parallel_loop3A_796 : i32 to index
        %parallel_loop3A_798 = tpu.vector_load %arg17[%parallel_loop3A_797] {strides = array<i32>} : memref<16384xf32, #tpu.memory_space<vmem>>, vector<16xf32>,
        %parallel_loop3A_799 = vector.shape_cast %parallel_loop3A_798 : vector<16xf32> to vector<16xf32>
        %parallel_loop3A_800 = vector.shape_cast %parallel_loop3A_792 : vector<16xf32> to vector<16xf32>
        tpu.vector_store %arg17[%parallel_loop3A_797], %parallel_loop3A_800 {strides = array<i32>} : memref<16384xf32, #tpu.memory_space<vmem>>, vector<16xf32>,
        %parallel_loop3A_801 = arith.constant 16 : i32
        %parallel_loop3A_802 = arith.addi %parallel_loop3A_786, %parallel_loop3A_801 : i32
        %parallel_loop3A_803 = arith.index_cast %parallel_loop3A_784 : i32 to index
        %parallel_loop3A_804 = arith.index_cast %parallel_loop3A_802 : i32 to index
        %parallel_loop3A_805 = tpu.vector_load %arg15[%parallel_loop3A_803, %parallel_loop3A_804] {strides = array<i32>} : memref<256x120xf32, #tpu.memory_space<vmem>>, vector<1x16xf32>,
        %parallel_loop3A_806 = vector.shape_cast %parallel_loop3A_805 : vector<1x16xf32> to vector<16xf32>
        %parallel_loop3A_807 = arith.constant 64 : i32
        %parallel_loop3A_808 = arith.muli %parallel_loop3A_807, %parallel_loop3A_784 : i32
        %parallel_loop3A_809 = arith.constant 16 : i32
        %parallel_loop3A_810 = arith.addi %parallel_loop3A_808, %parallel_loop3A_809 : i32
        %parallel_loop3A_811 = arith.index_cast %parallel_loop3A_810 : i32 to index
        %parallel_loop3A_812 = tpu.vector_load %arg17[%parallel_loop3A_811] {strides = array<i32>} : memref<16384xf32, #tpu.memory_space<vmem>>, vector<16xf32>,
        %parallel_loop3A_813 = vector.shape_cast %parallel_loop3A_812 : vector<16xf32> to vector<16xf32>
        %parallel_loop3A_814 = vector.shape_cast %parallel_loop3A_806 : vector<16xf32> to vector<16xf32>
        tpu.vector_store %arg17[%parallel_loop3A_811], %parallel_loop3A_814 {strides = array<i32>} : memref<16384xf32, #tpu.memory_space<vmem>>, vector<16xf32>,
        %parallel_loop3A_815 = arith.constant 32 : i32
        %parallel_loop3A_816 = arith.addi %parallel_loop3A_786, %parallel_loop3A_815 : i32
        %parallel_loop3A_817 = arith.index_cast %parallel_loop3A_784 : i32 to index
        %parallel_loop3A_818 = arith.index_cast %parallel_loop3A_816 : i32 to index
        %parallel_loop3A_819 = tpu.vector_load %arg15[%parallel_loop3A_817, %parallel_loop3A_818] {strides = array<i32>} : memref<256x120xf32, #tpu.memory_space<vmem>>, vector<1x16xf32>,
        %parallel_loop3A_820 = vector.shape_cast %parallel_loop3A_819 : vector<1x16xf32> to vector<16xf32>
        %parallel_loop3A_821 = arith.constant 64 : i32
        %parallel_loop3A_822 = arith.muli %parallel_loop3A_821, %parallel_loop3A_784 : i32
        %parallel_loop3A_823 = arith.constant 32 : i32
        %parallel_loop3A_824 = arith.addi %parallel_loop3A_822, %parallel_loop3A_823 : i32
        %parallel_loop3A_825 = arith.index_cast %parallel_loop3A_824 : i32 to index
        %parallel_loop3A_826 = tpu.vector_load %arg17[%parallel_loop3A_825] {strides = array<i32>} : memref<16384xf32, #tpu.memory_space<vmem>>, vector<16xf32>,
        %parallel_loop3A_827 = vector.shape_cast %parallel_loop3A_826 : vector<16xf32> to vector<16xf32>
        %parallel_loop3A_828 = vector.shape_cast %parallel_loop3A_820 : vector<16xf32> to vector<16xf32>
        tpu.vector_store %arg17[%parallel_loop3A_825], %parallel_loop3A_828 {strides = array<i32>} : memref<16384xf32, #tpu.memory_space<vmem>>, vector<16xf32>,
        %parallel_loop3A_829 = arith.constant 48 : i32
        %parallel_loop3A_830 = arith.addi %parallel_loop3A_786, %parallel_loop3A_829 : i32
        %parallel_loop3A_831 = arith.index_cast %parallel_loop3A_784 : i32 to index
        %parallel_loop3A_832 = arith.index_cast %parallel_loop3A_830 : i32 to index
        %parallel_loop3A_833 = tpu.vector_load %arg15[%parallel_loop3A_831, %parallel_loop3A_832] {strides = array<i32>} : memref<256x120xf32, #tpu.memory_space<vmem>>, vector<1x16xf32>,
        %parallel_loop3A_834 = vector.shape_cast %parallel_loop3A_833 : vector<1x16xf32> to vector<16xf32>
        %parallel_loop3A_835 = vector.extract_strided_slice %parallel_loop3A_90 {offsets = [10], sizes = [1], strides = [1]} : vector<16xi32> to vector<1xi32>
        %parallel_loop3A_836 = vector.extract %parallel_loop3A_835[0] : i32 from vector<1xi32>
        %parallel_loop3A_837 = arith.index_cast %parallel_loop3A_836 : i32 to index
        %parallel_loop3A_838 = arith.constant 0 : index
        %parallel_loop3A_839 = tpu.vector_load %arg18[%parallel_loop3A_837, %parallel_loop3A_838] {strides = array<i32>} : memref<200x16xf32, #tpu.memory_space<vmem>>, vector<1x16xf32>,
        %parallel_loop3A_840 = vector.shape_cast %parallel_loop3A_839 : vector<1x16xf32> to vector<16xf32>
        %parallel_loop3A_841 = arith.select %lt3A_4, %parallel_loop3A_834, %parallel_loop3A_840 : vector<16xi1>, vector<16xf32>
        %parallel_loop3A_842 = arith.constant 64 : i32
        %parallel_loop3A_843 = arith.muli %parallel_loop3A_842, %parallel_loop3A_784 : i32
        %parallel_loop3A_844 = arith.constant 48 : i32
        %parallel_loop3A_845 = arith.addi %parallel_loop3A_843, %parallel_loop3A_844 : i32
        %parallel_loop3A_846 = arith.index_cast %parallel_loop3A_845 : i32 to index
        %parallel_loop3A_847 = tpu.vector_load %arg17[%parallel_loop3A_846] {strides = array<i32>} : memref<16384xf32, #tpu.memory_space<vmem>>, vector<16xf32>,
        %parallel_loop3A_848 = vector.shape_cast %parallel_loop3A_847 : vector<16xf32> to vector<16xf32>
        %parallel_loop3A_849 = vector.shape_cast %parallel_loop3A_841 : vector<16xf32> to vector<16xf32>
        tpu.vector_store %arg17[%parallel_loop3A_846], %parallel_loop3A_849 {strides = array<i32>} : memref<16384xf32, #tpu.memory_space<vmem>>, vector<16xf32>,
        %parallel_loop3A_850 = arith.constant 16 : i32
        %parallel_loop3A_851 = arith.muli %parallel_loop3A_80, %parallel_loop3A_850 : i32
        %parallel_loop3A_852 = arith.constant 11 : i32
        %parallel_loop3A_853 = arith.addi %parallel_loop3A_851, %parallel_loop3A_852 : i32
        %parallel_loop3A_854 = vector.extract_strided_slice %parallel_loop3A_85 {offsets = [11], sizes = [1], strides = [1]} : vector<16xi32> to vector<1xi32>
        %parallel_loop3A_855 = vector.extract %parallel_loop3A_854[0] : i32 from vector<1xi32>
        %parallel_loop3A_856 = arith.constant 0 : i32
        %parallel_loop3A_857 = arith.addi %parallel_loop3A_855, %parallel_loop3A_856 : i32
        %parallel_loop3A_858 = arith.index_cast %parallel_loop3A_853 : i32 to index
        %parallel_loop3A_859 = arith.index_cast %parallel_loop3A_857 : i32 to index
        %parallel_loop3A_860 = tpu.vector_load %arg15[%parallel_loop3A_858, %parallel_loop3A_859] {strides = array<i32>} : memref<256x120xf32, #tpu.memory_space<vmem>>, vector<1x16xf32>,
        %parallel_loop3A_861 = vector.shape_cast %parallel_loop3A_860 : vector<1x16xf32> to vector<16xf32>
        %parallel_loop3A_862 = arith.constant 64 : i32
        %parallel_loop3A_863 = arith.muli %parallel_loop3A_862, %parallel_loop3A_853 : i32
        %parallel_loop3A_864 = arith.constant 0 : i32
        %parallel_loop3A_865 = arith.addi %parallel_loop3A_863, %parallel_loop3A_864 : i32
        %parallel_loop3A_866 = arith.index_cast %parallel_loop3A_865 : i32 to index
        %parallel_loop3A_867 = tpu.vector_load %arg17[%parallel_loop3A_866] {strides = array<i32>} : memref<16384xf32, #tpu.memory_space<vmem>>, vector<16xf32>,
        %parallel_loop3A_868 = vector.shape_cast %parallel_loop3A_867 : vector<16xf32> to vector<16xf32>
        %parallel_loop3A_869 = vector.shape_cast %parallel_loop3A_861 : vector<16xf32> to vector<16xf32>
        tpu.vector_store %arg17[%parallel_loop3A_866], %parallel_loop3A_869 {strides = array<i32>} : memref<16384xf32, #tpu.memory_space<vmem>>, vector<16xf32>,
        %parallel_loop3A_870 = arith.constant 16 : i32
        %parallel_loop3A_871 = arith.addi %parallel_loop3A_855, %parallel_loop3A_870 : i32
        %parallel_loop3A_872 = arith.index_cast %parallel_loop3A_853 : i32 to index
        %parallel_loop3A_873 = arith.index_cast %parallel_loop3A_871 : i32 to index
        %parallel_loop3A_874 = tpu.vector_load %arg15[%parallel_loop3A_872, %parallel_loop3A_873] {strides = array<i32>} : memref<256x120xf32, #tpu.memory_space<vmem>>, vector<1x16xf32>,
        %parallel_loop3A_875 = vector.shape_cast %parallel_loop3A_874 : vector<1x16xf32> to vector<16xf32>
        %parallel_loop3A_876 = arith.constant 64 : i32
        %parallel_loop3A_877 = arith.muli %parallel_loop3A_876, %parallel_loop3A_853 : i32
        %parallel_loop3A_878 = arith.constant 16 : i32
        %parallel_loop3A_879 = arith.addi %parallel_loop3A_877, %parallel_loop3A_878 : i32
        %parallel_loop3A_880 = arith.index_cast %parallel_loop3A_879 : i32 to index
        %parallel_loop3A_881 = tpu.vector_load %arg17[%parallel_loop3A_880] {strides = array<i32>} : memref<16384xf32, #tpu.memory_space<vmem>>, vector<16xf32>,
        %parallel_loop3A_882 = vector.shape_cast %parallel_loop3A_881 : vector<16xf32> to vector<16xf32>
        %parallel_loop3A_883 = vector.shape_cast %parallel_loop3A_875 : vector<16xf32> to vector<16xf32>
        tpu.vector_store %arg17[%parallel_loop3A_880], %parallel_loop3A_883 {strides = array<i32>} : memref<16384xf32, #tpu.memory_space<vmem>>, vector<16xf32>,
        %parallel_loop3A_884 = arith.constant 32 : i32
        %parallel_loop3A_885 = arith.addi %parallel_loop3A_855, %parallel_loop3A_884 : i32
        %parallel_loop3A_886 = arith.index_cast %parallel_loop3A_853 : i32 to index
        %parallel_loop3A_887 = arith.index_cast %parallel_loop3A_885 : i32 to index
        %parallel_loop3A_888 = tpu.vector_load %arg15[%parallel_loop3A_886, %parallel_loop3A_887] {strides = array<i32>} : memref<256x120xf32, #tpu.memory_space<vmem>>, vector<1x16xf32>,
        %parallel_loop3A_889 = vector.shape_cast %parallel_loop3A_888 : vector<1x16xf32> to vector<16xf32>
        %parallel_loop3A_890 = arith.constant 64 : i32
        %parallel_loop3A_891 = arith.muli %parallel_loop3A_890, %parallel_loop3A_853 : i32
        %parallel_loop3A_892 = arith.constant 32 : i32
        %parallel_loop3A_893 = arith.addi %parallel_loop3A_891, %parallel_loop3A_892 : i32
        %parallel_loop3A_894 = arith.index_cast %parallel_loop3A_893 : i32 to index
        %parallel_loop3A_895 = tpu.vector_load %arg17[%parallel_loop3A_894] {strides = array<i32>} : memref<16384xf32, #tpu.memory_space<vmem>>, vector<16xf32>,
        %parallel_loop3A_896 = vector.shape_cast %parallel_loop3A_895 : vector<16xf32> to vector<16xf32>
        %parallel_loop3A_897 = vector.shape_cast %parallel_loop3A_889 : vector<16xf32> to vector<16xf32>
        tpu.vector_store %arg17[%parallel_loop3A_894], %parallel_loop3A_897 {strides = array<i32>} : memref<16384xf32, #tpu.memory_space<vmem>>, vector<16xf32>,
        %parallel_loop3A_898 = arith.constant 48 : i32
        %parallel_loop3A_899 = arith.addi %parallel_loop3A_855, %parallel_loop3A_898 : i32
        %parallel_loop3A_900 = arith.index_cast %parallel_loop3A_853 : i32 to index
        %parallel_loop3A_901 = arith.index_cast %parallel_loop3A_899 : i32 to index
        %parallel_loop3A_902 = tpu.vector_load %arg15[%parallel_loop3A_900, %parallel_loop3A_901] {strides = array<i32>} : memref<256x120xf32, #tpu.memory_space<vmem>>, vector<1x16xf32>,
        %parallel_loop3A_903 = vector.shape_cast %parallel_loop3A_902 : vector<1x16xf32> to vector<16xf32>
        %parallel_loop3A_904 = vector.extract_strided_slice %parallel_loop3A_90 {offsets = [11], sizes = [1], strides = [1]} : vector<16xi32> to vector<1xi32>
        %parallel_loop3A_905 = vector.extract %parallel_loop3A_904[0] : i32 from vector<1xi32>
        %parallel_loop3A_906 = arith.index_cast %parallel_loop3A_905 : i32 to index
        %parallel_loop3A_907 = arith.constant 0 : index
        %parallel_loop3A_908 = tpu.vector_load %arg18[%parallel_loop3A_906, %parallel_loop3A_907] {strides = array<i32>} : memref<200x16xf32, #tpu.memory_space<vmem>>, vector<1x16xf32>,
        %parallel_loop3A_909 = vector.shape_cast %parallel_loop3A_908 : vector<1x16xf32> to vector<16xf32>
        %parallel_loop3A_910 = arith.select %lt3A_4, %parallel_loop3A_903, %parallel_loop3A_909 : vector<16xi1>, vector<16xf32>
        %parallel_loop3A_911 = arith.constant 64 : i32
        %parallel_loop3A_912 = arith.muli %parallel_loop3A_911, %parallel_loop3A_853 : i32
        %parallel_loop3A_913 = arith.constant 48 : i32
        %parallel_loop3A_914 = arith.addi %parallel_loop3A_912, %parallel_loop3A_913 : i32
        %parallel_loop3A_915 = arith.index_cast %parallel_loop3A_914 : i32 to index
        %parallel_loop3A_916 = tpu.vector_load %arg17[%parallel_loop3A_915] {strides = array<i32>} : memref<16384xf32, #tpu.memory_space<vmem>>, vector<16xf32>,
        %parallel_loop3A_917 = vector.shape_cast %parallel_loop3A_916 : vector<16xf32> to vector<16xf32>
        %parallel_loop3A_918 = vector.shape_cast %parallel_loop3A_910 : vector<16xf32> to vector<16xf32>
        tpu.vector_store %arg17[%parallel_loop3A_915], %parallel_loop3A_918 {strides = array<i32>} : memref<16384xf32, #tpu.memory_space<vmem>>, vector<16xf32>,
        %parallel_loop3A_919 = arith.constant 16 : i32
        %parallel_loop3A_920 = arith.muli %parallel_loop3A_80, %parallel_loop3A_919 : i32
        %parallel_loop3A_921 = arith.constant 12 : i32
        %parallel_loop3A_922 = arith.addi %parallel_loop3A_920, %parallel_loop3A_921 : i32
        %parallel_loop3A_923 = vector.extract_strided_slice %parallel_loop3A_85 {offsets = [12], sizes = [1], strides = [1]} : vector<16xi32> to vector<1xi32>
        %parallel_loop3A_924 = vector.extract %parallel_loop3A_923[0] : i32 from vector<1xi32>
        %parallel_loop3A_925 = arith.constant 0 : i32
        %parallel_loop3A_926 = arith.addi %parallel_loop3A_924, %parallel_loop3A_925 : i32
        %parallel_loop3A_927 = arith.index_cast %parallel_loop3A_922 : i32 to index
        %parallel_loop3A_928 = arith.index_cast %parallel_loop3A_926 : i32 to index
        %parallel_loop3A_929 = tpu.vector_load %arg15[%parallel_loop3A_927, %parallel_loop3A_928] {strides = array<i32>} : memref<256x120xf32, #tpu.memory_space<vmem>>, vector<1x16xf32>,
        %parallel_loop3A_930 = vector.shape_cast %parallel_loop3A_929 : vector<1x16xf32> to vector<16xf32>
        %parallel_loop3A_931 = arith.constant 64 : i32
        %parallel_loop3A_932 = arith.muli %parallel_loop3A_931, %parallel_loop3A_922 : i32
        %parallel_loop3A_933 = arith.constant 0 : i32
        %parallel_loop3A_934 = arith.addi %parallel_loop3A_932, %parallel_loop3A_933 : i32
        %parallel_loop3A_935 = arith.index_cast %parallel_loop3A_934 : i32 to index
        %parallel_loop3A_936 = tpu.vector_load %arg17[%parallel_loop3A_935] {strides = array<i32>} : memref<16384xf32, #tpu.memory_space<vmem>>, vector<16xf32>,
        %parallel_loop3A_937 = vector.shape_cast %parallel_loop3A_936 : vector<16xf32> to vector<16xf32>
        %parallel_loop3A_938 = vector.shape_cast %parallel_loop3A_930 : vector<16xf32> to vector<16xf32>
        tpu.vector_store %arg17[%parallel_loop3A_935], %parallel_loop3A_938 {strides = array<i32>} : memref<16384xf32, #tpu.memory_space<vmem>>, vector<16xf32>,
        %parallel_loop3A_939 = arith.constant 16 : i32
        %parallel_loop3A_940 = arith.addi %parallel_loop3A_924, %parallel_loop3A_939 : i32
        %parallel_loop3A_941 = arith.index_cast %parallel_loop3A_922 : i32 to index
        %parallel_loop3A_942 = arith.index_cast %parallel_loop3A_940 : i32 to index
        %parallel_loop3A_943 = tpu.vector_load %arg15[%parallel_loop3A_941, %parallel_loop3A_942] {strides = array<i32>} : memref<256x120xf32, #tpu.memory_space<vmem>>, vector<1x16xf32>,
        %parallel_loop3A_944 = vector.shape_cast %parallel_loop3A_943 : vector<1x16xf32> to vector<16xf32>
        %parallel_loop3A_945 = arith.constant 64 : i32
        %parallel_loop3A_946 = arith.muli %parallel_loop3A_945, %parallel_loop3A_922 : i32
        %parallel_loop3A_947 = arith.constant 16 : i32
        %parallel_loop3A_948 = arith.addi %parallel_loop3A_946, %parallel_loop3A_947 : i32
        %parallel_loop3A_949 = arith.index_cast %parallel_loop3A_948 : i32 to index
        %parallel_loop3A_950 = tpu.vector_load %arg17[%parallel_loop3A_949] {strides = array<i32>} : memref<16384xf32, #tpu.memory_space<vmem>>, vector<16xf32>,
        %parallel_loop3A_951 = vector.shape_cast %parallel_loop3A_950 : vector<16xf32> to vector<16xf32>
        %parallel_loop3A_952 = vector.shape_cast %parallel_loop3A_944 : vector<16xf32> to vector<16xf32>
        tpu.vector_store %arg17[%parallel_loop3A_949], %parallel_loop3A_952 {strides = array<i32>} : memref<16384xf32, #tpu.memory_space<vmem>>, vector<16xf32>,
        %parallel_loop3A_953 = arith.constant 32 : i32
        %parallel_loop3A_954 = arith.addi %parallel_loop3A_924, %parallel_loop3A_953 : i32
        %parallel_loop3A_955 = arith.index_cast %parallel_loop3A_922 : i32 to index
        %parallel_loop3A_956 = arith.index_cast %parallel_loop3A_954 : i32 to index
        %parallel_loop3A_957 = tpu.vector_load %arg15[%parallel_loop3A_955, %parallel_loop3A_956] {strides = array<i32>} : memref<256x120xf32, #tpu.memory_space<vmem>>, vector<1x16xf32>,
        %parallel_loop3A_958 = vector.shape_cast %parallel_loop3A_957 : vector<1x16xf32> to vector<16xf32>
        %parallel_loop3A_959 = arith.constant 64 : i32
        %parallel_loop3A_960 = arith.muli %parallel_loop3A_959, %parallel_loop3A_922 : i32
        %parallel_loop3A_961 = arith.constant 32 : i32
        %parallel_loop3A_962 = arith.addi %parallel_loop3A_960, %parallel_loop3A_961 : i32
        %parallel_loop3A_963 = arith.index_cast %parallel_loop3A_962 : i32 to index
        %parallel_loop3A_964 = tpu.vector_load %arg17[%parallel_loop3A_963] {strides = array<i32>} : memref<16384xf32, #tpu.memory_space<vmem>>, vector<16xf32>,
        %parallel_loop3A_965 = vector.shape_cast %parallel_loop3A_964 : vector<16xf32> to vector<16xf32>
        %parallel_loop3A_966 = vector.shape_cast %parallel_loop3A_958 : vector<16xf32> to vector<16xf32>
        tpu.vector_store %arg17[%parallel_loop3A_963], %parallel_loop3A_966 {strides = array<i32>} : memref<16384xf32, #tpu.memory_space<vmem>>, vector<16xf32>,
        %parallel_loop3A_967 = arith.constant 48 : i32
        %parallel_loop3A_968 = arith.addi %parallel_loop3A_924, %parallel_loop3A_967 : i32
        %parallel_loop3A_969 = arith.index_cast %parallel_loop3A_922 : i32 to index
        %parallel_loop3A_970 = arith.index_cast %parallel_loop3A_968 : i32 to index
        %parallel_loop3A_971 = tpu.vector_load %arg15[%parallel_loop3A_969, %parallel_loop3A_970] {strides = array<i32>} : memref<256x120xf32, #tpu.memory_space<vmem>>, vector<1x16xf32>,
        %parallel_loop3A_972 = vector.shape_cast %parallel_loop3A_971 : vector<1x16xf32> to vector<16xf32>
        %parallel_loop3A_973 = vector.extract_strided_slice %parallel_loop3A_90 {offsets = [12], sizes = [1], strides = [1]} : vector<16xi32> to vector<1xi32>
        %parallel_loop3A_974 = vector.extract %parallel_loop3A_973[0] : i32 from vector<1xi32>
        %parallel_loop3A_975 = arith.index_cast %parallel_loop3A_974 : i32 to index
        %parallel_loop3A_976 = arith.constant 0 : index
        %parallel_loop3A_977 = tpu.vector_load %arg18[%parallel_loop3A_975, %parallel_loop3A_976] {strides = array<i32>} : memref<200x16xf32, #tpu.memory_space<vmem>>, vector<1x16xf32>,
        %parallel_loop3A_978 = vector.shape_cast %parallel_loop3A_977 : vector<1x16xf32> to vector<16xf32>
        %parallel_loop3A_979 = arith.select %lt3A_4, %parallel_loop3A_972, %parallel_loop3A_978 : vector<16xi1>, vector<16xf32>
        %parallel_loop3A_980 = arith.constant 64 : i32
        %parallel_loop3A_981 = arith.muli %parallel_loop3A_980, %parallel_loop3A_922 : i32
        %parallel_loop3A_982 = arith.constant 48 : i32
        %parallel_loop3A_983 = arith.addi %parallel_loop3A_981, %parallel_loop3A_982 : i32
        %parallel_loop3A_984 = arith.index_cast %parallel_loop3A_983 : i32 to index
        %parallel_loop3A_985 = tpu.vector_load %arg17[%parallel_loop3A_984] {strides = array<i32>} : memref<16384xf32, #tpu.memory_space<vmem>>, vector<16xf32>,
        %parallel_loop3A_986 = vector.shape_cast %parallel_loop3A_985 : vector<16xf32> to vector<16xf32>
        %parallel_loop3A_987 = vector.shape_cast %parallel_loop3A_979 : vector<16xf32> to vector<16xf32>
        tpu.vector_store %arg17[%parallel_loop3A_984], %parallel_loop3A_987 {strides = array<i32>} : memref<16384xf32, #tpu.memory_space<vmem>>, vector<16xf32>,
        %parallel_loop3A_988 = arith.constant 16 : i32
        %parallel_loop3A_989 = arith.muli %parallel_loop3A_80, %parallel_loop3A_988 : i32
        %parallel_loop3A_990 = arith.constant 13 : i32
        %parallel_loop3A_991 = arith.addi %parallel_loop3A_989, %parallel_loop3A_990 : i32
        %parallel_loop3A_992 = vector.extract_strided_slice %parallel_loop3A_85 {offsets = [13], sizes = [1], strides = [1]} : vector<16xi32> to vector<1xi32>
        %parallel_loop3A_993 = vector.extract %parallel_loop3A_992[0] : i32 from vector<1xi32>
        %parallel_loop3A_994 = arith.constant 0 : i32
        %parallel_loop3A_995 = arith.addi %parallel_loop3A_993, %parallel_loop3A_994 : i32
        %parallel_loop3A_996 = arith.index_cast %parallel_loop3A_991 : i32 to index
        %parallel_loop3A_997 = arith.index_cast %parallel_loop3A_995 : i32 to index
        %parallel_loop3A_998 = tpu.vector_load %arg15[%parallel_loop3A_996, %parallel_loop3A_997] {strides = array<i32>} : memref<256x120xf32, #tpu.memory_space<vmem>>, vector<1x16xf32>,
        %parallel_loop3A_999 = vector.shape_cast %parallel_loop3A_998 : vector<1x16xf32> to vector<16xf32>
        %parallel_loop3A_1000 = arith.constant 64 : i32
        %parallel_loop3A_1001 = arith.muli %parallel_loop3A_1000, %parallel_loop3A_991 : i32
        %parallel_loop3A_1002 = arith.constant 0 : i32
        %parallel_loop3A_1003 = arith.addi %parallel_loop3A_1001, %parallel_loop3A_1002 : i32
        %parallel_loop3A_1004 = arith.index_cast %parallel_loop3A_1003 : i32 to index
        %parallel_loop3A_1005 = tpu.vector_load %arg17[%parallel_loop3A_1004] {strides = array<i32>} : memref<16384xf32, #tpu.memory_space<vmem>>, vector<16xf32>,
        %parallel_loop3A_1006 = vector.shape_cast %parallel_loop3A_1005 : vector<16xf32> to vector<16xf32>
        %parallel_loop3A_1007 = vector.shape_cast %parallel_loop3A_999 : vector<16xf32> to vector<16xf32>
        tpu.vector_store %arg17[%parallel_loop3A_1004], %parallel_loop3A_1007 {strides = array<i32>} : memref<16384xf32, #tpu.memory_space<vmem>>, vector<16xf32>,
        %parallel_loop3A_1008 = arith.constant 16 : i32
        %parallel_loop3A_1009 = arith.addi %parallel_loop3A_993, %parallel_loop3A_1008 : i32
        %parallel_loop3A_1010 = arith.index_cast %parallel_loop3A_991 : i32 to index
        %parallel_loop3A_1011 = arith.index_cast %parallel_loop3A_1009 : i32 to index
        %parallel_loop3A_1012 = tpu.vector_load %arg15[%parallel_loop3A_1010, %parallel_loop3A_1011] {strides = array<i32>} : memref<256x120xf32, #tpu.memory_space<vmem>>, vector<1x16xf32>,
        %parallel_loop3A_1013 = vector.shape_cast %parallel_loop3A_1012 : vector<1x16xf32> to vector<16xf32>
        %parallel_loop3A_1014 = arith.constant 64 : i32
        %parallel_loop3A_1015 = arith.muli %parallel_loop3A_1014, %parallel_loop3A_991 : i32
        %parallel_loop3A_1016 = arith.constant 16 : i32
        %parallel_loop3A_1017 = arith.addi %parallel_loop3A_1015, %parallel_loop3A_1016 : i32
        %parallel_loop3A_1018 = arith.index_cast %parallel_loop3A_1017 : i32 to index
        %parallel_loop3A_1019 = tpu.vector_load %arg17[%parallel_loop3A_1018] {strides = array<i32>} : memref<16384xf32, #tpu.memory_space<vmem>>, vector<16xf32>,
        %parallel_loop3A_1020 = vector.shape_cast %parallel_loop3A_1019 : vector<16xf32> to vector<16xf32>
        %parallel_loop3A_1021 = vector.shape_cast %parallel_loop3A_1013 : vector<16xf32> to vector<16xf32>
        tpu.vector_store %arg17[%parallel_loop3A_1018], %parallel_loop3A_1021 {strides = array<i32>} : memref<16384xf32, #tpu.memory_space<vmem>>, vector<16xf32>,
        %parallel_loop3A_1022 = arith.constant 32 : i32
        %parallel_loop3A_1023 = arith.addi %parallel_loop3A_993, %parallel_loop3A_1022 : i32
        %parallel_loop3A_1024 = arith.index_cast %parallel_loop3A_991 : i32 to index
        %parallel_loop3A_1025 = arith.index_cast %parallel_loop3A_1023 : i32 to index
        %parallel_loop3A_1026 = tpu.vector_load %arg15[%parallel_loop3A_1024, %parallel_loop3A_1025] {strides = array<i32>} : memref<256x120xf32, #tpu.memory_space<vmem>>, vector<1x16xf32>,
        %parallel_loop3A_1027 = vector.shape_cast %parallel_loop3A_1026 : vector<1x16xf32> to vector<16xf32>
        %parallel_loop3A_1028 = arith.constant 64 : i32
        %parallel_loop3A_1029 = arith.muli %parallel_loop3A_1028, %parallel_loop3A_991 : i32
        %parallel_loop3A_1030 = arith.constant 32 : i32
        %parallel_loop3A_1031 = arith.addi %parallel_loop3A_1029, %parallel_loop3A_1030 : i32
        %parallel_loop3A_1032 = arith.index_cast %parallel_loop3A_1031 : i32 to index
        %parallel_loop3A_1033 = tpu.vector_load %arg17[%parallel_loop3A_1032] {strides = array<i32>} : memref<16384xf32, #tpu.memory_space<vmem>>, vector<16xf32>,
        %parallel_loop3A_1034 = vector.shape_cast %parallel_loop3A_1033 : vector<16xf32> to vector<16xf32>
        %parallel_loop3A_1035 = vector.shape_cast %parallel_loop3A_1027 : vector<16xf32> to vector<16xf32>
        tpu.vector_store %arg17[%parallel_loop3A_1032], %parallel_loop3A_1035 {strides = array<i32>} : memref<16384xf32, #tpu.memory_space<vmem>>, vector<16xf32>,
        %parallel_loop3A_1036 = arith.constant 48 : i32
        %parallel_loop3A_1037 = arith.addi %parallel_loop3A_993, %parallel_loop3A_1036 : i32
        %parallel_loop3A_1038 = arith.index_cast %parallel_loop3A_991 : i32 to index
        %parallel_loop3A_1039 = arith.index_cast %parallel_loop3A_1037 : i32 to index
        %parallel_loop3A_1040 = tpu.vector_load %arg15[%parallel_loop3A_1038, %parallel_loop3A_1039] {strides = array<i32>} : memref<256x120xf32, #tpu.memory_space<vmem>>, vector<1x16xf32>,
        %parallel_loop3A_1041 = vector.shape_cast %parallel_loop3A_1040 : vector<1x16xf32> to vector<16xf32>
        %parallel_loop3A_1042 = vector.extract_strided_slice %parallel_loop3A_90 {offsets = [13], sizes = [1], strides = [1]} : vector<16xi32> to vector<1xi32>
        %parallel_loop3A_1043 = vector.extract %parallel_loop3A_1042[0] : i32 from vector<1xi32>
        %parallel_loop3A_1044 = arith.index_cast %parallel_loop3A_1043 : i32 to index
        %parallel_loop3A_1045 = arith.constant 0 : index
        %parallel_loop3A_1046 = tpu.vector_load %arg18[%parallel_loop3A_1044, %parallel_loop3A_1045] {strides = array<i32>} : memref<200x16xf32, #tpu.memory_space<vmem>>, vector<1x16xf32>,
        %parallel_loop3A_1047 = vector.shape_cast %parallel_loop3A_1046 : vector<1x16xf32> to vector<16xf32>
        %parallel_loop3A_1048 = arith.select %lt3A_4, %parallel_loop3A_1041, %parallel_loop3A_1047 : vector<16xi1>, vector<16xf32>
        %parallel_loop3A_1049 = arith.constant 64 : i32
        %parallel_loop3A_1050 = arith.muli %parallel_loop3A_1049, %parallel_loop3A_991 : i32
        %parallel_loop3A_1051 = arith.constant 48 : i32
        %parallel_loop3A_1052 = arith.addi %parallel_loop3A_1050, %parallel_loop3A_1051 : i32
        %parallel_loop3A_1053 = arith.index_cast %parallel_loop3A_1052 : i32 to index
        %parallel_loop3A_1054 = tpu.vector_load %arg17[%parallel_loop3A_1053] {strides = array<i32>} : memref<16384xf32, #tpu.memory_space<vmem>>, vector<16xf32>,
        %parallel_loop3A_1055 = vector.shape_cast %parallel_loop3A_1054 : vector<16xf32> to vector<16xf32>
        %parallel_loop3A_1056 = vector.shape_cast %parallel_loop3A_1048 : vector<16xf32> to vector<16xf32>
        tpu.vector_store %arg17[%parallel_loop3A_1053], %parallel_loop3A_1056 {strides = array<i32>} : memref<16384xf32, #tpu.memory_space<vmem>>, vector<16xf32>,
        %parallel_loop3A_1057 = arith.constant 16 : i32
        %parallel_loop3A_1058 = arith.muli %parallel_loop3A_80, %parallel_loop3A_1057 : i32
        %parallel_loop3A_1059 = arith.constant 14 : i32
        %parallel_loop3A_1060 = arith.addi %parallel_loop3A_1058, %parallel_loop3A_1059 : i32
        %parallel_loop3A_1061 = vector.extract_strided_slice %parallel_loop3A_85 {offsets = [14], sizes = [1], strides = [1]} : vector<16xi32> to vector<1xi32>
        %parallel_loop3A_1062 = vector.extract %parallel_loop3A_1061[0] : i32 from vector<1xi32>
        %parallel_loop3A_1063 = arith.constant 0 : i32
        %parallel_loop3A_1064 = arith.addi %parallel_loop3A_1062, %parallel_loop3A_1063 : i32
        %parallel_loop3A_1065 = arith.index_cast %parallel_loop3A_1060 : i32 to index
        %parallel_loop3A_1066 = arith.index_cast %parallel_loop3A_1064 : i32 to index
        %parallel_loop3A_1067 = tpu.vector_load %arg15[%parallel_loop3A_1065, %parallel_loop3A_1066] {strides = array<i32>} : memref<256x120xf32, #tpu.memory_space<vmem>>, vector<1x16xf32>,
        %parallel_loop3A_1068 = vector.shape_cast %parallel_loop3A_1067 : vector<1x16xf32> to vector<16xf32>
        %parallel_loop3A_1069 = arith.constant 64 : i32
        %parallel_loop3A_1070 = arith.muli %parallel_loop3A_1069, %parallel_loop3A_1060 : i32
        %parallel_loop3A_1071 = arith.constant 0 : i32
        %parallel_loop3A_1072 = arith.addi %parallel_loop3A_1070, %parallel_loop3A_1071 : i32
        %parallel_loop3A_1073 = arith.index_cast %parallel_loop3A_1072 : i32 to index
        %parallel_loop3A_1074 = tpu.vector_load %arg17[%parallel_loop3A_1073] {strides = array<i32>} : memref<16384xf32, #tpu.memory_space<vmem>>, vector<16xf32>,
        %parallel_loop3A_1075 = vector.shape_cast %parallel_loop3A_1074 : vector<16xf32> to vector<16xf32>
        %parallel_loop3A_1076 = vector.shape_cast %parallel_loop3A_1068 : vector<16xf32> to vector<16xf32>
        tpu.vector_store %arg17[%parallel_loop3A_1073], %parallel_loop3A_1076 {strides = array<i32>} : memref<16384xf32, #tpu.memory_space<vmem>>, vector<16xf32>,
        %parallel_loop3A_1077 = arith.constant 16 : i32
        %parallel_loop3A_1078 = arith.addi %parallel_loop3A_1062, %parallel_loop3A_1077 : i32
        %parallel_loop3A_1079 = arith.index_cast %parallel_loop3A_1060 : i32 to index
        %parallel_loop3A_1080 = arith.index_cast %parallel_loop3A_1078 : i32 to index
        %parallel_loop3A_1081 = tpu.vector_load %arg15[%parallel_loop3A_1079, %parallel_loop3A_1080] {strides = array<i32>} : memref<256x120xf32, #tpu.memory_space<vmem>>, vector<1x16xf32>,
        %parallel_loop3A_1082 = vector.shape_cast %parallel_loop3A_1081 : vector<1x16xf32> to vector<16xf32>
        %parallel_loop3A_1083 = arith.constant 64 : i32
        %parallel_loop3A_1084 = arith.muli %parallel_loop3A_1083, %parallel_loop3A_1060 : i32
        %parallel_loop3A_1085 = arith.constant 16 : i32
        %parallel_loop3A_1086 = arith.addi %parallel_loop3A_1084, %parallel_loop3A_1085 : i32
        %parallel_loop3A_1087 = arith.index_cast %parallel_loop3A_1086 : i32 to index
        %parallel_loop3A_1088 = tpu.vector_load %arg17[%parallel_loop3A_1087] {strides = array<i32>} : memref<16384xf32, #tpu.memory_space<vmem>>, vector<16xf32>,
        %parallel_loop3A_1089 = vector.shape_cast %parallel_loop3A_1088 : vector<16xf32> to vector<16xf32>
        %parallel_loop3A_1090 = vector.shape_cast %parallel_loop3A_1082 : vector<16xf32> to vector<16xf32>
        tpu.vector_store %arg17[%parallel_loop3A_1087], %parallel_loop3A_1090 {strides = array<i32>} : memref<16384xf32, #tpu.memory_space<vmem>>, vector<16xf32>,
        %parallel_loop3A_1091 = arith.constant 32 : i32
        %parallel_loop3A_1092 = arith.addi %parallel_loop3A_1062, %parallel_loop3A_1091 : i32
        %parallel_loop3A_1093 = arith.index_cast %parallel_loop3A_1060 : i32 to index
        %parallel_loop3A_1094 = arith.index_cast %parallel_loop3A_1092 : i32 to index
        %parallel_loop3A_1095 = tpu.vector_load %arg15[%parallel_loop3A_1093, %parallel_loop3A_1094] {strides = array<i32>} : memref<256x120xf32, #tpu.memory_space<vmem>>, vector<1x16xf32>,
        %parallel_loop3A_1096 = vector.shape_cast %parallel_loop3A_1095 : vector<1x16xf32> to vector<16xf32>
        %parallel_loop3A_1097 = arith.constant 64 : i32
        %parallel_loop3A_1098 = arith.muli %parallel_loop3A_1097, %parallel_loop3A_1060 : i32
        %parallel_loop3A_1099 = arith.constant 32 : i32
        %parallel_loop3A_1100 = arith.addi %parallel_loop3A_1098, %parallel_loop3A_1099 : i32
        %parallel_loop3A_1101 = arith.index_cast %parallel_loop3A_1100 : i32 to index
        %parallel_loop3A_1102 = tpu.vector_load %arg17[%parallel_loop3A_1101] {strides = array<i32>} : memref<16384xf32, #tpu.memory_space<vmem>>, vector<16xf32>,
        %parallel_loop3A_1103 = vector.shape_cast %parallel_loop3A_1102 : vector<16xf32> to vector<16xf32>
        %parallel_loop3A_1104 = vector.shape_cast %parallel_loop3A_1096 : vector<16xf32> to vector<16xf32>
        tpu.vector_store %arg17[%parallel_loop3A_1101], %parallel_loop3A_1104 {strides = array<i32>} : memref<16384xf32, #tpu.memory_space<vmem>>, vector<16xf32>,
        %parallel_loop3A_1105 = arith.constant 48 : i32
        %parallel_loop3A_1106 = arith.addi %parallel_loop3A_1062, %parallel_loop3A_1105 : i32
        %parallel_loop3A_1107 = arith.index_cast %parallel_loop3A_1060 : i32 to index
        %parallel_loop3A_1108 = arith.index_cast %parallel_loop3A_1106 : i32 to index
        %parallel_loop3A_1109 = tpu.vector_load %arg15[%parallel_loop3A_1107, %parallel_loop3A_1108] {strides = array<i32>} : memref<256x120xf32, #tpu.memory_space<vmem>>, vector<1x16xf32>,
        %parallel_loop3A_1110 = vector.shape_cast %parallel_loop3A_1109 : vector<1x16xf32> to vector<16xf32>
        %parallel_loop3A_1111 = vector.extract_strided_slice %parallel_loop3A_90 {offsets = [14], sizes = [1], strides = [1]} : vector<16xi32> to vector<1xi32>
        %parallel_loop3A_1112 = vector.extract %parallel_loop3A_1111[0] : i32 from vector<1xi32>
        %parallel_loop3A_1113 = arith.index_cast %parallel_loop3A_1112 : i32 to index
        %parallel_loop3A_1114 = arith.constant 0 : index
        %parallel_loop3A_1115 = tpu.vector_load %arg18[%parallel_loop3A_1113, %parallel_loop3A_1114] {strides = array<i32>} : memref<200x16xf32, #tpu.memory_space<vmem>>, vector<1x16xf32>,
        %parallel_loop3A_1116 = vector.shape_cast %parallel_loop3A_1115 : vector<1x16xf32> to vector<16xf32>
        %parallel_loop3A_1117 = arith.select %lt3A_4, %parallel_loop3A_1110, %parallel_loop3A_1116 : vector<16xi1>, vector<16xf32>
        %parallel_loop3A_1118 = arith.constant 64 : i32
        %parallel_loop3A_1119 = arith.muli %parallel_loop3A_1118, %parallel_loop3A_1060 : i32
        %parallel_loop3A_1120 = arith.constant 48 : i32
        %parallel_loop3A_1121 = arith.addi %parallel_loop3A_1119, %parallel_loop3A_1120 : i32
        %parallel_loop3A_1122 = arith.index_cast %parallel_loop3A_1121 : i32 to index
        %parallel_loop3A_1123 = tpu.vector_load %arg17[%parallel_loop3A_1122] {strides = array<i32>} : memref<16384xf32, #tpu.memory_space<vmem>>, vector<16xf32>,
        %parallel_loop3A_1124 = vector.shape_cast %parallel_loop3A_1123 : vector<16xf32> to vector<16xf32>
        %parallel_loop3A_1125 = vector.shape_cast %parallel_loop3A_1117 : vector<16xf32> to vector<16xf32>
        tpu.vector_store %arg17[%parallel_loop3A_1122], %parallel_loop3A_1125 {strides = array<i32>} : memref<16384xf32, #tpu.memory_space<vmem>>, vector<16xf32>,
        %parallel_loop3A_1126 = arith.constant 16 : i32
        %parallel_loop3A_1127 = arith.muli %parallel_loop3A_80, %parallel_loop3A_1126 : i32
        %parallel_loop3A_1128 = arith.constant 15 : i32
        %parallel_loop3A_1129 = arith.addi %parallel_loop3A_1127, %parallel_loop3A_1128 : i32
        %parallel_loop3A_1130 = vector.extract_strided_slice %parallel_loop3A_85 {offsets = [15], sizes = [1], strides = [1]} : vector<16xi32> to vector<1xi32>
        %parallel_loop3A_1131 = vector.extract %parallel_loop3A_1130[0] : i32 from vector<1xi32>
        %parallel_loop3A_1132 = arith.constant 0 : i32
        %parallel_loop3A_1133 = arith.addi %parallel_loop3A_1131, %parallel_loop3A_1132 : i32
        %parallel_loop3A_1134 = arith.index_cast %parallel_loop3A_1129 : i32 to index
        %parallel_loop3A_1135 = arith.index_cast %parallel_loop3A_1133 : i32 to index
        %parallel_loop3A_1136 = tpu.vector_load %arg15[%parallel_loop3A_1134, %parallel_loop3A_1135] {strides = array<i32>} : memref<256x120xf32, #tpu.memory_space<vmem>>, vector<1x16xf32>,
        %parallel_loop3A_1137 = vector.shape_cast %parallel_loop3A_1136 : vector<1x16xf32> to vector<16xf32>
        %parallel_loop3A_1138 = arith.constant 64 : i32
        %parallel_loop3A_1139 = arith.muli %parallel_loop3A_1138, %parallel_loop3A_1129 : i32
        %parallel_loop3A_1140 = arith.constant 0 : i32
        %parallel_loop3A_1141 = arith.addi %parallel_loop3A_1139, %parallel_loop3A_1140 : i32
        %parallel_loop3A_1142 = arith.index_cast %parallel_loop3A_1141 : i32 to index
        %parallel_loop3A_1143 = tpu.vector_load %arg17[%parallel_loop3A_1142] {strides = array<i32>} : memref<16384xf32, #tpu.memory_space<vmem>>, vector<16xf32>,
        %parallel_loop3A_1144 = vector.shape_cast %parallel_loop3A_1143 : vector<16xf32> to vector<16xf32>
        %parallel_loop3A_1145 = vector.shape_cast %parallel_loop3A_1137 : vector<16xf32> to vector<16xf32>
        tpu.vector_store %arg17[%parallel_loop3A_1142], %parallel_loop3A_1145 {strides = array<i32>} : memref<16384xf32, #tpu.memory_space<vmem>>, vector<16xf32>,
        %parallel_loop3A_1146 = arith.constant 16 : i32
        %parallel_loop3A_1147 = arith.addi %parallel_loop3A_1131, %parallel_loop3A_1146 : i32
        %parallel_loop3A_1148 = arith.index_cast %parallel_loop3A_1129 : i32 to index
        %parallel_loop3A_1149 = arith.index_cast %parallel_loop3A_1147 : i32 to index
        %parallel_loop3A_1150 = tpu.vector_load %arg15[%parallel_loop3A_1148, %parallel_loop3A_1149] {strides = array<i32>} : memref<256x120xf32, #tpu.memory_space<vmem>>, vector<1x16xf32>,
        %parallel_loop3A_1151 = vector.shape_cast %parallel_loop3A_1150 : vector<1x16xf32> to vector<16xf32>
        %parallel_loop3A_1152 = arith.constant 64 : i32
        %parallel_loop3A_1153 = arith.muli %parallel_loop3A_1152, %parallel_loop3A_1129 : i32
        %parallel_loop3A_1154 = arith.constant 16 : i32
        %parallel_loop3A_1155 = arith.addi %parallel_loop3A_1153, %parallel_loop3A_1154 : i32
        %parallel_loop3A_1156 = arith.index_cast %parallel_loop3A_1155 : i32 to index
        %parallel_loop3A_1157 = tpu.vector_load %arg17[%parallel_loop3A_1156] {strides = array<i32>} : memref<16384xf32, #tpu.memory_space<vmem>>, vector<16xf32>,
        %parallel_loop3A_1158 = vector.shape_cast %parallel_loop3A_1157 : vector<16xf32> to vector<16xf32>
        %parallel_loop3A_1159 = vector.shape_cast %parallel_loop3A_1151 : vector<16xf32> to vector<16xf32>
        tpu.vector_store %arg17[%parallel_loop3A_1156], %parallel_loop3A_1159 {strides = array<i32>} : memref<16384xf32, #tpu.memory_space<vmem>>, vector<16xf32>,
        %parallel_loop3A_1160 = arith.constant 32 : i32
        %parallel_loop3A_1161 = arith.addi %parallel_loop3A_1131, %parallel_loop3A_1160 : i32
        %parallel_loop3A_1162 = arith.index_cast %parallel_loop3A_1129 : i32 to index
        %parallel_loop3A_1163 = arith.index_cast %parallel_loop3A_1161 : i32 to index
        %parallel_loop3A_1164 = tpu.vector_load %arg15[%parallel_loop3A_1162, %parallel_loop3A_1163] {strides = array<i32>} : memref<256x120xf32, #tpu.memory_space<vmem>>, vector<1x16xf32>,
        %parallel_loop3A_1165 = vector.shape_cast %parallel_loop3A_1164 : vector<1x16xf32> to vector<16xf32>
        %parallel_loop3A_1166 = arith.constant 64 : i32
        %parallel_loop3A_1167 = arith.muli %parallel_loop3A_1166, %parallel_loop3A_1129 : i32
        %parallel_loop3A_1168 = arith.constant 32 : i32
        %parallel_loop3A_1169 = arith.addi %parallel_loop3A_1167, %parallel_loop3A_1168 : i32
        %parallel_loop3A_1170 = arith.index_cast %parallel_loop3A_1169 : i32 to index
        %parallel_loop3A_1171 = tpu.vector_load %arg17[%parallel_loop3A_1170] {strides = array<i32>} : memref<16384xf32, #tpu.memory_space<vmem>>, vector<16xf32>,
        %parallel_loop3A_1172 = vector.shape_cast %parallel_loop3A_1171 : vector<16xf32> to vector<16xf32>
        %parallel_loop3A_1173 = vector.shape_cast %parallel_loop3A_1165 : vector<16xf32> to vector<16xf32>
        tpu.vector_store %arg17[%parallel_loop3A_1170], %parallel_loop3A_1173 {strides = array<i32>} : memref<16384xf32, #tpu.memory_space<vmem>>, vector<16xf32>,
        %parallel_loop3A_1174 = arith.constant 48 : i32
        %parallel_loop3A_1175 = arith.addi %parallel_loop3A_1131, %parallel_loop3A_1174 : i32
        %parallel_loop3A_1176 = arith.index_cast %parallel_loop3A_1129 : i32 to index
        %parallel_loop3A_1177 = arith.index_cast %parallel_loop3A_1175 : i32 to index
        %parallel_loop3A_1178 = tpu.vector_load %arg15[%parallel_loop3A_1176, %parallel_loop3A_1177] {strides = array<i32>} : memref<256x120xf32, #tpu.memory_space<vmem>>, vector<1x16xf32>,
        %parallel_loop3A_1179 = vector.shape_cast %parallel_loop3A_1178 : vector<1x16xf32> to vector<16xf32>
        %parallel_loop3A_1180 = vector.extract_strided_slice %parallel_loop3A_90 {offsets = [15], sizes = [1], strides = [1]} : vector<16xi32> to vector<1xi32>
        %parallel_loop3A_1181 = vector.extract %parallel_loop3A_1180[0] : i32 from vector<1xi32>
        %parallel_loop3A_1182 = arith.index_cast %parallel_loop3A_1181 : i32 to index
        %parallel_loop3A_1183 = arith.constant 0 : index
        %parallel_loop3A_1184 = tpu.vector_load %arg18[%parallel_loop3A_1182, %parallel_loop3A_1183] {strides = array<i32>} : memref<200x16xf32, #tpu.memory_space<vmem>>, vector<1x16xf32>,
        %parallel_loop3A_1185 = vector.shape_cast %parallel_loop3A_1184 : vector<1x16xf32> to vector<16xf32>
        %parallel_loop3A_1186 = arith.select %lt3A_4, %parallel_loop3A_1179, %parallel_loop3A_1185 : vector<16xi1>, vector<16xf32>
        %parallel_loop3A_1187 = arith.constant 64 : i32
        %parallel_loop3A_1188 = arith.muli %parallel_loop3A_1187, %parallel_loop3A_1129 : i32
        %parallel_loop3A_1189 = arith.constant 48 : i32
        %parallel_loop3A_1190 = arith.addi %parallel_loop3A_1188, %parallel_loop3A_1189 : i32
        %parallel_loop3A_1191 = arith.index_cast %parallel_loop3A_1190 : i32 to index
        %parallel_loop3A_1192 = tpu.vector_load %arg17[%parallel_loop3A_1191] {strides = array<i32>} : memref<16384xf32, #tpu.memory_space<vmem>>, vector<16xf32>,
        %parallel_loop3A_1193 = vector.shape_cast %parallel_loop3A_1192 : vector<16xf32> to vector<16xf32>
        %parallel_loop3A_1194 = vector.shape_cast %parallel_loop3A_1186 : vector<16xf32> to vector<16xf32>
        tpu.vector_store %arg17[%parallel_loop3A_1191], %parallel_loop3A_1194 {strides = array<i32>} : memref<16384xf32, #tpu.memory_space<vmem>>, vector<16xf32>,
      } {sc.loop_unroll_factor = 4 : i64, sc.parallel_access}
      %mul3A_73 = arith.constant 256 : i32
      %mul3A_74 = arith.muli %add3A_54, %mul3A_73 : i32
      %add3A_75 = arith.addi %mul3A_2, %mul3A_74 : i32
      %mul3A_76 = arith.constant 64 : i32
      %mul3A_77 = arith.muli %mul3A_76, %add3A_75 : i32
      %dma_start3A_78 = tpu.memref_slice %arg7[%mul3A_77] : memref<52428800xf32, #tpu.memory_space<hbm>> -> memref<16384xf32, #tpu.memory_space<hbm>>
      %dma_start3A_79 = tpu.memref_slice %arg7[%mul3A_77] : memref<52428800xf32, #tpu.memory_space<hbm>> -> memref<16384xf32, #tpu.memory_space<hbm>>
      tpu.enqueue_dma source(%arg17 : memref<16384xf32, #tpu.memory_space<vmem>>) target(%dma_start3A_79 : memref<16384xf32, #tpu.memory_space<hbm>>) target_semaphore(%arg22 : memref<!tpu.dma_semaphore, #tpu.memory_space<semaphore_mem>>)
    }
    %scan3A_13 = arith.constant 50 : i32
    %add3A_14 = arith.constant 25088 : i32
    %add3A_15 = arith.addi %mul3A_2, %add3A_14 : i32
    %mul3A_16 = arith.constant 64 : i32
    %mul3A_17 = arith.muli %mul3A_16, %add3A_15 : i32
    %dma_wait3A = tpu.memref_slice %arg7[%mul3A_17] : memref<52428800xf32, #tpu.memory_space<hbm>> -> memref<16384xf32, #tpu.memory_space<hbm>>
    %dma_wait3A_18 = tpu.memref_slice %arg7[%mul3A_17] : memref<52428800xf32, #tpu.memory_space<hbm>> -> memref<16384xf32, #tpu.memory_space<hbm>>
    tpu.wait_dma2 semaphore(%arg21 : memref<!tpu.dma_semaphore, #tpu.memory_space<semaphore_mem>>) src(%arg16 : memref<16384xf32, #tpu.memory_space<vmem>>) dst(%dma_wait3A_18 : memref<16384xf32, #tpu.memory_space<hbm>>)
    %add3A_19 = arith.constant 25344 : i32
    %add3A_20 = arith.addi %mul3A_2, %add3A_19 : i32
    %mul3A_21 = arith.constant 64 : i32
    %mul3A_22 = arith.muli %mul3A_21, %add3A_20 : i32
    %dma_wait3A_23 = tpu.memref_slice %arg7[%mul3A_22] : memref<52428800xf32, #tpu.memory_space<hbm>> -> memref<16384xf32, #tpu.memory_space<hbm>>
    %dma_wait3A_24 = tpu.memref_slice %arg7[%mul3A_22] : memref<52428800xf32, #tpu.memory_space<hbm>> -> memref<16384xf32, #tpu.memory_space<hbm>>
    tpu.wait_dma2 semaphore(%arg22 : memref<!tpu.dma_semaphore, #tpu.memory_space<semaphore_mem>>) src(%arg17 : memref<16384xf32, #tpu.memory_space<vmem>>) dst(%dma_wait3A_24 : memref<16384xf32, #tpu.memory_space<hbm>>)
    return
  }
}

</mosaic_0001>

<sc_bundles>
// kernel: kernel.3.cloned.1.call-start
scs
__scs_entry_jumppad:
0x0: {  	(pc) =	sbr.rel $0x88, $3  }
0x1: {  	(tag) =	ssettag $0x0;
	lr =	simm.s32 $0x1  }
0x2: {  	[smem:$0x3F9D] =	sst lr;
	_ =	strace $0xD0000000  }
0x3: {  	_ = 	snop  }
0x4: {  	_ = 	snop  }
0x5: {  	_ = 	snop  }
0x6: {  	_ = 	snop  }
0x7: {  	_ = 	snop  }
__scs_overlays_trampoline_lowered:
0x8: {  	[smem:$0x3FAC] =	sst s0  }
0x9: {  	[smem:$0x3FAD] =	sst s1  }
0xa: {  	[smem:$0x3FAE] =	sst s2  }
0xb: {  	[smem:$0x3FAF] =	sst s3  }
0xc: {  	[smem:$0x3FB0] =	sst s4  }
0xd: {  	[smem:$0x3FB1] =	sst s5  }
0xe: {  	[smem:$0x3FB2] =	sst s6  }
0xf: {  	[smem:$0x3FB3] =	sst s7  }
0x10: {  	[smem:$0x3FB4] =	sst s8  }
0x11: {  	[smem:$0x3FB5] =	sst s9;
	s0 =	simm.s32 @!p0 $0x0  }
0x12: {  	s1 =	sld [smem:$0x3F9B];
	s0 =	simm.s32 @p0 $0x1  }
0x13: {  	[smem:$0x3FB6] =	sst s0;
	s0 =	simm.s32 @!p1 $0x0  }
0x14: {  	s2 =	sld [smem:$0x3F9A];
	s0 =	simm.s32 @p1 $0x1  }
0x15: {  	[smem:$0x3FB7] =	sst s0;
	s0 =	simm.s32 @!p2 $0x0  }
0x16: {  	s3 =	sld [smem:$0x3FDB];
	s0 =	simm.s32 @p2 $0x1  }
0x17: {  	s4 =	simm.s32 $0x1BF5;
	[smem:$0x3FB9] =	sst s0  }
0x18: {  	s0 =	sld [smem:$0x3F9C];
	_ =	swait.ge [sflag:s4], $0x0  }
0x19: {  	s7 =	sld [smem:$0x3F9D]  }
0x1a: {  	s8 =	sadd.s32 $0xFFFFE003, lr  }
0x1b: {  	s9 =	sadd.s32 $0xFFFFFEF7, lr;
	s5 =	simm.s32 $0xFFFFFFFF;
	p2 =	slt.u32 s8, $0xFFFFF086  }
0x1c: {  	p1 =	slt.u32 s9, $0xF7A;
	s5 =	simm.s32 @!p2 $0x0  }
0x1d: {  	s5 =	simm.s32 @p1 $0x1;
	p0 =	seq.s32 s7, s2  }
0x1e: {  	s7 =	smul.u32 @!p0 $0xF7A, s2;
	p2 =	seq.s32 @!p0 s5, $0x0  }
0x1f: {  	s9 =	smul.u32 $0xF7A, s1;
	s8 =	simm.s32 @!p0 $0x1BF5;
	p2 =	por !p2, p0  }
0x20: {  	[sflag:s8] =	ssyncset.s32 @!p0 $0xFFFFF086;
	s6 =	sadd.s32 @!p0 s3, s7;
	s7 =	simm.s32 @!p0 $0x108  }
0x21: {  	s3 =	sadd.s32 s3, s9;
	s6 =	sadd.s32 @!p0 $0x88, s6;
	s7 =	simm.s32 @p2 $0x1082  }
0x22: {  	[simem:s7], [sflag:s8] =	dma.local @!p0 [hbm:s6], $0xF7A  }
0x23: {  	s9 =	sor.u32 $0xD0000000, s2;
	s6 =	simm.s32 $0x108;
	_ =	swait.ge @!p0 [sflag:s8], $0x0  }
0x24: {  	s3 =	sadd.s32 $0x88, s3;
	s6 =	simm.s32 @!p1 $0x1082;
	[sflag:s4] =	ssyncset.s32 $0xFFFFF086  }
0x25: {  	[simem:s6], [sflag:s4] =	dma.local [hbm:s3], $0xF7A  }
0x26: {  	[smem:$0x3F9D] =	sst s1;
	(tag) =	ssettag s2;
	_ =	strace s9  }
0x27: {  	s1 =	sld [smem:$0x3FAD]  }
0x28: {  	s2 =	sld [smem:$0x3FAE]  }
0x29: {  	s4 =	sld [smem:$0x3FB0]  }
0x2a: {  	p0 =	seq.s32 s5, $0x0;
	s5 =	sld [smem:$0x3FB1]  }
0x2b: {  	s6 =	sld [smem:$0x3FB2]  }
0x2c: {  	s7 =	sld [smem:$0x3FB3]  }
0x2d: {  	s3 =	simm.s32 $0x108;
	s8 =	sld [smem:$0x3FB4]  }
0x2e: {  	s3 =	simm.s32 @!p0 $0x1082;
	s9 =	sld [smem:$0x3FB5]  }
0x2f: {  	lr =	sadd.s32 s0, s3;
	s0 =	sld [smem:$0x3FAC]  }
0x30: {  	s3 =	sld [smem:$0x3FAF]  }
0x31: {  	[smem:$0x3FB8] =	sst s10  }
0x32: {  	s10 =	sld [smem:$0x3FB6];
	_ =	sdelay $0x3  }
0x33: {  	p0 =	seq.s32 s10, $0x1;
	s10 =	sld [smem:$0x3FB8];
	_ =	sdelay $0x3  }
0x34: {  	[smem:$0x3FB8] =	sst s10  }
0x35: {  	s10 =	sld [smem:$0x3FB7];
	_ =	sdelay $0x3  }
0x36: {  	p1 =	seq.s32 s10, $0x1;
	s10 =	sld [smem:$0x3FB8];
	_ =	sdelay $0x3  }
0x37: {  	[smem:$0x3FB8] =	sst s10  }
0x38: {  	s10 =	sld [smem:$0x3FB9]  }
0x39: {  	_ = 	snop;
	(pc) =	sbr.ind lr, $3  }
0x3a: {  	_ = 	snop  }
0x3b: {  	_ = 	snop  }
0x3c: {  	p2 =	seq.s32 s10, $0x1;
	s10 =	sld [smem:$0x3FB8]  }
0x3d: {  	_ =	shalt  }
0x3e: {  	_ =	shalt  }
0x3f: {  	_ =	shalt  }
0x40: {  	_ =	shalt  }
0x41: {  	_ =	shalt  }
0x42: {  	_ =	shalt  }
0x43: {  	_ =	shalt  }
0x44: {  	_ =	shalt  }
0x45: {  	_ =	shalt  }
0x46: {  	_ =	shalt  }
0x47: {  	_ =	shalt  }
0x48: {  	_ =	shalt  }
0x49: {  	_ =	shalt  }
0x4a: {  	_ =	shalt  }
0x4b: {  	_ =	shalt  }
0x4c: {  	_ =	shalt  }
0x4d: {  	_ =	shalt  }
0x4e: {  	_ =	shalt  }
0x4f: {  	_ =	shalt  }
0x50: {  	_ =	shalt  }
0x51: {  	_ =	shalt  }
0x52: {  	_ =	shalt  }
0x53: {  	_ =	shalt  }
0x54: {  	_ =	shalt  }
0x55: {  	_ =	shalt  }
0x56: {  	_ =	shalt  }
0x57: {  	_ =	shalt  }
0x58: {  	_ =	shalt  }
0x59: {  	_ =	shalt  }
0x5a: {  	_ =	shalt  }
0x5b: {  	_ =	shalt  }
0x5c: {  	_ =	shalt  }
0x5d: {  	_ =	shalt  }
0x5e: {  	_ =	shalt  }
0x5f: {  	_ =	shalt  }
0x60: {  	_ =	shalt  }
0x61: {  	_ =	shalt  }
0x62: {  	_ =	shalt  }
0x63: {  	_ =	shalt  }
0x64: {  	_ =	shalt  }
0x65: {  	_ =	shalt  }
0x66: {  	_ =	shalt  }
0x67: {  	_ =	shalt  }
0x68: {  	_ =	shalt  }
0x69: {  	_ =	shalt  }
0x6a: {  	_ =	shalt  }
0x6b: {  	_ =	shalt  }
0x6c: {  	_ =	shalt  }
0x6d: {  	_ =	shalt  }
0x6e: {  	_ =	shalt  }
0x6f: {  	_ =	shalt  }
0x70: {  	_ =	shalt  }
0x71: {  	_ =	shalt  }
0x72: {  	_ =	shalt  }
0x73: {  	_ =	shalt  }
0x74: {  	_ =	shalt  }
0x75: {  	_ =	shalt  }
0x76: {  	_ =	shalt  }
0x77: {  	_ =	shalt  }
0x78: {  	_ =	shalt  }
0x79: {  	_ =	shalt  }
0x7a: {  	_ =	shalt  }
0x7b: {  	_ =	shalt  }
0x7c: {  	_ =	shalt  }
0x7d: {  	_ =	shalt  }
0x7e: {  	_ =	shalt  }
0x7f: {  	_ =	shalt  }
0x80: {  	_ =	shalt  }
0x81: {  	_ =	shalt  }
0x82: {  	_ =	shalt  }
0x83: {  	_ =	shalt  }
0x84: {  	_ =	shalt  }
0x85: {  	_ =	shalt  }
0x86: {  	_ =	shalt  }
0x87: {  	_ =	shalt  }
.Lfunc_end0:
.L_simem_size_0:
called_computation.1_lowered:
.L_overlay_start_0:
0x88: {  	s2 =	sld [smem:$0x3FD9]  }
0x89: {  	s3 =	sld [smem:$0x3FFE];
	_ =	sdelay $0x1  }
0x8a: {  	s1 =	srdreg.scid  }
0x8b: {  	s0 =	sand.u32 $0x1, s1  }
0x8c: {  	s17 =	sshll.u32 s0, $0xA;
	s2 =	sadd.s32 s3, s2  }
0x8d: {  	s2 =	sadd.s32 s2, s17  }
0x8e: {  	[smem:$0x3FC4] =	sst s2  }
0x8f: {  	_ = 	snop  }
0x90: {  	s2 =	sld [smem:$0x3FD0];
	(tm) =	ssettm $0x1  }
0x91: {  	s18 =	sld [smem:$0x3FFB];
	_ =	sdelay $0x3  }
0x92: {  	_ =	strace s18  }
0x93: {  	s3 =	sld [smem:$0x3FFC];
	_ =	sdelay $0x3  }
0x94: {  	_ =	strace s3  }
0x95: {  	s3 =	sld [smem:$0x3FFD];
	_ =	sdelay $0x3  }
0x96: {  	_ =	strace s3  }
0x97: {  	_ =	strace $0x8FFFFFFF  }
0x98: {  	s19 =	sld [smem:$0x3FDB];
	_ =	sdelay $0x1  }
0x99: {  	s4 =	simm.s32 $_scs_section_size  }
0x9a: {  	s5 =	simm.s32 $_size__tile_overlayer_lowered;
	s6 =	simm.s32 $_tile_overlayer_lowered  }
0x9b: {  	s22 =	simm.s32 $0x1BFF;
	s21 =	sshll.u32 s6, $0x1;
	s3 =	sadd.s32 s4, s19  }
0x9c: {  	s7 =	simm.s32 $0x0;
	s20 =	sshll.u32 s5, $0x1;
	s5 =	sadd.s32 s21, s3  }
0x9d: {  	[timem:s7], [sflag:s22] =	dma.local [hbm:s5], s20  }
0x9e: {  	_ =	swait.ge [sflag:s22], s20  }
0x9f: {  	s4 =	ssub.s32 $0x0, s20;
	[sflag:s22] =	ssyncset.done $0x0  }
0xa0: {  	[sflag:s22] =	ssyncadd.s32 s4;
	_ =	sdelay $0x1  }
0xa1: {  	s23 =	simm.s32 $0x1B8B  }
0xa2: {  	_ =	swait.ge [sflag:s23], $0x1  }
0xa3: {  	[sflag:s23] =	ssyncset.done $0x0  }
0xa4: {  	s25 =	simm.s32 $0x1B8E;
	s24 =	sld [smem:$0x3FFE];
	[sflag:s23] =	ssyncadd.s32 $0xFFFFFFFF  }
0xa5: {  	s26 =	simm.s32 $execute0_lowered;
	[smem:$0x3FD2] =	sst s25  }
0xa6: {  	s5 =	sshll.u32 s26, $0x1;
	_ =	strace $0x80000046;
	[dreg:$0x1] =	wrdreg $0xFFFFFFFF  }
0xa7: {  	s28 =	simm.s32 $_size_execute0_lowered;
	s3 =	sadd.s32 s3, s5;
	[dreg:$0x0] =	wrdreg $0x0  }
0xa8: {  	s5 =	sshll.u32 s28, $0x1;
	[dreg:$0x2] =	wrdreg s3  }
0xa9: {  	[dreg:$0x3] =	wrdreg s5  }
0xaa: {  	[dreg:$0x4] =	wrdreg $0xC0  }
0xab: {  	_ =	task [dreg:s7], $0x5FFFF  }
0xac: {  	[dreg:$0x1] =	wrdreg $0xFFFFFFFF  }
0xad: {  	[dreg:$0x0] =	wrdreg $0x60  }
0xae: {  	[dreg:$0x2] =	wrdreg s24  }
0xaf: {  	[dreg:$0x3] =	wrdreg s2  }
0xb0: {  	[dreg:$0x4] =	wrdreg $0x9  }
0xb1: {  	_ =	task.clear_ibuf [dreg:s7], $0x5FFFF;
	_ =	strace $0x90000046  }
0xb2: {  	s29 =	simm.s32 $0x9;
	_ =	strace $0x80000048  }
0xb3: {  	_ =	swait.ge [sflag:s29], $0x1  }
0xb4: {  	[sflag:s29] =	ssyncadd.s32 $0xFFFFFFFF  }
0xb5: {  	_ =	strace $0x90000048  }
0xb6: {  	_ =	sfence  }
0xb7: {  	s30 =	sld [smem:$0x0];
	_ =	sdelay $0x2  }
0xb8: {  	s31 =	sshll.u32 s1, $0xD;
	s1 =	sshrl.u32 s1, $0x2  }
0xb9: {  	s3 =	sand.u32 $0x4000, s31;
	s1 =	sadd.s32 s1, s30  }
0xba: {  	s0 =	sor.u32 s3, s0;
	s1 =	sshll.u32 s1, $0x11  }
0xbb: {  	s0 =	sor.u32 s1, s0  }
0xbc: {  	s0 =	sadd.s32 $0x8F2B, s0  }
0xbd: {  	[sflag:s0] =	ssyncadd.remote.s32 $0x1  }
0xbe: {  	_ =	sfence.sel $0xFFFF  }
0xbf: {  	[dreg:$0x0] =	wrdreg $0xFFFFFFFF;
	(pc) =	sbr.abs _section_cstart, $3  }
0xc0: {  	[dreg:$0x1] =	wrdreg $0xFFFFFFFF  }
0xc1: {  	_ =	task.clear_ibuf [dreg:s7], $0x2FFFF;
	_ =	strace $0x9FFFFFFF  }
0xc2: {  	(tm) =	ssettm $0x7FFFFFFF  }
0xc3: {  	_ =	shalt  }
tec
execute0_lowered:
.L_overlay_start_1:
0x0: {  	(tag) =	ssettag $0x1  }
0x1: {  	s0 =	rddreg [dreg:$0x0];
	s1 =	srdreg.scid;
	s5 =	simm.s32 $0x0  }
0x2: {  	s2 =	stileid.u32;
	[smem:$0x7FF] =	sst s5;
	s6 =	sadd.s32 $0x19E00, s0  }
0x3: {  	s8 =	sadd.s32 $0x32E00, s0;
	s9 =	sadd.s32 $0xE00, s0;
	s3 =	sadd.s32 $0xF75200, s0  }
0x4: {  	s0 =	sadd.s32 $0x4BE00, s0;
	_ =	strace $0x80000047;
	[dreg:$0x7] =	wrdreg s3  }
0x5: {  	s1 =	sand.u32 $0x1, s1;
	s2 =	sshll.u32 s2, $0x1;
	[dreg:$0x8] =	wrdreg s0  }
0x6: {  	s2 =	sor.u32 s1, s2;
	[dreg:$0x3] =	wrdreg s6  }
0x7: {  	[dreg:$0x5] =	wrdreg s8;
	s30 =	smul.u32 $0x190000, s2  }
0x8: {  	s1 =	ssub.s32 $0x2, s1;
	[dreg:$0x6] =	wrdreg s9;
	s7 =	smul.u32 $0x6400, s2  }
0x9: {  	s24 =	sshrl.u32 s1, $0x1;
	[dreg:$0xc] =	wrdreg s30  }
0xa: {  	s25 =	ssub.s32 s1, s24;
	[dreg:$0x4] =	wrdreg s7;
	s31 =	sor.u32 $0x200, s7  }
0xb: {  	s4 =	sshrl.u32 s7, $0x3;
	s0 =	smax.u32 s25, $0x1;
	[dreg:$0xd] =	wrdreg s31  }
0xc: {  	s26 =	sadd.s32 s6, s4;
	[dreg:$0xe] =	wrdreg s0  }
0xd: {  	s28 =	sadd.s32 s8, s4;
	[dreg:$0x9] =	wrdreg s26  }
0xe: {  	s29 =	sadd.s32 s9, s4;
	[dreg:$0xa] =	wrdreg s28  }
0xf: {  	vm0 =	vmmov $0xfff;
	s2 =	simm.s32 $0x0;
	[dreg:$0xb] =	wrdreg s29  }
.LBB2_1:
0x10: {  	[dreg:$0xf] =	wrdreg s2  }
0x11: {  	s0 =	rddreg [dreg:$0x8];
	s1 =	simm.s32 $0x17600;
	s22 =	simm.s32 $0x5  }
0x12: {  	[tilespmem:s1], [sflag:$0x5] =	stream.linear.gather [hbm4b:s0+s5], $0xC80, $0x38;
	[tilespmem:$0x18280] =	vst v63  }
0x13: {  	_ =	swait.ge [sflag:s22], $0xC80  }
0x14: {  	[sflag:s22] =	ssyncset.done $0x0  }
0x15: {  	s23 =	rddreg [dreg:$0x9];
	[sflag:s22] =	ssyncadd.s32 $0xFFFFF380  }
0x16: {  	[tilespmem:s5], [sflag:$0x5] =	stream.linear.gather [hbm4b:s23+s5], $0x100, $0x38;
	[tilespmem:$0x18280] =	vst v63  }
0x17: {  	_ =	swait.ge [sflag:s22], $0x100  }
0x18: {  	[sflag:s22] =	ssyncset.done $0x0  }
0x19: {  	s25 =	simm.s32 $0x200;
	s24 =	rddreg [dreg:$0xa];
	[sflag:s22] =	ssyncadd.s32 $0xFFFFFF00  }
0x1a: {  	[tilespmem:s25], [sflag:$0x5] =	stream.linear.gather [hbm4b:s24+s5], $0x100, $0x38;
	[tilespmem:$0x18280] =	vst v63  }
0x1b: {  	_ =	swait.ge [sflag:s22], $0x100  }
0x1c: {  	[sflag:s22] =	ssyncset.done $0x0  }
0x1d: {  	s28 =	simm.s32 $0x400;
	s26 =	rddreg [dreg:$0xb];
	[sflag:s22] =	ssyncadd.s32 $0xFFFFFF00  }
0x1e: {  	[tilespmem:s28], [sflag:$0x5] =	stream.linear.gather [hbm4b:s26+s5], $0x100, $0x38;
	[tilespmem:$0x18280] =	vst v63  }
0x1f: {  	_ =	swait.ge [sflag:s22], $0x100  }
0x20: {  	s30 =	simm.s32 $0x100;
	s31 =	simm.s32 $0x600;
	[sflag:s22] =	ssyncset.done $0x0  }
0x21: {  	s6 =	simm.s32 $0x0;
	s29 =	rddreg [dreg:$0x7];
	[sflag:s22] =	ssyncadd.s32 $0xFFFFFF00  }
0x22: {  	[tilespmem:s31], [sflag:$0x1] =	stream.indirect.gather [hbm4b:s29+s30], $0x78, s5, s30, $0xb8;
	[tilespmem:$0x18280] =	vst v63  }
.LBB2_2:
0x23: {  	s0 =	sshllo.u32 s6, $0x1;
	s1 =	rddreg [dreg:$0x4]  }
0x24: {  	[dreg:$0x11] =	wrdreg s0;
	s0 =	sshll.u32 s0, $0x8  }
0x25: {  	s0 =	sadd.s32 s1, s0  }
0x26: {  	s24 =	rddreg [dreg:$0x3];
	s0 =	sshrl.u32 s0, $0x3  }
0x27: {  	s3 =	simm.s32 $0x100;
	s2 =	simm.s32 $0x5;
	s1 =	sadd.s32 s24, s0  }
0x28: {  	[tilespmem:s3], [sflag:$0x5] =	stream.linear.gather [hbm4b:s1+s5], $0x100, $0x38;
	[tilespmem:$0x18280] =	vst v63  }
0x29: {  	_ =	swait.ge [sflag:s2], $0x100  }
0x2a: {  	[sflag:s2] =	ssyncset.done $0x0;
	s25 =	rddreg [dreg:$0x5]  }
0x2b: {  	s4 =	simm.s32 $0x300;
	[sflag:s2] =	ssyncadd.s32 $0xFFFFFF00;
	s1 =	sadd.s32 s25, s0  }
0x2c: {  	[tilespmem:s4], [sflag:$0x5] =	stream.linear.gather [hbm4b:s1+s5], $0x100, $0x38;
	[tilespmem:$0x18280] =	vst v63  }
0x2d: {  	_ =	swait.ge [sflag:s2], $0x100  }
0x2e: {  	[sflag:s2] =	ssyncset.done $0x0;
	s26 =	rddreg [dreg:$0x6]  }
0x2f: {  	s28 =	simm.s32 $0x500;
	[sflag:s2] =	ssyncadd.s32 $0xFFFFFF00;
	s0 =	sadd.s32 s26, s0  }
0x30: {  	[tilespmem:s28], [sflag:$0x5] =	stream.linear.gather [hbm4b:s0+s5], $0x100, $0x38;
	[tilespmem:$0x18280] =	vst v63  }
0x31: {  	_ =	swait.ge [sflag:s2], $0x100  }
0x32: {  	s30 =	simm.s32 $0x7E00;
	[sflag:s2] =	ssyncset.done $0x0  }
0x33: {  	s31 =	simm.s32 $0x1;
	s29 =	rddreg [dreg:$0x7];
	[sflag:s2] =	ssyncadd.s32 $0xFFFFFF00  }
0x34: {  	[tilespmem:s30], [sflag:$0x2] =	stream.indirect.gather [hbm4b:s29+s3], $0x78, s3, s3, $0xb8;
	[tilespmem:$0x18280] =	vst v63  }
0x35: {  	_ =	swait.ge [sflag:s31], $0x7800  }
0x36: {  	p0 =	seq.s32 s6, $0x0;
	[sflag:s31] =	ssyncset.done $0x0  }
0x37: {  	s0 =	simm.s32 @!p0 $0x3;
	[dreg:$0x10] =	wrdreg s6;
	[sflag:s31] =	ssyncadd.s32 $0xFFFF8800  }
0x38: {  	_ =	swait.ge @!p0 [sflag:s0], $0x4000  }
0x39: {  	[sflag:s0] =	ssyncset.done @!p0 $0x0  }
0x3a: {  	[sflag:s0] =	ssyncadd.s32 @!p0 $0xFFFFC000;
	s0 =	simm.s32 $0x0  }
.LBB2_3:
0x3b: {  	s2 =	smov.u32 s0;
	s0 =	sshll.u32 s0, $0x4  }
0x3c: {  	v1 =	vld [tilespmem:s0+$0x400];
	_ =	sdelay $0x4  }
0x3d: {  	(v2sf) =	vpush v1, $0x0;
	_ =	sdelay $0xd  }
0x3e: {  	v0 =	vld [tilespmem:s0+$0x200];
	s1 =	smul.u32 $0x1E00, s2  }
0x3f: {  	s21 =	spop (v2sf)  }
0x40: {  	s1 =	sshra.s32 s1, $0x2;
	s3 =	sand.u32 $0xFFFFFFF8, s21  }
0x41: {  	s4 =	smov.u32 s2;
	s2 =	sand.u32 $0x7, s21;
	s1 =	sadd.s32 s3, s1  }
0x42: {  	s1 =	sor.u32 s2, s1  }
0x43: {  	v0 =	vshll.u32 v0, $0x6;
	v3 =	vld [tilespmem:s1+$0x600]  }
0x44: {  	v0 =	vshra.s32 v0, $0x2  }
0x45: {  	v2 =	vadd.s32 $0x17600, v0  }
0x46: {  	s22 =	sshll.u32 s4, $0xA;
	(v2sf) =	vpush v2, $0x0  }
0x47: {  	s2 =	sand.u32 $0x3FFFFC00, s22  }
0x48: {  	[tilespmem:s2+$0xF600] =	vst v3  }
0x49: {  	v38 =	vld [tilespmem:s1+$0x610]  }
0x4a: {  	(v2sf) =	vpush v1, $0x1;
	_ =	sdelay $0x3  }
0x4b: {  	[tilespmem:s2+$0xF610] =	vst v38  }
0x4c: {  	v0 =	vld [tilespmem:s1+$0x620];
	_ =	sdelay $0x4  }
0x4d: {  	[tilespmem:s2+$0xF620] =	vst v0  }
0x4e: {  	s23 =	spop (v2sf);
	v0 =	vld [tilespmem:s1+$0x630]  }
0x4f: {  	v3 =	vld [tilespmem:s23+$0x0]  }
0x50: {  	s24 =	sor.u32 $0x1, s0  }
0x51: {  	s25 =	smul.u32 $0x1E0, s24  }
0x52: {  	s28 =	spop (v2sf)  }
0x53: {  	s3 =	sshra.s32 s25, $0x2;
	s5 =	sand.u32 $0xFFFFFFF8, s28  }
0x54: {  	s26 =	smov.u32 s4;
	s4 =	sand.u32 $0x7, s28;
	s3 =	sadd.s32 s5, s3;
	v0 =	vsel vm0, v0, v3  }
0x55: {  	s29 =	sor.u32 s4, s3;
	[tilespmem:s2+$0xF630] =	vst v0  }
0x56: {  	v0 =	vld [tilespmem:s29+$0x600];
	_ =	sdelay $0x2  }
0x57: {  	(v2sf) =	vpush v2, $0x1;
	s1 =	sshll.u32 s24, $0x6  }
0x58: {  	s1 =	sand.u32 $0x3FFFFC40, s1  }
0x59: {  	[tilespmem:s1+$0xF600] =	vst v0  }
0x5a: {  	v0 =	vld [tilespmem:s29+$0x610]  }
0x5b: {  	(v2sf) =	vpush v1, $0x2;
	_ =	sdelay $0x3  }
0x5c: {  	[tilespmem:s1+$0xF610] =	vst v0  }
0x5d: {  	v0 =	vld [tilespmem:s29+$0x620];
	_ =	sdelay $0x4  }
0x5e: {  	[tilespmem:s1+$0xF620] =	vst v0  }
0x5f: {  	s30 =	spop (v2sf);
	v0 =	vld [tilespmem:s29+$0x630]  }
0x60: {  	v39 =	vld [tilespmem:s30+$0x0]  }
0x61: {  	s31 =	sor.u32 $0x2, s0  }
0x62: {  	s5 =	smul.u32 $0x1E0, s31  }
0x63: {  	s6 =	spop (v2sf)  }
0x64: {  	s7 =	sand.u32 $0xFFFFFFF8, s6;
	s3 =	sshra.s32 s5, $0x2  }
0x65: {  	s4 =	sand.u32 $0x7, s6;
	s3 =	sadd.s32 s7, s3;
	v0 =	vsel vm0, v0, v39  }
0x66: {  	s8 =	sor.u32 s4, s3;
	[tilespmem:s1+$0xF630] =	vst v0  }
0x67: {  	v0 =	vld [tilespmem:s8+$0x600];
	_ =	sdelay $0x2  }
0x68: {  	(v2sf) =	vpush v2, $0x2;
	s2 =	sshll.u32 s31, $0x6  }
0x69: {  	s2 =	sand.u32 $0x3FFFFC80, s2  }
0x6a: {  	[tilespmem:s2+$0xF600] =	vst v0  }
0x6b: {  	v0 =	vld [tilespmem:s8+$0x610]  }
0x6c: {  	(v2sf) =	vpush v1, $0x3;
	_ =	sdelay $0x3  }
0x6d: {  	[tilespmem:s2+$0xF610] =	vst v0  }
0x6e: {  	v0 =	vld [tilespmem:s8+$0x620];
	_ =	sdelay $0x4  }
0x6f: {  	[tilespmem:s2+$0xF620] =	vst v0  }
0x70: {  	s9 =	spop (v2sf);
	v0 =	vld [tilespmem:s8+$0x630]  }
0x71: {  	v40 =	vld [tilespmem:s9+$0x0]  }
0x72: {  	s10 =	sor.u32 $0x3, s0  }
0x73: {  	s11 =	smul.u32 $0x1E0, s10  }
0x74: {  	s12 =	spop (v2sf)  }
0x75: {  	s13 =	sand.u32 $0xFFFFFFF8, s12;
	s3 =	sshra.s32 s11, $0x2  }
0x76: {  	s4 =	sand.u32 $0x7, s12;
	s3 =	sadd.s32 s13, s3;
	v0 =	vsel vm0, v0, v40  }
0x77: {  	s14 =	sor.u32 s4, s3;
	[tilespmem:s2+$0xF630] =	vst v0  }
0x78: {  	v0 =	vld [tilespmem:s14+$0x600];
	_ =	sdelay $0x2  }
0x79: {  	(v2sf) =	vpush v2, $0x3;
	s1 =	sshll.u32 s10, $0x6  }
0x7a: {  	s1 =	sand.u32 $0x3FFFFCC0, s1  }
0x7b: {  	[tilespmem:s1+$0xF600] =	vst v0  }
0x7c: {  	v0 =	vld [tilespmem:s14+$0x610]  }
0x7d: {  	(v2sf) =	vpush v1, $0x4;
	_ =	sdelay $0x3  }
0x7e: {  	[tilespmem:s1+$0xF610] =	vst v0  }
0x7f: {  	v0 =	vld [tilespmem:s14+$0x620];
	_ =	sdelay $0x4  }
0x80: {  	[tilespmem:s1+$0xF620] =	vst v0  }
0x81: {  	s15 =	spop (v2sf);
	v0 =	vld [tilespmem:s14+$0x630]  }
0x82: {  	v41 =	vld [tilespmem:s15+$0x0]  }
0x83: {  	s16 =	sor.u32 $0x4, s0  }
0x84: {  	s17 =	smul.u32 $0x1E0, s16  }
0x85: {  	s18 =	spop (v2sf)  }
0x86: {  	s19 =	sand.u32 $0xFFFFFFF8, s18;
	s3 =	sshra.s32 s17, $0x2  }
0x87: {  	s4 =	sand.u32 $0x7, s18;
	s3 =	sadd.s32 s19, s3;
	v0 =	vsel vm0, v0, v41  }
0x88: {  	s20 =	sor.u32 s4, s3;
	[tilespmem:s1+$0xF630] =	vst v0  }
0x89: {  	v0 =	vld [tilespmem:s20+$0x600];
	_ =	sdelay $0x2  }
0x8a: {  	(v2sf) =	vpush v2, $0x4;
	s2 =	sshll.u32 s16, $0x6  }
0x8b: {  	s2 =	sand.u32 $0x3FFFFD00, s2  }
0x8c: {  	[tilespmem:s2+$0xF600] =	vst v0  }
0x8d: {  	v0 =	vld [tilespmem:s20+$0x610]  }
0x8e: {  	(v2sf) =	vpush v1, $0x5;
	_ =	sdelay $0x3  }
0x8f: {  	[tilespmem:s2+$0xF610] =	vst v0  }
0x90: {  	v0 =	vld [tilespmem:s20+$0x620];
	_ =	sdelay $0x4  }
0x91: {  	(v2sf) =	vpush v2, $0x5;
	[tilespmem:s2+$0xF620] =	vst v0  }
0x92: {  	(v2sf) =	vpush v1, $0x6;
	s21 =	spop (v2sf);
	v0 =	vld [tilespmem:s20+$0x630]  }
0x93: {  	(v2sf) =	vpush v2, $0x6;
	v42 =	vld [tilespmem:s21+$0x0]  }
0x94: {  	s22 =	sor.u32 $0x5, s0;
	(v2sf) =	vpush v1, $0x7  }
0x95: {  	(v2sf) =	vpush v2, $0x7;
	s23 =	smul.u32 $0x1E0, s22  }
0x96: {  	(v2sf) =	vpush v1, $0x8;
	s24 =	spop (v2sf)  }
0x97: {  	(v2sf) =	vpush v2, $0x8;
	s25 =	sand.u32 $0xFFFFFFF8, s24;
	s3 =	sshra.s32 s23, $0x2  }
0x98: {  	(v2sf) =	vpush v1, $0x9;
	s4 =	sand.u32 $0x7, s24;
	s3 =	sadd.s32 s25, s3;
	v0 =	vsel vm0, v0, v42  }
0x99: {  	(v2sf) =	vpush v2, $0x9;
	s28 =	sor.u32 s4, s3;
	[tilespmem:s2+$0xF630] =	vst v0  }
0x9a: {  	(v2sf) =	vpush v1, $0xA;
	v0 =	vld [tilespmem:s28+$0x600]  }
0x9b: {  	(v2sf) =	vpush v2, $0xA  }
0x9c: {  	(v2sf) =	vpush v1, $0xB  }
0x9d: {  	(v2sf) =	vpush v2, $0xB;
	s1 =	sshll.u32 s22, $0x6  }
0x9e: {  	(v2sf) =	vpush v1, $0xC;
	s1 =	sand.u32 $0x3FFFFD40, s1  }
0x9f: {  	(v2sf) =	vpush v2, $0xC;
	s23 =	sor.u32 $0x1, s26;
	[tilespmem:s1+$0xF600] =	vst v0  }
0xa0: {  	s11 =	sshll.u32 s23, $0x4;
	s29 =	spop (v2sf);
	(v2sf) =	vpush v1, $0xD;
	v0 =	vld [tilespmem:s28+$0x610]  }
0xa1: {  	v43 =	vld [tilespmem:s11+$0x400];
	s30 =	spop (v2sf);
	(v2sf) =	vpush v2, $0xD  }
0xa2: {  	s20 =	spop (v2sf);
	(v2sf) =	vpush v1, $0xE  }
0xa3: {  	s19 =	spop (v2sf);
	(v2sf) =	vpush v2, $0xE  }
0xa4: {  	s18 =	spop (v2sf);
	(v2sf) =	vpush v1, $0xF  }
0xa5: {  	s17 =	spop (v2sf);
	(v2sf) =	vpush v2, $0xF;
	[tilespmem:s1+$0xF610] =	vst v0  }
0xa6: {  	s16 =	spop (v2sf);
	(v2sf) =	vpush v43, $0x0;
	v44 =	vld [tilespmem:s28+$0x620]  }
0xa7: {  	s15 =	spop (v2sf)  }
0xa8: {  	s14 =	spop (v2sf)  }
0xa9: {  	s13 =	spop (v2sf)  }
0xaa: {  	s12 =	spop (v2sf)  }
0xab: {  	s10 =	spop (v2sf);
	[tilespmem:s1+$0xF620] =	vst v44  }
0xac: {  	s31 =	sor.u32 $0x6, s0;
	s9 =	spop (v2sf);
	v45 =	vld [tilespmem:s28+$0x630]  }
0xad: {  	s22 =	smul.u32 $0x1E0, s31;
	s8 =	spop (v2sf);
	v46 =	vld [tilespmem:s29+$0x0]  }
0xae: {  	s7 =	spop (v2sf)  }
0xaf: {  	s24 =	sand.u32 $0xFFFFFFF8, s30;
	s3 =	sshra.s32 s22, $0x2;
	s6 =	spop (v2sf)  }
0xb0: {  	s4 =	sand.u32 $0x7, s30;
	s3 =	sadd.s32 s24, s3;
	s5 =	spop (v2sf)  }
0xb1: {  	s21 =	sor.u32 s4, s3;
	s4 =	spop (v2sf)  }
0xb2: {  	s3 =	spop (v2sf);
	v1 =	vsel vm0, v45, v46  }
0xb3: {  	v47 =	vld [tilespmem:s11+$0x200];
	s2 =	spop (v2sf);
	[tilespmem:s1+$0xF630] =	vst v1  }
0xb4: {  	s28 =	smov.u32 s23;
	s23 =	smul.u32 $0x1E00, s23;
	s1 =	spop (v2sf);
	v1 =	vld [tilespmem:s21+$0x600]  }
0xb5: {  	s25 =	sshll.u32 s31, $0x6;
	s24 =	spop (v2sf)  }
0xb6: {  	s22 =	sand.u32 $0x3FFFFD80, s25;
	s23 =	sshra.s32 s23, $0x2;
	s25 =	sand.u32 $0xFFFFFFF8, s24  }
0xb7: {  	s24 =	sand.u32 $0x7, s24;
	s23 =	sadd.s32 s25, s23  }
0xb8: {  	s23 =	sor.u32 s24, s23  }
0xb9: {  	v2 =	vshll.u32 v47, $0x6;
	v48 =	vld [tilespmem:s23+$0x600];
	[tilespmem:s22+$0xF600] =	vst v1  }
0xba: {  	v2 =	vshra.s32 v2, $0x2;
	v1 =	vld [tilespmem:s21+$0x610]  }
0xbb: {  	v49 =	vadd.s32 $0x17600, v2  }
0xbc: {  	(v2sf) =	vpush v49, $0x0;
	[dreg:$0x12] =	wrdreg s28;
	s28 =	sshll.u32 s28, $0xA  }
0xbd: {  	s24 =	sand.u32 $0x3FFFFC00, s28  }
0xbe: {  	[tilespmem:s24+$0xF600] =	vst v48  }
0xbf: {  	v3 =	vld [tilespmem:s23+$0x610];
	[tilespmem:s22+$0xF610] =	vst v1  }
0xc0: {  	(v2sf) =	vpush v43, $0x1;
	v50 =	vld [tilespmem:s21+$0x620];
	_ =	sdelay $0x3  }
0xc1: {  	[tilespmem:s24+$0xF610] =	vst v3  }
0xc2: {  	v3 =	vld [tilespmem:s23+$0x620];
	[tilespmem:s22+$0xF620] =	vst v50  }
0xc3: {  	v2 =	vld [tilespmem:s21+$0x630]  }
0xc4: {  	v4 =	vld [tilespmem:s20+$0x0]  }
0xc5: {  	s29 =	sor.u32 $0x7, s0  }
0xc6: {  	s30 =	smul.u32 $0x1E0, s29  }
0xc7: {  	[tilespmem:s24+$0xF620] =	vst v3  }
0xc8: {  	s31 =	sand.u32 $0xFFFFFFF8, s19;
	s25 =	spop (v2sf);
	s21 =	sshra.s32 s30, $0x2;
	v3 =	vld [tilespmem:s23+$0x630]  }
0xc9: {  	s19 =	sand.u32 $0x7, s19;
	s21 =	sadd.s32 s31, s21;
	v51 =	vld [tilespmem:s25+$0x0];
	v2 =	vsel vm0, v2, v4  }
0xca: {  	s28 =	sor.u32 $0x1, s11;
	s19 =	sor.u32 s19, s21;
	[tilespmem:s22+$0xF630] =	vst v2  }
0xcb: {  	s20 =	sshll.u32 s29, $0x6;
	s29 =	smul.u32 $0x1E0, s28;
	v2 =	vld [tilespmem:s19+$0x600]  }
0xcc: {  	s30 =	spop (v2sf)  }
0xcd: {  	s31 =	sand.u32 $0xFFFFFFF8, s30;
	s22 =	sshra.s32 s29, $0x2  }
0xce: {  	s23 =	sand.u32 $0x7, s30;
	s22 =	sadd.s32 s31, s22;
	v3 =	vsel vm0, v3, v51  }
0xcf: {  	s20 =	sand.u32 $0x3FFFFDC0, s20;
	s22 =	sor.u32 s23, s22;
	[tilespmem:s24+$0xF630] =	vst v3  }
0xd0: {  	v3 =	vld [tilespmem:s22+$0x600];
	[tilespmem:s20+$0xF600] =	vst v2  }
0xd1: {  	v2 =	vld [tilespmem:s19+$0x610];
	_ =	sdelay $0x1  }
0xd2: {  	(v2sf) =	vpush v49, $0x1;
	s21 =	sshll.u32 s28, $0x6  }
0xd3: {  	s21 =	sand.u32 $0x3FFFFC40, s21  }
0xd4: {  	[tilespmem:s21+$0xF600] =	vst v3  }
0xd5: {  	v3 =	vld [tilespmem:s22+$0x610];
	[tilespmem:s20+$0xF610] =	vst v2  }
0xd6: {  	(v2sf) =	vpush v43, $0x2;
	v2 =	vld [tilespmem:s19+$0x620];
	_ =	sdelay $0x3  }
0xd7: {  	[tilespmem:s21+$0xF610] =	vst v3  }
0xd8: {  	v3 =	vld [tilespmem:s22+$0x620];
	[tilespmem:s20+$0xF620] =	vst v2  }
0xd9: {  	v2 =	vld [tilespmem:s19+$0x630]  }
0xda: {  	v52 =	vld [tilespmem:s18+$0x0]  }
0xdb: {  	s25 =	sor.u32 $0x8, s0  }
0xdc: {  	s28 =	smul.u32 $0x1E0, s25  }
0xdd: {  	[tilespmem:s21+$0xF620] =	vst v3  }
0xde: {  	s30 =	spop (v2sf);
	s29 =	sand.u32 $0xFFFFFFF8, s17;
	s19 =	sshra.s32 s28, $0x2;
	v3 =	vld [tilespmem:s22+$0x630]  }
0xdf: {  	s17 =	sand.u32 $0x7, s17;
	s19 =	sadd.s32 s29, s19;
	v53 =	vld [tilespmem:s30+$0x0];
	v2 =	vsel vm0, v2, v52  }
0xe0: {  	s31 =	sor.u32 $0x2, s11;
	s17 =	sor.u32 s17, s19;
	[tilespmem:s20+$0xF630] =	vst v2  }
0xe1: {  	s22 =	smul.u32 $0x1E0, s31;
	v2 =	vld [tilespmem:s17+$0x600]  }
0xe2: {  	s23 =	spop (v2sf)  }
0xe3: {  	s24 =	sand.u32 $0xFFFFFFF8, s23;
	s20 =	sshra.s32 s22, $0x2  }
0xe4: {  	s18 =	sshll.u32 s25, $0x6;
	s22 =	sand.u32 $0x7, s23;
	s20 =	sadd.s32 s24, s20;
	v3 =	vsel vm0, v3, v53  }
0xe5: {  	s18 =	sand.u32 $0x3FFFFE00, s18;
	s20 =	sor.u32 s22, s20;
	[tilespmem:s21+$0xF630] =	vst v3  }
0xe6: {  	v3 =	vld [tilespmem:s20+$0x600];
	[tilespmem:s18+$0xF600] =	vst v2  }
0xe7: {  	v2 =	vld [tilespmem:s17+$0x610];
	_ =	sdelay $0x1  }
0xe8: {  	(v2sf) =	vpush v49, $0x2;
	s19 =	sshll.u32 s31, $0x6  }
0xe9: {  	s19 =	sand.u32 $0x3FFFFC80, s19  }
0xea: {  	[tilespmem:s19+$0xF600] =	vst v3  }
0xeb: {  	v3 =	vld [tilespmem:s20+$0x610];
	[tilespmem:s18+$0xF610] =	vst v2  }
0xec: {  	(v2sf) =	vpush v43, $0x3;
	v2 =	vld [tilespmem:s17+$0x620];
	_ =	sdelay $0x3  }
0xed: {  	[tilespmem:s19+$0xF610] =	vst v3  }
0xee: {  	v3 =	vld [tilespmem:s20+$0x620];
	[tilespmem:s18+$0xF620] =	vst v2  }
0xef: {  	v2 =	vld [tilespmem:s17+$0x630]  }
0xf0: {  	v54 =	vld [tilespmem:s16+$0x0]  }
0xf1: {  	s25 =	sor.u32 $0x9, s0  }
0xf2: {  	s28 =	smul.u32 $0x1E0, s25  }
0xf3: {  	[tilespmem:s19+$0xF620] =	vst v3  }
0xf4: {  	s29 =	sand.u32 $0xFFFFFFF8, s15;
	s30 =	spop (v2sf);
	s17 =	sshra.s32 s28, $0x2;
	v3 =	vld [tilespmem:s20+$0x630]  }
0xf5: {  	s15 =	sand.u32 $0x7, s15;
	s17 =	sadd.s32 s29, s17;
	v55 =	vld [tilespmem:s30+$0x0];
	v2 =	vsel vm0, v2, v54  }
0xf6: {  	s31 =	sor.u32 $0x3, s11;
	s15 =	sor.u32 s15, s17;
	[tilespmem:s18+$0xF630] =	vst v2  }
0xf7: {  	s22 =	smul.u32 $0x1E0, s31;
	v2 =	vld [tilespmem:s15+$0x600]  }
0xf8: {  	s23 =	spop (v2sf)  }
0xf9: {  	s24 =	sand.u32 $0xFFFFFFF8, s23;
	s18 =	sshra.s32 s22, $0x2  }
0xfa: {  	s16 =	sshll.u32 s25, $0x6;
	s20 =	sand.u32 $0x7, s23;
	s18 =	sadd.s32 s24, s18;
	v3 =	vsel vm0, v3, v55  }
0xfb: {  	s16 =	sand.u32 $0x3FFFFE40, s16;
	s18 =	sor.u32 s20, s18;
	[tilespmem:s19+$0xF630] =	vst v3  }
0xfc: {  	v3 =	vld [tilespmem:s18+$0x600];
	[tilespmem:s16+$0xF600] =	vst v2  }
0xfd: {  	v2 =	vld [tilespmem:s15+$0x610];
	_ =	sdelay $0x1  }
0xfe: {  	(v2sf) =	vpush v49, $0x3;
	s17 =	sshll.u32 s31, $0x6  }
0xff: {  	s17 =	sand.u32 $0x3FFFFCC0, s17  }
0x100: {  	[tilespmem:s17+$0xF600] =	vst v3  }
0x101: {  	v3 =	vld [tilespmem:s18+$0x610];
	[tilespmem:s16+$0xF610] =	vst v2  }
0x102: {  	(v2sf) =	vpush v43, $0x4;
	v2 =	vld [tilespmem:s15+$0x620];
	_ =	sdelay $0x3  }
0x103: {  	[tilespmem:s17+$0xF610] =	vst v3  }
0x104: {  	v3 =	vld [tilespmem:s18+$0x620];
	[tilespmem:s16+$0xF620] =	vst v2  }
0x105: {  	v2 =	vld [tilespmem:s15+$0x630]  }
0x106: {  	v56 =	vld [tilespmem:s14+$0x0]  }
0x107: {  	s25 =	sor.u32 $0xA, s0  }
0x108: {  	s28 =	smul.u32 $0x1E0, s25  }
0x109: {  	[tilespmem:s17+$0xF620] =	vst v3  }
0x10a: {  	s29 =	sand.u32 $0xFFFFFFF8, s13;
	s30 =	spop (v2sf);
	s15 =	sshra.s32 s28, $0x2;
	v3 =	vld [tilespmem:s18+$0x630]  }
0x10b: {  	s13 =	sand.u32 $0x7, s13;
	s15 =	sadd.s32 s29, s15;
	v57 =	vld [tilespmem:s30+$0x0];
	v2 =	vsel vm0, v2, v56  }
0x10c: {  	s31 =	sor.u32 $0x4, s11;
	s13 =	sor.u32 s13, s15;
	[tilespmem:s16+$0xF630] =	vst v2  }
0x10d: {  	s18 =	smul.u32 $0x1E0, s31;
	v2 =	vld [tilespmem:s13+$0x600]  }
0x10e: {  	s19 =	spop (v2sf)  }
0x10f: {  	s20 =	sand.u32 $0xFFFFFFF8, s19;
	s16 =	sshra.s32 s18, $0x2  }
0x110: {  	s14 =	sshll.u32 s25, $0x6;
	s18 =	sand.u32 $0x7, s19;
	s16 =	sadd.s32 s20, s16;
	v3 =	vsel vm0, v3, v57  }
0x111: {  	s14 =	sand.u32 $0x3FFFFE80, s14;
	s16 =	sor.u32 s18, s16;
	[tilespmem:s17+$0xF630] =	vst v3  }
0x112: {  	v3 =	vld [tilespmem:s16+$0x600];
	[tilespmem:s14+$0xF600] =	vst v2  }
0x113: {  	v2 =	vld [tilespmem:s13+$0x610];
	_ =	sdelay $0x1  }
0x114: {  	(v2sf) =	vpush v49, $0x4;
	s15 =	sshll.u32 s31, $0x6  }
0x115: {  	s15 =	sand.u32 $0x3FFFFD00, s15  }
0x116: {  	[tilespmem:s15+$0xF600] =	vst v3  }
0x117: {  	v3 =	vld [tilespmem:s16+$0x610];
	[tilespmem:s14+$0xF610] =	vst v2  }
0x118: {  	(v2sf) =	vpush v43, $0x5;
	v2 =	vld [tilespmem:s13+$0x620];
	_ =	sdelay $0x3  }
0x119: {  	[tilespmem:s15+$0xF610] =	vst v3  }
0x11a: {  	v3 =	vld [tilespmem:s16+$0x620];
	[tilespmem:s14+$0xF620] =	vst v2  }
0x11b: {  	v2 =	vld [tilespmem:s13+$0x630]  }
0x11c: {  	v58 =	vld [tilespmem:s12+$0x0]  }
0x11d: {  	s21 =	sor.u32 $0xB, s0  }
0x11e: {  	s22 =	smul.u32 $0x1E0, s21  }
0x11f: {  	[tilespmem:s15+$0xF620] =	vst v3  }
0x120: {  	s23 =	sand.u32 $0xFFFFFFF8, s10;
	s24 =	spop (v2sf);
	s13 =	sshra.s32 s22, $0x2;
	v3 =	vld [tilespmem:s16+$0x630]  }
0x121: {  	s10 =	sand.u32 $0x7, s10;
	s13 =	sadd.s32 s23, s13;
	v59 =	vld [tilespmem:s24+$0x0];
	v2 =	vsel vm0, v2, v58  }
0x122: {  	s25 =	sor.u32 $0x5, s11;
	s10 =	sor.u32 s10, s13;
	[tilespmem:s14+$0xF630] =	vst v2  }
0x123: {  	s28 =	smul.u32 $0x1E0, s25;
	v2 =	vld [tilespmem:s10+$0x600]  }
0x124: {  	s29 =	spop (v2sf)  }
0x125: {  	s30 =	sand.u32 $0xFFFFFFF8, s29;
	s14 =	sshra.s32 s28, $0x2  }
0x126: {  	s12 =	sshll.u32 s21, $0x6;
	s16 =	sand.u32 $0x7, s29;
	s14 =	sadd.s32 s30, s14;
	v3 =	vsel vm0, v3, v59  }
0x127: {  	s12 =	sand.u32 $0x3FFFFEC0, s12;
	s14 =	sor.u32 s16, s14;
	[tilespmem:s15+$0xF630] =	vst v3  }
0x128: {  	v3 =	vld [tilespmem:s14+$0x600];
	[tilespmem:s12+$0xF600] =	vst v2  }
0x129: {  	v2 =	vld [tilespmem:s10+$0x610];
	_ =	sdelay $0x1  }
0x12a: {  	(v2sf) =	vpush v49, $0x5;
	s13 =	sshll.u32 s25, $0x6  }
0x12b: {  	s13 =	sand.u32 $0x3FFFFD40, s13  }
0x12c: {  	[tilespmem:s13+$0xF600] =	vst v3  }
0x12d: {  	v3 =	vld [tilespmem:s14+$0x610];
	[tilespmem:s12+$0xF610] =	vst v2  }
0x12e: {  	(v2sf) =	vpush v43, $0x6;
	v2 =	vld [tilespmem:s10+$0x620];
	_ =	sdelay $0x3  }
0x12f: {  	[tilespmem:s13+$0xF610] =	vst v3  }
0x130: {  	v3 =	vld [tilespmem:s14+$0x620];
	[tilespmem:s12+$0xF620] =	vst v2  }
0x131: {  	v2 =	vld [tilespmem:s10+$0x630]  }
0x132: {  	v60 =	vld [tilespmem:s9+$0x0]  }
0x133: {  	s31 =	sor.u32 $0xC, s0  }
0x134: {  	s15 =	smul.u32 $0x1E0, s31  }
0x135: {  	[tilespmem:s13+$0xF620] =	vst v3  }
0x136: {  	s17 =	spop (v2sf);
	s16 =	sand.u32 $0xFFFFFFF8, s8;
	s10 =	sshra.s32 s15, $0x2;
	v3 =	vld [tilespmem:s14+$0x630]  }
0x137: {  	s8 =	sand.u32 $0x7, s8;
	s10 =	sadd.s32 s16, s10;
	v61 =	vld [tilespmem:s17+$0x0];
	v2 =	vsel vm0, v2, v60  }
0x138: {  	s18 =	sor.u32 $0x6, s11;
	s8 =	sor.u32 s8, s10;
	[tilespmem:s12+$0xF630] =	vst v2  }
0x139: {  	s19 =	smul.u32 $0x1E0, s18;
	v2 =	vld [tilespmem:s8+$0x600]  }
0x13a: {  	s20 =	spop (v2sf)  }
0x13b: {  	s21 =	sand.u32 $0xFFFFFFF8, s20;
	s12 =	sshra.s32 s19, $0x2  }
0x13c: {  	s9 =	sshll.u32 s31, $0x6;
	s14 =	sand.u32 $0x7, s20;
	s12 =	sadd.s32 s21, s12;
	v3 =	vsel vm0, v3, v61  }
0x13d: {  	s9 =	sand.u32 $0x3FFFFF00, s9;
	s12 =	sor.u32 s14, s12;
	[tilespmem:s13+$0xF630] =	vst v3  }
0x13e: {  	v3 =	vld [tilespmem:s12+$0x600];
	[tilespmem:s9+$0xF600] =	vst v2  }
0x13f: {  	v2 =	vld [tilespmem:s8+$0x610];
	_ =	sdelay $0x1  }
0x140: {  	(v2sf) =	vpush v49, $0x6;
	s10 =	sshll.u32 s18, $0x6  }
0x141: {  	s10 =	sand.u32 $0x3FFFFD80, s10  }
0x142: {  	[tilespmem:s10+$0xF600] =	vst v3  }
0x143: {  	v3 =	vld [tilespmem:s12+$0x610];
	[tilespmem:s9+$0xF610] =	vst v2  }
0x144: {  	(v2sf) =	vpush v43, $0x7;
	v2 =	vld [tilespmem:s8+$0x620];
	_ =	sdelay $0x3  }
0x145: {  	[tilespmem:s10+$0xF610] =	vst v3  }
0x146: {  	v3 =	vld [tilespmem:s12+$0x620];
	[tilespmem:s9+$0xF620] =	vst v2  }
0x147: {  	v2 =	vld [tilespmem:s8+$0x630]  }
0x148: {  	v62 =	vld [tilespmem:s7+$0x0]  }
0x149: {  	s22 =	sor.u32 $0xD, s0  }
0x14a: {  	s23 =	smul.u32 $0x1E0, s22  }
0x14b: {  	[tilespmem:s10+$0xF620] =	vst v3  }
0x14c: {  	s25 =	spop (v2sf);
	s24 =	sand.u32 $0xFFFFFFF8, s6;
	s8 =	sshra.s32 s23, $0x2;
	v3 =	vld [tilespmem:s12+$0x630]  }
0x14d: {  	s6 =	sand.u32 $0x7, s6;
	s8 =	sadd.s32 s24, s8;
	v63 =	vld [tilespmem:s25+$0x0];
	v2 =	vsel vm0, v2, v62  }
0x14e: {  	s28 =	sor.u32 $0x7, s11;
	s6 =	sor.u32 s6, s8;
	[tilespmem:s9+$0xF630] =	vst v2  }
0x14f: {  	s29 =	smul.u32 $0x1E0, s28;
	v2 =	vld [tilespmem:s6+$0x600]  }
0x150: {  	s30 =	spop (v2sf)  }
0x151: {  	s31 =	sand.u32 $0xFFFFFFF8, s30;
	s9 =	sshra.s32 s29, $0x2  }
0x152: {  	s7 =	sshll.u32 s22, $0x6;
	s12 =	sand.u32 $0x7, s30;
	s9 =	sadd.s32 s31, s9;
	v3 =	vsel vm0, v3, v63  }
0x153: {  	s7 =	sand.u32 $0x3FFFFF40, s7;
	s9 =	sor.u32 s12, s9;
	[tilespmem:s10+$0xF630] =	vst v3  }
0x154: {  	v3 =	vld [tilespmem:s9+$0x600];
	[tilespmem:s7+$0xF600] =	vst v2  }
0x155: {  	v2 =	vld [tilespmem:s6+$0x610];
	_ =	sdelay $0x1  }
0x156: {  	(v2sf) =	vpush v49, $0x7;
	s8 =	sshll.u32 s28, $0x6  }
0x157: {  	s8 =	sand.u32 $0x3FFFFDC0, s8  }
0x158: {  	[tilespmem:s8+$0xF600] =	vst v3  }
0x159: {  	v3 =	vld [tilespmem:s9+$0x610];
	[tilespmem:s7+$0xF610] =	vst v2  }
0x15a: {  	(v2sf) =	vpush v43, $0x8;
	v2 =	vld [tilespmem:s6+$0x620];
	_ =	sdelay $0x3  }
0x15b: {  	[tilespmem:s8+$0xF610] =	vst v3  }
0x15c: {  	v3 =	vld [tilespmem:s9+$0x620];
	[tilespmem:s7+$0xF620] =	vst v2  }
0x15d: {  	v2 =	vld [tilespmem:s6+$0x630]  }
0x15e: {  	v8 =	vld [tilespmem:s5+$0x0]  }
0x15f: {  	s0 =	sor.u32 $0xE, s0  }
0x160: {  	s6 =	smul.u32 $0x1E0, s0  }
0x161: {  	[tilespmem:s8+$0xF620] =	vst v3  }
0x162: {  	s12 =	spop (v2sf);
	s10 =	sand.u32 $0xFFFFFFF8, s4;
	s5 =	sshra.s32 s6, $0x2;
	v3 =	vld [tilespmem:s9+$0x630]  }
0x163: {  	s4 =	sand.u32 $0x7, s4;
	s5 =	sadd.s32 s10, s5;
	v9 =	vld [tilespmem:s12+$0x0];
	v2 =	vsel vm0, v2, v8  }
0x164: {  	s13 =	sor.u32 $0x8, s11;
	s4 =	sor.u32 s4, s5;
	[tilespmem:s7+$0xF630] =	vst v2  }
0x165: {  	s14 =	smul.u32 $0x1E0, s13;
	v2 =	vld [tilespmem:s4+$0x600]  }
0x166: {  	s15 =	spop (v2sf)  }
0x167: {  	s16 =	sand.u32 $0xFFFFFFF8, s15;
	s6 =	sshra.s32 s14, $0x2  }
0x168: {  	s0 =	sshll.u32 s0, $0x6;
	s6 =	sadd.s32 s16, s6;
	s7 =	sand.u32 $0x7, s15;
	v3 =	vsel vm0, v3, v9  }
0x169: {  	s0 =	sand.u32 $0x3FFFFF80, s0;
	s6 =	sor.u32 s7, s6;
	[tilespmem:s8+$0xF630] =	vst v3  }
0x16a: {  	v3 =	vld [tilespmem:s6+$0x600];
	[tilespmem:s0+$0xF600] =	vst v2  }
0x16b: {  	v2 =	vld [tilespmem:s4+$0x610];
	_ =	sdelay $0x1  }
0x16c: {  	(v2sf) =	vpush v49, $0x8;
	s5 =	sshll.u32 s13, $0x6  }
0x16d: {  	s5 =	sand.u32 $0x3FFFFE00, s5  }
0x16e: {  	[tilespmem:s5+$0xF600] =	vst v3  }
0x16f: {  	v3 =	vld [tilespmem:s6+$0x610];
	[tilespmem:s0+$0xF610] =	vst v2  }
0x170: {  	(v2sf) =	vpush v43, $0x9;
	v2 =	vld [tilespmem:s4+$0x620];
	_ =	sdelay $0x3  }
0x171: {  	[tilespmem:s5+$0xF610] =	vst v3  }
0x172: {  	v3 =	vld [tilespmem:s6+$0x620];
	[tilespmem:s0+$0xF620] =	vst v2  }
0x173: {  	v2 =	vld [tilespmem:s4+$0x630]  }
0x174: {  	(v2sf) =	vpush v49, $0x9;
	v10 =	vld [tilespmem:s3+$0x0]  }
0x175: {  	s17 =	sshllo.u32 s26, $0x4  }
0x176: {  	s18 =	smul.u32 $0x1E0, s17  }
0x177: {  	[tilespmem:s5+$0xF620] =	vst v3  }
0x178: {  	s19 =	sand.u32 $0xFFFFFFF8, s2;
	s21 =	spop (v2sf);
	s4 =	sshra.s32 s18, $0x2;
	v3 =	vld [tilespmem:s6+$0x630]  }
0x179: {  	s2 =	sand.u32 $0x7, s2;
	s4 =	sadd.s32 s19, s4;
	v11 =	vld [tilespmem:s21+$0x0];
	v2 =	vsel vm0, v2, v10  }
0x17a: {  	s22 =	sor.u32 $0x9, s11;
	s20 =	sor.u32 s2, s4;
	[tilespmem:s0+$0xF630] =	vst v2  }
0x17b: {  	s23 =	smul.u32 $0x1E0, s22;
	v2 =	vld [tilespmem:s20+$0x600]  }
0x17c: {  	s24 =	spop (v2sf)  }
0x17d: {  	s25 =	sand.u32 $0xFFFFFFF8, s24;
	s4 =	sshra.s32 s23, $0x2  }
0x17e: {  	s3 =	sshll.u32 s17, $0x6;
	s4 =	sadd.s32 s25, s4;
	s6 =	sand.u32 $0x7, s24;
	v3 =	vsel vm0, v3, v11  }
0x17f: {  	(v2sf) =	vpush v43, $0xA;
	s3 =	sand.u32 $0x3FFFFFC0, s3;
	s4 =	sor.u32 s6, s4;
	[tilespmem:s5+$0xF630] =	vst v3  }
0x180: {  	(v2sf) =	vpush v49, $0xA;
	v3 =	vld [tilespmem:s4+$0x600];
	[tilespmem:s3+$0xF600] =	vst v2  }
0x181: {  	(v2sf) =	vpush v43, $0xB;
	v2 =	vld [tilespmem:s20+$0x610]  }
0x182: {  	(v2sf) =	vpush v49, $0xB;
	s15 =	sor.u32 $0x2, s26  }
0x183: {  	s28 =	spop (v2sf);
	(v2sf) =	vpush v43, $0xC;
	s2 =	sshll.u32 s22, $0x6;
	s21 =	sshll.u32 s15, $0x4  }
0x184: {  	(v2sf) =	vpush v49, $0xC;
	s16 =	sand.u32 $0x3FFFFE40, s2;
	v14 =	vld [tilespmem:s21+$0x200]  }
0x185: {  	(v2sf) =	vpush v43, $0xD;
	v5 =	vld [tilespmem:s21+$0x400];
	[tilespmem:s16+$0xF600] =	vst v3  }
0x186: {  	(v2sf) =	vpush v49, $0xD;
	v3 =	vld [tilespmem:s4+$0x610];
	[tilespmem:s3+$0xF610] =	vst v2  }
0x187: {  	(v2sf) =	vpush v43, $0xE;
	v2 =	vld [tilespmem:s20+$0x620]  }
0x188: {  	(v2sf) =	vpush v49, $0xE  }
0x189: {  	(v2sf) =	vpush v43, $0xF  }
0x18a: {  	v15 =	vshll.u32 v14, $0x6  }
0x18b: {  	(v2sf) =	vpush v49, $0xF;
	v0 =	vshra.s32 v15, $0x2;
	[tilespmem:s16+$0xF610] =	vst v3  }
0x18c: {  	(v2sf) =	vpush v5, $0x0;
	v0 =	vadd.s32 $0x17600, v0;
	v3 =	vld [tilespmem:s4+$0x620];
	[tilespmem:s3+$0xF620] =	vst v2  }
0x18d: {  	(v2sf) =	vpush v0, $0x0;
	v2 =	vld [tilespmem:s20+$0x630]  }
0x18e: {  	s17 =	spop (v2sf);
	(v2sf) =	vpush v5, $0x1;
	v12 =	vld [tilespmem:s1+$0x0]  }
0x18f: {  	[dreg:$0x16] =	wrdreg s26;
	s29 =	spop (v2sf);
	(v2sf) =	vpush v0, $0x1  }
0x190: {  	[smem:$0x7EE] =	sst s29;
	s30 =	spop (v2sf);
	(v2sf) =	vpush v5, $0x2  }
0x191: {  	[smem:$0x7F0] =	sst s30;
	s31 =	spop (v2sf);
	(v2sf) =	vpush v0, $0x2  }
0x192: {  	[smem:$0x7F1] =	sst s31;
	(v2sf) =	vpush v5, $0x3;
	s1 =	spop (v2sf)  }
0x193: {  	(v2sf) =	vpush v0, $0x3;
	[smem:$0x7F3] =	sst s1;
	s2 =	spop (v2sf);
	[tilespmem:s16+$0xF620] =	vst v3;
	v2 =	vsel vm0, v2, v12  }
0x194: {  	(v2sf) =	vpush v5, $0x4;
	[smem:$0x7F5] =	sst s2;
	[tilespmem:s3+$0xF630] =	vst v2;
	s3 =	spop (v2sf)  }
0x195: {  	v13 =	vld [tilespmem:s4+$0x630];
	(v2sf) =	vpush v0, $0x4;
	[smem:$0x7F7] =	sst s3;
	s4 =	spop (v2sf)  }
0x196: {  	(v2sf) =	vpush v5, $0x5;
	[smem:$0x7F9] =	sst s4;
	s5 =	spop (v2sf)  }
0x197: {  	(v2sf) =	vpush v0, $0x5;
	[smem:$0x7FB] =	sst s5;
	s6 =	spop (v2sf)  }
0x198: {  	(v2sf) =	vpush v5, $0x6;
	[dreg:$0x1c] =	wrdreg s6;
	s7 =	spop (v2sf)  }
0x199: {  	(v2sf) =	vpush v0, $0x6;
	[dreg:$0x18] =	wrdreg s7  }
0x19a: {  	v3 =	vld [tilespmem:s28+$0x0];
	s0 =	spop (v2sf)  }
0x19b: {  	(v2sf) =	vpush v5, $0x7  }
0x19c: {  	s28 =	spop (v2sf);
	(v2sf) =	vpush v0, $0x7  }
0x19d: {  	s25 =	spop (v2sf);
	(v2sf) =	vpush v5, $0x8  }
0x19e: {  	s29 =	spop (v2sf);
	(v2sf) =	vpush v0, $0x8  }
0x19f: {  	s30 =	spop (v2sf);
	(v2sf) =	vpush v5, $0x9  }
0x1a0: {  	s22 =	spop (v2sf);
	(v2sf) =	vpush v0, $0x9  }
0x1a1: {  	s18 =	spop (v2sf);
	(v2sf) =	vpush v5, $0xA  }
0x1a2: {  	s20 =	spop (v2sf);
	(v2sf) =	vpush v0, $0xA  }
0x1a3: {  	s31 =	spop (v2sf);
	(v2sf) =	vpush v5, $0xB  }
0x1a4: {  	s23 =	spop (v2sf);
	(v2sf) =	vpush v0, $0xB  }
0x1a5: {  	s7 =	spop (v2sf);
	(v2sf) =	vpush v5, $0xC  }
0x1a6: {  	s24 =	spop (v2sf);
	(v2sf) =	vpush v0, $0xC  }
0x1a7: {  	s10 =	spop (v2sf)  }
0x1a8: {  	s19 =	sor.u32 $0x3, s26;
	(v2sf) =	vpush v5, $0xD;
	s9 =	spop (v2sf)  }
0x1a9: {  	s26 =	sshll.u32 s19, $0x4;
	(v2sf) =	vpush v0, $0xD;
	s13 =	spop (v2sf)  }
0x1aa: {  	v16 =	vld [tilespmem:s26+$0x400];
	(v2sf) =	vpush v5, $0xE;
	s5 =	spop (v2sf)  }
0x1ab: {  	(v2sf) =	vpush v0, $0xE;
	s8 =	spop (v2sf)  }
0x1ac: {  	s6 =	spop (v2sf)  }
0x1ad: {  	(v2sf) =	vpush v5, $0xF;
	s12 =	spop (v2sf)  }
0x1ae: {  	[smem:$0x7EB] =	sst s8;
	(v2sf) =	vpush v0, $0xF;
	s8 =	spop (v2sf)  }
0x1af: {  	(v2sf) =	vpush v16, $0x0;
	s14 =	spop (v2sf)  }
0x1b0: {  	[smem:$0x7EC] =	sst s12;
	s12 =	spop (v2sf)  }
0x1b1: {  	[dreg:$0x14] =	wrdreg s0;
	s1 =	spop (v2sf)  }
0x1b2: {  	[smem:$0x7ED] =	sst s14;
	s14 =	spop (v2sf)  }
0x1b3: {  	[smem:$0x7EF] =	sst s1;
	s2 =	spop (v2sf)  }
0x1b4: {  	[smem:$0x7F2] =	sst s2;
	s3 =	spop (v2sf)  }
0x1b5: {  	[smem:$0x7F4] =	sst s3;
	s4 =	spop (v2sf)  }
0x1b6: {  	[smem:$0x7F6] =	sst s4  }
0x1b7: {  	s1 =	spop (v2sf);
	s4 =	smul.u32 $0x1E00, s15  }
0x1b8: {  	[smem:$0x7F8] =	sst s1;
	s2 =	spop (v2sf)  }
0x1b9: {  	[smem:$0x7FA] =	sst s2;
	s3 =	spop (v2sf)  }
0x1ba: {  	[smem:$0x7FC] =	sst s3;
	s2 =	spop (v2sf)  }
0x1bb: {  	s1 =	smul.u32 $0x1E00, s19;
	[smem:$0x7FD] =	sst s2  }
0x1bc: {  	s2 =	sshra.s32 s4, $0x2;
	s3 =	spop (v2sf);
	s4 =	sand.u32 $0xFFFFFFF8, s28  }
0x1bd: {  	v17 =	vld [tilespmem:s26+$0x200];
	[dreg:$0x1e] =	wrdreg s3;
	s3 =	spop (v2sf);
	s0 =	sadd.s32 s4, s2  }
0x1be: {  	s4 =	sand.u32 $0x7, s28;
	[dreg:$0x1a] =	wrdreg s3;
	s3 =	spop (v2sf)  }
0x1bf: {  	s1 =	sshra.s32 s1, $0x2;
	s0 =	sor.u32 s4, s0;
	s4 =	sand.u32 $0xFFFFFFF8, s3  }
0x1c0: {  	v18 =	vld [tilespmem:s0+$0x600];
	s28 =	sand.u32 $0x7, s3;
	s1 =	sadd.s32 s4, s1  }
0x1c1: {  	s1 =	sor.u32 s28, s1  }
0x1c2: {  	v0 =	vshll.u32 v17, $0x6;
	v19 =	vld [tilespmem:s1+$0x600]  }
0x1c3: {  	v0 =	vshra.s32 v0, $0x2;
	s3 =	sshll.u32 s15, $0xA  }
0x1c4: {  	v0 =	vadd.s32 $0x17600, v0;
	s2 =	sand.u32 $0x3FFFFC00, s3  }
0x1c5: {  	(v2sf) =	vpush v0, $0x0;
	s4 =	sshll.u32 s19, $0xA;
	[tilespmem:s2+$0xF600] =	vst v18  }
0x1c6: {  	s28 =	sand.u32 $0x3FFFFC00, s4;
	v4 =	vld [tilespmem:s0+$0x610]  }
0x1c7: {  	[tilespmem:s28+$0xF600] =	vst v19  }
0x1c8: {  	v5 =	vld [tilespmem:s1+$0x610]  }
0x1c9: {  	(v2sf) =	vpush v16, $0x1;
	_ =	sdelay $0x1  }
0x1ca: {  	[tilespmem:s2+$0xF610] =	vst v4  }
0x1cb: {  	v4 =	vld [tilespmem:s0+$0x620]  }
0x1cc: {  	[tilespmem:s28+$0xF610] =	vst v5  }
0x1cd: {  	v5 =	vld [tilespmem:s1+$0x620];
	_ =	sdelay $0x2  }
0x1ce: {  	[tilespmem:s2+$0xF620] =	vst v4  }
0x1cf: {  	v4 =	vld [tilespmem:s0+$0x630]  }
0x1d0: {  	v6 =	vld [tilespmem:s25+$0x0];
	[tilespmem:s28+$0xF620] =	vst v5  }
0x1d1: {  	s3 =	sor.u32 $0x1, s21;
	s25 =	spop (v2sf);
	v5 =	vld [tilespmem:s1+$0x630]  }
0x1d2: {  	s0 =	smul.u32 $0x1E0, s3;
	v7 =	vld [tilespmem:s25+$0x0]  }
0x1d3: {  	s25 =	sor.u32 $0x1, s26  }
0x1d4: {  	s1 =	sshra.s32 s0, $0x2;
	s0 =	sand.u32 $0xFFFFFFF8, s29;
	s4 =	smul.u32 $0x1E0, s25  }
0x1d5: {  	s0 =	sadd.s32 s0, s1;
	s1 =	sand.u32 $0x7, s29;
	s29 =	spop (v2sf);
	v4 =	vsel vm0, v4, v6  }
0x1d6: {  	s0 =	sor.u32 s1, s0;
	[tilespmem:s2+$0xF630] =	vst v4;
	s2 =	sshra.s32 s4, $0x2;
	s4 =	sand.u32 $0xFFFFFFF8, s29  }
0x1d7: {  	s29 =	sand.u32 $0x7, s29;
	s1 =	sadd.s32 s4, s2;
	v4 =	vld [tilespmem:s0+$0x600];
	v5 =	vsel vm0, v5, v7  }
0x1d8: {  	s1 =	sor.u32 s29, s1;
	[tilespmem:s28+$0xF630] =	vst v5  }
0x1d9: {  	v5 =	vld [tilespmem:s1+$0x600]  }
0x1da: {  	s4 =	sshll.u32 s3, $0x6  }
0x1db: {  	s2 =	sand.u32 $0x3FFFFC40, s4  }
0x1dc: {  	(v2sf) =	vpush v0, $0x1;
	s25 =	sshll.u32 s25, $0x6;
	[tilespmem:s2+$0xF600] =	vst v4  }
0x1dd: {  	s3 =	sand.u32 $0x3FFFFC40, s25;
	v4 =	vld [tilespmem:s0+$0x610]  }
0x1de: {  	[tilespmem:s3+$0xF600] =	vst v5  }
0x1df: {  	v5 =	vld [tilespmem:s1+$0x610]  }
0x1e0: {  	(v2sf) =	vpush v16, $0x2;
	_ =	sdelay $0x1  }
0x1e1: {  	[tilespmem:s2+$0xF610] =	vst v4  }
0x1e2: {  	v4 =	vld [tilespmem:s0+$0x620]  }
0x1e3: {  	[tilespmem:s3+$0xF610] =	vst v5  }
0x1e4: {  	v5 =	vld [tilespmem:s1+$0x620];
	_ =	sdelay $0x2  }
0x1e5: {  	[tilespmem:s2+$0xF620] =	vst v4  }
0x1e6: {  	v4 =	vld [tilespmem:s0+$0x630]  }
0x1e7: {  	v20 =	vld [tilespmem:s30+$0x0];
	[tilespmem:s3+$0xF620] =	vst v5  }
0x1e8: {  	s28 =	spop (v2sf);
	s0 =	sor.u32 $0x2, s21;
	v5 =	vld [tilespmem:s1+$0x630]  }
0x1e9: {  	s29 =	smul.u32 $0x1E0, s0;
	v21 =	vld [tilespmem:s28+$0x0]  }
0x1ea: {  	s4 =	sor.u32 $0x2, s26  }
0x1eb: {  	s30 =	sand.u32 $0xFFFFFFF8, s22;
	s1 =	sshra.s32 s29, $0x2;
	s29 =	smul.u32 $0x1E0, s4  }
0x1ec: {  	s22 =	sand.u32 $0x7, s22;
	s1 =	sadd.s32 s30, s1;
	s30 =	spop (v2sf);
	v4 =	vsel vm0, v4, v20  }
0x1ed: {  	s1 =	sor.u32 s22, s1;
	s28 =	sshra.s32 s29, $0x2;
	s29 =	sand.u32 $0xFFFFFFF8, s30;
	[tilespmem:s2+$0xF630] =	vst v4  }
0x1ee: {  	s30 =	sand.u32 $0x7, s30;
	s2 =	sadd.s32 s29, s28;
	v4 =	vld [tilespmem:s1+$0x600];
	v5 =	vsel vm0, v5, v21  }
0x1ef: {  	s2 =	sor.u32 s30, s2;
	[tilespmem:s3+$0xF630] =	vst v5  }
0x1f0: {  	v5 =	vld [tilespmem:s2+$0x600]  }
0x1f1: {  	s0 =	sshll.u32 s0, $0x6  }
0x1f2: {  	s0 =	sand.u32 $0x3FFFFC80, s0  }
0x1f3: {  	(v2sf) =	vpush v0, $0x2;
	s4 =	sshll.u32 s4, $0x6;
	[tilespmem:s0+$0xF600] =	vst v4  }
0x1f4: {  	s3 =	sand.u32 $0x3FFFFC80, s4;
	v4 =	vld [tilespmem:s1+$0x610]  }
0x1f5: {  	[tilespmem:s3+$0xF600] =	vst v5  }
0x1f6: {  	v5 =	vld [tilespmem:s2+$0x610]  }
0x1f7: {  	(v2sf) =	vpush v16, $0x3;
	_ =	sdelay $0x1  }
0x1f8: {  	[tilespmem:s0+$0xF610] =	vst v4  }
0x1f9: {  	v4 =	vld [tilespmem:s1+$0x620]  }
0x1fa: {  	[tilespmem:s3+$0xF610] =	vst v5  }
0x1fb: {  	v5 =	vld [tilespmem:s2+$0x620];
	_ =	sdelay $0x2  }
0x1fc: {  	[tilespmem:s0+$0xF620] =	vst v4  }
0x1fd: {  	v4 =	vld [tilespmem:s1+$0x630]  }
0x1fe: {  	v22 =	vld [tilespmem:s18+$0x0];
	[tilespmem:s3+$0xF620] =	vst v5  }
0x1ff: {  	s1 =	sor.u32 $0x3, s21;
	s18 =	spop (v2sf);
	v5 =	vld [tilespmem:s2+$0x630]  }
0x200: {  	s22 =	smul.u32 $0x1E0, s1;
	v23 =	vld [tilespmem:s18+$0x0]  }
0x201: {  	s4 =	sor.u32 $0x3, s26  }
0x202: {  	s25 =	sand.u32 $0xFFFFFFF8, s20;
	s28 =	smul.u32 $0x1E0, s4;
	s2 =	sshra.s32 s22, $0x2  }
0x203: {  	s29 =	sand.u32 $0x7, s20;
	s30 =	spop (v2sf);
	s2 =	sadd.s32 s25, s2;
	v4 =	vsel vm0, v4, v22  }
0x204: {  	s25 =	sshra.s32 s28, $0x2;
	s28 =	sand.u32 $0xFFFFFFF8, s30;
	[tilespmem:s0+$0xF630] =	vst v4;
	s0 =	sor.u32 s29, s2  }
0x205: {  	s2 =	sadd.s32 s28, s25;
	s29 =	sand.u32 $0x7, s30;
	v4 =	vld [tilespmem:s0+$0x600];
	v5 =	vsel vm0, v5, v23  }
0x206: {  	s2 =	sor.u32 s29, s2;
	[tilespmem:s3+$0xF630] =	vst v5  }
0x207: {  	v5 =	vld [tilespmem:s2+$0x600]  }
0x208: {  	s1 =	sshll.u32 s1, $0x6  }
0x209: {  	s1 =	sand.u32 $0x3FFFFCC0, s1  }
0x20a: {  	(v2sf) =	vpush v0, $0x3;
	s30 =	sshll.u32 s4, $0x6;
	[tilespmem:s1+$0xF600] =	vst v4  }
0x20b: {  	s3 =	sand.u32 $0x3FFFFCC0, s30;
	v4 =	vld [tilespmem:s0+$0x610]  }
0x20c: {  	[tilespmem:s3+$0xF600] =	vst v5  }
0x20d: {  	v5 =	vld [tilespmem:s2+$0x610]  }
0x20e: {  	(v2sf) =	vpush v16, $0x4;
	_ =	sdelay $0x1  }
0x20f: {  	[tilespmem:s1+$0xF610] =	vst v4  }
0x210: {  	v4 =	vld [tilespmem:s0+$0x620]  }
0x211: {  	[tilespmem:s3+$0xF610] =	vst v5  }
0x212: {  	v5 =	vld [tilespmem:s2+$0x620];
	_ =	sdelay $0x2  }
0x213: {  	[tilespmem:s1+$0xF620] =	vst v4  }
0x214: {  	v4 =	vld [tilespmem:s0+$0x630]  }
0x215: {  	v24 =	vld [tilespmem:s31+$0x0];
	[tilespmem:s3+$0xF620] =	vst v5  }
0x216: {  	s4 =	spop (v2sf);
	s0 =	sor.u32 $0x4, s21;
	v5 =	vld [tilespmem:s2+$0x630]  }
0x217: {  	s18 =	smul.u32 $0x1E0, s0;
	v25 =	vld [tilespmem:s4+$0x0]  }
0x218: {  	s4 =	sor.u32 $0x4, s26  }
0x219: {  	s20 =	sand.u32 $0xFFFFFFF8, s23;
	s2 =	sshra.s32 s18, $0x2;
	s22 =	smul.u32 $0x1E0, s4  }
0x21a: {  	s23 =	sand.u32 $0x7, s23;
	s25 =	spop (v2sf);
	s2 =	sadd.s32 s20, s2;
	v4 =	vsel vm0, v4, v24  }
0x21b: {  	s30 =	sand.u32 $0xFFFFFFF8, s25;
	s28 =	sor.u32 s23, s2;
	[tilespmem:s1+$0xF630] =	vst v4;
	s29 =	sshra.s32 s22, $0x2  }
0x21c: {  	s31 =	sand.u32 $0x7, s25;
	s2 =	sadd.s32 s30, s29;
	v4 =	vld [tilespmem:s28+$0x600];
	v5 =	vsel vm0, v5, v25  }
0x21d: {  	s2 =	sor.u32 s31, s2;
	[tilespmem:s3+$0xF630] =	vst v5  }
0x21e: {  	v5 =	vld [tilespmem:s2+$0x600]  }
0x21f: {  	s0 =	sshll.u32 s0, $0x6  }
0x220: {  	s0 =	sand.u32 $0x3FFFFD00, s0  }
0x221: {  	(v2sf) =	vpush v0, $0x4;
	s4 =	sshll.u32 s4, $0x6;
	[tilespmem:s0+$0xF600] =	vst v4  }
0x222: {  	s3 =	sand.u32 $0x3FFFFD00, s4;
	v4 =	vld [tilespmem:s28+$0x610]  }
0x223: {  	[tilespmem:s3+$0xF600] =	vst v5  }
0x224: {  	v5 =	vld [tilespmem:s2+$0x610]  }
0x225: {  	(v2sf) =	vpush v16, $0x5;
	_ =	sdelay $0x1  }
0x226: {  	[tilespmem:s0+$0xF610] =	vst v4  }
0x227: {  	v4 =	vld [tilespmem:s28+$0x620]  }
0x228: {  	[tilespmem:s3+$0xF610] =	vst v5  }
0x229: {  	v5 =	vld [tilespmem:s2+$0x620];
	_ =	sdelay $0x2  }
0x22a: {  	[tilespmem:s0+$0xF620] =	vst v4  }
0x22b: {  	v4 =	vld [tilespmem:s28+$0x630]  }
0x22c: {  	v26 =	vld [tilespmem:s7+$0x0];
	[tilespmem:s3+$0xF620] =	vst v5  }
0x22d: {  	s18 =	spop (v2sf);
	s1 =	sor.u32 $0x5, s21;
	v5 =	vld [tilespmem:s2+$0x630]  }
0x22e: {  	s20 =	smul.u32 $0x1E0, s1;
	v27 =	vld [tilespmem:s18+$0x0]  }
0x22f: {  	s4 =	sor.u32 $0x5, s26  }
0x230: {  	s22 =	sand.u32 $0xFFFFFFF8, s24;
	s23 =	smul.u32 $0x1E0, s4;
	s2 =	sshra.s32 s20, $0x2  }
0x231: {  	s24 =	sand.u32 $0x7, s24;
	s25 =	spop (v2sf);
	s2 =	sadd.s32 s22, s2;
	v4 =	vsel vm0, v4, v26  }
0x232: {  	s30 =	sand.u32 $0xFFFFFFF8, s25;
	s29 =	sshra.s32 s23, $0x2;
	s28 =	sor.u32 s24, s2;
	[tilespmem:s0+$0xF630] =	vst v4  }
0x233: {  	s31 =	sand.u32 $0x7, s25;
	s2 =	sadd.s32 s30, s29;
	v4 =	vld [tilespmem:s28+$0x600];
	v5 =	vsel vm0, v5, v27  }
0x234: {  	s2 =	sor.u32 s31, s2;
	[tilespmem:s3+$0xF630] =	vst v5  }
0x235: {  	v5 =	vld [tilespmem:s2+$0x600]  }
0x236: {  	s1 =	sshll.u32 s1, $0x6  }
0x237: {  	s1 =	sand.u32 $0x3FFFFD40, s1  }
0x238: {  	(v2sf) =	vpush v0, $0x5;
	s18 =	sshll.u32 s4, $0x6;
	[tilespmem:s1+$0xF600] =	vst v4  }
0x239: {  	s3 =	sand.u32 $0x3FFFFD40, s18;
	v4 =	vld [tilespmem:s28+$0x610]  }
0x23a: {  	[tilespmem:s3+$0xF600] =	vst v5  }
0x23b: {  	v5 =	vld [tilespmem:s2+$0x610]  }
0x23c: {  	(v2sf) =	vpush v16, $0x6;
	_ =	sdelay $0x1  }
0x23d: {  	[tilespmem:s1+$0xF610] =	vst v4  }
0x23e: {  	v4 =	vld [tilespmem:s28+$0x620]  }
0x23f: {  	[tilespmem:s3+$0xF610] =	vst v5  }
0x240: {  	v5 =	vld [tilespmem:s2+$0x620];
	_ =	sdelay $0x2  }
0x241: {  	[tilespmem:s1+$0xF620] =	vst v4  }
0x242: {  	v4 =	vld [tilespmem:s28+$0x630]  }
0x243: {  	v28 =	vld [tilespmem:s10+$0x0];
	[tilespmem:s3+$0xF620] =	vst v5  }
0x244: {  	s20 =	sor.u32 $0x6, s21;
	s22 =	spop (v2sf);
	v5 =	vld [tilespmem:s2+$0x630]  }
0x245: {  	s23 =	smul.u32 $0x1E0, s20;
	v29 =	vld [tilespmem:s22+$0x0]  }
0x246: {  	s24 =	sor.u32 $0x6, s26  }
0x247: {  	s25 =	sand.u32 $0xFFFFFFF8, s9;
	s28 =	smul.u32 $0x1E0, s24;
	s2 =	sshra.s32 s23, $0x2  }
0x248: {  	s29 =	sand.u32 $0x7, s9;
	s30 =	spop (v2sf);
	s2 =	sadd.s32 s25, s2;
	v4 =	vsel vm0, v4, v28  }
0x249: {  	s10 =	sand.u32 $0xFFFFFFF8, s30;
	s7 =	sshra.s32 s28, $0x2;
	s31 =	sor.u32 s29, s2;
	[tilespmem:s1+$0xF630] =	vst v4  }
0x24a: {  	s18 =	sand.u32 $0x7, s30;
	s2 =	sadd.s32 s10, s7;
	v4 =	vld [tilespmem:s31+$0x600];
	v5 =	vsel vm0, v5, v29  }
0x24b: {  	s2 =	sor.u32 s18, s2;
	[tilespmem:s3+$0xF630] =	vst v5  }
0x24c: {  	v5 =	vld [tilespmem:s2+$0x600]  }
0x24d: {  	s0 =	sshll.u32 s20, $0x6  }
0x24e: {  	s0 =	sand.u32 $0x3FFFFD80, s0  }
0x24f: {  	(v2sf) =	vpush v0, $0x6;
	s20 =	sshll.u32 s24, $0x6;
	[tilespmem:s0+$0xF600] =	vst v4  }
0x250: {  	s3 =	sand.u32 $0x3FFFFD80, s20;
	v4 =	vld [tilespmem:s31+$0x610]  }
0x251: {  	[tilespmem:s3+$0xF600] =	vst v5  }
0x252: {  	v5 =	vld [tilespmem:s2+$0x610]  }
0x253: {  	(v2sf) =	vpush v16, $0x7;
	_ =	sdelay $0x1  }
0x254: {  	[tilespmem:s0+$0xF610] =	vst v4  }
0x255: {  	v4 =	vld [tilespmem:s31+$0x620]  }
0x256: {  	[tilespmem:s3+$0xF610] =	vst v5  }
0x257: {  	v5 =	vld [tilespmem:s2+$0x620];
	_ =	sdelay $0x2  }
0x258: {  	[tilespmem:s0+$0xF620] =	vst v4  }
0x259: {  	v4 =	vld [tilespmem:s31+$0x630]  }
0x25a: {  	v30 =	vld [tilespmem:s13+$0x0];
	[tilespmem:s3+$0xF620] =	vst v5  }
0x25b: {  	s22 =	sor.u32 $0x7, s21;
	s23 =	spop (v2sf);
	v5 =	vld [tilespmem:s2+$0x630]  }
0x25c: {  	s24 =	smul.u32 $0x1E0, s22;
	v31 =	vld [tilespmem:s23+$0x0]  }
0x25d: {  	s25 =	sor.u32 $0x7, s26  }
0x25e: {  	s28 =	sand.u32 $0xFFFFFFF8, s5;
	s29 =	smul.u32 $0x1E0, s25;
	s2 =	sshra.s32 s24, $0x2  }
0x25f: {  	s5 =	sand.u32 $0x7, s5;
	s30 =	spop (v2sf);
	s2 =	sadd.s32 s28, s2;
	v4 =	vsel vm0, v4, v30  }
0x260: {  	s9 =	sand.u32 $0xFFFFFFF8, s30;
	s31 =	sor.u32 s5, s2;
	s5 =	sshra.s32 s29, $0x2;
	[tilespmem:s0+$0xF630] =	vst v4  }
0x261: {  	s10 =	sand.u32 $0x7, s30;
	s2 =	sadd.s32 s9, s5;
	v4 =	vld [tilespmem:s31+$0x600];
	v5 =	vsel vm0, v5, v31  }
0x262: {  	s2 =	sor.u32 s10, s2;
	[tilespmem:s3+$0xF630] =	vst v5  }
0x263: {  	v5 =	vld [tilespmem:s2+$0x600]  }
0x264: {  	s1 =	sshll.u32 s22, $0x6  }
0x265: {  	s1 =	sand.u32 $0x3FFFFDC0, s1  }
0x266: {  	(v2sf) =	vpush v0, $0x7;
	s13 =	sshll.u32 s25, $0x6;
	[tilespmem:s1+$0xF600] =	vst v4  }
0x267: {  	s3 =	sand.u32 $0x3FFFFDC0, s13;
	v4 =	vld [tilespmem:s31+$0x610]  }
0x268: {  	[tilespmem:s3+$0xF600] =	vst v5  }
0x269: {  	v5 =	vld [tilespmem:s2+$0x610]  }
0x26a: {  	(v2sf) =	vpush v16, $0x8;
	_ =	sdelay $0x1  }
0x26b: {  	[tilespmem:s1+$0xF610] =	vst v4  }
0x26c: {  	v4 =	vld [tilespmem:s31+$0x620]  }
0x26d: {  	[tilespmem:s3+$0xF610] =	vst v5  }
0x26e: {  	v5 =	vld [tilespmem:s2+$0x620];
	_ =	sdelay $0x1  }
0x26f: {  	s18 =	sld [smem:$0x7EB]  }
0x270: {  	[tilespmem:s1+$0xF620] =	vst v4  }
0x271: {  	v4 =	vld [tilespmem:s31+$0x630]  }
0x272: {  	v32 =	vld [tilespmem:s18+$0x0];
	[tilespmem:s3+$0xF620] =	vst v5  }
0x273: {  	s20 =	sor.u32 $0x8, s21;
	s22 =	spop (v2sf);
	v5 =	vld [tilespmem:s2+$0x630]  }
0x274: {  	s23 =	smul.u32 $0x1E0, s20;
	v33 =	vld [tilespmem:s22+$0x0]  }
0x275: {  	s24 =	sor.u32 $0x8, s26  }
0x276: {  	s25 =	sand.u32 $0xFFFFFFF8, s6;
	s28 =	smul.u32 $0x1E0, s24;
	s2 =	sshra.s32 s23, $0x2  }
0x277: {  	s30 =	spop (v2sf);
	s29 =	sand.u32 $0x7, s6;
	s2 =	sadd.s32 s25, s2;
	v4 =	vsel vm0, v4, v32  }
0x278: {  	s9 =	sshra.s32 s28, $0x2;
	s10 =	sand.u32 $0xFFFFFFF8, s30;
	s31 =	sor.u32 s29, s2;
	[tilespmem:s1+$0xF630] =	vst v4  }
0x279: {  	s13 =	sand.u32 $0x7, s30;
	s2 =	sadd.s32 s10, s9;
	v4 =	vld [tilespmem:s31+$0x600];
	v5 =	vsel vm0, v5, v33  }
0x27a: {  	s2 =	sor.u32 s13, s2;
	[tilespmem:s3+$0xF630] =	vst v5  }
0x27b: {  	v5 =	vld [tilespmem:s2+$0x600]  }
0x27c: {  	s0 =	sshll.u32 s20, $0x6  }
0x27d: {  	s0 =	sand.u32 $0x3FFFFE00, s0  }
0x27e: {  	(v2sf) =	vpush v0, $0x8;
	s18 =	sshll.u32 s24, $0x6;
	[tilespmem:s0+$0xF600] =	vst v4  }
0x27f: {  	s3 =	sand.u32 $0x3FFFFE00, s18;
	v4 =	vld [tilespmem:s31+$0x610]  }
0x280: {  	[tilespmem:s3+$0xF600] =	vst v5  }
0x281: {  	v5 =	vld [tilespmem:s2+$0x610]  }
0x282: {  	(v2sf) =	vpush v16, $0x9;
	_ =	sdelay $0x1  }
0x283: {  	[tilespmem:s0+$0xF610] =	vst v4  }
0x284: {  	v4 =	vld [tilespmem:s31+$0x620]  }
0x285: {  	[tilespmem:s3+$0xF610] =	vst v5  }
0x286: {  	v5 =	vld [tilespmem:s2+$0x620];
	_ =	sdelay $0x1  }
0x287: {  	s20 =	sld [smem:$0x7EC]  }
0x288: {  	[tilespmem:s0+$0xF620] =	vst v4  }
0x289: {  	v4 =	vld [tilespmem:s31+$0x630]  }
0x28a: {  	v34 =	vld [tilespmem:s20+$0x0];
	[tilespmem:s3+$0xF620] =	vst v5  }
0x28b: {  	s22 =	sor.u32 $0x9, s21;
	s23 =	spop (v2sf);
	v5 =	vld [tilespmem:s2+$0x630]  }
0x28c: {  	s24 =	smul.u32 $0x1E0, s22;
	v35 =	vld [tilespmem:s23+$0x0]  }
0x28d: {  	s25 =	sor.u32 $0x9, s26  }
0x28e: {  	s28 =	sand.u32 $0xFFFFFFF8, s8;
	s29 =	smul.u32 $0x1E0, s25;
	s2 =	sshra.s32 s24, $0x2  }
0x28f: {  	s30 =	sand.u32 $0x7, s8;
	s31 =	spop (v2sf);
	s2 =	sadd.s32 s28, s2;
	v4 =	vsel vm0, v4, v34  }
0x290: {  	s9 =	sshra.s32 s29, $0x2;
	s10 =	sand.u32 $0xFFFFFFF8, s31;
	s8 =	sor.u32 s30, s2;
	[tilespmem:s0+$0xF630] =	vst v4  }
0x291: {  	s13 =	sand.u32 $0x7, s31;
	s2 =	sadd.s32 s10, s9;
	v4 =	vld [tilespmem:s8+$0x600];
	v5 =	vsel vm0, v5, v35  }
0x292: {  	s2 =	sor.u32 s13, s2;
	[tilespmem:s3+$0xF630] =	vst v5  }
0x293: {  	v5 =	vld [tilespmem:s2+$0x600]  }
0x294: {  	s1 =	sshll.u32 s22, $0x6  }
0x295: {  	s1 =	sand.u32 $0x3FFFFE40, s1  }
0x296: {  	(v2sf) =	vpush v0, $0x9;
	s18 =	sshll.u32 s25, $0x6;
	[tilespmem:s1+$0xF600] =	vst v4  }
0x297: {  	s3 =	sand.u32 $0x3FFFFE40, s18;
	v4 =	vld [tilespmem:s8+$0x610]  }
0x298: {  	[tilespmem:s3+$0xF600] =	vst v5  }
0x299: {  	v5 =	vld [tilespmem:s2+$0x610]  }
0x29a: {  	(v2sf) =	vpush v16, $0xA;
	_ =	sdelay $0x1  }
0x29b: {  	[tilespmem:s1+$0xF610] =	vst v4  }
0x29c: {  	v4 =	vld [tilespmem:s8+$0x620]  }
0x29d: {  	[tilespmem:s3+$0xF610] =	vst v5  }
0x29e: {  	v5 =	vld [tilespmem:s2+$0x620];
	_ =	sdelay $0x1  }
0x29f: {  	s22 =	sld [smem:$0x7ED]  }
0x2a0: {  	[tilespmem:s1+$0xF620] =	vst v4  }
0x2a1: {  	s4 =	sor.u32 $0xA, s11;
	v4 =	vld [tilespmem:s8+$0x630]  }
0x2a2: {  	s20 =	smul.u32 $0x1E0, s4;
	v36 =	vld [tilespmem:s22+$0x0];
	[tilespmem:s3+$0xF620] =	vst v5  }
0x2a3: {  	s29 =	sand.u32 $0x7, s17;
	s25 =	sor.u32 $0xA, s21;
	s28 =	spop (v2sf);
	v5 =	vld [tilespmem:s2+$0x630]  }
0x2a4: {  	s23 =	sshra.s32 s20, $0x2;
	s24 =	sand.u32 $0xFFFFFFF8, s17;
	s30 =	smul.u32 $0x1E0, s25;
	v37 =	vld [tilespmem:s28+$0x0]  }
0x2a5: {  	v2 =	vsel vm0, v13, v3;
	s31 =	sor.u32 $0xA, s26;
	s9 =	sand.u32 $0xFFFFFFF8, s12;
	s0 =	sadd.s32 s24, s23  }
0x2a6: {  	[tilespmem:s16+$0xF630] =	vst v2;
	s10 =	smul.u32 $0x1E0, s31;
	s0 =	sor.u32 s29, s0;
	s6 =	sshra.s32 s30, $0x2  }
0x2a7: {  	s12 =	sand.u32 $0x7, s12;
	s6 =	sadd.s32 s9, s6;
	v2 =	vld [tilespmem:s0+$0x600];
	s13 =	spop (v2sf);
	v38 =	vsel vm0, v4, v36  }
0x2a8: {  	s17 =	sshra.s32 s10, $0x2;
	s16 =	sor.u32 s12, s6;
	s18 =	sand.u32 $0xFFFFFFF8, s13;
	[tilespmem:s1+$0xF630] =	vst v38  }
0x2a9: {  	s20 =	sand.u32 $0x7, s13;
	s6 =	sadd.s32 s18, s17;
	v3 =	vld [tilespmem:s16+$0x600];
	v39 =	vsel vm0, v5, v37  }
0x2aa: {  	s4 =	sshll.u32 s4, $0x6;
	s22 =	sor.u32 s20, s6;
	[tilespmem:s3+$0xF630] =	vst v39  }
0x2ab: {  	s4 =	sand.u32 $0x3FFFFE80, s4;
	v4 =	vld [tilespmem:s22+$0x600]  }
0x2ac: {  	s5 =	sshll.u32 s25, $0x6;
	[tilespmem:s4+$0xF600] =	vst v2  }
0x2ad: {  	s5 =	sand.u32 $0x3FFFFE80, s5;
	v2 =	vld [tilespmem:s0+$0x610]  }
0x2ae: {  	(v2sf) =	vpush v0, $0xA;
	s2 =	sshll.u32 s31, $0x6;
	[tilespmem:s5+$0xF600] =	vst v3  }
0x2af: {  	s2 =	sand.u32 $0x3FFFFE80, s2;
	v3 =	vld [tilespmem:s16+$0x610]  }
0x2b0: {  	[tilespmem:s2+$0xF600] =	vst v4  }
0x2b1: {  	v4 =	vld [tilespmem:s22+$0x610]  }
0x2b2: {  	(v2sf) =	vpush v16, $0xB;
	[tilespmem:s4+$0xF610] =	vst v2  }
0x2b3: {  	v2 =	vld [tilespmem:s0+$0x620]  }
0x2b4: {  	[tilespmem:s5+$0xF610] =	vst v3  }
0x2b5: {  	v3 =	vld [tilespmem:s16+$0x620]  }
0x2b6: {  	[tilespmem:s2+$0xF610] =	vst v4  }
0x2b7: {  	s23 =	sld [smem:$0x7EE];
	v4 =	vld [tilespmem:s22+$0x620]  }
0x2b8: {  	[tilespmem:s4+$0xF620] =	vst v2  }
0x2b9: {  	s25 =	sld [smem:$0x7EF];
	v2 =	vld [tilespmem:s0+$0x630]  }
0x2ba: {  	s29 =	sld [smem:$0x7F0];
	v40 =	vld [tilespmem:s23+$0x0];
	[tilespmem:s5+$0xF620] =	vst v3  }
0x2bb: {  	s0 =	sor.u32 $0xB, s11;
	v3 =	vld [tilespmem:s16+$0x630]  }
0x2bc: {  	s24 =	smul.u32 $0x1E0, s0;
	v41 =	vld [tilespmem:s25+$0x0];
	[tilespmem:s2+$0xF620] =	vst v4  }
0x2bd: {  	s30 =	sand.u32 $0xFFFFFFF8, s29;
	s10 =	spop (v2sf);
	s31 =	sor.u32 $0xB, s21;
	v4 =	vld [tilespmem:s22+$0x630]  }
0x2be: {  	s12 =	sand.u32 $0x7, s29;
	s28 =	sshra.s32 s24, $0x2;
	s13 =	smul.u32 $0x1E0, s31;
	v42 =	vld [tilespmem:s10+$0x0]  }
0x2bf: {  	s18 =	sand.u32 $0xFFFFFFF8, s14;
	s1 =	sadd.s32 s30, s28;
	v2 =	vsel vm0, v2, v40;
	s16 =	sor.u32 $0xB, s26  }
0x2c0: {  	s17 =	sshra.s32 s13, $0x2;
	s1 =	sor.u32 s12, s1;
	[tilespmem:s4+$0xF630] =	vst v2;
	s20 =	smul.u32 $0x1E0, s16  }
0x2c1: {  	s23 =	spop (v2sf);
	s4 =	sadd.s32 s18, s17;
	v2 =	vld [tilespmem:s1+$0x600];
	s22 =	sand.u32 $0x7, s14;
	v3 =	vsel vm0, v3, v41  }
0x2c2: {  	s25 =	sand.u32 $0xFFFFFFF8, s23;
	s24 =	sshra.s32 s20, $0x2;
	s4 =	sor.u32 s22, s4;
	[tilespmem:s5+$0xF630] =	vst v3  }
0x2c3: {  	s28 =	sand.u32 $0x7, s23;
	s5 =	sadd.s32 s25, s24;
	v3 =	vld [tilespmem:s4+$0x600];
	v4 =	vsel vm0, v4, v42  }
0x2c4: {  	s0 =	sshll.u32 s0, $0x6;
	s29 =	sor.u32 s28, s5;
	[tilespmem:s2+$0xF630] =	vst v4  }
0x2c5: {  	s0 =	sand.u32 $0x3FFFFEC0, s0;
	v4 =	vld [tilespmem:s29+$0x600]  }
0x2c6: {  	s30 =	sshll.u32 s31, $0x6;
	[tilespmem:s0+$0xF600] =	vst v2  }
0x2c7: {  	v2 =	vld [tilespmem:s1+$0x610];
	s5 =	sand.u32 $0x3FFFFEC0, s30  }
0x2c8: {  	(v2sf) =	vpush v0, $0xB;
	s3 =	sshll.u32 s16, $0x6;
	[tilespmem:s5+$0xF600] =	vst v3  }
0x2c9: {  	s3 =	sand.u32 $0x3FFFFEC0, s3;
	v3 =	vld [tilespmem:s4+$0x610]  }
0x2ca: {  	[tilespmem:s3+$0xF600] =	vst v4  }
0x2cb: {  	v4 =	vld [tilespmem:s29+$0x610]  }
0x2cc: {  	(v2sf) =	vpush v16, $0xC;
	[tilespmem:s0+$0xF610] =	vst v2  }
0x2cd: {  	v2 =	vld [tilespmem:s1+$0x620]  }
0x2ce: {  	[tilespmem:s5+$0xF610] =	vst v3  }
0x2cf: {  	v3 =	vld [tilespmem:s4+$0x620]  }
0x2d0: {  	[tilespmem:s3+$0xF610] =	vst v4  }
0x2d1: {  	s31 =	sld [smem:$0x7F1];
	v4 =	vld [tilespmem:s29+$0x620]  }
0x2d2: {  	[tilespmem:s0+$0xF620] =	vst v2  }
0x2d3: {  	s8 =	sld [smem:$0x7F2];
	v2 =	vld [tilespmem:s1+$0x630]  }
0x2d4: {  	s13 =	sor.u32 $0xC, s21;
	v43 =	vld [tilespmem:s31+$0x0];
	[tilespmem:s5+$0xF620] =	vst v3  }
0x2d5: {  	s17 =	smul.u32 $0x1E0, s13;
	s1 =	sor.u32 $0xC, s11;
	s10 =	sld [smem:$0x7F3];
	v3 =	vld [tilespmem:s4+$0x630]  }
0x2d6: {  	s7 =	smul.u32 $0x1E0, s1;
	v44 =	vld [tilespmem:s8+$0x0];
	[tilespmem:s3+$0xF620] =	vst v4  }
0x2d7: {  	s14 =	spop (v2sf);
	s22 =	sld [smem:$0x7F4];
	v4 =	vld [tilespmem:s29+$0x630]  }
0x2d8: {  	s18 =	sor.u32 $0xC, s26;
	s9 =	sshra.s32 s7, $0x2;
	s12 =	sand.u32 $0xFFFFFFF8, s10;
	v45 =	vld [tilespmem:s14+$0x0]  }
0x2d9: {  	s20 =	sshra.s32 s17, $0x2;
	s16 =	sand.u32 $0x7, s10;
	v2 =	vsel vm0, v2, v43;
	s2 =	sadd.s32 s12, s9  }
0x2da: {  	s24 =	smul.u32 $0x1E0, s18;
	[tilespmem:s0+$0xF630] =	vst v2;
	s23 =	sand.u32 $0xFFFFFFF8, s22;
	s2 =	sor.u32 s16, s2  }
0x2db: {  	s25 =	sand.u32 $0x7, s22;
	s28 =	spop (v2sf);
	s0 =	sadd.s32 s23, s20;
	v2 =	vld [tilespmem:s2+$0x600];
	v3 =	vsel vm0, v3, v44  }
0x2dc: {  	s30 =	sand.u32 $0xFFFFFFF8, s28;
	s0 =	sor.u32 s25, s0;
	s29 =	sshra.s32 s24, $0x2;
	[tilespmem:s5+$0xF630] =	vst v3  }
0x2dd: {  	s31 =	sand.u32 $0x7, s28;
	s5 =	sadd.s32 s30, s29;
	v3 =	vld [tilespmem:s0+$0x600];
	v4 =	vsel vm0, v4, v45  }
0x2de: {  	s1 =	sshll.u32 s1, $0x6;
	s8 =	sor.u32 s31, s5;
	[tilespmem:s3+$0xF630] =	vst v4  }
0x2df: {  	s1 =	sand.u32 $0x3FFFFF00, s1;
	v4 =	vld [tilespmem:s8+$0x600]  }
0x2e0: {  	s9 =	sshll.u32 s13, $0x6;
	[tilespmem:s1+$0xF600] =	vst v2  }
0x2e1: {  	v2 =	vld [tilespmem:s2+$0x610];
	s5 =	sand.u32 $0x3FFFFF00, s9  }
0x2e2: {  	(v2sf) =	vpush v0, $0xC;
	s4 =	sshll.u32 s18, $0x6;
	[tilespmem:s5+$0xF600] =	vst v3  }
0x2e3: {  	s4 =	sand.u32 $0x3FFFFF00, s4;
	v3 =	vld [tilespmem:s0+$0x610]  }
0x2e4: {  	[tilespmem:s4+$0xF600] =	vst v4  }
0x2e5: {  	v4 =	vld [tilespmem:s8+$0x610]  }
0x2e6: {  	(v2sf) =	vpush v16, $0xD;
	[tilespmem:s1+$0xF610] =	vst v2  }
0x2e7: {  	v2 =	vld [tilespmem:s2+$0x620]  }
0x2e8: {  	[tilespmem:s5+$0xF610] =	vst v3  }
0x2e9: {  	v3 =	vld [tilespmem:s0+$0x620]  }
0x2ea: {  	[tilespmem:s4+$0xF610] =	vst v4  }
0x2eb: {  	s10 =	sld [smem:$0x7F5];
	v4 =	vld [tilespmem:s8+$0x620]  }
0x2ec: {  	[tilespmem:s1+$0xF620] =	vst v2  }
0x2ed: {  	s14 =	sld [smem:$0x7F6];
	v2 =	vld [tilespmem:s2+$0x630]  }
0x2ee: {  	s25 =	sld [smem:$0x7F8];
	v46 =	vld [tilespmem:s10+$0x0];
	[tilespmem:s5+$0xF620] =	vst v3  }
0x2ef: {  	s12 =	sor.u32 $0xD, s11;
	s16 =	sld [smem:$0x7F7];
	v3 =	vld [tilespmem:s0+$0x630]  }
0x2f0: {  	s13 =	smul.u32 $0x1E0, s12;
	v47 =	vld [tilespmem:s14+$0x0];
	[tilespmem:s4+$0xF620] =	vst v4  }
0x2f1: {  	s28 =	sand.u32 $0xFFFFFFF8, s25;
	s20 =	spop (v2sf);
	s18 =	sor.u32 $0xD, s21;
	v4 =	vld [tilespmem:s8+$0x630]  }
0x2f2: {  	s17 =	sand.u32 $0xFFFFFFF8, s16;
	s23 =	smul.u32 $0x1E0, s18;
	s0 =	sshra.s32 s13, $0x2;
	v48 =	vld [tilespmem:s20+$0x0]  }
0x2f3: {  	s22 =	sand.u32 $0x7, s16;
	s24 =	sor.u32 $0xD, s26;
	v2 =	vsel vm0, v2, v46;
	s0 =	sadd.s32 s17, s0  }
0x2f4: {  	s7 =	sshra.s32 s23, $0x2;
	s29 =	smul.u32 $0x1E0, s24;
	[tilespmem:s1+$0xF630] =	vst v2;
	s0 =	sor.u32 s22, s0  }
0x2f5: {  	s30 =	sand.u32 $0x7, s25;
	s31 =	spop (v2sf);
	s1 =	sadd.s32 s28, s7;
	v2 =	vld [tilespmem:s0+$0x600];
	v3 =	vsel vm0, v3, v47  }
0x2f6: {  	s7 =	sand.u32 $0xFFFFFFF8, s31;
	s1 =	sor.u32 s30, s1;
	s8 =	sshra.s32 s29, $0x2;
	[tilespmem:s5+$0xF630] =	vst v3  }
0x2f7: {  	s9 =	sand.u32 $0x7, s31;
	s5 =	sadd.s32 s7, s8;
	v3 =	vld [tilespmem:s1+$0x600];
	v4 =	vsel vm0, v4, v48  }
0x2f8: {  	s2 =	sshll.u32 s12, $0x6;
	s10 =	sor.u32 s9, s5;
	[tilespmem:s4+$0xF630] =	vst v4  }
0x2f9: {  	s2 =	sand.u32 $0x3FFFFF40, s2;
	v4 =	vld [tilespmem:s10+$0x600]  }
0x2fa: {  	s3 =	sshll.u32 s18, $0x6;
	[tilespmem:s2+$0xF600] =	vst v2  }
0x2fb: {  	s3 =	sand.u32 $0x3FFFFF40, s3;
	v2 =	vld [tilespmem:s0+$0x610]  }
0x2fc: {  	(v2sf) =	vpush v0, $0xD;
	s12 =	sshll.u32 s24, $0x6;
	[tilespmem:s3+$0xF600] =	vst v3  }
0x2fd: {  	s5 =	sand.u32 $0x3FFFFF40, s12;
	v3 =	vld [tilespmem:s1+$0x610]  }
0x2fe: {  	[tilespmem:s5+$0xF600] =	vst v4  }
0x2ff: {  	v4 =	vld [tilespmem:s10+$0x610]  }
0x300: {  	(v2sf) =	vpush v16, $0xE;
	[tilespmem:s2+$0xF610] =	vst v2  }
0x301: {  	v2 =	vld [tilespmem:s0+$0x620]  }
0x302: {  	[tilespmem:s3+$0xF610] =	vst v3  }
0x303: {  	v3 =	vld [tilespmem:s1+$0x620]  }
0x304: {  	[tilespmem:s5+$0xF610] =	vst v4  }
0x305: {  	s13 =	sld [smem:$0x7F9];
	v4 =	vld [tilespmem:s10+$0x620]  }
0x306: {  	[tilespmem:s2+$0xF620] =	vst v2  }
0x307: {  	s17 =	sld [smem:$0x7FA];
	v2 =	vld [tilespmem:s0+$0x630]  }
0x308: {  	v49 =	vld [tilespmem:s13+$0x0];
	[tilespmem:s3+$0xF620] =	vst v3  }
0x309: {  	s18 =	sld [smem:$0x7FB];
	s14 =	sor.u32 $0xE, s11;
	v3 =	vld [tilespmem:s1+$0x630]  }
0x30a: {  	s25 =	sor.u32 $0xE, s26;
	s26 =	sld [smem:$0x7FC];
	s16 =	smul.u32 $0x1E0, s14;
	v50 =	vld [tilespmem:s17+$0x0];
	[tilespmem:s5+$0xF620] =	vst v4  }
0x30b: {  	s21 =	sor.u32 $0xE, s21;
	s22 =	spop (v2sf);
	v4 =	vld [tilespmem:s10+$0x630]  }
0x30c: {  	s24 =	smul.u32 $0x1E0, s21;
	s20 =	sand.u32 $0xFFFFFFF8, s18;
	s1 =	sshra.s32 s16, $0x2;
	v51 =	vld [tilespmem:s22+$0x0]  }
0x30d: {  	s28 =	sand.u32 $0xFFFFFFF8, s26;
	s23 =	sand.u32 $0x7, s18;
	s1 =	sadd.s32 s20, s1;
	v2 =	vsel vm0, v2, v49  }
0x30e: {  	s29 =	smul.u32 $0x1E0, s25;
	s4 =	sshra.s32 s24, $0x2;
	s1 =	sor.u32 s23, s1;
	[tilespmem:s2+$0xF630] =	vst v2  }
0x30f: {  	s30 =	spop (v2sf);
	s9 =	sand.u32 $0x7, s26;
	s2 =	sadd.s32 s28, s4;
	v2 =	vld [tilespmem:s1+$0x600];
	v3 =	vsel vm0, v3, v50  }
0x310: {  	s31 =	sand.u32 $0xFFFFFFF8, s30;
	s8 =	sshra.s32 s29, $0x2;
	s2 =	sor.u32 s9, s2;
	[tilespmem:s3+$0xF630] =	vst v3  }
0x311: {  	s4 =	sand.u32 $0x7, s30;
	s3 =	sadd.s32 s31, s8;
	v3 =	vld [tilespmem:s2+$0x600];
	v4 =	vsel vm0, v4, v51  }
0x312: {  	s0 =	sshll.u32 s14, $0x6;
	s3 =	sor.u32 s4, s3;
	[tilespmem:s5+$0xF630] =	vst v4  }
0x313: {  	s0 =	sand.u32 $0x3FFFFF80, s0;
	v4 =	vld [tilespmem:s3+$0x600]  }
0x314: {  	(v2sf) =	vpush v0, $0xE;
	[tilespmem:s0+$0xF600] =	vst v2;
	s5 =	sshll.u32 s21, $0x6  }
0x315: {  	v2 =	vld [tilespmem:s1+$0x610];
	s4 =	sand.u32 $0x3FFFFF80, s5  }
0x316: {  	s7 =	sshll.u32 s25, $0x6;
	[tilespmem:s4+$0xF600] =	vst v3  }
0x317: {  	s5 =	sand.u32 $0x3FFFFF80, s7;
	v3 =	vld [tilespmem:s2+$0x610]  }
0x318: {  	[tilespmem:s5+$0xF600] =	vst v4  }
0x319: {  	v4 =	vld [tilespmem:s3+$0x610]  }
0x31a: {  	(v2sf) =	vpush v16, $0xF;
	[tilespmem:s0+$0xF610] =	vst v2  }
0x31b: {  	v52 =	vld [tilespmem:s1+$0x620]  }
0x31c: {  	[tilespmem:s4+$0xF610] =	vst v3  }
0x31d: {  	v53 =	vld [tilespmem:s2+$0x620]  }
0x31e: {  	[tilespmem:s5+$0xF610] =	vst v4  }
0x31f: {  	v54 =	vld [tilespmem:s3+$0x620]  }
0x320: {  	s11 =	sld [smem:$0x7FD];
	[tilespmem:s0+$0xF620] =	vst v52  }
0x321: {  	s8 =	rddreg [dreg:$0x1c];
	v1 =	vld [tilespmem:s1+$0x630]  }
0x322: {  	s9 =	rddreg [dreg:$0x12];
	v55 =	vld [tilespmem:s8+$0x0];
	[tilespmem:s4+$0xF620] =	vst v53  }
0x323: {  	s12 =	spop (v2sf);
	s1 =	sshllo.u32 s9, $0x4;
	v2 =	vld [tilespmem:s2+$0x630]  }
0x324: {  	s13 =	rddreg [dreg:$0x18];
	s10 =	smul.u32 $0x1E0, s1;
	v56 =	vld [tilespmem:s11+$0x0];
	[tilespmem:s5+$0xF620] =	vst v54  }
0x325: {  	s14 =	sand.u32 $0xFFFFFFF8, s13;
	s16 =	sshllo.u32 s15, $0x4;
	s17 =	sand.u32 $0x7, s13;
	v3 =	vld [tilespmem:s3+$0x630]  }
0x326: {  	s18 =	smul.u32 $0x1E0, s16;
	s20 =	sshllo.u32 s19, $0x4;
	s2 =	sshra.s32 s10, $0x2;
	v57 =	vld [tilespmem:s12+$0x0]  }
0x327: {  	s23 =	smul.u32 $0x1E0, s20;
	s21 =	rddreg [dreg:$0x1e];
	s2 =	sadd.s32 s14, s2;
	v1 =	vsel vm0, v1, v55  }
0x328: {  	s6 =	sshra.s32 s18, $0x2;
	s22 =	sand.u32 $0xFFFFFFF8, s21;
	s2 =	sor.u32 s17, s2;
	[tilespmem:s0+$0xF630] =	vst v1  }
0x329: {  	s24 =	spop (v2sf);
	s9 =	sand.u32 $0x7, s21;
	s0 =	sadd.s32 s22, s6;
	v1 =	vld [tilespmem:s2+$0x600];
	v2 =	vsel vm0, v2, v56  }
0x32a: {  	s25 =	sand.u32 $0xFFFFFFF8, s24;
	s8 =	sshra.s32 s23, $0x2;
	s0 =	sor.u32 s9, s0;
	[tilespmem:s4+$0xF630] =	vst v2  }
0x32b: {  	s6 =	sand.u32 $0x7, s24;
	s4 =	sadd.s32 s25, s8;
	v2 =	vld [tilespmem:s0+$0x600];
	v3 =	vsel vm0, v3, v57  }
0x32c: {  	s1 =	sshll.u32 s1, $0x6;
	s4 =	sor.u32 s6, s4;
	[tilespmem:s5+$0xF630] =	vst v3  }
0x32d: {  	s1 =	sand.u32 $0x3FFFFFC0, s1;
	v3 =	vld [tilespmem:s4+$0x600]  }
0x32e: {  	s26 =	sshll.u32 s16, $0x6;
	[tilespmem:s1+$0xF600] =	vst v1  }
0x32f: {  	v1 =	vld [tilespmem:s2+$0x610];
	s5 =	sand.u32 $0x3FFFFFC0, s26  }
0x330: {  	(v2sf) =	vpush v0, $0xF;
	s3 =	sshll.u32 s20, $0x6;
	[tilespmem:s5+$0xF600] =	vst v2  }
0x331: {  	s3 =	sand.u32 $0x3FFFFFC0, s3;
	v58 =	vld [tilespmem:s0+$0x610]  }
0x332: {  	[tilespmem:s3+$0xF600] =	vst v3  }
0x333: {  	v59 =	vld [tilespmem:s4+$0x610]  }
0x334: {  	[tilespmem:s1+$0xF610] =	vst v1  }
0x335: {  	v1 =	vld [tilespmem:s2+$0x620]  }
0x336: {  	[tilespmem:s5+$0xF610] =	vst v58  }
0x337: {  	v0 =	vld [tilespmem:s0+$0x620]  }
0x338: {  	[tilespmem:s3+$0xF610] =	vst v59  }
0x339: {  	v2 =	vld [tilespmem:s4+$0x620]  }
0x33a: {  	[tilespmem:s1+$0xF620] =	vst v1  }
0x33b: {  	s28 =	rddreg [dreg:$0x14];
	v1 =	vld [tilespmem:s2+$0x630]  }
0x33c: {  	v60 =	vld [tilespmem:s28+$0x0];
	[tilespmem:s5+$0xF620] =	vst v0  }
0x33d: {  	s29 =	rddreg [dreg:$0x1a];
	v0 =	vld [tilespmem:s0+$0x630]  }
0x33e: {  	v61 =	vld [tilespmem:s29+$0x0];
	[tilespmem:s3+$0xF620] =	vst v2  }
0x33f: {  	s30 =	spop (v2sf);
	v2 =	vld [tilespmem:s4+$0x630]  }
0x340: {  	s31 =	rddreg [dreg:$0x16];
	v62 =	vld [tilespmem:s30+$0x0]  }
0x341: {  	p1 =	slt.u32 s31, $0xC  }
.Ltmp0:
0x342: {  	_ = 	snop;
	(pc) =	sbr.rel @p1 .LBB2_3-.Ltmp0, $4  }
0x343: {  	v1 =	vsel vm0, v1, v60  }
0x344: {  	[tilespmem:s1+$0xF630] =	vst v1;
	v0 =	vsel vm0, v0, v61  }
0x345: {  	[tilespmem:s5+$0xF630] =	vst v0;
	v63 =	vsel vm0, v2, v62  }
0x346: {  	s0 =	sadd.s32 $0x4, s31;
	[tilespmem:s3+$0xF630] =	vst v63  }
0x347: {  	s3 =	rddreg [dreg:$0x10]  }
0x348: {  	p1 =	sne.s32 s3, $0x31  }
.Ltmp1:
0x349: {  	s1 =	rddreg [dreg:$0xc];
	s0 =	sshll.u32 s3, $0xF;
	(pc) =	sbr.rel @p1 .LBB2_6-.Ltmp1, $4  }
0x34a: {  	s0 =	sadd.s32 s1, s0  }
0x34b: {  	s30 =	rddreg [dreg:$0x1];
	s0 =	sshrl.u32 s0, $0x3  }
0x34c: {  	s2 =	simm.s32 $0x0;
	s31 =	simm.s32 $0xF600;
	s0 =	sadd.s32 s30, s0  }
0x34d: {  	[hbm4b:s0+s2] =	stream.linear.scatter [tilespmem:s31], [sflag:$0x3], $0x4000, $0x38;
	[tilespmem:$0x18280] =	vst v63  }
.Ltmp2:
0x34e: {  	(pc) =	sbr.rel .LBB2_7-.Ltmp2, $4  }
0x34f: {  	s0 =	simm.s32 $0x2  }
0x350: {  	_ =	swait.ge [sflag:s0], $0x7800  }
0x351: {  	[sflag:s0] =	ssyncset.done $0x0  }
0x352: {  	[sflag:s0] =	ssyncadd.s32 $0xFFFF8800  }
.LBB2_6:
0x353: {  	s0 =	sshll.u32 s3, $0x9;
	s1 =	rddreg [dreg:$0xd]  }
0x354: {  	s0 =	sadd.s32 s0, s1  }
0x355: {  	s22 =	rddreg [dreg:$0x3];
	s0 =	sshrl.u32 s0, $0x3  }
0x356: {  	s23 =	simm.s32 $0x5;
	s1 =	sadd.s32 s22, s0  }
0x357: {  	[tilespmem:s2], [sflag:$0x5] =	stream.linear.gather [hbm4b:s1+s2], $0x100, $0x38;
	[tilespmem:$0x18280] =	vst v63  }
0x358: {  	_ =	swait.ge [sflag:s23], $0x100  }
0x359: {  	[sflag:s23] =	ssyncset.done $0x0;
	s24 =	rddreg [dreg:$0x5]  }
0x35a: {  	s4 =	simm.s32 $0x200;
	[sflag:s23] =	ssyncadd.s32 $0xFFFFFF00;
	s1 =	sadd.s32 s24, s0  }
0x35b: {  	[tilespmem:s4], [sflag:$0x5] =	stream.linear.gather [hbm4b:s1+s2], $0x100, $0x38;
	[tilespmem:$0x18280] =	vst v63  }
0x35c: {  	_ =	swait.ge [sflag:s23], $0x100  }
0x35d: {  	[sflag:s23] =	ssyncset.done $0x0;
	s25 =	rddreg [dreg:$0x6]  }
0x35e: {  	s26 =	simm.s32 $0x400;
	[sflag:s23] =	ssyncadd.s32 $0xFFFFFF00;
	s0 =	sadd.s32 s25, s0  }
0x35f: {  	[tilespmem:s26], [sflag:$0x5] =	stream.linear.gather [hbm4b:s0+s2], $0x100, $0x38;
	[tilespmem:$0x18280] =	vst v63  }
0x360: {  	s29 =	simm.s32 $0x100;
	_ =	swait.ge [sflag:s23], $0x100  }
0x361: {  	s30 =	simm.s32 $0x600;
	s31 =	simm.s32 $0x2;
	[sflag:s23] =	ssyncset.done $0x0  }
.Ltmp3:
0x362: {  	s28 =	rddreg [dreg:$0x7];
	[sflag:s23] =	ssyncadd.s32 $0xFFFFFF00;
	(pc) =	sbr.rel @p0 .LBB2_8-.Ltmp3, $4  }
0x363: {  	[tilespmem:s30], [sflag:$0x1] =	stream.indirect.gather [hbm4b:s28+s29], $0x78, s2, s29, $0xb8;
	[tilespmem:$0x18280] =	vst v63  }
0x364: {  	_ =	swait.ge [sflag:s31], $0x7800  }
0x365: {  	[sflag:s31] =	ssyncset.done $0x0  }
0x366: {  	[sflag:s31] =	ssyncadd.s32 $0xFFFF8800  }
.LBB2_7:
0x367: {  	s0 =	simm.s32 $0x4  }
0x368: {  	_ =	swait.ge [sflag:s0], $0x4000  }
0x369: {  	[sflag:s0] =	ssyncset.done $0x0  }
0x36a: {  	[sflag:s0] =	ssyncadd.s32 $0xFFFFC000  }
.LBB2_8:
0x36b: {  	s0 =	simm.s32 $0x0  }
.LBB2_9:
0x36c: {  	s2 =	smov.u32 s0;
	s0 =	sshll.u32 s0, $0x4  }
0x36d: {  	v1 =	vld [tilespmem:s0+$0x500];
	_ =	sdelay $0x4  }
0x36e: {  	(v2sf) =	vpush v1, $0x0;
	_ =	sdelay $0xd  }
0x36f: {  	v0 =	vld [tilespmem:s0+$0x300];
	s1 =	smul.u32 $0x1E00, s2  }
0x370: {  	s21 =	spop (v2sf)  }
0x371: {  	s1 =	sshra.s32 s1, $0x2;
	s3 =	sand.u32 $0xFFFFFFF8, s21  }
0x372: {  	s4 =	smov.u32 s2;
	s2 =	sand.u32 $0x7, s21;
	s1 =	sadd.s32 s3, s1  }
0x373: {  	s1 =	sor.u32 s2, s1  }
0x374: {  	v0 =	vshll.u32 v0, $0x6;
	v3 =	vld [tilespmem:s1+$0x7E00]  }
0x375: {  	v0 =	vshra.s32 v0, $0x2  }
0x376: {  	v2 =	vadd.s32 $0x17600, v0  }
0x377: {  	s22 =	sshll.u32 s4, $0xA;
	(v2sf) =	vpush v2, $0x0  }
0x378: {  	s2 =	sand.u32 $0x3FFFFC00, s22  }
0x379: {  	[tilespmem:s2+$0x13600] =	vst v3  }
0x37a: {  	v38 =	vld [tilespmem:s1+$0x7E10]  }
0x37b: {  	(v2sf) =	vpush v1, $0x1;
	_ =	sdelay $0x3  }
0x37c: {  	[tilespmem:s2+$0x13610] =	vst v38  }
0x37d: {  	v0 =	vld [tilespmem:s1+$0x7E20];
	_ =	sdelay $0x4  }
0x37e: {  	[tilespmem:s2+$0x13620] =	vst v0  }
0x37f: {  	s23 =	spop (v2sf);
	v0 =	vld [tilespmem:s1+$0x7E30]  }
0x380: {  	v3 =	vld [tilespmem:s23+$0x0]  }
0x381: {  	s24 =	sor.u32 $0x1, s0  }
0x382: {  	s25 =	smul.u32 $0x1E0, s24  }
0x383: {  	s28 =	spop (v2sf)  }
0x384: {  	s3 =	sshra.s32 s25, $0x2;
	s5 =	sand.u32 $0xFFFFFFF8, s28  }
0x385: {  	s26 =	smov.u32 s4;
	s4 =	sand.u32 $0x7, s28;
	s3 =	sadd.s32 s5, s3;
	v0 =	vsel vm0, v0, v3  }
0x386: {  	s29 =	sor.u32 s4, s3;
	[tilespmem:s2+$0x13630] =	vst v0  }
0x387: {  	v0 =	vld [tilespmem:s29+$0x7E00];
	_ =	sdelay $0x2  }
0x388: {  	(v2sf) =	vpush v2, $0x1;
	s1 =	sshll.u32 s24, $0x6  }
0x389: {  	s1 =	sand.u32 $0x3FFFFC40, s1  }
0x38a: {  	[tilespmem:s1+$0x13600] =	vst v0  }
0x38b: {  	v0 =	vld [tilespmem:s29+$0x7E10]  }
0x38c: {  	(v2sf) =	vpush v1, $0x2;
	_ =	sdelay $0x3  }
0x38d: {  	[tilespmem:s1+$0x13610] =	vst v0  }
0x38e: {  	v0 =	vld [tilespmem:s29+$0x7E20];
	_ =	sdelay $0x4  }
0x38f: {  	[tilespmem:s1+$0x13620] =	vst v0  }
0x390: {  	s30 =	spop (v2sf);
	v0 =	vld [tilespmem:s29+$0x7E30]  }
0x391: {  	v39 =	vld [tilespmem:s30+$0x0]  }
0x392: {  	s31 =	sor.u32 $0x2, s0  }
0x393: {  	s5 =	smul.u32 $0x1E0, s31  }
0x394: {  	s6 =	spop (v2sf)  }
0x395: {  	s7 =	sand.u32 $0xFFFFFFF8, s6;
	s3 =	sshra.s32 s5, $0x2  }
0x396: {  	s4 =	sand.u32 $0x7, s6;
	s3 =	sadd.s32 s7, s3;
	v0 =	vsel vm0, v0, v39  }
0x397: {  	s8 =	sor.u32 s4, s3;
	[tilespmem:s1+$0x13630] =	vst v0  }
0x398: {  	v0 =	vld [tilespmem:s8+$0x7E00];
	_ =	sdelay $0x2  }
0x399: {  	(v2sf) =	vpush v2, $0x2;
	s2 =	sshll.u32 s31, $0x6  }
0x39a: {  	s2 =	sand.u32 $0x3FFFFC80, s2  }
0x39b: {  	[tilespmem:s2+$0x13600] =	vst v0  }
0x39c: {  	v0 =	vld [tilespmem:s8+$0x7E10]  }
0x39d: {  	(v2sf) =	vpush v1, $0x3;
	_ =	sdelay $0x3  }
0x39e: {  	[tilespmem:s2+$0x13610] =	vst v0  }
0x39f: {  	v0 =	vld [tilespmem:s8+$0x7E20];
	_ =	sdelay $0x4  }
0x3a0: {  	[tilespmem:s2+$0x13620] =	vst v0  }
0x3a1: {  	s9 =	spop (v2sf);
	v0 =	vld [tilespmem:s8+$0x7E30]  }
0x3a2: {  	v40 =	vld [tilespmem:s9+$0x0]  }
0x3a3: {  	s10 =	sor.u32 $0x3, s0  }
0x3a4: {  	s11 =	smul.u32 $0x1E0, s10  }
0x3a5: {  	s12 =	spop (v2sf)  }
0x3a6: {  	s13 =	sand.u32 $0xFFFFFFF8, s12;
	s3 =	sshra.s32 s11, $0x2  }
0x3a7: {  	s4 =	sand.u32 $0x7, s12;
	s3 =	sadd.s32 s13, s3;
	v0 =	vsel vm0, v0, v40  }
0x3a8: {  	s14 =	sor.u32 s4, s3;
	[tilespmem:s2+$0x13630] =	vst v0  }
0x3a9: {  	v0 =	vld [tilespmem:s14+$0x7E00];
	_ =	sdelay $0x2  }
0x3aa: {  	(v2sf) =	vpush v2, $0x3;
	s1 =	sshll.u32 s10, $0x6  }
0x3ab: {  	s1 =	sand.u32 $0x3FFFFCC0, s1  }
0x3ac: {  	[tilespmem:s1+$0x13600] =	vst v0  }
0x3ad: {  	v0 =	vld [tilespmem:s14+$0x7E10]  }
0x3ae: {  	(v2sf) =	vpush v1, $0x4;
	_ =	sdelay $0x3  }
0x3af: {  	[tilespmem:s1+$0x13610] =	vst v0  }
0x3b0: {  	v0 =	vld [tilespmem:s14+$0x7E20];
	_ =	sdelay $0x4  }
0x3b1: {  	[tilespmem:s1+$0x13620] =	vst v0  }
0x3b2: {  	s15 =	spop (v2sf);
	v0 =	vld [tilespmem:s14+$0x7E30]  }
0x3b3: {  	v41 =	vld [tilespmem:s15+$0x0]  }
0x3b4: {  	s16 =	sor.u32 $0x4, s0  }
0x3b5: {  	s17 =	smul.u32 $0x1E0, s16  }
0x3b6: {  	s18 =	spop (v2sf)  }
0x3b7: {  	s19 =	sand.u32 $0xFFFFFFF8, s18;
	s3 =	sshra.s32 s17, $0x2  }
0x3b8: {  	s4 =	sand.u32 $0x7, s18;
	s3 =	sadd.s32 s19, s3;
	v0 =	vsel vm0, v0, v41  }
0x3b9: {  	s20 =	sor.u32 s4, s3;
	[tilespmem:s1+$0x13630] =	vst v0  }
0x3ba: {  	v0 =	vld [tilespmem:s20+$0x7E00];
	_ =	sdelay $0x2  }
0x3bb: {  	(v2sf) =	vpush v2, $0x4;
	s2 =	sshll.u32 s16, $0x6  }
0x3bc: {  	s2 =	sand.u32 $0x3FFFFD00, s2  }
0x3bd: {  	[tilespmem:s2+$0x13600] =	vst v0  }
0x3be: {  	v0 =	vld [tilespmem:s20+$0x7E10]  }
0x3bf: {  	(v2sf) =	vpush v1, $0x5;
	_ =	sdelay $0x3  }
0x3c0: {  	[tilespmem:s2+$0x13610] =	vst v0  }
0x3c1: {  	v0 =	vld [tilespmem:s20+$0x7E20];
	_ =	sdelay $0x4  }
0x3c2: {  	(v2sf) =	vpush v2, $0x5;
	[tilespmem:s2+$0x13620] =	vst v0  }
0x3c3: {  	(v2sf) =	vpush v1, $0x6;
	s21 =	spop (v2sf);
	v0 =	vld [tilespmem:s20+$0x7E30]  }
0x3c4: {  	(v2sf) =	vpush v2, $0x6;
	v42 =	vld [tilespmem:s21+$0x0]  }
0x3c5: {  	s22 =	sor.u32 $0x5, s0;
	(v2sf) =	vpush v1, $0x7  }
0x3c6: {  	(v2sf) =	vpush v2, $0x7;
	s23 =	smul.u32 $0x1E0, s22  }
0x3c7: {  	(v2sf) =	vpush v1, $0x8;
	s24 =	spop (v2sf)  }
0x3c8: {  	(v2sf) =	vpush v2, $0x8;
	s25 =	sand.u32 $0xFFFFFFF8, s24;
	s3 =	sshra.s32 s23, $0x2  }
0x3c9: {  	(v2sf) =	vpush v1, $0x9;
	s4 =	sand.u32 $0x7, s24;
	s3 =	sadd.s32 s25, s3;
	v0 =	vsel vm0, v0, v42  }
0x3ca: {  	(v2sf) =	vpush v2, $0x9;
	s28 =	sor.u32 s4, s3;
	[tilespmem:s2+$0x13630] =	vst v0  }
0x3cb: {  	(v2sf) =	vpush v1, $0xA;
	v0 =	vld [tilespmem:s28+$0x7E00]  }
0x3cc: {  	(v2sf) =	vpush v2, $0xA  }
0x3cd: {  	(v2sf) =	vpush v1, $0xB  }
0x3ce: {  	(v2sf) =	vpush v2, $0xB;
	s1 =	sshll.u32 s22, $0x6  }
0x3cf: {  	(v2sf) =	vpush v1, $0xC;
	s1 =	sand.u32 $0x3FFFFD40, s1  }
0x3d0: {  	(v2sf) =	vpush v2, $0xC;
	s23 =	sor.u32 $0x1, s26;
	[tilespmem:s1+$0x13600] =	vst v0  }
0x3d1: {  	s11 =	sshll.u32 s23, $0x4;
	s29 =	spop (v2sf);
	(v2sf) =	vpush v1, $0xD;
	v0 =	vld [tilespmem:s28+$0x7E10]  }
0x3d2: {  	v43 =	vld [tilespmem:s11+$0x500];
	s30 =	spop (v2sf);
	(v2sf) =	vpush v2, $0xD  }
0x3d3: {  	s20 =	spop (v2sf);
	(v2sf) =	vpush v1, $0xE  }
0x3d4: {  	s19 =	spop (v2sf);
	(v2sf) =	vpush v2, $0xE  }
0x3d5: {  	s18 =	spop (v2sf);
	(v2sf) =	vpush v1, $0xF  }
0x3d6: {  	s17 =	spop (v2sf);
	(v2sf) =	vpush v2, $0xF;
	[tilespmem:s1+$0x13610] =	vst v0  }
0x3d7: {  	s16 =	spop (v2sf);
	(v2sf) =	vpush v43, $0x0;
	v44 =	vld [tilespmem:s28+$0x7E20]  }
0x3d8: {  	s15 =	spop (v2sf)  }
0x3d9: {  	s14 =	spop (v2sf)  }
0x3da: {  	s13 =	spop (v2sf)  }
0x3db: {  	s12 =	spop (v2sf)  }
0x3dc: {  	s10 =	spop (v2sf);
	[tilespmem:s1+$0x13620] =	vst v44  }
0x3dd: {  	s31 =	sor.u32 $0x6, s0;
	s9 =	spop (v2sf);
	v45 =	vld [tilespmem:s28+$0x7E30]  }
0x3de: {  	s22 =	smul.u32 $0x1E0, s31;
	s8 =	spop (v2sf);
	v46 =	vld [tilespmem:s29+$0x0]  }
0x3df: {  	s7 =	spop (v2sf)  }
0x3e0: {  	s24 =	sand.u32 $0xFFFFFFF8, s30;
	s3 =	sshra.s32 s22, $0x2;
	s6 =	spop (v2sf)  }
0x3e1: {  	s4 =	sand.u32 $0x7, s30;
	s3 =	sadd.s32 s24, s3;
	s5 =	spop (v2sf)  }
0x3e2: {  	s21 =	sor.u32 s4, s3;
	s4 =	spop (v2sf)  }
0x3e3: {  	s3 =	spop (v2sf);
	v1 =	vsel vm0, v45, v46  }
0x3e4: {  	v47 =	vld [tilespmem:s11+$0x300];
	s2 =	spop (v2sf);
	[tilespmem:s1+$0x13630] =	vst v1  }
0x3e5: {  	s28 =	smov.u32 s23;
	s23 =	smul.u32 $0x1E00, s23;
	s1 =	spop (v2sf);
	v1 =	vld [tilespmem:s21+$0x7E00]  }
0x3e6: {  	s25 =	sshll.u32 s31, $0x6;
	s24 =	spop (v2sf)  }
0x3e7: {  	s22 =	sand.u32 $0x3FFFFD80, s25;
	s23 =	sshra.s32 s23, $0x2;
	s25 =	sand.u32 $0xFFFFFFF8, s24  }
0x3e8: {  	s24 =	sand.u32 $0x7, s24;
	s23 =	sadd.s32 s25, s23  }
0x3e9: {  	s23 =	sor.u32 s24, s23  }
0x3ea: {  	v2 =	vshll.u32 v47, $0x6;
	v48 =	vld [tilespmem:s23+$0x7E00];
	[tilespmem:s22+$0x13600] =	vst v1  }
0x3eb: {  	v2 =	vshra.s32 v2, $0x2;
	v1 =	vld [tilespmem:s21+$0x7E10]  }
0x3ec: {  	v49 =	vadd.s32 $0x17600, v2  }
0x3ed: {  	(v2sf) =	vpush v49, $0x0;
	[dreg:$0x13] =	wrdreg s28;
	s28 =	sshll.u32 s28, $0xA  }
0x3ee: {  	s24 =	sand.u32 $0x3FFFFC00, s28  }
0x3ef: {  	[tilespmem:s24+$0x13600] =	vst v48  }
0x3f0: {  	v3 =	vld [tilespmem:s23+$0x7E10];
	[tilespmem:s22+$0x13610] =	vst v1  }
0x3f1: {  	(v2sf) =	vpush v43, $0x1;
	v50 =	vld [tilespmem:s21+$0x7E20];
	_ =	sdelay $0x3  }
0x3f2: {  	[tilespmem:s24+$0x13610] =	vst v3  }
0x3f3: {  	v3 =	vld [tilespmem:s23+$0x7E20];
	[tilespmem:s22+$0x13620] =	vst v50  }
0x3f4: {  	v2 =	vld [tilespmem:s21+$0x7E30]  }
0x3f5: {  	v4 =	vld [tilespmem:s20+$0x0]  }
0x3f6: {  	s29 =	sor.u32 $0x7, s0  }
0x3f7: {  	s30 =	smul.u32 $0x1E0, s29  }
0x3f8: {  	[tilespmem:s24+$0x13620] =	vst v3  }
0x3f9: {  	s31 =	sand.u32 $0xFFFFFFF8, s19;
	s25 =	spop (v2sf);
	s21 =	sshra.s32 s30, $0x2;
	v3 =	vld [tilespmem:s23+$0x7E30]  }
0x3fa: {  	s19 =	sand.u32 $0x7, s19;
	s21 =	sadd.s32 s31, s21;
	v51 =	vld [tilespmem:s25+$0x0];
	v2 =	vsel vm0, v2, v4  }
0x3fb: {  	s28 =	sor.u32 $0x1, s11;
	s19 =	sor.u32 s19, s21;
	[tilespmem:s22+$0x13630] =	vst v2  }
0x3fc: {  	s20 =	sshll.u32 s29, $0x6;
	s29 =	smul.u32 $0x1E0, s28;
	v2 =	vld [tilespmem:s19+$0x7E00]  }
0x3fd: {  	s30 =	spop (v2sf)  }
0x3fe: {  	s31 =	sand.u32 $0xFFFFFFF8, s30;
	s22 =	sshra.s32 s29, $0x2  }
0x3ff: {  	s23 =	sand.u32 $0x7, s30;
	s22 =	sadd.s32 s31, s22;
	v3 =	vsel vm0, v3, v51  }
0x400: {  	s20 =	sand.u32 $0x3FFFFDC0, s20;
	s22 =	sor.u32 s23, s22;
	[tilespmem:s24+$0x13630] =	vst v3  }
0x401: {  	v3 =	vld [tilespmem:s22+$0x7E00];
	[tilespmem:s20+$0x13600] =	vst v2  }
0x402: {  	v2 =	vld [tilespmem:s19+$0x7E10];
	_ =	sdelay $0x1  }
0x403: {  	(v2sf) =	vpush v49, $0x1;
	s21 =	sshll.u32 s28, $0x6  }
0x404: {  	s21 =	sand.u32 $0x3FFFFC40, s21  }
0x405: {  	[tilespmem:s21+$0x13600] =	vst v3  }
0x406: {  	v3 =	vld [tilespmem:s22+$0x7E10];
	[tilespmem:s20+$0x13610] =	vst v2  }
0x407: {  	(v2sf) =	vpush v43, $0x2;
	v2 =	vld [tilespmem:s19+$0x7E20];
	_ =	sdelay $0x3  }
0x408: {  	[tilespmem:s21+$0x13610] =	vst v3  }
0x409: {  	v3 =	vld [tilespmem:s22+$0x7E20];
	[tilespmem:s20+$0x13620] =	vst v2  }
0x40a: {  	v2 =	vld [tilespmem:s19+$0x7E30]  }
0x40b: {  	v52 =	vld [tilespmem:s18+$0x0]  }
0x40c: {  	s25 =	sor.u32 $0x8, s0  }
0x40d: {  	s28 =	smul.u32 $0x1E0, s25  }
0x40e: {  	[tilespmem:s21+$0x13620] =	vst v3  }
0x40f: {  	s30 =	spop (v2sf);
	s29 =	sand.u32 $0xFFFFFFF8, s17;
	s19 =	sshra.s32 s28, $0x2;
	v3 =	vld [tilespmem:s22+$0x7E30]  }
0x410: {  	s17 =	sand.u32 $0x7, s17;
	s19 =	sadd.s32 s29, s19;
	v53 =	vld [tilespmem:s30+$0x0];
	v2 =	vsel vm0, v2, v52  }
0x411: {  	s31 =	sor.u32 $0x2, s11;
	s17 =	sor.u32 s17, s19;
	[tilespmem:s20+$0x13630] =	vst v2  }
0x412: {  	s22 =	smul.u32 $0x1E0, s31;
	v2 =	vld [tilespmem:s17+$0x7E00]  }
0x413: {  	s23 =	spop (v2sf)  }
0x414: {  	s24 =	sand.u32 $0xFFFFFFF8, s23;
	s20 =	sshra.s32 s22, $0x2  }
0x415: {  	s18 =	sshll.u32 s25, $0x6;
	s22 =	sand.u32 $0x7, s23;
	s20 =	sadd.s32 s24, s20;
	v3 =	vsel vm0, v3, v53  }
0x416: {  	s18 =	sand.u32 $0x3FFFFE00, s18;
	s20 =	sor.u32 s22, s20;
	[tilespmem:s21+$0x13630] =	vst v3  }
0x417: {  	v3 =	vld [tilespmem:s20+$0x7E00];
	[tilespmem:s18+$0x13600] =	vst v2  }
0x418: {  	v2 =	vld [tilespmem:s17+$0x7E10];
	_ =	sdelay $0x1  }
0x419: {  	(v2sf) =	vpush v49, $0x2;
	s19 =	sshll.u32 s31, $0x6  }
0x41a: {  	s19 =	sand.u32 $0x3FFFFC80, s19  }
0x41b: {  	[tilespmem:s19+$0x13600] =	vst v3  }
0x41c: {  	v3 =	vld [tilespmem:s20+$0x7E10];
	[tilespmem:s18+$0x13610] =	vst v2  }
0x41d: {  	(v2sf) =	vpush v43, $0x3;
	v2 =	vld [tilespmem:s17+$0x7E20];
	_ =	sdelay $0x3  }
0x41e: {  	[tilespmem:s19+$0x13610] =	vst v3  }
0x41f: {  	v3 =	vld [tilespmem:s20+$0x7E20];
	[tilespmem:s18+$0x13620] =	vst v2  }
0x420: {  	v2 =	vld [tilespmem:s17+$0x7E30]  }
0x421: {  	v54 =	vld [tilespmem:s16+$0x0]  }
0x422: {  	s25 =	sor.u32 $0x9, s0  }
0x423: {  	s28 =	smul.u32 $0x1E0, s25  }
0x424: {  	[tilespmem:s19+$0x13620] =	vst v3  }
0x425: {  	s29 =	sand.u32 $0xFFFFFFF8, s15;
	s30 =	spop (v2sf);
	s17 =	sshra.s32 s28, $0x2;
	v3 =	vld [tilespmem:s20+$0x7E30]  }
0x426: {  	s15 =	sand.u32 $0x7, s15;
	s17 =	sadd.s32 s29, s17;
	v55 =	vld [tilespmem:s30+$0x0];
	v2 =	vsel vm0, v2, v54  }
0x427: {  	s31 =	sor.u32 $0x3, s11;
	s15 =	sor.u32 s15, s17;
	[tilespmem:s18+$0x13630] =	vst v2  }
0x428: {  	s22 =	smul.u32 $0x1E0, s31;
	v2 =	vld [tilespmem:s15+$0x7E00]  }
0x429: {  	s23 =	spop (v2sf)  }
0x42a: {  	s24 =	sand.u32 $0xFFFFFFF8, s23;
	s18 =	sshra.s32 s22, $0x2  }
0x42b: {  	s16 =	sshll.u32 s25, $0x6;
	s20 =	sand.u32 $0x7, s23;
	s18 =	sadd.s32 s24, s18;
	v3 =	vsel vm0, v3, v55  }
0x42c: {  	s16 =	sand.u32 $0x3FFFFE40, s16;
	s18 =	sor.u32 s20, s18;
	[tilespmem:s19+$0x13630] =	vst v3  }
0x42d: {  	v3 =	vld [tilespmem:s18+$0x7E00];
	[tilespmem:s16+$0x13600] =	vst v2  }
0x42e: {  	v2 =	vld [tilespmem:s15+$0x7E10];
	_ =	sdelay $0x1  }
0x42f: {  	(v2sf) =	vpush v49, $0x3;
	s17 =	sshll.u32 s31, $0x6  }
0x430: {  	s17 =	sand.u32 $0x3FFFFCC0, s17  }
0x431: {  	[tilespmem:s17+$0x13600] =	vst v3  }
0x432: {  	v3 =	vld [tilespmem:s18+$0x7E10];
	[tilespmem:s16+$0x13610] =	vst v2  }
0x433: {  	(v2sf) =	vpush v43, $0x4;
	v2 =	vld [tilespmem:s15+$0x7E20];
	_ =	sdelay $0x3  }
0x434: {  	[tilespmem:s17+$0x13610] =	vst v3  }
0x435: {  	v3 =	vld [tilespmem:s18+$0x7E20];
	[tilespmem:s16+$0x13620] =	vst v2  }
0x436: {  	v2 =	vld [tilespmem:s15+$0x7E30]  }
0x437: {  	v56 =	vld [tilespmem:s14+$0x0]  }
0x438: {  	s25 =	sor.u32 $0xA, s0  }
0x439: {  	s28 =	smul.u32 $0x1E0, s25  }
0x43a: {  	[tilespmem:s17+$0x13620] =	vst v3  }
0x43b: {  	s29 =	sand.u32 $0xFFFFFFF8, s13;
	s30 =	spop (v2sf);
	s15 =	sshra.s32 s28, $0x2;
	v3 =	vld [tilespmem:s18+$0x7E30]  }
0x43c: {  	s13 =	sand.u32 $0x7, s13;
	s15 =	sadd.s32 s29, s15;
	v57 =	vld [tilespmem:s30+$0x0];
	v2 =	vsel vm0, v2, v56  }
0x43d: {  	s31 =	sor.u32 $0x4, s11;
	s13 =	sor.u32 s13, s15;
	[tilespmem:s16+$0x13630] =	vst v2  }
0x43e: {  	s18 =	smul.u32 $0x1E0, s31;
	v2 =	vld [tilespmem:s13+$0x7E00]  }
0x43f: {  	s19 =	spop (v2sf)  }
0x440: {  	s20 =	sand.u32 $0xFFFFFFF8, s19;
	s16 =	sshra.s32 s18, $0x2  }
0x441: {  	s14 =	sshll.u32 s25, $0x6;
	s18 =	sand.u32 $0x7, s19;
	s16 =	sadd.s32 s20, s16;
	v3 =	vsel vm0, v3, v57  }
0x442: {  	s14 =	sand.u32 $0x3FFFFE80, s14;
	s16 =	sor.u32 s18, s16;
	[tilespmem:s17+$0x13630] =	vst v3  }
0x443: {  	v3 =	vld [tilespmem:s16+$0x7E00];
	[tilespmem:s14+$0x13600] =	vst v2  }
0x444: {  	v2 =	vld [tilespmem:s13+$0x7E10];
	_ =	sdelay $0x1  }
0x445: {  	(v2sf) =	vpush v49, $0x4;
	s15 =	sshll.u32 s31, $0x6  }
0x446: {  	s15 =	sand.u32 $0x3FFFFD00, s15  }
0x447: {  	[tilespmem:s15+$0x13600] =	vst v3  }
0x448: {  	v3 =	vld [tilespmem:s16+$0x7E10];
	[tilespmem:s14+$0x13610] =	vst v2  }
0x449: {  	(v2sf) =	vpush v43, $0x5;
	v2 =	vld [tilespmem:s13+$0x7E20];
	_ =	sdelay $0x3  }
0x44a: {  	[tilespmem:s15+$0x13610] =	vst v3  }
0x44b: {  	v3 =	vld [tilespmem:s16+$0x7E20];
	[tilespmem:s14+$0x13620] =	vst v2  }
0x44c: {  	v2 =	vld [tilespmem:s13+$0x7E30]  }
0x44d: {  	v58 =	vld [tilespmem:s12+$0x0]  }
0x44e: {  	s21 =	sor.u32 $0xB, s0  }
0x44f: {  	s22 =	smul.u32 $0x1E0, s21  }
0x450: {  	[tilespmem:s15+$0x13620] =	vst v3  }
0x451: {  	s23 =	sand.u32 $0xFFFFFFF8, s10;
	s24 =	spop (v2sf);
	s13 =	sshra.s32 s22, $0x2;
	v3 =	vld [tilespmem:s16+$0x7E30]  }
0x452: {  	s10 =	sand.u32 $0x7, s10;
	s13 =	sadd.s32 s23, s13;
	v59 =	vld [tilespmem:s24+$0x0];
	v2 =	vsel vm0, v2, v58  }
0x453: {  	s25 =	sor.u32 $0x5, s11;
	s10 =	sor.u32 s10, s13;
	[tilespmem:s14+$0x13630] =	vst v2  }
0x454: {  	s28 =	smul.u32 $0x1E0, s25;
	v2 =	vld [tilespmem:s10+$0x7E00]  }
0x455: {  	s29 =	spop (v2sf)  }
0x456: {  	s30 =	sand.u32 $0xFFFFFFF8, s29;
	s14 =	sshra.s32 s28, $0x2  }
0x457: {  	s12 =	sshll.u32 s21, $0x6;
	s16 =	sand.u32 $0x7, s29;
	s14 =	sadd.s32 s30, s14;
	v3 =	vsel vm0, v3, v59  }
0x458: {  	s12 =	sand.u32 $0x3FFFFEC0, s12;
	s14 =	sor.u32 s16, s14;
	[tilespmem:s15+$0x13630] =	vst v3  }
0x459: {  	v3 =	vld [tilespmem:s14+$0x7E00];
	[tilespmem:s12+$0x13600] =	vst v2  }
0x45a: {  	v2 =	vld [tilespmem:s10+$0x7E10];
	_ =	sdelay $0x1  }
0x45b: {  	(v2sf) =	vpush v49, $0x5;
	s13 =	sshll.u32 s25, $0x6  }
0x45c: {  	s13 =	sand.u32 $0x3FFFFD40, s13  }
0x45d: {  	[tilespmem:s13+$0x13600] =	vst v3  }
0x45e: {  	v3 =	vld [tilespmem:s14+$0x7E10];
	[tilespmem:s12+$0x13610] =	vst v2  }
0x45f: {  	(v2sf) =	vpush v43, $0x6;
	v2 =	vld [tilespmem:s10+$0x7E20];
	_ =	sdelay $0x3  }
0x460: {  	[tilespmem:s13+$0x13610] =	vst v3  }
0x461: {  	v3 =	vld [tilespmem:s14+$0x7E20];
	[tilespmem:s12+$0x13620] =	vst v2  }
0x462: {  	v2 =	vld [tilespmem:s10+$0x7E30]  }
0x463: {  	v60 =	vld [tilespmem:s9+$0x0]  }
0x464: {  	s31 =	sor.u32 $0xC, s0  }
0x465: {  	s15 =	smul.u32 $0x1E0, s31  }
0x466: {  	[tilespmem:s13+$0x13620] =	vst v3  }
0x467: {  	s17 =	spop (v2sf);
	s16 =	sand.u32 $0xFFFFFFF8, s8;
	s10 =	sshra.s32 s15, $0x2;
	v3 =	vld [tilespmem:s14+$0x7E30]  }
0x468: {  	s8 =	sand.u32 $0x7, s8;
	s10 =	sadd.s32 s16, s10;
	v61 =	vld [tilespmem:s17+$0x0];
	v2 =	vsel vm0, v2, v60  }
0x469: {  	s18 =	sor.u32 $0x6, s11;
	s8 =	sor.u32 s8, s10;
	[tilespmem:s12+$0x13630] =	vst v2  }
0x46a: {  	s19 =	smul.u32 $0x1E0, s18;
	v2 =	vld [tilespmem:s8+$0x7E00]  }
0x46b: {  	s20 =	spop (v2sf)  }
0x46c: {  	s21 =	sand.u32 $0xFFFFFFF8, s20;
	s12 =	sshra.s32 s19, $0x2  }
0x46d: {  	s9 =	sshll.u32 s31, $0x6;
	s14 =	sand.u32 $0x7, s20;
	s12 =	sadd.s32 s21, s12;
	v3 =	vsel vm0, v3, v61  }
0x46e: {  	s9 =	sand.u32 $0x3FFFFF00, s9;
	s12 =	sor.u32 s14, s12;
	[tilespmem:s13+$0x13630] =	vst v3  }
0x46f: {  	v3 =	vld [tilespmem:s12+$0x7E00];
	[tilespmem:s9+$0x13600] =	vst v2  }
0x470: {  	v2 =	vld [tilespmem:s8+$0x7E10];
	_ =	sdelay $0x1  }
0x471: {  	(v2sf) =	vpush v49, $0x6;
	s10 =	sshll.u32 s18, $0x6  }
0x472: {  	s10 =	sand.u32 $0x3FFFFD80, s10  }
0x473: {  	[tilespmem:s10+$0x13600] =	vst v3  }
0x474: {  	v3 =	vld [tilespmem:s12+$0x7E10];
	[tilespmem:s9+$0x13610] =	vst v2  }
0x475: {  	(v2sf) =	vpush v43, $0x7;
	v2 =	vld [tilespmem:s8+$0x7E20];
	_ =	sdelay $0x3  }
0x476: {  	[tilespmem:s10+$0x13610] =	vst v3  }
0x477: {  	v3 =	vld [tilespmem:s12+$0x7E20];
	[tilespmem:s9+$0x13620] =	vst v2  }
0x478: {  	v2 =	vld [tilespmem:s8+$0x7E30]  }
0x479: {  	v62 =	vld [tilespmem:s7+$0x0]  }
0x47a: {  	s22 =	sor.u32 $0xD, s0  }
0x47b: {  	s23 =	smul.u32 $0x1E0, s22  }
0x47c: {  	[tilespmem:s10+$0x13620] =	vst v3  }
0x47d: {  	s25 =	spop (v2sf);
	s24 =	sand.u32 $0xFFFFFFF8, s6;
	s8 =	sshra.s32 s23, $0x2;
	v3 =	vld [tilespmem:s12+$0x7E30]  }
0x47e: {  	s6 =	sand.u32 $0x7, s6;
	s8 =	sadd.s32 s24, s8;
	v63 =	vld [tilespmem:s25+$0x0];
	v2 =	vsel vm0, v2, v62  }
0x47f: {  	s28 =	sor.u32 $0x7, s11;
	s6 =	sor.u32 s6, s8;
	[tilespmem:s9+$0x13630] =	vst v2  }
0x480: {  	s29 =	smul.u32 $0x1E0, s28;
	v2 =	vld [tilespmem:s6+$0x7E00]  }
0x481: {  	s30 =	spop (v2sf)  }
0x482: {  	s31 =	sand.u32 $0xFFFFFFF8, s30;
	s9 =	sshra.s32 s29, $0x2  }
0x483: {  	s7 =	sshll.u32 s22, $0x6;
	s12 =	sand.u32 $0x7, s30;
	s9 =	sadd.s32 s31, s9;
	v3 =	vsel vm0, v3, v63  }
0x484: {  	s7 =	sand.u32 $0x3FFFFF40, s7;
	s9 =	sor.u32 s12, s9;
	[tilespmem:s10+$0x13630] =	vst v3  }
0x485: {  	v3 =	vld [tilespmem:s9+$0x7E00];
	[tilespmem:s7+$0x13600] =	vst v2  }
0x486: {  	v2 =	vld [tilespmem:s6+$0x7E10];
	_ =	sdelay $0x1  }
0x487: {  	(v2sf) =	vpush v49, $0x7;
	s8 =	sshll.u32 s28, $0x6  }
0x488: {  	s8 =	sand.u32 $0x3FFFFDC0, s8  }
0x489: {  	[tilespmem:s8+$0x13600] =	vst v3  }
0x48a: {  	v3 =	vld [tilespmem:s9+$0x7E10];
	[tilespmem:s7+$0x13610] =	vst v2  }
0x48b: {  	(v2sf) =	vpush v43, $0x8;
	v2 =	vld [tilespmem:s6+$0x7E20];
	_ =	sdelay $0x3  }
0x48c: {  	[tilespmem:s8+$0x13610] =	vst v3  }
0x48d: {  	v3 =	vld [tilespmem:s9+$0x7E20];
	[tilespmem:s7+$0x13620] =	vst v2  }
0x48e: {  	v2 =	vld [tilespmem:s6+$0x7E30]  }
0x48f: {  	v8 =	vld [tilespmem:s5+$0x0]  }
0x490: {  	s0 =	sor.u32 $0xE, s0  }
0x491: {  	s6 =	smul.u32 $0x1E0, s0  }
0x492: {  	[tilespmem:s8+$0x13620] =	vst v3  }
0x493: {  	s12 =	spop (v2sf);
	s10 =	sand.u32 $0xFFFFFFF8, s4;
	s5 =	sshra.s32 s6, $0x2;
	v3 =	vld [tilespmem:s9+$0x7E30]  }
0x494: {  	s4 =	sand.u32 $0x7, s4;
	s5 =	sadd.s32 s10, s5;
	v9 =	vld [tilespmem:s12+$0x0];
	v2 =	vsel vm0, v2, v8  }
0x495: {  	s13 =	sor.u32 $0x8, s11;
	s4 =	sor.u32 s4, s5;
	[tilespmem:s7+$0x13630] =	vst v2  }
0x496: {  	s14 =	smul.u32 $0x1E0, s13;
	v2 =	vld [tilespmem:s4+$0x7E00]  }
0x497: {  	s15 =	spop (v2sf)  }
0x498: {  	s16 =	sand.u32 $0xFFFFFFF8, s15;
	s6 =	sshra.s32 s14, $0x2  }
0x499: {  	s0 =	sshll.u32 s0, $0x6;
	s6 =	sadd.s32 s16, s6;
	s7 =	sand.u32 $0x7, s15;
	v3 =	vsel vm0, v3, v9  }
0x49a: {  	s0 =	sand.u32 $0x3FFFFF80, s0;
	s6 =	sor.u32 s7, s6;
	[tilespmem:s8+$0x13630] =	vst v3  }
0x49b: {  	v3 =	vld [tilespmem:s6+$0x7E00];
	[tilespmem:s0+$0x13600] =	vst v2  }
0x49c: {  	v2 =	vld [tilespmem:s4+$0x7E10];
	_ =	sdelay $0x1  }
0x49d: {  	(v2sf) =	vpush v49, $0x8;
	s5 =	sshll.u32 s13, $0x6  }
0x49e: {  	s5 =	sand.u32 $0x3FFFFE00, s5  }
0x49f: {  	[tilespmem:s5+$0x13600] =	vst v3  }
0x4a0: {  	v3 =	vld [tilespmem:s6+$0x7E10];
	[tilespmem:s0+$0x13610] =	vst v2  }
0x4a1: {  	(v2sf) =	vpush v43, $0x9;
	v2 =	vld [tilespmem:s4+$0x7E20];
	_ =	sdelay $0x3  }
0x4a2: {  	[tilespmem:s5+$0x13610] =	vst v3  }
0x4a3: {  	v3 =	vld [tilespmem:s6+$0x7E20];
	[tilespmem:s0+$0x13620] =	vst v2  }
0x4a4: {  	v2 =	vld [tilespmem:s4+$0x7E30]  }
0x4a5: {  	(v2sf) =	vpush v49, $0x9;
	v10 =	vld [tilespmem:s3+$0x0]  }
0x4a6: {  	s17 =	sshllo.u32 s26, $0x4  }
0x4a7: {  	s18 =	smul.u32 $0x1E0, s17  }
0x4a8: {  	[tilespmem:s5+$0x13620] =	vst v3  }
0x4a9: {  	s19 =	sand.u32 $0xFFFFFFF8, s2;
	s21 =	spop (v2sf);
	s4 =	sshra.s32 s18, $0x2;
	v3 =	vld [tilespmem:s6+$0x7E30]  }
0x4aa: {  	s2 =	sand.u32 $0x7, s2;
	s4 =	sadd.s32 s19, s4;
	v11 =	vld [tilespmem:s21+$0x0];
	v2 =	vsel vm0, v2, v10  }
0x4ab: {  	s22 =	sor.u32 $0x9, s11;
	s20 =	sor.u32 s2, s4;
	[tilespmem:s0+$0x13630] =	vst v2  }
0x4ac: {  	s23 =	smul.u32 $0x1E0, s22;
	v2 =	vld [tilespmem:s20+$0x7E00]  }
0x4ad: {  	s24 =	spop (v2sf)  }
0x4ae: {  	s25 =	sand.u32 $0xFFFFFFF8, s24;
	s4 =	sshra.s32 s23, $0x2  }
0x4af: {  	s3 =	sshll.u32 s17, $0x6;
	s4 =	sadd.s32 s25, s4;
	s6 =	sand.u32 $0x7, s24;
	v3 =	vsel vm0, v3, v11  }
0x4b0: {  	(v2sf) =	vpush v43, $0xA;
	s3 =	sand.u32 $0x3FFFFFC0, s3;
	s4 =	sor.u32 s6, s4;
	[tilespmem:s5+$0x13630] =	vst v3  }
0x4b1: {  	(v2sf) =	vpush v49, $0xA;
	v3 =	vld [tilespmem:s4+$0x7E00];
	[tilespmem:s3+$0x13600] =	vst v2  }
0x4b2: {  	(v2sf) =	vpush v43, $0xB;
	v2 =	vld [tilespmem:s20+$0x7E10]  }
0x4b3: {  	(v2sf) =	vpush v49, $0xB;
	s15 =	sor.u32 $0x2, s26  }
0x4b4: {  	s28 =	spop (v2sf);
	(v2sf) =	vpush v43, $0xC;
	s2 =	sshll.u32 s22, $0x6;
	s21 =	sshll.u32 s15, $0x4  }
0x4b5: {  	(v2sf) =	vpush v49, $0xC;
	s16 =	sand.u32 $0x3FFFFE40, s2;
	v14 =	vld [tilespmem:s21+$0x300]  }
0x4b6: {  	(v2sf) =	vpush v43, $0xD;
	v5 =	vld [tilespmem:s21+$0x500];
	[tilespmem:s16+$0x13600] =	vst v3  }
0x4b7: {  	(v2sf) =	vpush v49, $0xD;
	v3 =	vld [tilespmem:s4+$0x7E10];
	[tilespmem:s3+$0x13610] =	vst v2  }
0x4b8: {  	(v2sf) =	vpush v43, $0xE;
	v2 =	vld [tilespmem:s20+$0x7E20]  }
0x4b9: {  	(v2sf) =	vpush v49, $0xE  }
0x4ba: {  	(v2sf) =	vpush v43, $0xF  }
0x4bb: {  	v15 =	vshll.u32 v14, $0x6  }
0x4bc: {  	(v2sf) =	vpush v49, $0xF;
	v0 =	vshra.s32 v15, $0x2;
	[tilespmem:s16+$0x13610] =	vst v3  }
0x4bd: {  	(v2sf) =	vpush v5, $0x0;
	v0 =	vadd.s32 $0x17600, v0;
	v3 =	vld [tilespmem:s4+$0x7E20];
	[tilespmem:s3+$0x13620] =	vst v2  }
0x4be: {  	(v2sf) =	vpush v0, $0x0;
	v2 =	vld [tilespmem:s20+$0x7E30]  }
0x4bf: {  	s17 =	spop (v2sf);
	(v2sf) =	vpush v5, $0x1;
	v12 =	vld [tilespmem:s1+$0x0]  }
0x4c0: {  	[dreg:$0x17] =	wrdreg s26;
	s29 =	spop (v2sf);
	(v2sf) =	vpush v0, $0x1  }
0x4c1: {  	[smem:$0x7DB] =	sst s29;
	s30 =	spop (v2sf);
	(v2sf) =	vpush v5, $0x2  }
0x4c2: {  	[smem:$0x7DD] =	sst s30;
	s31 =	spop (v2sf);
	(v2sf) =	vpush v0, $0x2  }
0x4c3: {  	[smem:$0x7DE] =	sst s31;
	(v2sf) =	vpush v5, $0x3;
	s1 =	spop (v2sf)  }
0x4c4: {  	(v2sf) =	vpush v0, $0x3;
	[smem:$0x7E0] =	sst s1;
	s2 =	spop (v2sf);
	[tilespmem:s16+$0x13620] =	vst v3;
	v2 =	vsel vm0, v2, v12  }
0x4c5: {  	(v2sf) =	vpush v5, $0x4;
	[smem:$0x7E2] =	sst s2;
	[tilespmem:s3+$0x13630] =	vst v2;
	s3 =	spop (v2sf)  }
0x4c6: {  	v13 =	vld [tilespmem:s4+$0x7E30];
	(v2sf) =	vpush v0, $0x4;
	[smem:$0x7E4] =	sst s3;
	s4 =	spop (v2sf)  }
0x4c7: {  	(v2sf) =	vpush v5, $0x5;
	[smem:$0x7E6] =	sst s4;
	s5 =	spop (v2sf)  }
0x4c8: {  	(v2sf) =	vpush v0, $0x5;
	[smem:$0x7E8] =	sst s5;
	s6 =	spop (v2sf)  }
0x4c9: {  	(v2sf) =	vpush v5, $0x6;
	[dreg:$0x1d] =	wrdreg s6;
	s7 =	spop (v2sf)  }
0x4ca: {  	(v2sf) =	vpush v0, $0x6;
	[dreg:$0x19] =	wrdreg s7  }
0x4cb: {  	v3 =	vld [tilespmem:s28+$0x0];
	s0 =	spop (v2sf)  }
0x4cc: {  	(v2sf) =	vpush v5, $0x7  }
0x4cd: {  	s28 =	spop (v2sf);
	(v2sf) =	vpush v0, $0x7  }
0x4ce: {  	s25 =	spop (v2sf);
	(v2sf) =	vpush v5, $0x8  }
0x4cf: {  	s29 =	spop (v2sf);
	(v2sf) =	vpush v0, $0x8  }
0x4d0: {  	s30 =	spop (v2sf);
	(v2sf) =	vpush v5, $0x9  }
0x4d1: {  	s22 =	spop (v2sf);
	(v2sf) =	vpush v0, $0x9  }
0x4d2: {  	s18 =	spop (v2sf);
	(v2sf) =	vpush v5, $0xA  }
0x4d3: {  	s20 =	spop (v2sf);
	(v2sf) =	vpush v0, $0xA  }
0x4d4: {  	s31 =	spop (v2sf);
	(v2sf) =	vpush v5, $0xB  }
0x4d5: {  	s23 =	spop (v2sf);
	(v2sf) =	vpush v0, $0xB  }
0x4d6: {  	s7 =	spop (v2sf);
	(v2sf) =	vpush v5, $0xC  }
0x4d7: {  	s24 =	spop (v2sf);
	(v2sf) =	vpush v0, $0xC  }
0x4d8: {  	s10 =	spop (v2sf)  }
0x4d9: {  	s19 =	sor.u32 $0x3, s26;
	(v2sf) =	vpush v5, $0xD;
	s9 =	spop (v2sf)  }
0x4da: {  	s26 =	sshll.u32 s19, $0x4;
	(v2sf) =	vpush v0, $0xD;
	s13 =	spop (v2sf)  }
0x4db: {  	v16 =	vld [tilespmem:s26+$0x500];
	(v2sf) =	vpush v5, $0xE;
	s5 =	spop (v2sf)  }
0x4dc: {  	(v2sf) =	vpush v0, $0xE;
	s8 =	spop (v2sf)  }
0x4dd: {  	s6 =	spop (v2sf)  }
0x4de: {  	(v2sf) =	vpush v5, $0xF;
	s12 =	spop (v2sf)  }
0x4df: {  	[smem:$0x7D8] =	sst s8;
	(v2sf) =	vpush v0, $0xF;
	s8 =	spop (v2sf)  }
0x4e0: {  	(v2sf) =	vpush v16, $0x0;
	s14 =	spop (v2sf)  }
0x4e1: {  	[smem:$0x7D9] =	sst s12;
	s12 =	spop (v2sf)  }
0x4e2: {  	[dreg:$0x15] =	wrdreg s0;
	s1 =	spop (v2sf)  }
0x4e3: {  	[smem:$0x7DA] =	sst s14;
	s14 =	spop (v2sf)  }
0x4e4: {  	[smem:$0x7DC] =	sst s1;
	s2 =	spop (v2sf)  }
0x4e5: {  	[smem:$0x7DF] =	sst s2;
	s3 =	spop (v2sf)  }
0x4e6: {  	[smem:$0x7E1] =	sst s3;
	s4 =	spop (v2sf)  }
0x4e7: {  	[smem:$0x7E3] =	sst s4  }
0x4e8: {  	s1 =	spop (v2sf);
	s4 =	smul.u32 $0x1E00, s15  }
0x4e9: {  	[smem:$0x7E5] =	sst s1;
	s2 =	spop (v2sf)  }
0x4ea: {  	[smem:$0x7E7] =	sst s2;
	s3 =	spop (v2sf)  }
0x4eb: {  	[smem:$0x7E9] =	sst s3;
	s2 =	spop (v2sf)  }
0x4ec: {  	s1 =	smul.u32 $0x1E00, s19;
	[smem:$0x7EA] =	sst s2  }
0x4ed: {  	s2 =	sshra.s32 s4, $0x2;
	s3 =	spop (v2sf);
	s4 =	sand.u32 $0xFFFFFFF8, s28  }
0x4ee: {  	v17 =	vld [tilespmem:s26+$0x300];
	[dreg:$0x1f] =	wrdreg s3;
	s3 =	spop (v2sf);
	s0 =	sadd.s32 s4, s2  }
0x4ef: {  	s4 =	sand.u32 $0x7, s28;
	[dreg:$0x1b] =	wrdreg s3;
	s3 =	spop (v2sf)  }
0x4f0: {  	s1 =	sshra.s32 s1, $0x2;
	s0 =	sor.u32 s4, s0;
	s4 =	sand.u32 $0xFFFFFFF8, s3  }
0x4f1: {  	v18 =	vld [tilespmem:s0+$0x7E00];
	s28 =	sand.u32 $0x7, s3;
	s1 =	sadd.s32 s4, s1  }
0x4f2: {  	s1 =	sor.u32 s28, s1  }
0x4f3: {  	v0 =	vshll.u32 v17, $0x6;
	v19 =	vld [tilespmem:s1+$0x7E00]  }
0x4f4: {  	v0 =	vshra.s32 v0, $0x2;
	s3 =	sshll.u32 s15, $0xA  }
0x4f5: {  	v0 =	vadd.s32 $0x17600, v0;
	s2 =	sand.u32 $0x3FFFFC00, s3  }
0x4f6: {  	(v2sf) =	vpush v0, $0x0;
	s4 =	sshll.u32 s19, $0xA;
	[tilespmem:s2+$0x13600] =	vst v18  }
0x4f7: {  	s28 =	sand.u32 $0x3FFFFC00, s4;
	v4 =	vld [tilespmem:s0+$0x7E10]  }
0x4f8: {  	[tilespmem:s28+$0x13600] =	vst v19  }
0x4f9: {  	v5 =	vld [tilespmem:s1+$0x7E10]  }
0x4fa: {  	(v2sf) =	vpush v16, $0x1;
	_ =	sdelay $0x1  }
0x4fb: {  	[tilespmem:s2+$0x13610] =	vst v4  }
0x4fc: {  	v4 =	vld [tilespmem:s0+$0x7E20]  }
0x4fd: {  	[tilespmem:s28+$0x13610] =	vst v5  }
0x4fe: {  	v5 =	vld [tilespmem:s1+$0x7E20];
	_ =	sdelay $0x2  }
0x4ff: {  	[tilespmem:s2+$0x13620] =	vst v4  }
0x500: {  	v4 =	vld [tilespmem:s0+$0x7E30]  }
0x501: {  	v6 =	vld [tilespmem:s25+$0x0];
	[tilespmem:s28+$0x13620] =	vst v5  }
0x502: {  	s3 =	sor.u32 $0x1, s21;
	s25 =	spop (v2sf);
	v5 =	vld [tilespmem:s1+$0x7E30]  }
0x503: {  	s0 =	smul.u32 $0x1E0, s3;
	v7 =	vld [tilespmem:s25+$0x0]  }
0x504: {  	s25 =	sor.u32 $0x1, s26  }
0x505: {  	s1 =	sshra.s32 s0, $0x2;
	s0 =	sand.u32 $0xFFFFFFF8, s29;
	s4 =	smul.u32 $0x1E0, s25  }
0x506: {  	s0 =	sadd.s32 s0, s1;
	s1 =	sand.u32 $0x7, s29;
	s29 =	spop (v2sf);
	v4 =	vsel vm0, v4, v6  }
0x507: {  	s0 =	sor.u32 s1, s0;
	[tilespmem:s2+$0x13630] =	vst v4;
	s2 =	sshra.s32 s4, $0x2;
	s4 =	sand.u32 $0xFFFFFFF8, s29  }
0x508: {  	s29 =	sand.u32 $0x7, s29;
	s1 =	sadd.s32 s4, s2;
	v4 =	vld [tilespmem:s0+$0x7E00];
	v5 =	vsel vm0, v5, v7  }
0x509: {  	s1 =	sor.u32 s29, s1;
	[tilespmem:s28+$0x13630] =	vst v5  }
0x50a: {  	v5 =	vld [tilespmem:s1+$0x7E00]  }
0x50b: {  	s4 =	sshll.u32 s3, $0x6  }
0x50c: {  	s2 =	sand.u32 $0x3FFFFC40, s4  }
0x50d: {  	(v2sf) =	vpush v0, $0x1;
	s25 =	sshll.u32 s25, $0x6;
	[tilespmem:s2+$0x13600] =	vst v4  }
0x50e: {  	s3 =	sand.u32 $0x3FFFFC40, s25;
	v4 =	vld [tilespmem:s0+$0x7E10]  }
0x50f: {  	[tilespmem:s3+$0x13600] =	vst v5  }
0x510: {  	v5 =	vld [tilespmem:s1+$0x7E10]  }
0x511: {  	(v2sf) =	vpush v16, $0x2;
	_ =	sdelay $0x1  }
0x512: {  	[tilespmem:s2+$0x13610] =	vst v4  }
0x513: {  	v4 =	vld [tilespmem:s0+$0x7E20]  }
0x514: {  	[tilespmem:s3+$0x13610] =	vst v5  }
0x515: {  	v5 =	vld [tilespmem:s1+$0x7E20];
	_ =	sdelay $0x2  }
0x516: {  	[tilespmem:s2+$0x13620] =	vst v4  }
0x517: {  	v4 =	vld [tilespmem:s0+$0x7E30]  }
0x518: {  	v20 =	vld [tilespmem:s30+$0x0];
	[tilespmem:s3+$0x13620] =	vst v5  }
0x519: {  	s28 =	spop (v2sf);
	s0 =	sor.u32 $0x2, s21;
	v5 =	vld [tilespmem:s1+$0x7E30]  }
0x51a: {  	s29 =	smul.u32 $0x1E0, s0;
	v21 =	vld [tilespmem:s28+$0x0]  }
0x51b: {  	s4 =	sor.u32 $0x2, s26  }
0x51c: {  	s30 =	sand.u32 $0xFFFFFFF8, s22;
	s1 =	sshra.s32 s29, $0x2;
	s29 =	smul.u32 $0x1E0, s4  }
0x51d: {  	s22 =	sand.u32 $0x7, s22;
	s1 =	sadd.s32 s30, s1;
	s30 =	spop (v2sf);
	v4 =	vsel vm0, v4, v20  }
0x51e: {  	s1 =	sor.u32 s22, s1;
	s28 =	sshra.s32 s29, $0x2;
	s29 =	sand.u32 $0xFFFFFFF8, s30;
	[tilespmem:s2+$0x13630] =	vst v4  }
0x51f: {  	s30 =	sand.u32 $0x7, s30;
	s2 =	sadd.s32 s29, s28;
	v4 =	vld [tilespmem:s1+$0x7E00];
	v5 =	vsel vm0, v5, v21  }
0x520: {  	s2 =	sor.u32 s30, s2;
	[tilespmem:s3+$0x13630] =	vst v5  }
0x521: {  	v5 =	vld [tilespmem:s2+$0x7E00]  }
0x522: {  	s0 =	sshll.u32 s0, $0x6  }
0x523: {  	s0 =	sand.u32 $0x3FFFFC80, s0  }
0x524: {  	(v2sf) =	vpush v0, $0x2;
	s4 =	sshll.u32 s4, $0x6;
	[tilespmem:s0+$0x13600] =	vst v4  }
0x525: {  	s3 =	sand.u32 $0x3FFFFC80, s4;
	v4 =	vld [tilespmem:s1+$0x7E10]  }
0x526: {  	[tilespmem:s3+$0x13600] =	vst v5  }
0x527: {  	v5 =	vld [tilespmem:s2+$0x7E10]  }
0x528: {  	(v2sf) =	vpush v16, $0x3;
	_ =	sdelay $0x1  }
0x529: {  	[tilespmem:s0+$0x13610] =	vst v4  }
0x52a: {  	v4 =	vld [tilespmem:s1+$0x7E20]  }
0x52b: {  	[tilespmem:s3+$0x13610] =	vst v5  }
0x52c: {  	v5 =	vld [tilespmem:s2+$0x7E20];
	_ =	sdelay $0x2  }
0x52d: {  	[tilespmem:s0+$0x13620] =	vst v4  }
0x52e: {  	v4 =	vld [tilespmem:s1+$0x7E30]  }
0x52f: {  	v22 =	vld [tilespmem:s18+$0x0];
	[tilespmem:s3+$0x13620] =	vst v5  }
0x530: {  	s1 =	sor.u32 $0x3, s21;
	s18 =	spop (v2sf);
	v5 =	vld [tilespmem:s2+$0x7E30]  }
0x531: {  	s22 =	smul.u32 $0x1E0, s1;
	v23 =	vld [tilespmem:s18+$0x0]  }
0x532: {  	s4 =	sor.u32 $0x3, s26  }
0x533: {  	s25 =	sand.u32 $0xFFFFFFF8, s20;
	s28 =	smul.u32 $0x1E0, s4;
	s2 =	sshra.s32 s22, $0x2  }
0x534: {  	s29 =	sand.u32 $0x7, s20;
	s30 =	spop (v2sf);
	s2 =	sadd.s32 s25, s2;
	v4 =	vsel vm0, v4, v22  }
0x535: {  	s25 =	sshra.s32 s28, $0x2;
	s28 =	sand.u32 $0xFFFFFFF8, s30;
	[tilespmem:s0+$0x13630] =	vst v4;
	s0 =	sor.u32 s29, s2  }
0x536: {  	s2 =	sadd.s32 s28, s25;
	s29 =	sand.u32 $0x7, s30;
	v4 =	vld [tilespmem:s0+$0x7E00];
	v5 =	vsel vm0, v5, v23  }
0x537: {  	s2 =	sor.u32 s29, s2;
	[tilespmem:s3+$0x13630] =	vst v5  }
0x538: {  	v5 =	vld [tilespmem:s2+$0x7E00]  }
0x539: {  	s1 =	sshll.u32 s1, $0x6  }
0x53a: {  	s1 =	sand.u32 $0x3FFFFCC0, s1  }
0x53b: {  	(v2sf) =	vpush v0, $0x3;
	s30 =	sshll.u32 s4, $0x6;
	[tilespmem:s1+$0x13600] =	vst v4  }
0x53c: {  	s3 =	sand.u32 $0x3FFFFCC0, s30;
	v4 =	vld [tilespmem:s0+$0x7E10]  }
0x53d: {  	[tilespmem:s3+$0x13600] =	vst v5  }
0x53e: {  	v5 =	vld [tilespmem:s2+$0x7E10]  }
0x53f: {  	(v2sf) =	vpush v16, $0x4;
	_ =	sdelay $0x1  }
0x540: {  	[tilespmem:s1+$0x13610] =	vst v4  }
0x541: {  	v4 =	vld [tilespmem:s0+$0x7E20]  }
0x542: {  	[tilespmem:s3+$0x13610] =	vst v5  }
0x543: {  	v5 =	vld [tilespmem:s2+$0x7E20];
	_ =	sdelay $0x2  }
0x544: {  	[tilespmem:s1+$0x13620] =	vst v4  }
0x545: {  	v4 =	vld [tilespmem:s0+$0x7E30]  }
0x546: {  	v24 =	vld [tilespmem:s31+$0x0];
	[tilespmem:s3+$0x13620] =	vst v5  }
0x547: {  	s4 =	spop (v2sf);
	s0 =	sor.u32 $0x4, s21;
	v5 =	vld [tilespmem:s2+$0x7E30]  }
0x548: {  	s18 =	smul.u32 $0x1E0, s0;
	v25 =	vld [tilespmem:s4+$0x0]  }
0x549: {  	s4 =	sor.u32 $0x4, s26  }
0x54a: {  	s20 =	sand.u32 $0xFFFFFFF8, s23;
	s2 =	sshra.s32 s18, $0x2;
	s22 =	smul.u32 $0x1E0, s4  }
0x54b: {  	s23 =	sand.u32 $0x7, s23;
	s25 =	spop (v2sf);
	s2 =	sadd.s32 s20, s2;
	v4 =	vsel vm0, v4, v24  }
0x54c: {  	s30 =	sand.u32 $0xFFFFFFF8, s25;
	s28 =	sor.u32 s23, s2;
	[tilespmem:s1+$0x13630] =	vst v4;
	s29 =	sshra.s32 s22, $0x2  }
0x54d: {  	s31 =	sand.u32 $0x7, s25;
	s2 =	sadd.s32 s30, s29;
	v4 =	vld [tilespmem:s28+$0x7E00];
	v5 =	vsel vm0, v5, v25  }
0x54e: {  	s2 =	sor.u32 s31, s2;
	[tilespmem:s3+$0x13630] =	vst v5  }
0x54f: {  	v5 =	vld [tilespmem:s2+$0x7E00]  }
0x550: {  	s0 =	sshll.u32 s0, $0x6  }
0x551: {  	s0 =	sand.u32 $0x3FFFFD00, s0  }
0x552: {  	(v2sf) =	vpush v0, $0x4;
	s4 =	sshll.u32 s4, $0x6;
	[tilespmem:s0+$0x13600] =	vst v4  }
0x553: {  	s3 =	sand.u32 $0x3FFFFD00, s4;
	v4 =	vld [tilespmem:s28+$0x7E10]  }
0x554: {  	[tilespmem:s3+$0x13600] =	vst v5  }
0x555: {  	v5 =	vld [tilespmem:s2+$0x7E10]  }
0x556: {  	(v2sf) =	vpush v16, $0x5;
	_ =	sdelay $0x1  }
0x557: {  	[tilespmem:s0+$0x13610] =	vst v4  }
0x558: {  	v4 =	vld [tilespmem:s28+$0x7E20]  }
0x559: {  	[tilespmem:s3+$0x13610] =	vst v5  }
0x55a: {  	v5 =	vld [tilespmem:s2+$0x7E20];
	_ =	sdelay $0x2  }
0x55b: {  	[tilespmem:s0+$0x13620] =	vst v4  }
0x55c: {  	v4 =	vld [tilespmem:s28+$0x7E30]  }
0x55d: {  	v26 =	vld [tilespmem:s7+$0x0];
	[tilespmem:s3+$0x13620] =	vst v5  }
0x55e: {  	s18 =	spop (v2sf);
	s1 =	sor.u32 $0x5, s21;
	v5 =	vld [tilespmem:s2+$0x7E30]  }
0x55f: {  	s20 =	smul.u32 $0x1E0, s1;
	v27 =	vld [tilespmem:s18+$0x0]  }
0x560: {  	s4 =	sor.u32 $0x5, s26  }
0x561: {  	s22 =	sand.u32 $0xFFFFFFF8, s24;
	s23 =	smul.u32 $0x1E0, s4;
	s2 =	sshra.s32 s20, $0x2  }
0x562: {  	s24 =	sand.u32 $0x7, s24;
	s25 =	spop (v2sf);
	s2 =	sadd.s32 s22, s2;
	v4 =	vsel vm0, v4, v26  }
0x563: {  	s30 =	sand.u32 $0xFFFFFFF8, s25;
	s29 =	sshra.s32 s23, $0x2;
	s28 =	sor.u32 s24, s2;
	[tilespmem:s0+$0x13630] =	vst v4  }
0x564: {  	s31 =	sand.u32 $0x7, s25;
	s2 =	sadd.s32 s30, s29;
	v4 =	vld [tilespmem:s28+$0x7E00];
	v5 =	vsel vm0, v5, v27  }
0x565: {  	s2 =	sor.u32 s31, s2;
	[tilespmem:s3+$0x13630] =	vst v5  }
0x566: {  	v5 =	vld [tilespmem:s2+$0x7E00]  }
0x567: {  	s1 =	sshll.u32 s1, $0x6  }
0x568: {  	s1 =	sand.u32 $0x3FFFFD40, s1  }
0x569: {  	(v2sf) =	vpush v0, $0x5;
	s18 =	sshll.u32 s4, $0x6;
	[tilespmem:s1+$0x13600] =	vst v4  }
0x56a: {  	s3 =	sand.u32 $0x3FFFFD40, s18;
	v4 =	vld [tilespmem:s28+$0x7E10]  }
0x56b: {  	[tilespmem:s3+$0x13600] =	vst v5  }
0x56c: {  	v5 =	vld [tilespmem:s2+$0x7E10]  }
0x56d: {  	(v2sf) =	vpush v16, $0x6;
	_ =	sdelay $0x1  }
0x56e: {  	[tilespmem:s1+$0x13610] =	vst v4  }
0x56f: {  	v4 =	vld [tilespmem:s28+$0x7E20]  }
0x570: {  	[tilespmem:s3+$0x13610] =	vst v5  }
0x571: {  	v5 =	vld [tilespmem:s2+$0x7E20];
	_ =	sdelay $0x2  }
0x572: {  	[tilespmem:s1+$0x13620] =	vst v4  }
0x573: {  	v4 =	vld [tilespmem:s28+$0x7E30]  }
0x574: {  	v28 =	vld [tilespmem:s10+$0x0];
	[tilespmem:s3+$0x13620] =	vst v5  }
0x575: {  	s20 =	sor.u32 $0x6, s21;
	s22 =	spop (v2sf);
	v5 =	vld [tilespmem:s2+$0x7E30]  }
0x576: {  	s23 =	smul.u32 $0x1E0, s20;
	v29 =	vld [tilespmem:s22+$0x0]  }
0x577: {  	s24 =	sor.u32 $0x6, s26  }
0x578: {  	s25 =	sand.u32 $0xFFFFFFF8, s9;
	s28 =	smul.u32 $0x1E0, s24;
	s2 =	sshra.s32 s23, $0x2  }
0x579: {  	s29 =	sand.u32 $0x7, s9;
	s30 =	spop (v2sf);
	s2 =	sadd.s32 s25, s2;
	v4 =	vsel vm0, v4, v28  }
0x57a: {  	s10 =	sand.u32 $0xFFFFFFF8, s30;
	s7 =	sshra.s32 s28, $0x2;
	s31 =	sor.u32 s29, s2;
	[tilespmem:s1+$0x13630] =	vst v4  }
0x57b: {  	s18 =	sand.u32 $0x7, s30;
	s2 =	sadd.s32 s10, s7;
	v4 =	vld [tilespmem:s31+$0x7E00];
	v5 =	vsel vm0, v5, v29  }
0x57c: {  	s2 =	sor.u32 s18, s2;
	[tilespmem:s3+$0x13630] =	vst v5  }
0x57d: {  	v5 =	vld [tilespmem:s2+$0x7E00]  }
0x57e: {  	s0 =	sshll.u32 s20, $0x6  }
0x57f: {  	s0 =	sand.u32 $0x3FFFFD80, s0  }
0x580: {  	(v2sf) =	vpush v0, $0x6;
	s20 =	sshll.u32 s24, $0x6;
	[tilespmem:s0+$0x13600] =	vst v4  }
0x581: {  	s3 =	sand.u32 $0x3FFFFD80, s20;
	v4 =	vld [tilespmem:s31+$0x7E10]  }
0x582: {  	[tilespmem:s3+$0x13600] =	vst v5  }
0x583: {  	v5 =	vld [tilespmem:s2+$0x7E10]  }
0x584: {  	(v2sf) =	vpush v16, $0x7;
	_ =	sdelay $0x1  }
0x585: {  	[tilespmem:s0+$0x13610] =	vst v4  }
0x586: {  	v4 =	vld [tilespmem:s31+$0x7E20]  }
0x587: {  	[tilespmem:s3+$0x13610] =	vst v5  }
0x588: {  	v5 =	vld [tilespmem:s2+$0x7E20];
	_ =	sdelay $0x2  }
0x589: {  	[tilespmem:s0+$0x13620] =	vst v4  }
0x58a: {  	v4 =	vld [tilespmem:s31+$0x7E30]  }
0x58b: {  	v30 =	vld [tilespmem:s13+$0x0];
	[tilespmem:s3+$0x13620] =	vst v5  }
0x58c: {  	s22 =	sor.u32 $0x7, s21;
	s23 =	spop (v2sf);
	v5 =	vld [tilespmem:s2+$0x7E30]  }
0x58d: {  	s24 =	smul.u32 $0x1E0, s22;
	v31 =	vld [tilespmem:s23+$0x0]  }
0x58e: {  	s25 =	sor.u32 $0x7, s26  }
0x58f: {  	s28 =	sand.u32 $0xFFFFFFF8, s5;
	s29 =	smul.u32 $0x1E0, s25;
	s2 =	sshra.s32 s24, $0x2  }
0x590: {  	s5 =	sand.u32 $0x7, s5;
	s30 =	spop (v2sf);
	s2 =	sadd.s32 s28, s2;
	v4 =	vsel vm0, v4, v30  }
0x591: {  	s9 =	sand.u32 $0xFFFFFFF8, s30;
	s31 =	sor.u32 s5, s2;
	s5 =	sshra.s32 s29, $0x2;
	[tilespmem:s0+$0x13630] =	vst v4  }
0x592: {  	s10 =	sand.u32 $0x7, s30;
	s2 =	sadd.s32 s9, s5;
	v4 =	vld [tilespmem:s31+$0x7E00];
	v5 =	vsel vm0, v5, v31  }
0x593: {  	s2 =	sor.u32 s10, s2;
	[tilespmem:s3+$0x13630] =	vst v5  }
0x594: {  	v5 =	vld [tilespmem:s2+$0x7E00]  }
0x595: {  	s1 =	sshll.u32 s22, $0x6  }
0x596: {  	s1 =	sand.u32 $0x3FFFFDC0, s1  }
0x597: {  	(v2sf) =	vpush v0, $0x7;
	s13 =	sshll.u32 s25, $0x6;
	[tilespmem:s1+$0x13600] =	vst v4  }
0x598: {  	s3 =	sand.u32 $0x3FFFFDC0, s13;
	v4 =	vld [tilespmem:s31+$0x7E10]  }
0x599: {  	[tilespmem:s3+$0x13600] =	vst v5  }
0x59a: {  	v5 =	vld [tilespmem:s2+$0x7E10]  }
0x59b: {  	(v2sf) =	vpush v16, $0x8;
	_ =	sdelay $0x1  }
0x59c: {  	[tilespmem:s1+$0x13610] =	vst v4  }
0x59d: {  	v4 =	vld [tilespmem:s31+$0x7E20]  }
0x59e: {  	[tilespmem:s3+$0x13610] =	vst v5  }
0x59f: {  	v5 =	vld [tilespmem:s2+$0x7E20];
	_ =	sdelay $0x1  }
0x5a0: {  	s18 =	sld [smem:$0x7D8]  }
0x5a1: {  	[tilespmem:s1+$0x13620] =	vst v4  }
0x5a2: {  	v4 =	vld [tilespmem:s31+$0x7E30]  }
0x5a3: {  	v32 =	vld [tilespmem:s18+$0x0];
	[tilespmem:s3+$0x13620] =	vst v5  }
0x5a4: {  	s20 =	sor.u32 $0x8, s21;
	s22 =	spop (v2sf);
	v5 =	vld [tilespmem:s2+$0x7E30]  }
0x5a5: {  	s23 =	smul.u32 $0x1E0, s20;
	v33 =	vld [tilespmem:s22+$0x0]  }
0x5a6: {  	s24 =	sor.u32 $0x8, s26  }
0x5a7: {  	s25 =	sand.u32 $0xFFFFFFF8, s6;
	s28 =	smul.u32 $0x1E0, s24;
	s2 =	sshra.s32 s23, $0x2  }
0x5a8: {  	s30 =	spop (v2sf);
	s29 =	sand.u32 $0x7, s6;
	s2 =	sadd.s32 s25, s2;
	v4 =	vsel vm0, v4, v32  }
0x5a9: {  	s9 =	sshra.s32 s28, $0x2;
	s10 =	sand.u32 $0xFFFFFFF8, s30;
	s31 =	sor.u32 s29, s2;
	[tilespmem:s1+$0x13630] =	vst v4  }
0x5aa: {  	s13 =	sand.u32 $0x7, s30;
	s2 =	sadd.s32 s10, s9;
	v4 =	vld [tilespmem:s31+$0x7E00];
	v5 =	vsel vm0, v5, v33  }
0x5ab: {  	s2 =	sor.u32 s13, s2;
	[tilespmem:s3+$0x13630] =	vst v5  }
0x5ac: {  	v5 =	vld [tilespmem:s2+$0x7E00]  }
0x5ad: {  	s0 =	sshll.u32 s20, $0x6  }
0x5ae: {  	s0 =	sand.u32 $0x3FFFFE00, s0  }
0x5af: {  	(v2sf) =	vpush v0, $0x8;
	s18 =	sshll.u32 s24, $0x6;
	[tilespmem:s0+$0x13600] =	vst v4  }
0x5b0: {  	s3 =	sand.u32 $0x3FFFFE00, s18;
	v4 =	vld [tilespmem:s31+$0x7E10]  }
0x5b1: {  	[tilespmem:s3+$0x13600] =	vst v5  }
0x5b2: {  	v5 =	vld [tilespmem:s2+$0x7E10]  }
0x5b3: {  	(v2sf) =	vpush v16, $0x9;
	_ =	sdelay $0x1  }
0x5b4: {  	[tilespmem:s0+$0x13610] =	vst v4  }
0x5b5: {  	v4 =	vld [tilespmem:s31+$0x7E20]  }
0x5b6: {  	[tilespmem:s3+$0x13610] =	vst v5  }
0x5b7: {  	v5 =	vld [tilespmem:s2+$0x7E20];
	_ =	sdelay $0x1  }
0x5b8: {  	s20 =	sld [smem:$0x7D9]  }
0x5b9: {  	[tilespmem:s0+$0x13620] =	vst v4  }
0x5ba: {  	v4 =	vld [tilespmem:s31+$0x7E30]  }
0x5bb: {  	v34 =	vld [tilespmem:s20+$0x0];
	[tilespmem:s3+$0x13620] =	vst v5  }
0x5bc: {  	s22 =	sor.u32 $0x9, s21;
	s23 =	spop (v2sf);
	v5 =	vld [tilespmem:s2+$0x7E30]  }
0x5bd: {  	s24 =	smul.u32 $0x1E0, s22;
	v35 =	vld [tilespmem:s23+$0x0]  }
0x5be: {  	s25 =	sor.u32 $0x9, s26  }
0x5bf: {  	s28 =	sand.u32 $0xFFFFFFF8, s8;
	s29 =	smul.u32 $0x1E0, s25;
	s2 =	sshra.s32 s24, $0x2  }
0x5c0: {  	s30 =	sand.u32 $0x7, s8;
	s31 =	spop (v2sf);
	s2 =	sadd.s32 s28, s2;
	v4 =	vsel vm0, v4, v34  }
0x5c1: {  	s9 =	sshra.s32 s29, $0x2;
	s10 =	sand.u32 $0xFFFFFFF8, s31;
	s8 =	sor.u32 s30, s2;
	[tilespmem:s0+$0x13630] =	vst v4  }
0x5c2: {  	s13 =	sand.u32 $0x7, s31;
	s2 =	sadd.s32 s10, s9;
	v4 =	vld [tilespmem:s8+$0x7E00];
	v5 =	vsel vm0, v5, v35  }
0x5c3: {  	s2 =	sor.u32 s13, s2;
	[tilespmem:s3+$0x13630] =	vst v5  }
0x5c4: {  	v5 =	vld [tilespmem:s2+$0x7E00]  }
0x5c5: {  	s1 =	sshll.u32 s22, $0x6  }
0x5c6: {  	s1 =	sand.u32 $0x3FFFFE40, s1  }
0x5c7: {  	(v2sf) =	vpush v0, $0x9;
	s18 =	sshll.u32 s25, $0x6;
	[tilespmem:s1+$0x13600] =	vst v4  }
0x5c8: {  	s3 =	sand.u32 $0x3FFFFE40, s18;
	v4 =	vld [tilespmem:s8+$0x7E10]  }
0x5c9: {  	[tilespmem:s3+$0x13600] =	vst v5  }
0x5ca: {  	v5 =	vld [tilespmem:s2+$0x7E10]  }
0x5cb: {  	(v2sf) =	vpush v16, $0xA;
	_ =	sdelay $0x1  }
0x5cc: {  	[tilespmem:s1+$0x13610] =	vst v4  }
0x5cd: {  	v4 =	vld [tilespmem:s8+$0x7E20]  }
0x5ce: {  	[tilespmem:s3+$0x13610] =	vst v5  }
0x5cf: {  	v5 =	vld [tilespmem:s2+$0x7E20];
	_ =	sdelay $0x1  }
0x5d0: {  	s22 =	sld [smem:$0x7DA]  }
0x5d1: {  	[tilespmem:s1+$0x13620] =	vst v4  }
0x5d2: {  	s4 =	sor.u32 $0xA, s11;
	v4 =	vld [tilespmem:s8+$0x7E30]  }
0x5d3: {  	s20 =	smul.u32 $0x1E0, s4;
	v36 =	vld [tilespmem:s22+$0x0];
	[tilespmem:s3+$0x13620] =	vst v5  }
0x5d4: {  	s29 =	sand.u32 $0x7, s17;
	s25 =	sor.u32 $0xA, s21;
	s28 =	spop (v2sf);
	v5 =	vld [tilespmem:s2+$0x7E30]  }
0x5d5: {  	s23 =	sshra.s32 s20, $0x2;
	s24 =	sand.u32 $0xFFFFFFF8, s17;
	s30 =	smul.u32 $0x1E0, s25;
	v37 =	vld [tilespmem:s28+$0x0]  }
0x5d6: {  	v2 =	vsel vm0, v13, v3;
	s31 =	sor.u32 $0xA, s26;
	s9 =	sand.u32 $0xFFFFFFF8, s12;
	s0 =	sadd.s32 s24, s23  }
0x5d7: {  	[tilespmem:s16+$0x13630] =	vst v2;
	s10 =	smul.u32 $0x1E0, s31;
	s0 =	sor.u32 s29, s0;
	s6 =	sshra.s32 s30, $0x2  }
0x5d8: {  	s12 =	sand.u32 $0x7, s12;
	s6 =	sadd.s32 s9, s6;
	v2 =	vld [tilespmem:s0+$0x7E00];
	s13 =	spop (v2sf);
	v38 =	vsel vm0, v4, v36  }
0x5d9: {  	s17 =	sshra.s32 s10, $0x2;
	s16 =	sor.u32 s12, s6;
	s18 =	sand.u32 $0xFFFFFFF8, s13;
	[tilespmem:s1+$0x13630] =	vst v38  }
0x5da: {  	s20 =	sand.u32 $0x7, s13;
	s6 =	sadd.s32 s18, s17;
	v3 =	vld [tilespmem:s16+$0x7E00];
	v39 =	vsel vm0, v5, v37  }
0x5db: {  	s4 =	sshll.u32 s4, $0x6;
	s22 =	sor.u32 s20, s6;
	[tilespmem:s3+$0x13630] =	vst v39  }
0x5dc: {  	s4 =	sand.u32 $0x3FFFFE80, s4;
	v4 =	vld [tilespmem:s22+$0x7E00]  }
0x5dd: {  	s5 =	sshll.u32 s25, $0x6;
	[tilespmem:s4+$0x13600] =	vst v2  }
0x5de: {  	s5 =	sand.u32 $0x3FFFFE80, s5;
	v2 =	vld [tilespmem:s0+$0x7E10]  }
0x5df: {  	(v2sf) =	vpush v0, $0xA;
	s2 =	sshll.u32 s31, $0x6;
	[tilespmem:s5+$0x13600] =	vst v3  }
0x5e0: {  	s2 =	sand.u32 $0x3FFFFE80, s2;
	v3 =	vld [tilespmem:s16+$0x7E10]  }
0x5e1: {  	[tilespmem:s2+$0x13600] =	vst v4  }
0x5e2: {  	v4 =	vld [tilespmem:s22+$0x7E10]  }
0x5e3: {  	(v2sf) =	vpush v16, $0xB;
	[tilespmem:s4+$0x13610] =	vst v2  }
0x5e4: {  	v2 =	vld [tilespmem:s0+$0x7E20]  }
0x5e5: {  	[tilespmem:s5+$0x13610] =	vst v3  }
0x5e6: {  	v3 =	vld [tilespmem:s16+$0x7E20]  }
0x5e7: {  	[tilespmem:s2+$0x13610] =	vst v4  }
0x5e8: {  	s23 =	sld [smem:$0x7DB];
	v4 =	vld [tilespmem:s22+$0x7E20]  }
0x5e9: {  	[tilespmem:s4+$0x13620] =	vst v2  }
0x5ea: {  	s25 =	sld [smem:$0x7DC];
	v2 =	vld [tilespmem:s0+$0x7E30]  }
0x5eb: {  	s29 =	sld [smem:$0x7DD];
	v40 =	vld [tilespmem:s23+$0x0];
	[tilespmem:s5+$0x13620] =	vst v3  }
0x5ec: {  	s0 =	sor.u32 $0xB, s11;
	v3 =	vld [tilespmem:s16+$0x7E30]  }
0x5ed: {  	s24 =	smul.u32 $0x1E0, s0;
	v41 =	vld [tilespmem:s25+$0x0];
	[tilespmem:s2+$0x13620] =	vst v4  }
0x5ee: {  	s30 =	sand.u32 $0xFFFFFFF8, s29;
	s10 =	spop (v2sf);
	s31 =	sor.u32 $0xB, s21;
	v4 =	vld [tilespmem:s22+$0x7E30]  }
0x5ef: {  	s12 =	sand.u32 $0x7, s29;
	s28 =	sshra.s32 s24, $0x2;
	s13 =	smul.u32 $0x1E0, s31;
	v42 =	vld [tilespmem:s10+$0x0]  }
0x5f0: {  	s18 =	sand.u32 $0xFFFFFFF8, s14;
	s1 =	sadd.s32 s30, s28;
	v2 =	vsel vm0, v2, v40;
	s16 =	sor.u32 $0xB, s26  }
0x5f1: {  	s17 =	sshra.s32 s13, $0x2;
	s1 =	sor.u32 s12, s1;
	[tilespmem:s4+$0x13630] =	vst v2;
	s20 =	smul.u32 $0x1E0, s16  }
0x5f2: {  	s23 =	spop (v2sf);
	s4 =	sadd.s32 s18, s17;
	v2 =	vld [tilespmem:s1+$0x7E00];
	s22 =	sand.u32 $0x7, s14;
	v3 =	vsel vm0, v3, v41  }
0x5f3: {  	s25 =	sand.u32 $0xFFFFFFF8, s23;
	s24 =	sshra.s32 s20, $0x2;
	s4 =	sor.u32 s22, s4;
	[tilespmem:s5+$0x13630] =	vst v3  }
0x5f4: {  	s28 =	sand.u32 $0x7, s23;
	s5 =	sadd.s32 s25, s24;
	v3 =	vld [tilespmem:s4+$0x7E00];
	v4 =	vsel vm0, v4, v42  }
0x5f5: {  	s0 =	sshll.u32 s0, $0x6;
	s29 =	sor.u32 s28, s5;
	[tilespmem:s2+$0x13630] =	vst v4  }
0x5f6: {  	s0 =	sand.u32 $0x3FFFFEC0, s0;
	v4 =	vld [tilespmem:s29+$0x7E00]  }
0x5f7: {  	s30 =	sshll.u32 s31, $0x6;
	[tilespmem:s0+$0x13600] =	vst v2  }
0x5f8: {  	v2 =	vld [tilespmem:s1+$0x7E10];
	s5 =	sand.u32 $0x3FFFFEC0, s30  }
0x5f9: {  	(v2sf) =	vpush v0, $0xB;
	s3 =	sshll.u32 s16, $0x6;
	[tilespmem:s5+$0x13600] =	vst v3  }
0x5fa: {  	s3 =	sand.u32 $0x3FFFFEC0, s3;
	v3 =	vld [tilespmem:s4+$0x7E10]  }
0x5fb: {  	[tilespmem:s3+$0x13600] =	vst v4  }
0x5fc: {  	v4 =	vld [tilespmem:s29+$0x7E10]  }
0x5fd: {  	(v2sf) =	vpush v16, $0xC;
	[tilespmem:s0+$0x13610] =	vst v2  }
0x5fe: {  	v2 =	vld [tilespmem:s1+$0x7E20]  }
0x5ff: {  	[tilespmem:s5+$0x13610] =	vst v3  }
0x600: {  	v3 =	vld [tilespmem:s4+$0x7E20]  }
0x601: {  	[tilespmem:s3+$0x13610] =	vst v4  }
0x602: {  	s31 =	sld [smem:$0x7DE];
	v4 =	vld [tilespmem:s29+$0x7E20]  }
0x603: {  	[tilespmem:s0+$0x13620] =	vst v2  }
0x604: {  	s8 =	sld [smem:$0x7DF];
	v2 =	vld [tilespmem:s1+$0x7E30]  }
0x605: {  	s13 =	sor.u32 $0xC, s21;
	v43 =	vld [tilespmem:s31+$0x0];
	[tilespmem:s5+$0x13620] =	vst v3  }
0x606: {  	s17 =	smul.u32 $0x1E0, s13;
	s1 =	sor.u32 $0xC, s11;
	s10 =	sld [smem:$0x7E0];
	v3 =	vld [tilespmem:s4+$0x7E30]  }
0x607: {  	s7 =	smul.u32 $0x1E0, s1;
	v44 =	vld [tilespmem:s8+$0x0];
	[tilespmem:s3+$0x13620] =	vst v4  }
0x608: {  	s14 =	spop (v2sf);
	s22 =	sld [smem:$0x7E1];
	v4 =	vld [tilespmem:s29+$0x7E30]  }
0x609: {  	s18 =	sor.u32 $0xC, s26;
	s9 =	sshra.s32 s7, $0x2;
	s12 =	sand.u32 $0xFFFFFFF8, s10;
	v45 =	vld [tilespmem:s14+$0x0]  }
0x60a: {  	s20 =	sshra.s32 s17, $0x2;
	s16 =	sand.u32 $0x7, s10;
	v2 =	vsel vm0, v2, v43;
	s2 =	sadd.s32 s12, s9  }
0x60b: {  	s24 =	smul.u32 $0x1E0, s18;
	[tilespmem:s0+$0x13630] =	vst v2;
	s23 =	sand.u32 $0xFFFFFFF8, s22;
	s2 =	sor.u32 s16, s2  }
0x60c: {  	s25 =	sand.u32 $0x7, s22;
	s28 =	spop (v2sf);
	s0 =	sadd.s32 s23, s20;
	v2 =	vld [tilespmem:s2+$0x7E00];
	v3 =	vsel vm0, v3, v44  }
0x60d: {  	s30 =	sand.u32 $0xFFFFFFF8, s28;
	s0 =	sor.u32 s25, s0;
	s29 =	sshra.s32 s24, $0x2;
	[tilespmem:s5+$0x13630] =	vst v3  }
0x60e: {  	s31 =	sand.u32 $0x7, s28;
	s5 =	sadd.s32 s30, s29;
	v3 =	vld [tilespmem:s0+$0x7E00];
	v4 =	vsel vm0, v4, v45  }
0x60f: {  	s1 =	sshll.u32 s1, $0x6;
	s8 =	sor.u32 s31, s5;
	[tilespmem:s3+$0x13630] =	vst v4  }
0x610: {  	s1 =	sand.u32 $0x3FFFFF00, s1;
	v4 =	vld [tilespmem:s8+$0x7E00]  }
0x611: {  	s9 =	sshll.u32 s13, $0x6;
	[tilespmem:s1+$0x13600] =	vst v2  }
0x612: {  	v2 =	vld [tilespmem:s2+$0x7E10];
	s5 =	sand.u32 $0x3FFFFF00, s9  }
0x613: {  	(v2sf) =	vpush v0, $0xC;
	s4 =	sshll.u32 s18, $0x6;
	[tilespmem:s5+$0x13600] =	vst v3  }
0x614: {  	s4 =	sand.u32 $0x3FFFFF00, s4;
	v3 =	vld [tilespmem:s0+$0x7E10]  }
0x615: {  	[tilespmem:s4+$0x13600] =	vst v4  }
0x616: {  	v4 =	vld [tilespmem:s8+$0x7E10]  }
0x617: {  	(v2sf) =	vpush v16, $0xD;
	[tilespmem:s1+$0x13610] =	vst v2  }
0x618: {  	v2 =	vld [tilespmem:s2+$0x7E20]  }
0x619: {  	[tilespmem:s5+$0x13610] =	vst v3  }
0x61a: {  	v3 =	vld [tilespmem:s0+$0x7E20]  }
0x61b: {  	[tilespmem:s4+$0x13610] =	vst v4  }
0x61c: {  	s10 =	sld [smem:$0x7E2];
	v4 =	vld [tilespmem:s8+$0x7E20]  }
0x61d: {  	[tilespmem:s1+$0x13620] =	vst v2  }
0x61e: {  	s14 =	sld [smem:$0x7E3];
	v2 =	vld [tilespmem:s2+$0x7E30]  }
0x61f: {  	s25 =	sld [smem:$0x7E5];
	v46 =	vld [tilespmem:s10+$0x0];
	[tilespmem:s5+$0x13620] =	vst v3  }
0x620: {  	s12 =	sor.u32 $0xD, s11;
	s16 =	sld [smem:$0x7E4];
	v3 =	vld [tilespmem:s0+$0x7E30]  }
0x621: {  	s13 =	smul.u32 $0x1E0, s12;
	v47 =	vld [tilespmem:s14+$0x0];
	[tilespmem:s4+$0x13620] =	vst v4  }
0x622: {  	s28 =	sand.u32 $0xFFFFFFF8, s25;
	s20 =	spop (v2sf);
	s18 =	sor.u32 $0xD, s21;
	v4 =	vld [tilespmem:s8+$0x7E30]  }
0x623: {  	s17 =	sand.u32 $0xFFFFFFF8, s16;
	s23 =	smul.u32 $0x1E0, s18;
	s0 =	sshra.s32 s13, $0x2;
	v48 =	vld [tilespmem:s20+$0x0]  }
0x624: {  	s22 =	sand.u32 $0x7, s16;
	s24 =	sor.u32 $0xD, s26;
	v2 =	vsel vm0, v2, v46;
	s0 =	sadd.s32 s17, s0  }
0x625: {  	s7 =	sshra.s32 s23, $0x2;
	s29 =	smul.u32 $0x1E0, s24;
	[tilespmem:s1+$0x13630] =	vst v2;
	s0 =	sor.u32 s22, s0  }
0x626: {  	s30 =	sand.u32 $0x7, s25;
	s31 =	spop (v2sf);
	s1 =	sadd.s32 s28, s7;
	v2 =	vld [tilespmem:s0+$0x7E00];
	v3 =	vsel vm0, v3, v47  }
0x627: {  	s7 =	sand.u32 $0xFFFFFFF8, s31;
	s1 =	sor.u32 s30, s1;
	s8 =	sshra.s32 s29, $0x2;
	[tilespmem:s5+$0x13630] =	vst v3  }
0x628: {  	s9 =	sand.u32 $0x7, s31;
	s5 =	sadd.s32 s7, s8;
	v3 =	vld [tilespmem:s1+$0x7E00];
	v4 =	vsel vm0, v4, v48  }
0x629: {  	s2 =	sshll.u32 s12, $0x6;
	s10 =	sor.u32 s9, s5;
	[tilespmem:s4+$0x13630] =	vst v4  }
0x62a: {  	s2 =	sand.u32 $0x3FFFFF40, s2;
	v4 =	vld [tilespmem:s10+$0x7E00]  }
0x62b: {  	s3 =	sshll.u32 s18, $0x6;
	[tilespmem:s2+$0x13600] =	vst v2  }
0x62c: {  	s3 =	sand.u32 $0x3FFFFF40, s3;
	v2 =	vld [tilespmem:s0+$0x7E10]  }
0x62d: {  	(v2sf) =	vpush v0, $0xD;
	s12 =	sshll.u32 s24, $0x6;
	[tilespmem:s3+$0x13600] =	vst v3  }
0x62e: {  	s5 =	sand.u32 $0x3FFFFF40, s12;
	v3 =	vld [tilespmem:s1+$0x7E10]  }
0x62f: {  	[tilespmem:s5+$0x13600] =	vst v4  }
0x630: {  	v4 =	vld [tilespmem:s10+$0x7E10]  }
0x631: {  	(v2sf) =	vpush v16, $0xE;
	[tilespmem:s2+$0x13610] =	vst v2  }
0x632: {  	v2 =	vld [tilespmem:s0+$0x7E20]  }
0x633: {  	[tilespmem:s3+$0x13610] =	vst v3  }
0x634: {  	v3 =	vld [tilespmem:s1+$0x7E20]  }
0x635: {  	[tilespmem:s5+$0x13610] =	vst v4  }
0x636: {  	s13 =	sld [smem:$0x7E6];
	v4 =	vld [tilespmem:s10+$0x7E20]  }
0x637: {  	[tilespmem:s2+$0x13620] =	vst v2  }
0x638: {  	s17 =	sld [smem:$0x7E7];
	v2 =	vld [tilespmem:s0+$0x7E30]  }
0x639: {  	v49 =	vld [tilespmem:s13+$0x0];
	[tilespmem:s3+$0x13620] =	vst v3  }
0x63a: {  	s18 =	sld [smem:$0x7E8];
	s14 =	sor.u32 $0xE, s11;
	v3 =	vld [tilespmem:s1+$0x7E30]  }
0x63b: {  	s25 =	sor.u32 $0xE, s26;
	s26 =	sld [smem:$0x7E9];
	s16 =	smul.u32 $0x1E0, s14;
	v50 =	vld [tilespmem:s17+$0x0];
	[tilespmem:s5+$0x13620] =	vst v4  }
0x63c: {  	s21 =	sor.u32 $0xE, s21;
	s22 =	spop (v2sf);
	v4 =	vld [tilespmem:s10+$0x7E30]  }
0x63d: {  	s24 =	smul.u32 $0x1E0, s21;
	s20 =	sand.u32 $0xFFFFFFF8, s18;
	s1 =	sshra.s32 s16, $0x2;
	v51 =	vld [tilespmem:s22+$0x0]  }
0x63e: {  	s28 =	sand.u32 $0xFFFFFFF8, s26;
	s23 =	sand.u32 $0x7, s18;
	s1 =	sadd.s32 s20, s1;
	v2 =	vsel vm0, v2, v49  }
0x63f: {  	s29 =	smul.u32 $0x1E0, s25;
	s4 =	sshra.s32 s24, $0x2;
	s1 =	sor.u32 s23, s1;
	[tilespmem:s2+$0x13630] =	vst v2  }
0x640: {  	s30 =	spop (v2sf);
	s9 =	sand.u32 $0x7, s26;
	s2 =	sadd.s32 s28, s4;
	v2 =	vld [tilespmem:s1+$0x7E00];
	v3 =	vsel vm0, v3, v50  }
0x641: {  	s31 =	sand.u32 $0xFFFFFFF8, s30;
	s8 =	sshra.s32 s29, $0x2;
	s2 =	sor.u32 s9, s2;
	[tilespmem:s3+$0x13630] =	vst v3  }
0x642: {  	s4 =	sand.u32 $0x7, s30;
	s3 =	sadd.s32 s31, s8;
	v3 =	vld [tilespmem:s2+$0x7E00];
	v4 =	vsel vm0, v4, v51  }
0x643: {  	s0 =	sshll.u32 s14, $0x6;
	s3 =	sor.u32 s4, s3;
	[tilespmem:s5+$0x13630] =	vst v4  }
0x644: {  	s0 =	sand.u32 $0x3FFFFF80, s0;
	v4 =	vld [tilespmem:s3+$0x7E00]  }
0x645: {  	(v2sf) =	vpush v0, $0xE;
	[tilespmem:s0+$0x13600] =	vst v2;
	s5 =	sshll.u32 s21, $0x6  }
0x646: {  	v2 =	vld [tilespmem:s1+$0x7E10];
	s4 =	sand.u32 $0x3FFFFF80, s5  }
0x647: {  	s7 =	sshll.u32 s25, $0x6;
	[tilespmem:s4+$0x13600] =	vst v3  }
0x648: {  	s5 =	sand.u32 $0x3FFFFF80, s7;
	v3 =	vld [tilespmem:s2+$0x7E10]  }
0x649: {  	[tilespmem:s5+$0x13600] =	vst v4  }
0x64a: {  	v4 =	vld [tilespmem:s3+$0x7E10]  }
0x64b: {  	(v2sf) =	vpush v16, $0xF;
	[tilespmem:s0+$0x13610] =	vst v2  }
0x64c: {  	v52 =	vld [tilespmem:s1+$0x7E20]  }
0x64d: {  	[tilespmem:s4+$0x13610] =	vst v3  }
0x64e: {  	v53 =	vld [tilespmem:s2+$0x7E20]  }
0x64f: {  	[tilespmem:s5+$0x13610] =	vst v4  }
0x650: {  	v54 =	vld [tilespmem:s3+$0x7E20]  }
0x651: {  	s11 =	sld [smem:$0x7EA];
	[tilespmem:s0+$0x13620] =	vst v52  }
0x652: {  	s8 =	rddreg [dreg:$0x1d];
	v1 =	vld [tilespmem:s1+$0x7E30]  }
0x653: {  	s9 =	rddreg [dreg:$0x13];
	v55 =	vld [tilespmem:s8+$0x0];
	[tilespmem:s4+$0x13620] =	vst v53  }
0x654: {  	s12 =	spop (v2sf);
	s1 =	sshllo.u32 s9, $0x4;
	v2 =	vld [tilespmem:s2+$0x7E30]  }
0x655: {  	s13 =	rddreg [dreg:$0x19];
	s10 =	smul.u32 $0x1E0, s1;
	v56 =	vld [tilespmem:s11+$0x0];
	[tilespmem:s5+$0x13620] =	vst v54  }
0x656: {  	s14 =	sand.u32 $0xFFFFFFF8, s13;
	s16 =	sshllo.u32 s15, $0x4;
	s17 =	sand.u32 $0x7, s13;
	v3 =	vld [tilespmem:s3+$0x7E30]  }
0x657: {  	s18 =	smul.u32 $0x1E0, s16;
	s20 =	sshllo.u32 s19, $0x4;
	s2 =	sshra.s32 s10, $0x2;
	v57 =	vld [tilespmem:s12+$0x0]  }
0x658: {  	s23 =	smul.u32 $0x1E0, s20;
	s21 =	rddreg [dreg:$0x1f];
	s2 =	sadd.s32 s14, s2;
	v1 =	vsel vm0, v1, v55  }
0x659: {  	s6 =	sshra.s32 s18, $0x2;
	s22 =	sand.u32 $0xFFFFFFF8, s21;
	s2 =	sor.u32 s17, s2;
	[tilespmem:s0+$0x13630] =	vst v1  }
0x65a: {  	s24 =	spop (v2sf);
	s9 =	sand.u32 $0x7, s21;
	s0 =	sadd.s32 s22, s6;
	v1 =	vld [tilespmem:s2+$0x7E00];
	v2 =	vsel vm0, v2, v56  }
0x65b: {  	s25 =	sand.u32 $0xFFFFFFF8, s24;
	s8 =	sshra.s32 s23, $0x2;
	s0 =	sor.u32 s9, s0;
	[tilespmem:s4+$0x13630] =	vst v2  }
0x65c: {  	s6 =	sand.u32 $0x7, s24;
	s4 =	sadd.s32 s25, s8;
	v2 =	vld [tilespmem:s0+$0x7E00];
	v3 =	vsel vm0, v3, v57  }
0x65d: {  	s1 =	sshll.u32 s1, $0x6;
	s4 =	sor.u32 s6, s4;
	[tilespmem:s5+$0x13630] =	vst v3  }
0x65e: {  	s1 =	sand.u32 $0x3FFFFFC0, s1;
	v3 =	vld [tilespmem:s4+$0x7E00]  }
0x65f: {  	s26 =	sshll.u32 s16, $0x6;
	[tilespmem:s1+$0x13600] =	vst v1  }
0x660: {  	v1 =	vld [tilespmem:s2+$0x7E10];
	s5 =	sand.u32 $0x3FFFFFC0, s26  }
0x661: {  	(v2sf) =	vpush v0, $0xF;
	s3 =	sshll.u32 s20, $0x6;
	[tilespmem:s5+$0x13600] =	vst v2  }
0x662: {  	s3 =	sand.u32 $0x3FFFFFC0, s3;
	v58 =	vld [tilespmem:s0+$0x7E10]  }
0x663: {  	[tilespmem:s3+$0x13600] =	vst v3  }
0x664: {  	v59 =	vld [tilespmem:s4+$0x7E10]  }
0x665: {  	[tilespmem:s1+$0x13610] =	vst v1  }
0x666: {  	v1 =	vld [tilespmem:s2+$0x7E20]  }
0x667: {  	[tilespmem:s5+$0x13610] =	vst v58  }
0x668: {  	v0 =	vld [tilespmem:s0+$0x7E20]  }
0x669: {  	[tilespmem:s3+$0x13610] =	vst v59  }
0x66a: {  	v2 =	vld [tilespmem:s4+$0x7E20]  }
0x66b: {  	[tilespmem:s1+$0x13620] =	vst v1  }
0x66c: {  	s28 =	rddreg [dreg:$0x15];
	v1 =	vld [tilespmem:s2+$0x7E30]  }
0x66d: {  	v60 =	vld [tilespmem:s28+$0x0];
	[tilespmem:s5+$0x13620] =	vst v0  }
0x66e: {  	s29 =	rddreg [dreg:$0x1b];
	v0 =	vld [tilespmem:s0+$0x7E30]  }
0x66f: {  	v61 =	vld [tilespmem:s29+$0x0];
	[tilespmem:s3+$0x13620] =	vst v2  }
0x670: {  	s30 =	spop (v2sf);
	v2 =	vld [tilespmem:s4+$0x7E30]  }
0x671: {  	s31 =	rddreg [dreg:$0x17];
	v62 =	vld [tilespmem:s30+$0x0]  }
0x672: {  	p0 =	slt.u32 s31, $0xC  }
.Ltmp4:
0x673: {  	_ = 	snop;
	(pc) =	sbr.rel @p0 .LBB2_9-.Ltmp4, $4  }
0x674: {  	v1 =	vsel vm0, v1, v60  }
0x675: {  	[tilespmem:s1+$0x13630] =	vst v1;
	v0 =	vsel vm0, v0, v61  }
0x676: {  	[tilespmem:s5+$0x13630] =	vst v0;
	v63 =	vsel vm0, v2, v62  }
0x677: {  	s0 =	sadd.s32 $0x4, s31;
	[tilespmem:s3+$0x13630] =	vst v63  }
0x678: {  	s6 =	rddreg [dreg:$0x10]  }
0x679: {  	s6 =	sadd.s32 $0x1, s6  }
0x67a: {  	s0 =	rddreg [dreg:$0x11];
	p0 =	sne.s32 s6, $0x32  }
.Ltmp5:
0x67b: {  	s1 =	rddreg [dreg:$0xc];
	s0 =	sshll.u32 s0, $0xE;
	(pc) =	sbr.rel @p0 .LBB2_2-.Ltmp5, $4  }
0x67c: {  	s0 =	sadd.s32 s1, s0  }
0x67d: {  	s30 =	rddreg [dreg:$0x1];
	s0 =	sshrl.u32 s0, $0x3  }
0x67e: {  	s5 =	simm.s32 $0x0;
	s31 =	simm.s32 $0x13600;
	s0 =	sadd.s32 s30, s0  }
0x67f: {  	[hbm4b:s0+s5] =	stream.linear.scatter [tilespmem:s31], [sflag:$0x4], $0x4000, $0x38;
	[tilespmem:$0x18280] =	vst v63  }
0x680: {  	s0 =	simm.s32 $0x3  }
0x681: {  	_ =	swait.ge [sflag:s0], $0x4000  }
0x682: {  	[sflag:s0] =	ssyncset.done $0x0  }
0x683: {  	s1 =	simm.s32 $0x4;
	[sflag:s0] =	ssyncadd.s32 $0xFFFFC000  }
0x684: {  	_ =	swait.ge [sflag:s1], $0x4000  }
0x685: {  	s2 =	rddreg [dreg:$0xf]  }
0x686: {  	s31 =	rddreg [dreg:$0xe];
	s2 =	sadd.s32 $0x1, s2  }
0x687: {  	p0 =	sne.s32 s2, s31  }
.Ltmp6:
0x688: {  	_ = 	snop;
	(pc) =	sbr.rel @p0 .LBB2_1-.Ltmp6, $3  }
0x689: {  	_ =	sdelay $0x1  }
0x68a: {  	[sflag:s1] =	ssyncset.done $0x0  }
0x68b: {  	[sflag:s1] =	ssyncadd.s32 $0xFFFFC000  }
0x68c: {  	_ =	sfence.sel $0x180000  }
0x68d: {  	[bflag:$0x0] =	sbarrier.arrive $0xFFFF  }
0x68e: {  	_ =	strace $0x90000047  }
0x68f: {  	s0 =	stileid.u32;
	[bflag:$0x2] =	sbarrier.arrive $0xFFFF  }
0x690: {  	p0 =	sne.s32 s0, $0x0;
	s0 =	rddreg [dreg:$0x2]  }
0x691: {  	s0 =	sadd.s32 @!p0 $0x100000, s0  }
0x692: {  	[sflag:s0] =	ssyncadd.tile.s32 @!p0 $0x1;
	_ =	shalt  }
.Lfunc_end2:
_tile_overlayer_lowered:
.L_overlay_start_2:
0x693: {  	(tag) =	ssettag $0x2  }
0x694: {  	s0 =	rddreg [dreg:$0x0];
	s2 =	stileid.u32  }
0x695: {  	s1 =	rddreg [dreg:$0x1];
	p0 =	sne.s32 s2, $0x0  }
0x696: {  	s3 =	rddreg [dreg:$0x2];
	[bflag:$0x3] =	sbarrier.arrive $0xFFFF;
	s2 =	simm.s32 @!p0 $0x1C05  }
0x697: {  	[timem:s3], [sflag:s2] =	dma.local @!p0 [hbm:s0], s1  }
0x698: {  	s0 =	simm.s32 @!p0 $0x5  }
0x699: {  	_ =	swait.ge @!p0 [sflag:s0], s1  }
0x69a: {  	s1 =	ssub.s32 @!p0 $0x0, s1;
	[sflag:s0] =	ssyncset.done @!p0 $0x0  }
0x69b: {  	[sflag:s0] =	ssyncadd.s32 @!p0 s1  }
0x69c: {  	[bflag:$0x3] =	sbarrier.arrive $0xFFFF  }
0x69d: {  	_ =	shalt  }

// kernel: sparse-core-data-format-call.cloned.1.call-start
scs
called_computation_lowered:
.L_overlay_start_0:
0x0: {  	s2 =	sld [smem:$0x3FD9]  }
0x1: {  	s3 =	sld [smem:$0x3FFE];
	_ =	sdelay $0x1  }
0x2: {  	s1 =	srdreg.scid  }
0x3: {  	s0 =	sand.u32 $0x1, s1  }
0x4: {  	s18 =	sshll.u32 s0, $0xA;
	s2 =	sadd.s32 s3, s2  }
0x5: {  	s2 =	sadd.s32 s2, s18  }
0x6: {  	[smem:$0x3FC4] =	sst s2  }
0x7: {  	_ = 	snop  }
0x8: {  	s2 =	sld [smem:$0x3FD0];
	(tm) =	ssettm $0x1  }
0x9: {  	s19 =	sld [smem:$0x3FFB];
	_ =	sdelay $0x3  }
0xa: {  	_ =	strace s19  }
0xb: {  	s3 =	sld [smem:$0x3FFC];
	_ =	sdelay $0x3  }
0xc: {  	_ =	strace s3  }
0xd: {  	s3 =	sld [smem:$0x3FFD];
	_ =	sdelay $0x3  }
0xe: {  	_ =	strace s3  }
0xf: {  	_ =	strace $0x8FFFFFFF  }
0x10: {  	s20 =	sld [smem:$0x3FDB];
	_ =	sdelay $0x1  }
0x11: {  	s4 =	simm.s32 $_scs_section_size  }
0x12: {  	s5 =	simm.s32 $_size__tile_overlayer_lowered;
	s6 =	simm.s32 $_tile_overlayer_lowered  }
0x13: {  	s23 =	simm.s32 $0x1BFF;
	s22 =	sshll.u32 s6, $0x1;
	s3 =	sadd.s32 s4, s20  }
0x14: {  	s7 =	simm.s32 $0x0;
	s21 =	sshll.u32 s5, $0x1;
	s5 =	sadd.s32 s22, s3  }
0x15: {  	[timem:s7], [sflag:s23] =	dma.local [hbm:s5], s21  }
0x16: {  	_ =	swait.ge [sflag:s23], s21  }
0x17: {  	s4 =	ssub.s32 $0x0, s21;
	[sflag:s23] =	ssyncset.done $0x0  }
0x18: {  	[sflag:s23] =	ssyncadd.s32 s4;
	_ =	sdelay $0x1  }
0x19: {  	s24 =	simm.s32 $0x1B8B  }
0x1a: {  	_ =	swait.ge [sflag:s24], $0x1  }
0x1b: {  	[sflag:s24] =	ssyncset.done $0x0  }
0x1c: {  	s26 =	simm.s32 $0x1B8E;
	s25 =	sld [smem:$0x3FFE];
	[sflag:s24] =	ssyncadd.s32 $0xFFFFFFFF  }
0x1d: {  	s27 =	simm.s32 $execute0_lowered;
	[smem:$0x3FD2] =	sst s26  }
0x1e: {  	s5 =	sshll.u32 s27, $0x1;
	_ =	strace $0x80000049;
	[dreg:$0x1] =	wrdreg $0xFFFFFFFF  }
0x1f: {  	s28 =	simm.s32 $_size_execute0_lowered;
	s3 =	sadd.s32 s3, s5;
	[dreg:$0x0] =	wrdreg $0x0  }
0x20: {  	s5 =	sshll.u32 s28, $0x1;
	[dreg:$0x2] =	wrdreg s3  }
0x21: {  	[dreg:$0x3] =	wrdreg s5  }
0x22: {  	[dreg:$0x4] =	wrdreg $0xC0  }
0x23: {  	_ =	task [dreg:s7], $0x5FFFF  }
0x24: {  	[dreg:$0x1] =	wrdreg $0xFFFFFFFF  }
0x25: {  	[dreg:$0x0] =	wrdreg $0x60  }
0x26: {  	[dreg:$0x2] =	wrdreg s25  }
0x27: {  	[dreg:$0x3] =	wrdreg s2  }
0x28: {  	[dreg:$0x4] =	wrdreg $0x9  }
0x29: {  	_ =	task.clear_ibuf [dreg:s7], $0x5FFFF;
	_ =	strace $0x90000049  }
0x2a: {  	s29 =	simm.s32 $0x9;
	_ =	strace $0x8000004B  }
0x2b: {  	_ =	swait.ge [sflag:s29], $0x1  }
0x2c: {  	[sflag:s29] =	ssyncadd.s32 $0xFFFFFFFF  }
0x2d: {  	_ =	strace $0x9000004B  }
0x2e: {  	_ =	sfence  }
0x2f: {  	s30 =	sld [smem:$0x0];
	_ =	sdelay $0x2  }
0x30: {  	s31 =	sshll.u32 s1, $0xD;
	s1 =	sshrl.u32 s1, $0x2  }
0x31: {  	s3 =	sand.u32 $0x4000, s31;
	s1 =	sadd.s32 s1, s30  }
0x32: {  	s0 =	sor.u32 s3, s0;
	s1 =	sshll.u32 s1, $0x11  }
0x33: {  	s0 =	sor.u32 s1, s0  }
0x34: {  	s0 =	sadd.s32 $0x8F2B, s0  }
0x35: {  	[sflag:s0] =	ssyncadd.remote.s32 $0x1  }
0x36: {  	_ =	sfence.sel $0xFFFF  }
0x37: {  	[dreg:$0x0] =	wrdreg $0xFFFFFFFF;
	(pc) =	sbr.abs _section_cstart, $3  }
0x38: {  	[dreg:$0x1] =	wrdreg $0xFFFFFFFF  }
0x39: {  	_ =	task.clear_ibuf [dreg:s7], $0x2FFFF;
	_ =	strace $0x9FFFFFFF  }
0x3a: {  	(tm) =	ssettm $0x7FFFFFFF  }
0x3b: {  	_ =	shalt  }
tec
execute0_lowered:
.L_overlay_start_1:
0x0: {  	(tag) =	ssettag $0x1  }
0x1: {  	s0 =	srdreg.scid  }
0x2: {  	s1 =	sshll.u32 s0, $0x4  }
0x3: {  	s0 =	stileid.u32;
	s1 =	sand.u32 $0x10, s1  }
0x4: {  	s1 =	sor.u32 s0, s1  }
0x5: {  	s6 =	rddreg [dreg:$0x0];
	s4 =	simm.s32 $0x1;
	s2 =	sshll.u32 s1, $0x7  }
0x6: {  	s7 =	simm.s32 $0x2;
	s12 =	simm.s32 $0x0;
	s1 =	ssub.s32 $0x1000, s2  }
0x7: {  	s8 =	simm.s32 $0x8000;
	s13 =	simm.s32 $0x0;
	s3 =	sand.u32 $0xF80, s1  }
0x8: {  	s9 =	simm.s32 $0x0;
	s5 =	sshrl.u32 s1, $0xC;
	p0 =	sne.s32 s3, $0x0  }
.Ltmp0:
0x9: {  	s1 =	rddreg [dreg:$0x2];
	s4 =	simm.s32 @!p0 $0x0;
	(pc) =	sbr.rel .LBB1_1-.Ltmp0, $4  }
0xa: {  	s11 =	simm.s32 $0x0;
	s3 =	rddreg [dreg:$0x1];
	s5 =	sadd.s32 s4, s5  }
0xb: {  	_ =	strace $0x8000004A;
	s4 =	simm.s32 $0x1;
	s5 =	smul.u32 $0xC8, s5  }
0xc: {  	s6 =	sadd.s32 $0xE00, s6;
	s10 =	smov.u32 s2;
	[sflag:s4] =	ssyncpa.u1 $0x0  }
0xd: {  	p0 =	por $0x0, $0x0;
	[sflag:s7] =	ssyncpa.u1 $0x0;
	s7 =	sor.u32 $0x1, s5  }
.LBB1_4:
0xe: {  	s16 =	sshll.u32 s13, $0x3;
	s17 =	sand.u32 $0x78, s13  }
0xf: {  	s30 =	sand.u32 $0x7E00, s13;
	s12 =	sshll.u32 s12, $0xF;
	s16 =	sand.u32 $0xC00, s16  }
0x10: {  	[tilespmem:s15+$0x810 ss:$0x81] =	vst.msk $0xffff, v2;
	s31 =	sand.u32 $0x7, s13;
	s16 =	sor.u32 s17, s16;
	s17 =	sadd.s32 s3, s30  }
0x11: {  	[tilespmem:s15+$0x1020 ss:$0x81] =	vst.msk $0xffff, v0;
	s13 =	sshll.u32 s31, $0x12;
	s12 =	sadd.s32 s12, s17;
	s16 =	sshrl.u32 s16, $0x3  }
0x12: {  	[tilespmem:s15+$0x0 ss:$0x81] =	vst.msk $0xffff, v1;
	s13 =	sor.u32 $0x400, s13;
	s12 =	sadd.s32 s16, s12  }
0x13: {  	[hbm4b:s12+s13] =	stream.strided.scatter [tilespmem:s14], [sflag:$0x2], $0x2000, s8, s13, $0x20;
	[tilespmem:$0x8080] =	vst v63  }
.LBB1_5:
0x14: {  	s14 =	sadd.s32 $0x1, s9  }
0x15: {  	s12 =	sadd.s32 $0x1000, s10;
	s16 =	smov.u32 s10;
	p2 =	sgt.s32 s14, $0xC7  }
0x16: {  	s16 =	smov.u32 @p2 s12  }
0x17: {  	s14 =	simm.s32 @p2 $0x0;
	p2 =	sgt.s32 s16, $0xFFF  }
0x18: {  	s16 =	smov.u32 @p2 s2;
	p2 =	sne.s32 s11, s7  }
.Ltmp1:
0x19: {  	p1 =	slt.u32 s11, $0x2;
	(pc) =	sbr.rel @!p2 .LBB1_6-.Ltmp1, $4  }
0x1a: {  	s15 =	simm.s32 @!p1 $0x2  }
0x1b: {  	s13 =	smov.u32 s10;
	p0 =	por !p0, !p0;
	_ =	swait.ge @!p1 [sflag:s15], $0x2000  }
0x1c: {  	s12 =	smov.u32 s9;
	[sflag:s15] =	ssyncset.done @!p1 $0x0;
	s9 =	smov.u32 s14  }
0x1d: {  	s11 =	sadd.s32 $0x1, s11;
	[sflag:s15] =	ssyncadd.s32 @!p1 $0xFFFFE000;
	s10 =	smov.u32 s16  }
.LBB1_1:
0x1e: {  	p1 =	sge.u32 s11, s5  }
0x1f: {  	s14 =	sand.u32 @!p1 $0x1FFFFFF, s9  }
0x20: {  	s15 =	smulhi.u32 @!p1 $0x147AE15, s14;
	_ =	sdelay $0x1  }
0x21: {  	s15 =	smul.u32 @!p1 $0xC8, s15  }
0x22: {  	s16 =	sxor.u32 @!p1 $0xFFFFFFFF, s11;
	s17 =	smul.u32 @!p1 $0xC80, s10  }
0x23: {  	s31 =	sadd.s32 $0xFFFFFFFF, s11;
	s16 =	sshll.u32 @!p1 s16, $0xD;
	s14 =	ssub.s32 @!p1 s14, s15  }
0x24: {  	s15 =	sand.u32 @!p1 $0x2000, s16;
	s16 =	sadd.s32 @!p1 s6, s17;
	s14 =	sshll.u32 @!p1 s14, $0x4  }
0x25: {  	s17 =	simm.s32 @!p1 $0x6400;
	s14 =	sadd.s32 @!p1 s14, s16;
	s16 =	simm.s32 @!p1 $0x40  }
0x26: {  	[tilespmem:s15], [sflag:$0x1] =	stream.strided.gather @!p1 [hbm4b:s14+s16], $0x2000, s17, s16, $0x38;
	[tilespmem:$0x8080] =	vst v63  }
0x27: {  	p1 =	sge.u32 s31, s5  }
.Ltmp2:
0x28: {  	_ = 	snop;
	(pc) =	sbr.rel @p1 .LBB1_5-.Ltmp2, $1  }
0x29: {  	_ =	sdelay $0x3  }
0x2a: {  	s14 =	simm.s32 $0x1  }
0x2b: {  	_ =	swait.ge [sflag:s4], $0x2000;
	s14 =	simm.s32 @!p0 $0x0  }
0x2c: {  	[sflag:s4] =	ssyncset.done $0x0;
	s15 =	sshll.u32 s14, $0xD  }
0x2d: {  	[sflag:s4] =	ssyncadd.s32 $0xFFFFE000;
	s18 =	sor.u32 $0x20, s15  }
0x2e: {  	s14 =	smul.u32 $0x8100, s14;
	v3 =	vld [tilespmem:s18+$0x10]  }
0x2f: {  	s30 =	sand.u32 $0x1, s11;
	v2 =	vld [tilespmem:s18+$0xFFFFFFF0]  }
0x30: {  	s15 =	smul.u32 $0x8100, s30;
	s14 =	sshrl.u32 s14, $0x2;
	v0 =	vld [tilespmem:s18+$0x0]  }
0x31: {  	v1 =	vld [tilespmem:s18+$0xFFFFFFE0];
	s16 =	sor.u32 $0x4000, s14  }
0x32: {  	s31 =	sshrl.u32 s15, $0x2;
	s15 =	sadd.s32 $0x0, s16  }
0x33: {  	s17 =	simm.s32 $0x4;
	s18 =	sadd.s32 $0x40, s18;
	s14 =	sor.u32 $0x4000, s31;
	[tilespmem:s15+$0x1830 ss:$0x81] =	vst.msk $0xffff, v3  }
.LBB1_3:
0x34: {  	v3 =	vld [tilespmem:s18+$0x10];
	p1 =	sne.s32 s17, $0x1FC;
	[tilespmem:s15+$0x810 ss:$0x81] =	vst.msk $0xffff, v2;
	s19 =	smov.u32 s17;
	s17 =	sadd.s32 $0x4, s17  }
.Ltmp3:
0x35: {  	v2 =	vld [tilespmem:s18+$0xFFFFFFF0];
	[tilespmem:s15+$0x1020 ss:$0x81] =	vst.msk $0xffff, v0;
	(pc) =	sbr.rel @p1 .LBB1_3-.Ltmp3, $4  }
0x36: {  	v0 =	vld [tilespmem:s18+$0x0];
	[tilespmem:s15+$0x0 ss:$0x81] =	vst.msk $0xffff, v1  }
0x37: {  	s15 =	sshra.s32 s19, $0x2;
	v1 =	vld [tilespmem:s18+$0xFFFFFFE0]  }
0x38: {  	s15 =	sadd.s32 s15, s16  }
0x39: {  	s18 =	sadd.s32 $0x40, s18;
	[tilespmem:s15+$0x1830 ss:$0x81] =	vst.msk $0xffff, v3  }
.Ltmp4:
0x3a: {  	_ = 	snop;
	(pc) =	sbr.rel .LBB1_4-.Ltmp4, $1  }
0x3b: {  	_ =	sdelay $0x3  }
.LBB1_6:
0x3c: {  	_ =	sfence.sel $0x180000  }
0x3d: {  	s2 =	simm.s32 $0x1;
	[bflag:$0x0] =	sbarrier.arrive $0xFFFF  }
0x3e: {  	s31 =	simm.s32 $0x2;
	[sflag:s2] =	ssyncpa.u1 $0x1  }
0x3f: {  	[sflag:s31] =	ssyncpa.u1 $0x1  }
0x40: {  	p0 =	sne.s32 s0, $0x0;
	_ =	strace $0x9000004A  }
0x41: {  	s0 =	sadd.s32 @!p0 $0x100000, s1;
	[bflag:$0x2] =	sbarrier.arrive $0xFFFF  }
0x42: {  	[sflag:s0] =	ssyncadd.tile.s32 @!p0 $0x1;
	_ =	shalt  }
.Lfunc_end1:
_tile_overlayer_lowered:
.L_overlay_start_2:
0x43: {  	(tag) =	ssettag $0x2  }
0x44: {  	s0 =	rddreg [dreg:$0x0];
	s2 =	stileid.u32  }
0x45: {  	s1 =	rddreg [dreg:$0x1];
	p0 =	sne.s32 s2, $0x0  }
0x46: {  	s3 =	rddreg [dreg:$0x2];
	[bflag:$0x3] =	sbarrier.arrive $0xFFFF;
	s2 =	simm.s32 @!p0 $0x1C01  }
0x47: {  	[timem:s3], [sflag:s2] =	dma.local @!p0 [hbm:s0], s1  }
0x48: {  	s0 =	simm.s32 @!p0 $0x1  }
0x49: {  	_ =	swait.ge @!p0 [sflag:s0], s1  }
0x4a: {  	s1 =	ssub.s32 @!p0 $0x0, s1;
	[sflag:s0] =	ssyncset.done @!p0 $0x0  }
0x4b: {  	[sflag:s0] =	ssyncadd.s32 @!p0 s1  }
0x4c: {  	[bflag:$0x3] =	sbarrier.arrive $0xFFFF  }
0x4d: {  	_ =	shalt  }

</sc_bundles>
